<compile_context>
chip_gen: v7x
topology: tpu7x:2x2x1
jax: 0.10.2.dev20260603
libtpu: 0.0.44.dev20260713+nightly
codegen_flags: <defaults>
</compile_context>

<pallas_src>
import functools

import jax
import jax.numpy as jnp
from jax import lax
from jax.experimental import pallas as pl
from jax.experimental.pallas import tpu as pltpu
from jax.experimental.pallas import tpu_sc as plsc

H, W, B, NB = 496, 432, 4, 50
INV = 1.25
RW = 40
NCC = H // 16
NBOX = 224
NWORK = 32
BPW = NBOX // NWORK
NROWS = RW * 4


def _boxparams_body(bx_ref, out_ref):
    cx = bx_ref[0, :]
    cy = bx_ref[1, :]
    cz = bx_ref[2, :]
    dx = bx_ref[3, :]
    dy = bx_ref[4, :]
    dz = bx_ref[5, :]
    rz = bx_ref[6, :]
    bidx = bx_ref[7, :]
    c = jnp.cos(rz)
    s = jnp.sin(rz)
    zok = jnp.logical_and(jnp.abs(cz) <= dz * 0.5, bidx >= 0.0)
    cxg = cx * INV
    cyg = cy * INV
    hxg = jnp.where(zok, dx * (0.5 * INV), -1.0)
    hyg = dy * (0.5 * INV)
    r0 = jnp.clip(jnp.floor(cyg) - 20.0, 0.0, float(W - RW))
    j0 = jnp.clip(jnp.floor((cxg - 18.0) / 16.0), 0.0, float((H - 64) // 16))
    bb = jnp.maximum(bidx, 0.0)
    base31j = (bb * float(W) + r0) * float(NCC) + j0
    out_ref[0, :] = cxg
    out_ref[1, :] = cyg
    out_ref[2, :] = c
    out_ref[3, :] = s
    out_ref[4, :] = hxg
    out_ref[5, :] = hyg
    out_ref[6, :] = r0
    out_ref[7, :] = j0 * 16.0
    out_ref[8, :] = base31j


def _boxparams(boxes):
    bx = jnp.transpose(boxes, (2, 0, 1)).reshape(7, B * NB)
    bxp = jnp.zeros((8, NBOX), jnp.float32)
    bxp = bxp.at[:7, : B * NB].set(bx)
    bidx = jnp.where(
        jnp.arange(NBOX) < B * NB, jnp.arange(NBOX) // NB, -1
    ).astype(jnp.float32)
    bxp = bxp.at[7, :].set(bidx)
    return pl.pallas_call(
        _boxparams_body,
        out_shape=jax.ShapeDtypeStruct((9, NBOX), jnp.float32),
    )(bxp)


TW1 = 216


def _code_body(added_ref, orig_ref, code_ref):
    pred = added_ref[0, 0] + added_ref[0, 1] + added_ref[0, 2] + added_ref[0, 3]
    og = orig_ref[0, 1] + orig_ref[0, 2] + orig_ref[0, 3] + orig_ref[0, 4]
    code_ref[0] = jnp.where(pred != 0.0, 1.0, 0.0) + jnp.where(og != 0.0, 2.0, 0.0)


def _code(added_t, orig_t):
    return pl.pallas_call(
        _code_body,
        grid=(B, W // TW1),
        in_specs=[
            pl.BlockSpec((1, 4, TW1, H), lambda b, w: (b, 0, w, 0)),
            pl.BlockSpec((1, 5, TW1, H), lambda b, w: (b, 0, w, 0)),
        ],
        out_specs=pl.BlockSpec((1, TW1, H), lambda b, w: (b, w, 0)),
        out_shape=jax.ShapeDtypeStruct((B, W, H), jnp.float32),
    )(added_t, orig_t)


def _splat_i(val):
    return jnp.full((16,), val, jnp.int32)


def _splat_f(val):
    return jnp.full((16,), val, jnp.float32)


def _sc_body(code_hbm, params_hbm, out_hbm, params_v, idx_a, idx_b, dst,
             outbuf, sem0, sem1):
    wid = lax.axis_index("s") * 2 + lax.axis_index("c")
    pltpu.sync_copy(params_hbm, params_v)
    iota = lax.broadcasted_iota(jnp.int32, (16,), 0)
    iota_f = iota.astype(jnp.float32)
    total_v = jnp.zeros((16,), jnp.float32)

    for k in range(BPW):
        box = wid + NWORK * k
        bsp = _splat_i(box)

        def _p(row):
            return plsc.load_gather(params_v, [_splat_i(row), bsp])

        cxg = _p(0)
        cyg = _p(1)
        c = _p(2)
        s = _p(3)
        hxg = _p(4)
        hyg = _p(5)
        r0f = _p(6)
        c0f = _p(7)
        base_i = _p(8).astype(jnp.int32)

        for t in range(10):
            e = iota + 16 * t
            iv = lax.shift_right_logical(e, 2)
            jj = lax.bitwise_and(e, 3)
            idxv = base_i + iv * NCC + jj
            if t < 5:
                idx_a[pl.ds(16 * t, 16)] = idxv
            else:
                idx_b[pl.ds(16 * (t - 5), 16)] = idxv

        cp1 = pltpu.async_copy(code_hbm.at[idx_a], dst.at[pl.ds(0, 80)], sem0)
        cp2 = pltpu.async_copy(code_hbm.at[idx_b], dst.at[pl.ds(80, 80)], sem1)
        cp1.wait()
        cp2.wait()

        u0 = c0f + iota_f - cxg
        v0 = r0f - cyg

        def _chunk_step(it, accs):
            acc_u, acc_i = accs
            dv0 = _splat_i(2 * it).astype(jnp.float32)
            for t in range(8):
                ch = it * 8 + t
                v = v0 + (dv0 + float(t // 4))
                u = u0 + float(16 * (t % 4))
                lx = u * c + v * s
                ly = v * c - u * s
                m = jnp.logical_and(jnp.abs(lx) <= hxg, jnp.abs(ly) <= hyg)
                codev = plsc.load_gather(dst, [_splat_i(ch), iota])
                acc_u = acc_u + jnp.where(
                    jnp.logical_and(m, codev != 0.0), 1.0, 0.0)
                acc_i = acc_i + jnp.where(
                    jnp.logical_and(m, codev == 3.0), 1.0, 0.0)
            return acc_u, acc_i

        acc_u, acc_i = lax.fori_loop(
            0, NROWS // 8, _chunk_step,
            (jnp.zeros((16,), jnp.float32), jnp.zeros((16,), jnp.float32)))

        us = jnp.sum(acc_u)
        isum = jnp.sum(acc_i)
        total_v = total_v + _splat_f(isum) / jnp.maximum(_splat_f(us), 1.0)

    outbuf[...] = total_v
    pltpu.sync_copy(outbuf, out_hbm.at[wid])


def _sc_counts(code16, params):
    mesh = plsc.VectorSubcoreMesh(core_axis_name="c", subcore_axis_name="s")
    f = functools.partial(
        pl.kernel,
        mesh=mesh,
        compiler_params=pltpu.CompilerParams(
            needs_layout_passes=False, use_tc_tiling_on_sc=False),
        out_type=jax.ShapeDtypeStruct((NWORK, 16), jnp.float32),
        scratch_types=[
            pltpu.VMEM((9, NBOX), jnp.float32),
            pltpu.VMEM((80,), jnp.int32),
            pltpu.VMEM((80,), jnp.int32),
            pltpu.VMEM((NROWS, 16), jnp.float32),
            pltpu.VMEM((16,), jnp.float32),
            pltpu.SemaphoreType.DMA,
            pltpu.SemaphoreType.DMA,
        ],
    )(_sc_body)
    return f(code16, params)


def kernel(added_points, original_points, boxes):
    params = _boxparams(boxes)
    added_t = jnp.swapaxes(added_points, 2, 3)
    orig_t = jnp.swapaxes(original_points, 2, 3)
    code = _code(added_t, orig_t)
    code16 = code.reshape(B * W * NCC, 16)
    parts = _sc_counts(code16, params)
    return jnp.sum(parts[:, 0]) * (1.0 / B)

# --- scband reference (transcript-rebuilt; emitter-appended) ---
"""Pipeline reference for scband-points-loss-36515811950606 (READ-ONLY COPY).

The authoritative reference and input builder live on the scoring server;
editing this copy changes nothing except your own understanding.
"""

import jax, jax.numpy as jnp
import numpy as np

H, W, B, NB = 496, 432, 4, 50

def points_in_boxes(points, boxes):
    # points: (P, 3); boxes: (N, 7) [x, y, z, dx, dy, dz, heading]
    cx, cy, cz = boxes[:, 0:1], boxes[:, 1:2], boxes[:, 2:3]
    dx, dy, dz = boxes[:, 3:4], boxes[:, 4:5], boxes[:, 5:6]
    rz = boxes[:, 6:7]
    sx = points[None, :, 0] - cx
    sy = points[None, :, 1] - cy
    sz = points[None, :, 2] - cz
    c = jnp.cos(rz)
    s = jnp.sin(rz)
    # rotate shifted point by -heading into canonical box frame
    lx = sx * c + sy * s
    ly = -sx * s + sy * c
    in_box = (jnp.abs(lx) <= dx * 0.5) & (jnp.abs(ly) <= dy * 0.5) & (jnp.abs(sz) <= dz * 0.5)
    return in_box  # (N, P) bool


def setup_inputs(seed: int = 0) -> dict:
    key = jax.random.key(seed)
    k1, k2, k3 = jax.random.split(key, 3)
    added_points = jax.random.normal(k1, (B, 4, H, W), dtype=jnp.float32)
    original_points = jax.random.normal(k2, (B, 5, H, W), dtype=jnp.float32)
    kb = jax.random.split(k3, 4)
    cx = jax.random.uniform(kb[0], (B, NB, 1), minval=0.0, maxval=0.8 * H, dtype=jnp.float32)
    cy = jax.random.uniform(kb[1], (B, NB, 1), minval=0.0, maxval=0.8 * W, dtype=jnp.float32)
    cz = jnp.zeros((B, NB, 1), dtype=jnp.float32)
    d = jax.random.uniform(kb[2], (B, NB, 3), minval=4.0, maxval=20.0, dtype=jnp.float32)
    rz = jax.random.uniform(kb[3], (B, NB, 1), minval=-np.pi, maxval=np.pi, dtype=jnp.float32)
    boxes = jnp.concatenate([cx, cy, cz, d, rz], axis=-1)
    return {"added_points": added_points, "original_points": original_points, "boxes": boxes}


def reference(added_points, original_points, boxes):
    # drop first temporal sweep of GT, as in original forward
    original_points = original_points[:, 1:, :, :]
    predicted = jnp.sum(added_points, axis=1)   # (B, H, W)
    original = jnp.sum(original_points, axis=1)  # (B, H, W)
    batch_size = predicted.shape[0]
    # full-grid coordinates replace data-dependent torch.nonzero: every grid cell
    # becomes a candidate point (row, col, z=0) scaled by 0.8, with an occupancy mask
    yy, xx = jnp.meshgrid(jnp.arange(H), jnp.arange(W), indexing="ij")
    coords = jnp.stack([yy.ravel().astype(jnp.float32), xx.ravel().astype(jnp.float32), jnp.zeros(H * W, dtype=jnp.float32)], axis=1) * 0.8  # (P, 3)
    iou = jnp.float32(0.0)
    for i in range(batch_size):
        pred_occ = (predicted[i] != 0).ravel()  # (P,)
        orig_occ = (original[i] != 0).ravel()   # (P,)
        in_box = points_in_boxes(coords, boxes[i])  # (NB, P)
        n_object = orig_occ[None, :] & in_box   # GT-occupied points inside each box
        n_predict = pred_occ[None, :] & in_box  # predicted-occupied points inside each box
        inter = jnp.sum(n_object & n_predict, axis=1).astype(jnp.float32)
        union = jnp.sum(n_object | n_predict, axis=1).astype(jnp.float32)
        iou = iou + jnp.sum(inter / jnp.maximum(union, 1.0))
    iou = iou / batch_size
    return iou

if __name__ == "__main__":
    import jax
    _d = setup_inputs()
    print(jax.jit(kernel)(*tuple(_d.values())))

</pallas_src>

<mosaic_0001>
#map = affine_map<(d0, d1) -> (0, 0)>
module attributes {stable_mosaic.version = 14 : i64} {
  func.func @_sc_body(%arg0: i32, %arg1: i32, %arg2: memref<53568x16xf32, #tpu.memory_space<hbm>>, %arg3: memref<9x224xf32, #tpu.memory_space<hbm>>, %arg4: memref<32x16xf32, #tpu.memory_space<hbm>>, %arg5: memref<9x224xf32, #tpu.memory_space<vmem>>, %arg6: memref<80xi32, #tpu.memory_space<vmem>>, %arg7: memref<80xi32, #tpu.memory_space<vmem>>, %arg8: memref<160x16xf32, #tpu.memory_space<vmem>>, %arg9: memref<16xf32, #tpu.memory_space<vmem>>, %arg10: memref<!tpu.dma_semaphore, #tpu.memory_space<semaphore_mem>>, %arg11: memref<!tpu.dma_semaphore, #tpu.memory_space<semaphore_mem>>) attributes {dimension_semantics = [#tpu.dimension_semantics<core_parallel>, #tpu.dimension_semantics<subcore_parallel>], iteration_bounds = array<i64: 2, 16>, scalar_prefetch = 0 : i64, scratch_operands = 7 : i64, tpu.core_type = #tpu.core_type<sc_vector_subcore>, window_params = [{transform_indices = #map}, {transform_indices = #map}, {transform_indices = #map}]} {
    %mul3A = arith.constant 2 : i32
    %mul3A_0 = arith.muli %arg1, %mul3A : i32
    %add3A = arith.addi %mul3A_0, %arg0 : i32
    "tpu.region"() ({
      %run_scoped3A = tpu.sem_alloc : memref<!tpu.dma_semaphore, #tpu.memory_space<semaphore_mem>>
      tpu.enqueue_dma source(%arg3 : memref<9x224xf32, #tpu.memory_space<hbm>>) target(%arg5 : memref<9x224xf32, #tpu.memory_space<vmem>>) target_semaphore(%run_scoped3A : memref<!tpu.dma_semaphore, #tpu.memory_space<semaphore_mem>>)
      tpu.wait_dma2 semaphore(%run_scoped3A : memref<!tpu.dma_semaphore, #tpu.memory_space<semaphore_mem>>) src(%arg3 : memref<9x224xf32, #tpu.memory_space<hbm>>) dst(%arg5 : memref<9x224xf32, #tpu.memory_space<vmem>>)
      tpu.yield
    }) : () -> ()
    %iota3A = tpu.iota {dimensions = array<i32: 0>} : vector<16xi32>
    %convert_element_type3A = arith.sitofp %iota3A : vector<16xi32> to vector<16xf32>
    %broadcast_in_dim3A = arith.constant 0.000000e+00 : f32
    %broadcast_in_dim3A_1 = vector.broadcast %broadcast_in_dim3A : f32 to vector<16xf32>
    %add3A_2 = arith.constant 0 : i32
    %add3A_3 = arith.addi %add3A, %add3A_2 : i32
    %broadcast_in_dim3A_4 = vector.broadcast %add3A_3 : i32 to vector<16xi32>
    %broadcast_in_dim3A_5 = arith.constant 0 : i32
    %broadcast_in_dim3A_6 = vector.broadcast %broadcast_in_dim3A_5 : i32 to vector<16xi32>
    %gather3A = tpu.vector_load_idx %arg5[%broadcast_in_dim3A_6, %broadcast_in_dim3A_4] : memref<9x224xf32, #tpu.memory_space<vmem>>[vector<16xi32>, vector<16xi32>], vector<16xf32>,
    %broadcast_in_dim3A_7 = arith.constant 1 : i32
    %broadcast_in_dim3A_8 = vector.broadcast %broadcast_in_dim3A_7 : i32 to vector<16xi32>
    %gather3A_9 = tpu.vector_load_idx %arg5[%broadcast_in_dim3A_8, %broadcast_in_dim3A_4] : memref<9x224xf32, #tpu.memory_space<vmem>>[vector<16xi32>, vector<16xi32>], vector<16xf32>,
    %broadcast_in_dim3A_10 = arith.constant 2 : i32
    %broadcast_in_dim3A_11 = vector.broadcast %broadcast_in_dim3A_10 : i32 to vector<16xi32>
    %gather3A_12 = tpu.vector_load_idx %arg5[%broadcast_in_dim3A_11, %broadcast_in_dim3A_4] : memref<9x224xf32, #tpu.memory_space<vmem>>[vector<16xi32>, vector<16xi32>], vector<16xf32>,
    %broadcast_in_dim3A_13 = arith.constant 3 : i32
    %broadcast_in_dim3A_14 = vector.broadcast %broadcast_in_dim3A_13 : i32 to vector<16xi32>
    %gather3A_15 = tpu.vector_load_idx %arg5[%broadcast_in_dim3A_14, %broadcast_in_dim3A_4] : memref<9x224xf32, #tpu.memory_space<vmem>>[vector<16xi32>, vector<16xi32>], vector<16xf32>,
    %broadcast_in_dim3A_16 = arith.constant 4 : i32
    %broadcast_in_dim3A_17 = vector.broadcast %broadcast_in_dim3A_16 : i32 to vector<16xi32>
    %gather3A_18 = tpu.vector_load_idx %arg5[%broadcast_in_dim3A_17, %broadcast_in_dim3A_4] : memref<9x224xf32, #tpu.memory_space<vmem>>[vector<16xi32>, vector<16xi32>], vector<16xf32>,
    %broadcast_in_dim3A_19 = arith.constant 5 : i32
    %broadcast_in_dim3A_20 = vector.broadcast %broadcast_in_dim3A_19 : i32 to vector<16xi32>
    %gather3A_21 = tpu.vector_load_idx %arg5[%broadcast_in_dim3A_20, %broadcast_in_dim3A_4] : memref<9x224xf32, #tpu.memory_space<vmem>>[vector<16xi32>, vector<16xi32>], vector<16xf32>,
    %broadcast_in_dim3A_22 = arith.constant 6 : i32
    %broadcast_in_dim3A_23 = vector.broadcast %broadcast_in_dim3A_22 : i32 to vector<16xi32>
    %gather3A_24 = tpu.vector_load_idx %arg5[%broadcast_in_dim3A_23, %broadcast_in_dim3A_4] : memref<9x224xf32, #tpu.memory_space<vmem>>[vector<16xi32>, vector<16xi32>], vector<16xf32>,
    %broadcast_in_dim3A_25 = arith.constant 7 : i32
    %broadcast_in_dim3A_26 = vector.broadcast %broadcast_in_dim3A_25 : i32 to vector<16xi32>
    %gather3A_27 = tpu.vector_load_idx %arg5[%broadcast_in_dim3A_26, %broadcast_in_dim3A_4] : memref<9x224xf32, #tpu.memory_space<vmem>>[vector<16xi32>, vector<16xi32>], vector<16xf32>,
    %broadcast_in_dim3A_28 = arith.constant 8 : i32
    %broadcast_in_dim3A_29 = vector.broadcast %broadcast_in_dim3A_28 : i32 to vector<16xi32>
    %gather3A_30 = tpu.vector_load_idx %arg5[%broadcast_in_dim3A_29, %broadcast_in_dim3A_4] : memref<9x224xf32, #tpu.memory_space<vmem>>[vector<16xi32>, vector<16xi32>], vector<16xf32>,
    %convert_element_type3A_31 = arith.fptosi %gather3A_30 : vector<16xf32> to vector<16xi32>
    %add3A_32 = arith.constant 0 : i32
    %add3A_33 = vector.broadcast %add3A_32 : i32 to vector<16xi32>
    %add3A_34 = arith.addi %iota3A, %add3A_33 : vector<16xi32>
    %shift_right_logical3A = arith.constant 2 : i32
    %shift_right_logical3A_35 = vector.broadcast %shift_right_logical3A : i32 to vector<16xi32>
    %shift_right_logical3A_36 = arith.shrui %add3A_34, %shift_right_logical3A_35 : vector<16xi32>
    %and3A = arith.constant 3 : i32
    %and3A_37 = vector.broadcast %and3A : i32 to vector<16xi32>
    %and3A_38 = arith.andi %add3A_34, %and3A_37 : vector<16xi32>
    %mul3A_39 = arith.constant 31 : i32
    %mul3A_40 = vector.broadcast %mul3A_39 : i32 to vector<16xi32>
    %mul3A_41 = arith.muli %shift_right_logical3A_36, %mul3A_40 : vector<16xi32>
    %add3A_42 = arith.addi %convert_element_type3A_31, %mul3A_41 : vector<16xi32>
    %add3A_43 = arith.addi %add3A_42, %and3A_38 : vector<16xi32>
    %swap3A = arith.constant 0 : index
    %swap3A_44 = tpu.vector_load %arg6[%swap3A] {strides = array<i32>} : memref<80xi32, #tpu.memory_space<vmem>>, vector<16xi32>,
    tpu.vector_store %arg6[%swap3A], %add3A_43 {strides = array<i32>} : memref<80xi32, #tpu.memory_space<vmem>>, vector<16xi32>,
    %add3A_45 = arith.constant 16 : i32
    %add3A_46 = vector.broadcast %add3A_45 : i32 to vector<16xi32>
    %add3A_47 = arith.addi %iota3A, %add3A_46 : vector<16xi32>
    %shift_right_logical3A_48 = arith.constant 2 : i32
    %shift_right_logical3A_49 = vector.broadcast %shift_right_logical3A_48 : i32 to vector<16xi32>
    %shift_right_logical3A_50 = arith.shrui %add3A_47, %shift_right_logical3A_49 : vector<16xi32>
    %and3A_51 = arith.constant 3 : i32
    %and3A_52 = vector.broadcast %and3A_51 : i32 to vector<16xi32>
    %and3A_53 = arith.andi %add3A_47, %and3A_52 : vector<16xi32>
    %mul3A_54 = arith.constant 31 : i32
    %mul3A_55 = vector.broadcast %mul3A_54 : i32 to vector<16xi32>
    %mul3A_56 = arith.muli %shift_right_logical3A_50, %mul3A_55 : vector<16xi32>
    %add3A_57 = arith.addi %convert_element_type3A_31, %mul3A_56 : vector<16xi32>
    %add3A_58 = arith.addi %add3A_57, %and3A_53 : vector<16xi32>
    %swap3A_59 = arith.constant 16 : index
    %swap3A_60 = tpu.vector_load %arg6[%swap3A_59] {strides = array<i32>} : memref<80xi32, #tpu.memory_space<vmem>>, vector<16xi32>,
    tpu.vector_store %arg6[%swap3A_59], %add3A_58 {strides = array<i32>} : memref<80xi32, #tpu.memory_space<vmem>>, vector<16xi32>,
    %add3A_61 = arith.constant 32 : i32
    %add3A_62 = vector.broadcast %add3A_61 : i32 to vector<16xi32>
    %add3A_63 = arith.addi %iota3A, %add3A_62 : vector<16xi32>
    %shift_right_logical3A_64 = arith.constant 2 : i32
    %shift_right_logical3A_65 = vector.broadcast %shift_right_logical3A_64 : i32 to vector<16xi32>
    %shift_right_logical3A_66 = arith.shrui %add3A_63, %shift_right_logical3A_65 : vector<16xi32>
    %and3A_67 = arith.constant 3 : i32
    %and3A_68 = vector.broadcast %and3A_67 : i32 to vector<16xi32>
    %and3A_69 = arith.andi %add3A_63, %and3A_68 : vector<16xi32>
    %mul3A_70 = arith.constant 31 : i32
    %mul3A_71 = vector.broadcast %mul3A_70 : i32 to vector<16xi32>
    %mul3A_72 = arith.muli %shift_right_logical3A_66, %mul3A_71 : vector<16xi32>
    %add3A_73 = arith.addi %convert_element_type3A_31, %mul3A_72 : vector<16xi32>
    %add3A_74 = arith.addi %add3A_73, %and3A_69 : vector<16xi32>
    %swap3A_75 = arith.constant 32 : index
    %swap3A_76 = tpu.vector_load %arg6[%swap3A_75] {strides = array<i32>} : memref<80xi32, #tpu.memory_space<vmem>>, vector<16xi32>,
    tpu.vector_store %arg6[%swap3A_75], %add3A_74 {strides = array<i32>} : memref<80xi32, #tpu.memory_space<vmem>>, vector<16xi32>,
    %add3A_77 = arith.constant 48 : i32
    %add3A_78 = vector.broadcast %add3A_77 : i32 to vector<16xi32>
    %add3A_79 = arith.addi %iota3A, %add3A_78 : vector<16xi32>
    %shift_right_logical3A_80 = arith.constant 2 : i32
    %shift_right_logical3A_81 = vector.broadcast %shift_right_logical3A_80 : i32 to vector<16xi32>
    %shift_right_logical3A_82 = arith.shrui %add3A_79, %shift_right_logical3A_81 : vector<16xi32>
    %and3A_83 = arith.constant 3 : i32
    %and3A_84 = vector.broadcast %and3A_83 : i32 to vector<16xi32>
    %and3A_85 = arith.andi %add3A_79, %and3A_84 : vector<16xi32>
    %mul3A_86 = arith.constant 31 : i32
    %mul3A_87 = vector.broadcast %mul3A_86 : i32 to vector<16xi32>
    %mul3A_88 = arith.muli %shift_right_logical3A_82, %mul3A_87 : vector<16xi32>
    %add3A_89 = arith.addi %convert_element_type3A_31, %mul3A_88 : vector<16xi32>
    %add3A_90 = arith.addi %add3A_89, %and3A_85 : vector<16xi32>
    %swap3A_91 = arith.constant 48 : index
    %swap3A_92 = tpu.vector_load %arg6[%swap3A_91] {strides = array<i32>} : memref<80xi32, #tpu.memory_space<vmem>>, vector<16xi32>,
    tpu.vector_store %arg6[%swap3A_91], %add3A_90 {strides = array<i32>} : memref<80xi32, #tpu.memory_space<vmem>>, vector<16xi32>,
    %add3A_93 = arith.constant 64 : i32
    %add3A_94 = vector.broadcast %add3A_93 : i32 to vector<16xi32>
    %add3A_95 = arith.addi %iota3A, %add3A_94 : vector<16xi32>
    %shift_right_logical3A_96 = arith.constant 2 : i32
    %shift_right_logical3A_97 = vector.broadcast %shift_right_logical3A_96 : i32 to vector<16xi32>
    %shift_right_logical3A_98 = arith.shrui %add3A_95, %shift_right_logical3A_97 : vector<16xi32>
    %and3A_99 = arith.constant 3 : i32
    %and3A_100 = vector.broadcast %and3A_99 : i32 to vector<16xi32>
    %and3A_101 = arith.andi %add3A_95, %and3A_100 : vector<16xi32>
    %mul3A_102 = arith.constant 31 : i32
    %mul3A_103 = vector.broadcast %mul3A_102 : i32 to vector<16xi32>
    %mul3A_104 = arith.muli %shift_right_logical3A_98, %mul3A_103 : vector<16xi32>
    %add3A_105 = arith.addi %convert_element_type3A_31, %mul3A_104 : vector<16xi32>
    %add3A_106 = arith.addi %add3A_105, %and3A_101 : vector<16xi32>
    %swap3A_107 = arith.constant 64 : index
    %swap3A_108 = tpu.vector_load %arg6[%swap3A_107] {strides = array<i32>} : memref<80xi32, #tpu.memory_space<vmem>>, vector<16xi32>,
    tpu.vector_store %arg6[%swap3A_107], %add3A_106 {strides = array<i32>} : memref<80xi32, #tpu.memory_space<vmem>>, vector<16xi32>,
    %add3A_109 = arith.constant 80 : i32
    %add3A_110 = vector.broadcast %add3A_109 : i32 to vector<16xi32>
    %add3A_111 = arith.addi %iota3A, %add3A_110 : vector<16xi32>
    %shift_right_logical3A_112 = arith.constant 2 : i32
    %shift_right_logical3A_113 = vector.broadcast %shift_right_logical3A_112 : i32 to vector<16xi32>
    %shift_right_logical3A_114 = arith.shrui %add3A_111, %shift_right_logical3A_113 : vector<16xi32>
    %and3A_115 = arith.constant 3 : i32
    %and3A_116 = vector.broadcast %and3A_115 : i32 to vector<16xi32>
    %and3A_117 = arith.andi %add3A_111, %and3A_116 : vector<16xi32>
    %mul3A_118 = arith.constant 31 : i32
    %mul3A_119 = vector.broadcast %mul3A_118 : i32 to vector<16xi32>
    %mul3A_120 = arith.muli %shift_right_logical3A_114, %mul3A_119 : vector<16xi32>
    %add3A_121 = arith.addi %convert_element_type3A_31, %mul3A_120 : vector<16xi32>
    %add3A_122 = arith.addi %add3A_121, %and3A_117 : vector<16xi32>
    %swap3A_123 = arith.constant 0 : index
    %swap3A_124 = tpu.vector_load %arg7[%swap3A_123] {strides = array<i32>} : memref<80xi32, #tpu.memory_space<vmem>>, vector<16xi32>,
    tpu.vector_store %arg7[%swap3A_123], %add3A_122 {strides = array<i32>} : memref<80xi32, #tpu.memory_space<vmem>>, vector<16xi32>,
    %add3A_125 = arith.constant 96 : i32
    %add3A_126 = vector.broadcast %add3A_125 : i32 to vector<16xi32>
    %add3A_127 = arith.addi %iota3A, %add3A_126 : vector<16xi32>
    %shift_right_logical3A_128 = arith.constant 2 : i32
    %shift_right_logical3A_129 = vector.broadcast %shift_right_logical3A_128 : i32 to vector<16xi32>
    %shift_right_logical3A_130 = arith.shrui %add3A_127, %shift_right_logical3A_129 : vector<16xi32>
    %and3A_131 = arith.constant 3 : i32
    %and3A_132 = vector.broadcast %and3A_131 : i32 to vector<16xi32>
    %and3A_133 = arith.andi %add3A_127, %and3A_132 : vector<16xi32>
    %mul3A_134 = arith.constant 31 : i32
    %mul3A_135 = vector.broadcast %mul3A_134 : i32 to vector<16xi32>
    %mul3A_136 = arith.muli %shift_right_logical3A_130, %mul3A_135 : vector<16xi32>
    %add3A_137 = arith.addi %convert_element_type3A_31, %mul3A_136 : vector<16xi32>
    %add3A_138 = arith.addi %add3A_137, %and3A_133 : vector<16xi32>
    %swap3A_139 = arith.constant 16 : index
    %swap3A_140 = tpu.vector_load %arg7[%swap3A_139] {strides = array<i32>} : memref<80xi32, #tpu.memory_space<vmem>>, vector<16xi32>,
    tpu.vector_store %arg7[%swap3A_139], %add3A_138 {strides = array<i32>} : memref<80xi32, #tpu.memory_space<vmem>>, vector<16xi32>,
    %add3A_141 = arith.constant 112 : i32
    %add3A_142 = vector.broadcast %add3A_141 : i32 to vector<16xi32>
    %add3A_143 = arith.addi %iota3A, %add3A_142 : vector<16xi32>
    %shift_right_logical3A_144 = arith.constant 2 : i32
    %shift_right_logical3A_145 = vector.broadcast %shift_right_logical3A_144 : i32 to vector<16xi32>
    %shift_right_logical3A_146 = arith.shrui %add3A_143, %shift_right_logical3A_145 : vector<16xi32>
    %and3A_147 = arith.constant 3 : i32
    %and3A_148 = vector.broadcast %and3A_147 : i32 to vector<16xi32>
    %and3A_149 = arith.andi %add3A_143, %and3A_148 : vector<16xi32>
    %mul3A_150 = arith.constant 31 : i32
    %mul3A_151 = vector.broadcast %mul3A_150 : i32 to vector<16xi32>
    %mul3A_152 = arith.muli %shift_right_logical3A_146, %mul3A_151 : vector<16xi32>
    %add3A_153 = arith.addi %convert_element_type3A_31, %mul3A_152 : vector<16xi32>
    %add3A_154 = arith.addi %add3A_153, %and3A_149 : vector<16xi32>
    %swap3A_155 = arith.constant 32 : index
    %swap3A_156 = tpu.vector_load %arg7[%swap3A_155] {strides = array<i32>} : memref<80xi32, #tpu.memory_space<vmem>>, vector<16xi32>,
    tpu.vector_store %arg7[%swap3A_155], %add3A_154 {strides = array<i32>} : memref<80xi32, #tpu.memory_space<vmem>>, vector<16xi32>,
    %add3A_157 = arith.constant 128 : i32
    %add3A_158 = vector.broadcast %add3A_157 : i32 to vector<16xi32>
    %add3A_159 = arith.addi %iota3A, %add3A_158 : vector<16xi32>
    %shift_right_logical3A_160 = arith.constant 2 : i32
    %shift_right_logical3A_161 = vector.broadcast %shift_right_logical3A_160 : i32 to vector<16xi32>
    %shift_right_logical3A_162 = arith.shrui %add3A_159, %shift_right_logical3A_161 : vector<16xi32>
    %and3A_163 = arith.constant 3 : i32
    %and3A_164 = vector.broadcast %and3A_163 : i32 to vector<16xi32>
    %and3A_165 = arith.andi %add3A_159, %and3A_164 : vector<16xi32>
    %mul3A_166 = arith.constant 31 : i32
    %mul3A_167 = vector.broadcast %mul3A_166 : i32 to vector<16xi32>
    %mul3A_168 = arith.muli %shift_right_logical3A_162, %mul3A_167 : vector<16xi32>
    %add3A_169 = arith.addi %convert_element_type3A_31, %mul3A_168 : vector<16xi32>
    %add3A_170 = arith.addi %add3A_169, %and3A_165 : vector<16xi32>
    %swap3A_171 = arith.constant 48 : index
    %swap3A_172 = tpu.vector_load %arg7[%swap3A_171] {strides = array<i32>} : memref<80xi32, #tpu.memory_space<vmem>>, vector<16xi32>,
    tpu.vector_store %arg7[%swap3A_171], %add3A_170 {strides = array<i32>} : memref<80xi32, #tpu.memory_space<vmem>>, vector<16xi32>,
    %add3A_173 = arith.constant 144 : i32
    %add3A_174 = vector.broadcast %add3A_173 : i32 to vector<16xi32>
    %add3A_175 = arith.addi %iota3A, %add3A_174 : vector<16xi32>
    %shift_right_logical3A_176 = arith.constant 2 : i32
    %shift_right_logical3A_177 = vector.broadcast %shift_right_logical3A_176 : i32 to vector<16xi32>
    %shift_right_logical3A_178 = arith.shrui %add3A_175, %shift_right_logical3A_177 : vector<16xi32>
    %and3A_179 = arith.constant 3 : i32
    %and3A_180 = vector.broadcast %and3A_179 : i32 to vector<16xi32>
    %and3A_181 = arith.andi %add3A_175, %and3A_180 : vector<16xi32>
    %mul3A_182 = arith.constant 31 : i32
    %mul3A_183 = vector.broadcast %mul3A_182 : i32 to vector<16xi32>
    %mul3A_184 = arith.muli %shift_right_logical3A_178, %mul3A_183 : vector<16xi32>
    %add3A_185 = arith.addi %convert_element_type3A_31, %mul3A_184 : vector<16xi32>
    %add3A_186 = arith.addi %add3A_185, %and3A_181 : vector<16xi32>
    %swap3A_187 = arith.constant 64 : index
    %swap3A_188 = tpu.vector_load %arg7[%swap3A_187] {strides = array<i32>} : memref<80xi32, #tpu.memory_space<vmem>>, vector<16xi32>,
    tpu.vector_store %arg7[%swap3A_187], %add3A_186 {strides = array<i32>} : memref<80xi32, #tpu.memory_space<vmem>>, vector<16xi32>,
    %dma_start3A = arith.constant 0 : i32
    %dma_start3A_189 = arith.constant 0 : i32
    %dma_start3A_190 = tpu.memref_slice %arg8[%dma_start3A, %dma_start3A_189] : memref<160x16xf32, #tpu.memory_space<vmem>> -> memref<80x16xf32, #tpu.memory_space<vmem>>
    %dma_start3A_191 = arith.constant 0 : i32
    %dma_start3A_192 = arith.constant 0 : i32
    %dma_start3A_193 = tpu.memref_slice %arg2[%dma_start3A_191, %dma_start3A_192] : memref<53568x16xf32, #tpu.memory_space<hbm>> -> memref<53568x16xf32, #tpu.memory_space<hbm>>
    tpu.enqueue_indirect_dma source(%dma_start3A_193 : memref<53568x16xf32, #tpu.memory_space<hbm>>) target(%dma_start3A_190 : memref<80x16xf32, #tpu.memory_space<vmem>>) offsets(%arg6 : memref<80xi32, #tpu.memory_space<vmem>>) semaphore(%arg10 : memref<!tpu.dma_semaphore, #tpu.memory_space<semaphore_mem>>)
    %dma_start3A_194 = arith.constant 80 : i32
    %dma_start3A_195 = arith.constant 0 : i32
    %dma_start3A_196 = tpu.memref_slice %arg8[%dma_start3A_194, %dma_start3A_195] : memref<160x16xf32, #tpu.memory_space<vmem>> -> memref<80x16xf32, #tpu.memory_space<vmem>>
    %dma_start3A_197 = arith.constant 0 : i32
    %dma_start3A_198 = arith.constant 0 : i32
    %dma_start3A_199 = tpu.memref_slice %arg2[%dma_start3A_197, %dma_start3A_198] : memref<53568x16xf32, #tpu.memory_space<hbm>> -> memref<53568x16xf32, #tpu.memory_space<hbm>>
    tpu.enqueue_indirect_dma source(%dma_start3A_199 : memref<53568x16xf32, #tpu.memory_space<hbm>>) target(%dma_start3A_196 : memref<80x16xf32, #tpu.memory_space<vmem>>) offsets(%arg7 : memref<80xi32, #tpu.memory_space<vmem>>) semaphore(%arg11 : memref<!tpu.dma_semaphore, #tpu.memory_space<semaphore_mem>>)
    %dma_wait3A = arith.constant 0 : i32
    %dma_wait3A_200 = arith.constant 0 : i32
    %dma_wait3A_201 = tpu.memref_slice %arg8[%dma_wait3A, %dma_wait3A_200] : memref<160x16xf32, #tpu.memory_space<vmem>> -> memref<80x16xf32, #tpu.memory_space<vmem>>
    %dma_wait3A_202 = arith.constant 0 : i32
    %dma_wait3A_203 = arith.constant 0 : i32
    %dma_wait3A_204 = tpu.memref_slice %arg2[%dma_wait3A_202, %dma_wait3A_203] : memref<53568x16xf32, #tpu.memory_space<hbm>> -> memref<53568x16xf32, #tpu.memory_space<hbm>>
    tpu.wait_indirect_dma semaphore(%arg10 : memref<!tpu.dma_semaphore, #tpu.memory_space<semaphore_mem>>) src(%dma_wait3A_204 : memref<53568x16xf32, #tpu.memory_space<hbm>>) dst(%dma_wait3A_201 : memref<80x16xf32, #tpu.memory_space<vmem>>)
    %dma_wait3A_205 = arith.constant 80 : i32
    %dma_wait3A_206 = arith.constant 0 : i32
    %dma_wait3A_207 = tpu.memref_slice %arg8[%dma_wait3A_205, %dma_wait3A_206] : memref<160x16xf32, #tpu.memory_space<vmem>> -> memref<80x16xf32, #tpu.memory_space<vmem>>
    %dma_wait3A_208 = arith.constant 0 : i32
    %dma_wait3A_209 = arith.constant 0 : i32
    %dma_wait3A_210 = tpu.memref_slice %arg2[%dma_wait3A_208, %dma_wait3A_209] : memref<53568x16xf32, #tpu.memory_space<hbm>> -> memref<53568x16xf32, #tpu.memory_space<hbm>>
    tpu.wait_indirect_dma semaphore(%arg11 : memref<!tpu.dma_semaphore, #tpu.memory_space<semaphore_mem>>) src(%dma_wait3A_210 : memref<53568x16xf32, #tpu.memory_space<hbm>>) dst(%dma_wait3A_207 : memref<80x16xf32, #tpu.memory_space<vmem>>)
    %add3A_211 = arith.addf %gather3A_27, %convert_element_type3A : vector<16xf32>
    %sub3A = arith.subf %add3A_211, %gather3A : vector<16xf32>
    %sub3A_212 = arith.subf %gather3A_24, %gather3A_9 : vector<16xf32>
    %broadcast_in_dim3A_213 = arith.constant 0.000000e+00 : f32
    %broadcast_in_dim3A_214 = vector.broadcast %broadcast_in_dim3A_213 : f32 to vector<16xf32>
    %broadcast_in_dim3A_215 = arith.constant 0.000000e+00 : f32
    %broadcast_in_dim3A_216 = vector.broadcast %broadcast_in_dim3A_215 : f32 to vector<16xf32>
    %scan3A = arith.constant 0 : i32
    %scan3A_217 = arith.constant 20 : i32
    %scan3A_218 = arith.addi %scan3A, %scan3A_217 : i32
    %scan3A_219 = arith.constant 1 : i32
    %scan3A_220:2 = scf.for %scan3A_1694 = %scan3A to %scan3A_218 step %scan3A_219 iter_args(%scan3A_1695 = %broadcast_in_dim3A_214, %scan3A_1696 = %broadcast_in_dim3A_216) -> (vector<16xf32>, vector<16xf32>)  : i32 {
      %mul3A_1697 = arith.constant 2 : i32
      %mul3A_1698 = arith.muli %mul3A_1697, %scan3A_1694 : i32
      %broadcast_in_dim3A_1699 = vector.broadcast %mul3A_1698 : i32 to vector<16xi32>
      %convert_element_type3A_1700 = arith.sitofp %broadcast_in_dim3A_1699 : vector<16xi32> to vector<16xf32>
      %mul3A_1701 = arith.constant 8 : i32
      %mul3A_1702 = arith.muli %scan3A_1694, %mul3A_1701 : i32
      %add3A_1703 = arith.constant 0 : i32
      %add3A_1704 = arith.addi %mul3A_1702, %add3A_1703 : i32
      %add3A_1705 = arith.constant 0.000000e+00 : f32
      %add3A_1706 = vector.broadcast %add3A_1705 : f32 to vector<16xf32>
      %add3A_1707 = arith.addf %convert_element_type3A_1700, %add3A_1706 : vector<16xf32>
      %add3A_1708 = arith.addf %sub3A_212, %add3A_1707 : vector<16xf32>
      %add3A_1709 = arith.constant 0.000000e+00 : f32
      %add3A_1710 = vector.broadcast %add3A_1709 : f32 to vector<16xf32>
      %add3A_1711 = arith.addf %sub3A, %add3A_1710 : vector<16xf32>
      %mul3A_1712 = arith.mulf %add3A_1711, %gather3A_12 : vector<16xf32>
      %mul3A_1713 = arith.mulf %add3A_1708, %gather3A_15 : vector<16xf32>
      %add3A_1714 = arith.addf %mul3A_1712, %mul3A_1713 : vector<16xf32>
      %mul3A_1715 = arith.mulf %add3A_1708, %gather3A_12 : vector<16xf32>
      %mul3A_1716 = arith.mulf %add3A_1711, %gather3A_15 : vector<16xf32>
      %sub3A_1717 = arith.subf %mul3A_1715, %mul3A_1716 : vector<16xf32>
      %abs3A = math.absf %add3A_1714 : vector<16xf32>
      %le3A = arith.cmpf ole, %abs3A, %gather3A_18 : vector<16xf32>
      %abs3A_1718 = math.absf %sub3A_1717 : vector<16xf32>
      %le3A_1719 = arith.cmpf ole, %abs3A_1718, %gather3A_21 : vector<16xf32>
      %and3A_1720 = arith.andi %le3A, %le3A_1719 : vector<16xi1>
      %broadcast_in_dim3A_1721 = vector.broadcast %add3A_1704 : i32 to vector<16xi32>
      %gather3A_1722 = tpu.vector_load_idx %arg8[%broadcast_in_dim3A_1721, %iota3A] : memref<160x16xf32, #tpu.memory_space<vmem>>[vector<16xi32>, vector<16xi32>], vector<16xf32>,
      %ne3A = arith.constant 0.000000e+00 : f32
      %ne3A_1723 = vector.broadcast %ne3A : f32 to vector<16xf32>
      %ne3A_1724 = arith.cmpf one, %gather3A_1722, %ne3A_1723 : vector<16xf32>
      %and3A_1725 = arith.andi %and3A_1720, %ne3A_1724 : vector<16xi1>
      %jit3A = arith.constant 1.000000e+00 : f32
      %jit3A_1726 = arith.constant 0.000000e+00 : f32
      %broadcast_in_dim3A_1727 = vector.broadcast %jit3A : f32 to vector<16xf32>
      %broadcast_in_dim3A_1728 = vector.broadcast %jit3A_1726 : f32 to vector<16xf32>
      %select_n3A = arith.select %and3A_1725, %broadcast_in_dim3A_1727, %broadcast_in_dim3A_1728 : vector<16xi1>, vector<16xf32>
      %add3A_1729 = arith.addf %scan3A_1695, %select_n3A : vector<16xf32>
      %eq3A = arith.constant 3.000000e+00 : f32
      %eq3A_1730 = vector.broadcast %eq3A : f32 to vector<16xf32>
      %eq3A_1731 = arith.cmpf oeq, %gather3A_1722, %eq3A_1730 : vector<16xf32>
      %and3A_1732 = arith.andi %and3A_1720, %eq3A_1731 : vector<16xi1>
      %jit3A_1733 = arith.constant 1.000000e+00 : f32
      %jit3A_1734 = arith.constant 0.000000e+00 : f32
      %broadcast_in_dim3A_1735 = vector.broadcast %jit3A_1733 : f32 to vector<16xf32>
      %broadcast_in_dim3A_1736 = vector.broadcast %jit3A_1734 : f32 to vector<16xf32>
      %select_n3A_1737 = arith.select %and3A_1732, %broadcast_in_dim3A_1735, %broadcast_in_dim3A_1736 : vector<16xi1>, vector<16xf32>
      %add3A_1738 = arith.addf %scan3A_1696, %select_n3A_1737 : vector<16xf32>
      %mul3A_1739 = arith.constant 8 : i32
      %mul3A_1740 = arith.muli %scan3A_1694, %mul3A_1739 : i32
      %add3A_1741 = arith.constant 1 : i32
      %add3A_1742 = arith.addi %mul3A_1740, %add3A_1741 : i32
      %add3A_1743 = arith.constant 0.000000e+00 : f32
      %add3A_1744 = vector.broadcast %add3A_1743 : f32 to vector<16xf32>
      %add3A_1745 = arith.addf %convert_element_type3A_1700, %add3A_1744 : vector<16xf32>
      %add3A_1746 = arith.addf %sub3A_212, %add3A_1745 : vector<16xf32>
      %add3A_1747 = arith.constant 1.600000e+01 : f32
      %add3A_1748 = vector.broadcast %add3A_1747 : f32 to vector<16xf32>
      %add3A_1749 = arith.addf %sub3A, %add3A_1748 : vector<16xf32>
      %mul3A_1750 = arith.mulf %add3A_1749, %gather3A_12 : vector<16xf32>
      %mul3A_1751 = arith.mulf %add3A_1746, %gather3A_15 : vector<16xf32>
      %add3A_1752 = arith.addf %mul3A_1750, %mul3A_1751 : vector<16xf32>
      %mul3A_1753 = arith.mulf %add3A_1746, %gather3A_12 : vector<16xf32>
      %mul3A_1754 = arith.mulf %add3A_1749, %gather3A_15 : vector<16xf32>
      %sub3A_1755 = arith.subf %mul3A_1753, %mul3A_1754 : vector<16xf32>
      %abs3A_1756 = math.absf %add3A_1752 : vector<16xf32>
      %le3A_1757 = arith.cmpf ole, %abs3A_1756, %gather3A_18 : vector<16xf32>
      %abs3A_1758 = math.absf %sub3A_1755 : vector<16xf32>
      %le3A_1759 = arith.cmpf ole, %abs3A_1758, %gather3A_21 : vector<16xf32>
      %and3A_1760 = arith.andi %le3A_1757, %le3A_1759 : vector<16xi1>
      %broadcast_in_dim3A_1761 = vector.broadcast %add3A_1742 : i32 to vector<16xi32>
      %gather3A_1762 = tpu.vector_load_idx %arg8[%broadcast_in_dim3A_1761, %iota3A] : memref<160x16xf32, #tpu.memory_space<vmem>>[vector<16xi32>, vector<16xi32>], vector<16xf32>,
      %ne3A_1763 = arith.constant 0.000000e+00 : f32
      %ne3A_1764 = vector.broadcast %ne3A_1763 : f32 to vector<16xf32>
      %ne3A_1765 = arith.cmpf one, %gather3A_1762, %ne3A_1764 : vector<16xf32>
      %and3A_1766 = arith.andi %and3A_1760, %ne3A_1765 : vector<16xi1>
      %jit3A_1767 = arith.constant 1.000000e+00 : f32
      %jit3A_1768 = arith.constant 0.000000e+00 : f32
      %broadcast_in_dim3A_1769 = vector.broadcast %jit3A_1767 : f32 to vector<16xf32>
      %broadcast_in_dim3A_1770 = vector.broadcast %jit3A_1768 : f32 to vector<16xf32>
      %select_n3A_1771 = arith.select %and3A_1766, %broadcast_in_dim3A_1769, %broadcast_in_dim3A_1770 : vector<16xi1>, vector<16xf32>
      %add3A_1772 = arith.addf %add3A_1729, %select_n3A_1771 : vector<16xf32>
      %eq3A_1773 = arith.constant 3.000000e+00 : f32
      %eq3A_1774 = vector.broadcast %eq3A_1773 : f32 to vector<16xf32>
      %eq3A_1775 = arith.cmpf oeq, %gather3A_1762, %eq3A_1774 : vector<16xf32>
      %and3A_1776 = arith.andi %and3A_1760, %eq3A_1775 : vector<16xi1>
      %jit3A_1777 = arith.constant 1.000000e+00 : f32
      %jit3A_1778 = arith.constant 0.000000e+00 : f32
      %broadcast_in_dim3A_1779 = vector.broadcast %jit3A_1777 : f32 to vector<16xf32>
      %broadcast_in_dim3A_1780 = vector.broadcast %jit3A_1778 : f32 to vector<16xf32>
      %select_n3A_1781 = arith.select %and3A_1776, %broadcast_in_dim3A_1779, %broadcast_in_dim3A_1780 : vector<16xi1>, vector<16xf32>
      %add3A_1782 = arith.addf %add3A_1738, %select_n3A_1781 : vector<16xf32>
      %mul3A_1783 = arith.constant 8 : i32
      %mul3A_1784 = arith.muli %scan3A_1694, %mul3A_1783 : i32
      %add3A_1785 = arith.constant 2 : i32
      %add3A_1786 = arith.addi %mul3A_1784, %add3A_1785 : i32
      %add3A_1787 = arith.constant 0.000000e+00 : f32
      %add3A_1788 = vector.broadcast %add3A_1787 : f32 to vector<16xf32>
      %add3A_1789 = arith.addf %convert_element_type3A_1700, %add3A_1788 : vector<16xf32>
      %add3A_1790 = arith.addf %sub3A_212, %add3A_1789 : vector<16xf32>
      %add3A_1791 = arith.constant 3.200000e+01 : f32
      %add3A_1792 = vector.broadcast %add3A_1791 : f32 to vector<16xf32>
      %add3A_1793 = arith.addf %sub3A, %add3A_1792 : vector<16xf32>
      %mul3A_1794 = arith.mulf %add3A_1793, %gather3A_12 : vector<16xf32>
      %mul3A_1795 = arith.mulf %add3A_1790, %gather3A_15 : vector<16xf32>
      %add3A_1796 = arith.addf %mul3A_1794, %mul3A_1795 : vector<16xf32>
      %mul3A_1797 = arith.mulf %add3A_1790, %gather3A_12 : vector<16xf32>
      %mul3A_1798 = arith.mulf %add3A_1793, %gather3A_15 : vector<16xf32>
      %sub3A_1799 = arith.subf %mul3A_1797, %mul3A_1798 : vector<16xf32>
      %abs3A_1800 = math.absf %add3A_1796 : vector<16xf32>
      %le3A_1801 = arith.cmpf ole, %abs3A_1800, %gather3A_18 : vector<16xf32>
      %abs3A_1802 = math.absf %sub3A_1799 : vector<16xf32>
      %le3A_1803 = arith.cmpf ole, %abs3A_1802, %gather3A_21 : vector<16xf32>
      %and3A_1804 = arith.andi %le3A_1801, %le3A_1803 : vector<16xi1>
      %broadcast_in_dim3A_1805 = vector.broadcast %add3A_1786 : i32 to vector<16xi32>
      %gather3A_1806 = tpu.vector_load_idx %arg8[%broadcast_in_dim3A_1805, %iota3A] : memref<160x16xf32, #tpu.memory_space<vmem>>[vector<16xi32>, vector<16xi32>], vector<16xf32>,
      %ne3A_1807 = arith.constant 0.000000e+00 : f32
      %ne3A_1808 = vector.broadcast %ne3A_1807 : f32 to vector<16xf32>
      %ne3A_1809 = arith.cmpf one, %gather3A_1806, %ne3A_1808 : vector<16xf32>
      %and3A_1810 = arith.andi %and3A_1804, %ne3A_1809 : vector<16xi1>
      %jit3A_1811 = arith.constant 1.000000e+00 : f32
      %jit3A_1812 = arith.constant 0.000000e+00 : f32
      %broadcast_in_dim3A_1813 = vector.broadcast %jit3A_1811 : f32 to vector<16xf32>
      %broadcast_in_dim3A_1814 = vector.broadcast %jit3A_1812 : f32 to vector<16xf32>
      %select_n3A_1815 = arith.select %and3A_1810, %broadcast_in_dim3A_1813, %broadcast_in_dim3A_1814 : vector<16xi1>, vector<16xf32>
      %add3A_1816 = arith.addf %add3A_1772, %select_n3A_1815 : vector<16xf32>
      %eq3A_1817 = arith.constant 3.000000e+00 : f32
      %eq3A_1818 = vector.broadcast %eq3A_1817 : f32 to vector<16xf32>
      %eq3A_1819 = arith.cmpf oeq, %gather3A_1806, %eq3A_1818 : vector<16xf32>
      %and3A_1820 = arith.andi %and3A_1804, %eq3A_1819 : vector<16xi1>
      %jit3A_1821 = arith.constant 1.000000e+00 : f32
      %jit3A_1822 = arith.constant 0.000000e+00 : f32
      %broadcast_in_dim3A_1823 = vector.broadcast %jit3A_1821 : f32 to vector<16xf32>
      %broadcast_in_dim3A_1824 = vector.broadcast %jit3A_1822 : f32 to vector<16xf32>
      %select_n3A_1825 = arith.select %and3A_1820, %broadcast_in_dim3A_1823, %broadcast_in_dim3A_1824 : vector<16xi1>, vector<16xf32>
      %add3A_1826 = arith.addf %add3A_1782, %select_n3A_1825 : vector<16xf32>
      %mul3A_1827 = arith.constant 8 : i32
      %mul3A_1828 = arith.muli %scan3A_1694, %mul3A_1827 : i32
      %add3A_1829 = arith.constant 3 : i32
      %add3A_1830 = arith.addi %mul3A_1828, %add3A_1829 : i32
      %add3A_1831 = arith.constant 0.000000e+00 : f32
      %add3A_1832 = vector.broadcast %add3A_1831 : f32 to vector<16xf32>
      %add3A_1833 = arith.addf %convert_element_type3A_1700, %add3A_1832 : vector<16xf32>
      %add3A_1834 = arith.addf %sub3A_212, %add3A_1833 : vector<16xf32>
      %add3A_1835 = arith.constant 4.800000e+01 : f32
      %add3A_1836 = vector.broadcast %add3A_1835 : f32 to vector<16xf32>
      %add3A_1837 = arith.addf %sub3A, %add3A_1836 : vector<16xf32>
      %mul3A_1838 = arith.mulf %add3A_1837, %gather3A_12 : vector<16xf32>
      %mul3A_1839 = arith.mulf %add3A_1834, %gather3A_15 : vector<16xf32>
      %add3A_1840 = arith.addf %mul3A_1838, %mul3A_1839 : vector<16xf32>
      %mul3A_1841 = arith.mulf %add3A_1834, %gather3A_12 : vector<16xf32>
      %mul3A_1842 = arith.mulf %add3A_1837, %gather3A_15 : vector<16xf32>
      %sub3A_1843 = arith.subf %mul3A_1841, %mul3A_1842 : vector<16xf32>
      %abs3A_1844 = math.absf %add3A_1840 : vector<16xf32>
      %le3A_1845 = arith.cmpf ole, %abs3A_1844, %gather3A_18 : vector<16xf32>
      %abs3A_1846 = math.absf %sub3A_1843 : vector<16xf32>
      %le3A_1847 = arith.cmpf ole, %abs3A_1846, %gather3A_21 : vector<16xf32>
      %and3A_1848 = arith.andi %le3A_1845, %le3A_1847 : vector<16xi1>
      %broadcast_in_dim3A_1849 = vector.broadcast %add3A_1830 : i32 to vector<16xi32>
      %gather3A_1850 = tpu.vector_load_idx %arg8[%broadcast_in_dim3A_1849, %iota3A] : memref<160x16xf32, #tpu.memory_space<vmem>>[vector<16xi32>, vector<16xi32>], vector<16xf32>,
      %ne3A_1851 = arith.constant 0.000000e+00 : f32
      %ne3A_1852 = vector.broadcast %ne3A_1851 : f32 to vector<16xf32>
      %ne3A_1853 = arith.cmpf one, %gather3A_1850, %ne3A_1852 : vector<16xf32>
      %and3A_1854 = arith.andi %and3A_1848, %ne3A_1853 : vector<16xi1>
      %jit3A_1855 = arith.constant 1.000000e+00 : f32
      %jit3A_1856 = arith.constant 0.000000e+00 : f32
      %broadcast_in_dim3A_1857 = vector.broadcast %jit3A_1855 : f32 to vector<16xf32>
      %broadcast_in_dim3A_1858 = vector.broadcast %jit3A_1856 : f32 to vector<16xf32>
      %select_n3A_1859 = arith.select %and3A_1854, %broadcast_in_dim3A_1857, %broadcast_in_dim3A_1858 : vector<16xi1>, vector<16xf32>
      %add3A_1860 = arith.addf %add3A_1816, %select_n3A_1859 : vector<16xf32>
      %eq3A_1861 = arith.constant 3.000000e+00 : f32
      %eq3A_1862 = vector.broadcast %eq3A_1861 : f32 to vector<16xf32>
      %eq3A_1863 = arith.cmpf oeq, %gather3A_1850, %eq3A_1862 : vector<16xf32>
      %and3A_1864 = arith.andi %and3A_1848, %eq3A_1863 : vector<16xi1>
      %jit3A_1865 = arith.constant 1.000000e+00 : f32
      %jit3A_1866 = arith.constant 0.000000e+00 : f32
      %broadcast_in_dim3A_1867 = vector.broadcast %jit3A_1865 : f32 to vector<16xf32>
      %broadcast_in_dim3A_1868 = vector.broadcast %jit3A_1866 : f32 to vector<16xf32>
      %select_n3A_1869 = arith.select %and3A_1864, %broadcast_in_dim3A_1867, %broadcast_in_dim3A_1868 : vector<16xi1>, vector<16xf32>
      %add3A_1870 = arith.addf %add3A_1826, %select_n3A_1869 : vector<16xf32>
      %mul3A_1871 = arith.constant 8 : i32
      %mul3A_1872 = arith.muli %scan3A_1694, %mul3A_1871 : i32
      %add3A_1873 = arith.constant 4 : i32
      %add3A_1874 = arith.addi %mul3A_1872, %add3A_1873 : i32
      %add3A_1875 = arith.constant 1.000000e+00 : f32
      %add3A_1876 = vector.broadcast %add3A_1875 : f32 to vector<16xf32>
      %add3A_1877 = arith.addf %convert_element_type3A_1700, %add3A_1876 : vector<16xf32>
      %add3A_1878 = arith.addf %sub3A_212, %add3A_1877 : vector<16xf32>
      %add3A_1879 = arith.constant 0.000000e+00 : f32
      %add3A_1880 = vector.broadcast %add3A_1879 : f32 to vector<16xf32>
      %add3A_1881 = arith.addf %sub3A, %add3A_1880 : vector<16xf32>
      %mul3A_1882 = arith.mulf %add3A_1881, %gather3A_12 : vector<16xf32>
      %mul3A_1883 = arith.mulf %add3A_1878, %gather3A_15 : vector<16xf32>
      %add3A_1884 = arith.addf %mul3A_1882, %mul3A_1883 : vector<16xf32>
      %mul3A_1885 = arith.mulf %add3A_1878, %gather3A_12 : vector<16xf32>
      %mul3A_1886 = arith.mulf %add3A_1881, %gather3A_15 : vector<16xf32>
      %sub3A_1887 = arith.subf %mul3A_1885, %mul3A_1886 : vector<16xf32>
      %abs3A_1888 = math.absf %add3A_1884 : vector<16xf32>
      %le3A_1889 = arith.cmpf ole, %abs3A_1888, %gather3A_18 : vector<16xf32>
      %abs3A_1890 = math.absf %sub3A_1887 : vector<16xf32>
      %le3A_1891 = arith.cmpf ole, %abs3A_1890, %gather3A_21 : vector<16xf32>
      %and3A_1892 = arith.andi %le3A_1889, %le3A_1891 : vector<16xi1>
      %broadcast_in_dim3A_1893 = vector.broadcast %add3A_1874 : i32 to vector<16xi32>
      %gather3A_1894 = tpu.vector_load_idx %arg8[%broadcast_in_dim3A_1893, %iota3A] : memref<160x16xf32, #tpu.memory_space<vmem>>[vector<16xi32>, vector<16xi32>], vector<16xf32>,
      %ne3A_1895 = arith.constant 0.000000e+00 : f32
      %ne3A_1896 = vector.broadcast %ne3A_1895 : f32 to vector<16xf32>
      %ne3A_1897 = arith.cmpf one, %gather3A_1894, %ne3A_1896 : vector<16xf32>
      %and3A_1898 = arith.andi %and3A_1892, %ne3A_1897 : vector<16xi1>
      %jit3A_1899 = arith.constant 1.000000e+00 : f32
      %jit3A_1900 = arith.constant 0.000000e+00 : f32
      %broadcast_in_dim3A_1901 = vector.broadcast %jit3A_1899 : f32 to vector<16xf32>
      %broadcast_in_dim3A_1902 = vector.broadcast %jit3A_1900 : f32 to vector<16xf32>
      %select_n3A_1903 = arith.select %and3A_1898, %broadcast_in_dim3A_1901, %broadcast_in_dim3A_1902 : vector<16xi1>, vector<16xf32>
      %add3A_1904 = arith.addf %add3A_1860, %select_n3A_1903 : vector<16xf32>
      %eq3A_1905 = arith.constant 3.000000e+00 : f32
      %eq3A_1906 = vector.broadcast %eq3A_1905 : f32 to vector<16xf32>
      %eq3A_1907 = arith.cmpf oeq, %gather3A_1894, %eq3A_1906 : vector<16xf32>
      %and3A_1908 = arith.andi %and3A_1892, %eq3A_1907 : vector<16xi1>
      %jit3A_1909 = arith.constant 1.000000e+00 : f32
      %jit3A_1910 = arith.constant 0.000000e+00 : f32
      %broadcast_in_dim3A_1911 = vector.broadcast %jit3A_1909 : f32 to vector<16xf32>
      %broadcast_in_dim3A_1912 = vector.broadcast %jit3A_1910 : f32 to vector<16xf32>
      %select_n3A_1913 = arith.select %and3A_1908, %broadcast_in_dim3A_1911, %broadcast_in_dim3A_1912 : vector<16xi1>, vector<16xf32>
      %add3A_1914 = arith.addf %add3A_1870, %select_n3A_1913 : vector<16xf32>
      %mul3A_1915 = arith.constant 8 : i32
      %mul3A_1916 = arith.muli %scan3A_1694, %mul3A_1915 : i32
      %add3A_1917 = arith.constant 5 : i32
      %add3A_1918 = arith.addi %mul3A_1916, %add3A_1917 : i32
      %add3A_1919 = arith.constant 1.000000e+00 : f32
      %add3A_1920 = vector.broadcast %add3A_1919 : f32 to vector<16xf32>
      %add3A_1921 = arith.addf %convert_element_type3A_1700, %add3A_1920 : vector<16xf32>
      %add3A_1922 = arith.addf %sub3A_212, %add3A_1921 : vector<16xf32>
      %add3A_1923 = arith.constant 1.600000e+01 : f32
      %add3A_1924 = vector.broadcast %add3A_1923 : f32 to vector<16xf32>
      %add3A_1925 = arith.addf %sub3A, %add3A_1924 : vector<16xf32>
      %mul3A_1926 = arith.mulf %add3A_1925, %gather3A_12 : vector<16xf32>
      %mul3A_1927 = arith.mulf %add3A_1922, %gather3A_15 : vector<16xf32>
      %add3A_1928 = arith.addf %mul3A_1926, %mul3A_1927 : vector<16xf32>
      %mul3A_1929 = arith.mulf %add3A_1922, %gather3A_12 : vector<16xf32>
      %mul3A_1930 = arith.mulf %add3A_1925, %gather3A_15 : vector<16xf32>
      %sub3A_1931 = arith.subf %mul3A_1929, %mul3A_1930 : vector<16xf32>
      %abs3A_1932 = math.absf %add3A_1928 : vector<16xf32>
      %le3A_1933 = arith.cmpf ole, %abs3A_1932, %gather3A_18 : vector<16xf32>
      %abs3A_1934 = math.absf %sub3A_1931 : vector<16xf32>
      %le3A_1935 = arith.cmpf ole, %abs3A_1934, %gather3A_21 : vector<16xf32>
      %and3A_1936 = arith.andi %le3A_1933, %le3A_1935 : vector<16xi1>
      %broadcast_in_dim3A_1937 = vector.broadcast %add3A_1918 : i32 to vector<16xi32>
      %gather3A_1938 = tpu.vector_load_idx %arg8[%broadcast_in_dim3A_1937, %iota3A] : memref<160x16xf32, #tpu.memory_space<vmem>>[vector<16xi32>, vector<16xi32>], vector<16xf32>,
      %ne3A_1939 = arith.constant 0.000000e+00 : f32
      %ne3A_1940 = vector.broadcast %ne3A_1939 : f32 to vector<16xf32>
      %ne3A_1941 = arith.cmpf one, %gather3A_1938, %ne3A_1940 : vector<16xf32>
      %and3A_1942 = arith.andi %and3A_1936, %ne3A_1941 : vector<16xi1>
      %jit3A_1943 = arith.constant 1.000000e+00 : f32
      %jit3A_1944 = arith.constant 0.000000e+00 : f32
      %broadcast_in_dim3A_1945 = vector.broadcast %jit3A_1943 : f32 to vector<16xf32>
      %broadcast_in_dim3A_1946 = vector.broadcast %jit3A_1944 : f32 to vector<16xf32>
      %select_n3A_1947 = arith.select %and3A_1942, %broadcast_in_dim3A_1945, %broadcast_in_dim3A_1946 : vector<16xi1>, vector<16xf32>
      %add3A_1948 = arith.addf %add3A_1904, %select_n3A_1947 : vector<16xf32>
      %eq3A_1949 = arith.constant 3.000000e+00 : f32
      %eq3A_1950 = vector.broadcast %eq3A_1949 : f32 to vector<16xf32>
      %eq3A_1951 = arith.cmpf oeq, %gather3A_1938, %eq3A_1950 : vector<16xf32>
      %and3A_1952 = arith.andi %and3A_1936, %eq3A_1951 : vector<16xi1>
      %jit3A_1953 = arith.constant 1.000000e+00 : f32
      %jit3A_1954 = arith.constant 0.000000e+00 : f32
      %broadcast_in_dim3A_1955 = vector.broadcast %jit3A_1953 : f32 to vector<16xf32>
      %broadcast_in_dim3A_1956 = vector.broadcast %jit3A_1954 : f32 to vector<16xf32>
      %select_n3A_1957 = arith.select %and3A_1952, %broadcast_in_dim3A_1955, %broadcast_in_dim3A_1956 : vector<16xi1>, vector<16xf32>
      %add3A_1958 = arith.addf %add3A_1914, %select_n3A_1957 : vector<16xf32>
      %mul3A_1959 = arith.constant 8 : i32
      %mul3A_1960 = arith.muli %scan3A_1694, %mul3A_1959 : i32
      %add3A_1961 = arith.constant 6 : i32
      %add3A_1962 = arith.addi %mul3A_1960, %add3A_1961 : i32
      %add3A_1963 = arith.constant 1.000000e+00 : f32
      %add3A_1964 = vector.broadcast %add3A_1963 : f32 to vector<16xf32>
      %add3A_1965 = arith.addf %convert_element_type3A_1700, %add3A_1964 : vector<16xf32>
      %add3A_1966 = arith.addf %sub3A_212, %add3A_1965 : vector<16xf32>
      %add3A_1967 = arith.constant 3.200000e+01 : f32
      %add3A_1968 = vector.broadcast %add3A_1967 : f32 to vector<16xf32>
      %add3A_1969 = arith.addf %sub3A, %add3A_1968 : vector<16xf32>
      %mul3A_1970 = arith.mulf %add3A_1969, %gather3A_12 : vector<16xf32>
      %mul3A_1971 = arith.mulf %add3A_1966, %gather3A_15 : vector<16xf32>
      %add3A_1972 = arith.addf %mul3A_1970, %mul3A_1971 : vector<16xf32>
      %mul3A_1973 = arith.mulf %add3A_1966, %gather3A_12 : vector<16xf32>
      %mul3A_1974 = arith.mulf %add3A_1969, %gather3A_15 : vector<16xf32>
      %sub3A_1975 = arith.subf %mul3A_1973, %mul3A_1974 : vector<16xf32>
      %abs3A_1976 = math.absf %add3A_1972 : vector<16xf32>
      %le3A_1977 = arith.cmpf ole, %abs3A_1976, %gather3A_18 : vector<16xf32>
      %abs3A_1978 = math.absf %sub3A_1975 : vector<16xf32>
      %le3A_1979 = arith.cmpf ole, %abs3A_1978, %gather3A_21 : vector<16xf32>
      %and3A_1980 = arith.andi %le3A_1977, %le3A_1979 : vector<16xi1>
      %broadcast_in_dim3A_1981 = vector.broadcast %add3A_1962 : i32 to vector<16xi32>
      %gather3A_1982 = tpu.vector_load_idx %arg8[%broadcast_in_dim3A_1981, %iota3A] : memref<160x16xf32, #tpu.memory_space<vmem>>[vector<16xi32>, vector<16xi32>], vector<16xf32>,
      %ne3A_1983 = arith.constant 0.000000e+00 : f32
      %ne3A_1984 = vector.broadcast %ne3A_1983 : f32 to vector<16xf32>
      %ne3A_1985 = arith.cmpf one, %gather3A_1982, %ne3A_1984 : vector<16xf32>
      %and3A_1986 = arith.andi %and3A_1980, %ne3A_1985 : vector<16xi1>
      %jit3A_1987 = arith.constant 1.000000e+00 : f32
      %jit3A_1988 = arith.constant 0.000000e+00 : f32
      %broadcast_in_dim3A_1989 = vector.broadcast %jit3A_1987 : f32 to vector<16xf32>
      %broadcast_in_dim3A_1990 = vector.broadcast %jit3A_1988 : f32 to vector<16xf32>
      %select_n3A_1991 = arith.select %and3A_1986, %broadcast_in_dim3A_1989, %broadcast_in_dim3A_1990 : vector<16xi1>, vector<16xf32>
      %add3A_1992 = arith.addf %add3A_1948, %select_n3A_1991 : vector<16xf32>
      %eq3A_1993 = arith.constant 3.000000e+00 : f32
      %eq3A_1994 = vector.broadcast %eq3A_1993 : f32 to vector<16xf32>
      %eq3A_1995 = arith.cmpf oeq, %gather3A_1982, %eq3A_1994 : vector<16xf32>
      %and3A_1996 = arith.andi %and3A_1980, %eq3A_1995 : vector<16xi1>
      %jit3A_1997 = arith.constant 1.000000e+00 : f32
      %jit3A_1998 = arith.constant 0.000000e+00 : f32
      %broadcast_in_dim3A_1999 = vector.broadcast %jit3A_1997 : f32 to vector<16xf32>
      %broadcast_in_dim3A_2000 = vector.broadcast %jit3A_1998 : f32 to vector<16xf32>
      %select_n3A_2001 = arith.select %and3A_1996, %broadcast_in_dim3A_1999, %broadcast_in_dim3A_2000 : vector<16xi1>, vector<16xf32>
      %add3A_2002 = arith.addf %add3A_1958, %select_n3A_2001 : vector<16xf32>
      %mul3A_2003 = arith.constant 8 : i32
      %mul3A_2004 = arith.muli %scan3A_1694, %mul3A_2003 : i32
      %add3A_2005 = arith.constant 7 : i32
      %add3A_2006 = arith.addi %mul3A_2004, %add3A_2005 : i32
      %add3A_2007 = arith.constant 1.000000e+00 : f32
      %add3A_2008 = vector.broadcast %add3A_2007 : f32 to vector<16xf32>
      %add3A_2009 = arith.addf %convert_element_type3A_1700, %add3A_2008 : vector<16xf32>
      %add3A_2010 = arith.addf %sub3A_212, %add3A_2009 : vector<16xf32>
      %add3A_2011 = arith.constant 4.800000e+01 : f32
      %add3A_2012 = vector.broadcast %add3A_2011 : f32 to vector<16xf32>
      %add3A_2013 = arith.addf %sub3A, %add3A_2012 : vector<16xf32>
      %mul3A_2014 = arith.mulf %add3A_2013, %gather3A_12 : vector<16xf32>
      %mul3A_2015 = arith.mulf %add3A_2010, %gather3A_15 : vector<16xf32>
      %add3A_2016 = arith.addf %mul3A_2014, %mul3A_2015 : vector<16xf32>
      %mul3A_2017 = arith.mulf %add3A_2010, %gather3A_12 : vector<16xf32>
      %mul3A_2018 = arith.mulf %add3A_2013, %gather3A_15 : vector<16xf32>
      %sub3A_2019 = arith.subf %mul3A_2017, %mul3A_2018 : vector<16xf32>
      %abs3A_2020 = math.absf %add3A_2016 : vector<16xf32>
      %le3A_2021 = arith.cmpf ole, %abs3A_2020, %gather3A_18 : vector<16xf32>
      %abs3A_2022 = math.absf %sub3A_2019 : vector<16xf32>
      %le3A_2023 = arith.cmpf ole, %abs3A_2022, %gather3A_21 : vector<16xf32>
      %and3A_2024 = arith.andi %le3A_2021, %le3A_2023 : vector<16xi1>
      %broadcast_in_dim3A_2025 = vector.broadcast %add3A_2006 : i32 to vector<16xi32>
      %gather3A_2026 = tpu.vector_load_idx %arg8[%broadcast_in_dim3A_2025, %iota3A] : memref<160x16xf32, #tpu.memory_space<vmem>>[vector<16xi32>, vector<16xi32>], vector<16xf32>,
      %ne3A_2027 = arith.constant 0.000000e+00 : f32
      %ne3A_2028 = vector.broadcast %ne3A_2027 : f32 to vector<16xf32>
      %ne3A_2029 = arith.cmpf one, %gather3A_2026, %ne3A_2028 : vector<16xf32>
      %and3A_2030 = arith.andi %and3A_2024, %ne3A_2029 : vector<16xi1>
      %jit3A_2031 = arith.constant 1.000000e+00 : f32
      %jit3A_2032 = arith.constant 0.000000e+00 : f32
      %broadcast_in_dim3A_2033 = vector.broadcast %jit3A_2031 : f32 to vector<16xf32>
      %broadcast_in_dim3A_2034 = vector.broadcast %jit3A_2032 : f32 to vector<16xf32>
      %select_n3A_2035 = arith.select %and3A_2030, %broadcast_in_dim3A_2033, %broadcast_in_dim3A_2034 : vector<16xi1>, vector<16xf32>
      %add3A_2036 = arith.addf %add3A_1992, %select_n3A_2035 : vector<16xf32>
      %eq3A_2037 = arith.constant 3.000000e+00 : f32
      %eq3A_2038 = vector.broadcast %eq3A_2037 : f32 to vector<16xf32>
      %eq3A_2039 = arith.cmpf oeq, %gather3A_2026, %eq3A_2038 : vector<16xf32>
      %and3A_2040 = arith.andi %and3A_2024, %eq3A_2039 : vector<16xi1>
      %jit3A_2041 = arith.constant 1.000000e+00 : f32
      %jit3A_2042 = arith.constant 0.000000e+00 : f32
      %broadcast_in_dim3A_2043 = vector.broadcast %jit3A_2041 : f32 to vector<16xf32>
      %broadcast_in_dim3A_2044 = vector.broadcast %jit3A_2042 : f32 to vector<16xf32>
      %select_n3A_2045 = arith.select %and3A_2040, %broadcast_in_dim3A_2043, %broadcast_in_dim3A_2044 : vector<16xi1>, vector<16xf32>
      %add3A_2046 = arith.addf %add3A_2002, %select_n3A_2045 : vector<16xf32>
      scf.yield %add3A_2036, %add3A_2046 : vector<16xf32>, vector<16xf32>
    }
    %scan3A_221 = arith.constant 20 : i32
    %reduce_sum3A = arith.constant true
    %reduce_sum3A_222 = vector.broadcast %reduce_sum3A : i1 to vector<16xi1>
    %reduce_sum3A_223 = tpu.scan <sum>, %scan3A_220#0 masked %reduce_sum3A_222 : vector<16xf32>, vector<16xi1> -> vector<16xf32>
    %reduce_sum3A_224 = vector.extract %reduce_sum3A_223[15] : f32 from vector<16xf32>
    %reduce_sum3A_225 = arith.constant true
    %reduce_sum3A_226 = vector.broadcast %reduce_sum3A_225 : i1 to vector<16xi1>
    %reduce_sum3A_227 = tpu.scan <sum>, %scan3A_220#1 masked %reduce_sum3A_226 : vector<16xf32>, vector<16xi1> -> vector<16xf32>
    %reduce_sum3A_228 = vector.extract %reduce_sum3A_227[15] : f32 from vector<16xf32>
    %broadcast_in_dim3A_229 = vector.broadcast %reduce_sum3A_228 : f32 to vector<16xf32>
    %broadcast_in_dim3A_230 = vector.broadcast %reduce_sum3A_224 : f32 to vector<16xf32>
    %max3A = arith.constant 1.000000e+00 : f32
    %max3A_231 = vector.broadcast %max3A : f32 to vector<16xf32>
    %max3A_232 = arith.maximumf %broadcast_in_dim3A_230, %max3A_231 : vector<16xf32>
    %div3A = arith.divf %broadcast_in_dim3A_229, %max3A_232 : vector<16xf32>
    %add3A_233 = arith.addf %broadcast_in_dim3A_1, %div3A : vector<16xf32>
    %add3A_234 = arith.constant 32 : i32
    %add3A_235 = arith.addi %add3A, %add3A_234 : i32
    %broadcast_in_dim3A_236 = vector.broadcast %add3A_235 : i32 to vector<16xi32>
    %broadcast_in_dim3A_237 = arith.constant 0 : i32
    %broadcast_in_dim3A_238 = vector.broadcast %broadcast_in_dim3A_237 : i32 to vector<16xi32>
    %gather3A_239 = tpu.vector_load_idx %arg5[%broadcast_in_dim3A_238, %broadcast_in_dim3A_236] : memref<9x224xf32, #tpu.memory_space<vmem>>[vector<16xi32>, vector<16xi32>], vector<16xf32>,
    %broadcast_in_dim3A_240 = arith.constant 1 : i32
    %broadcast_in_dim3A_241 = vector.broadcast %broadcast_in_dim3A_240 : i32 to vector<16xi32>
    %gather3A_242 = tpu.vector_load_idx %arg5[%broadcast_in_dim3A_241, %broadcast_in_dim3A_236] : memref<9x224xf32, #tpu.memory_space<vmem>>[vector<16xi32>, vector<16xi32>], vector<16xf32>,
    %broadcast_in_dim3A_243 = arith.constant 2 : i32
    %broadcast_in_dim3A_244 = vector.broadcast %broadcast_in_dim3A_243 : i32 to vector<16xi32>
    %gather3A_245 = tpu.vector_load_idx %arg5[%broadcast_in_dim3A_244, %broadcast_in_dim3A_236] : memref<9x224xf32, #tpu.memory_space<vmem>>[vector<16xi32>, vector<16xi32>], vector<16xf32>,
    %broadcast_in_dim3A_246 = arith.constant 3 : i32
    %broadcast_in_dim3A_247 = vector.broadcast %broadcast_in_dim3A_246 : i32 to vector<16xi32>
    %gather3A_248 = tpu.vector_load_idx %arg5[%broadcast_in_dim3A_247, %broadcast_in_dim3A_236] : memref<9x224xf32, #tpu.memory_space<vmem>>[vector<16xi32>, vector<16xi32>], vector<16xf32>,
    %broadcast_in_dim3A_249 = arith.constant 4 : i32
    %broadcast_in_dim3A_250 = vector.broadcast %broadcast_in_dim3A_249 : i32 to vector<16xi32>
    %gather3A_251 = tpu.vector_load_idx %arg5[%broadcast_in_dim3A_250, %broadcast_in_dim3A_236] : memref<9x224xf32, #tpu.memory_space<vmem>>[vector<16xi32>, vector<16xi32>], vector<16xf32>,
    %broadcast_in_dim3A_252 = arith.constant 5 : i32
    %broadcast_in_dim3A_253 = vector.broadcast %broadcast_in_dim3A_252 : i32 to vector<16xi32>
    %gather3A_254 = tpu.vector_load_idx %arg5[%broadcast_in_dim3A_253, %broadcast_in_dim3A_236] : memref<9x224xf32, #tpu.memory_space<vmem>>[vector<16xi32>, vector<16xi32>], vector<16xf32>,
    %broadcast_in_dim3A_255 = arith.constant 6 : i32
    %broadcast_in_dim3A_256 = vector.broadcast %broadcast_in_dim3A_255 : i32 to vector<16xi32>
    %gather3A_257 = tpu.vector_load_idx %arg5[%broadcast_in_dim3A_256, %broadcast_in_dim3A_236] : memref<9x224xf32, #tpu.memory_space<vmem>>[vector<16xi32>, vector<16xi32>], vector<16xf32>,
    %broadcast_in_dim3A_258 = arith.constant 7 : i32
    %broadcast_in_dim3A_259 = vector.broadcast %broadcast_in_dim3A_258 : i32 to vector<16xi32>
    %gather3A_260 = tpu.vector_load_idx %arg5[%broadcast_in_dim3A_259, %broadcast_in_dim3A_236] : memref<9x224xf32, #tpu.memory_space<vmem>>[vector<16xi32>, vector<16xi32>], vector<16xf32>,
    %broadcast_in_dim3A_261 = arith.constant 8 : i32
    %broadcast_in_dim3A_262 = vector.broadcast %broadcast_in_dim3A_261 : i32 to vector<16xi32>
    %gather3A_263 = tpu.vector_load_idx %arg5[%broadcast_in_dim3A_262, %broadcast_in_dim3A_236] : memref<9x224xf32, #tpu.memory_space<vmem>>[vector<16xi32>, vector<16xi32>], vector<16xf32>,
    %convert_element_type3A_264 = arith.fptosi %gather3A_263 : vector<16xf32> to vector<16xi32>
    %add3A_265 = arith.constant 0 : i32
    %add3A_266 = vector.broadcast %add3A_265 : i32 to vector<16xi32>
    %add3A_267 = arith.addi %iota3A, %add3A_266 : vector<16xi32>
    %shift_right_logical3A_268 = arith.constant 2 : i32
    %shift_right_logical3A_269 = vector.broadcast %shift_right_logical3A_268 : i32 to vector<16xi32>
    %shift_right_logical3A_270 = arith.shrui %add3A_267, %shift_right_logical3A_269 : vector<16xi32>
    %and3A_271 = arith.constant 3 : i32
    %and3A_272 = vector.broadcast %and3A_271 : i32 to vector<16xi32>
    %and3A_273 = arith.andi %add3A_267, %and3A_272 : vector<16xi32>
    %mul3A_274 = arith.constant 31 : i32
    %mul3A_275 = vector.broadcast %mul3A_274 : i32 to vector<16xi32>
    %mul3A_276 = arith.muli %shift_right_logical3A_270, %mul3A_275 : vector<16xi32>
    %add3A_277 = arith.addi %convert_element_type3A_264, %mul3A_276 : vector<16xi32>
    %add3A_278 = arith.addi %add3A_277, %and3A_273 : vector<16xi32>
    %swap3A_279 = arith.constant 0 : index
    %swap3A_280 = tpu.vector_load %arg6[%swap3A_279] {strides = array<i32>} : memref<80xi32, #tpu.memory_space<vmem>>, vector<16xi32>,
    tpu.vector_store %arg6[%swap3A_279], %add3A_278 {strides = array<i32>} : memref<80xi32, #tpu.memory_space<vmem>>, vector<16xi32>,
    %add3A_281 = arith.constant 16 : i32
    %add3A_282 = vector.broadcast %add3A_281 : i32 to vector<16xi32>
    %add3A_283 = arith.addi %iota3A, %add3A_282 : vector<16xi32>
    %shift_right_logical3A_284 = arith.constant 2 : i32
    %shift_right_logical3A_285 = vector.broadcast %shift_right_logical3A_284 : i32 to vector<16xi32>
    %shift_right_logical3A_286 = arith.shrui %add3A_283, %shift_right_logical3A_285 : vector<16xi32>
    %and3A_287 = arith.constant 3 : i32
    %and3A_288 = vector.broadcast %and3A_287 : i32 to vector<16xi32>
    %and3A_289 = arith.andi %add3A_283, %and3A_288 : vector<16xi32>
    %mul3A_290 = arith.constant 31 : i32
    %mul3A_291 = vector.broadcast %mul3A_290 : i32 to vector<16xi32>
    %mul3A_292 = arith.muli %shift_right_logical3A_286, %mul3A_291 : vector<16xi32>
    %add3A_293 = arith.addi %convert_element_type3A_264, %mul3A_292 : vector<16xi32>
    %add3A_294 = arith.addi %add3A_293, %and3A_289 : vector<16xi32>
    %swap3A_295 = arith.constant 16 : index
    %swap3A_296 = tpu.vector_load %arg6[%swap3A_295] {strides = array<i32>} : memref<80xi32, #tpu.memory_space<vmem>>, vector<16xi32>,
    tpu.vector_store %arg6[%swap3A_295], %add3A_294 {strides = array<i32>} : memref<80xi32, #tpu.memory_space<vmem>>, vector<16xi32>,
    %add3A_297 = arith.constant 32 : i32
    %add3A_298 = vector.broadcast %add3A_297 : i32 to vector<16xi32>
    %add3A_299 = arith.addi %iota3A, %add3A_298 : vector<16xi32>
    %shift_right_logical3A_300 = arith.constant 2 : i32
    %shift_right_logical3A_301 = vector.broadcast %shift_right_logical3A_300 : i32 to vector<16xi32>
    %shift_right_logical3A_302 = arith.shrui %add3A_299, %shift_right_logical3A_301 : vector<16xi32>
    %and3A_303 = arith.constant 3 : i32
    %and3A_304 = vector.broadcast %and3A_303 : i32 to vector<16xi32>
    %and3A_305 = arith.andi %add3A_299, %and3A_304 : vector<16xi32>
    %mul3A_306 = arith.constant 31 : i32
    %mul3A_307 = vector.broadcast %mul3A_306 : i32 to vector<16xi32>
    %mul3A_308 = arith.muli %shift_right_logical3A_302, %mul3A_307 : vector<16xi32>
    %add3A_309 = arith.addi %convert_element_type3A_264, %mul3A_308 : vector<16xi32>
    %add3A_310 = arith.addi %add3A_309, %and3A_305 : vector<16xi32>
    %swap3A_311 = arith.constant 32 : index
    %swap3A_312 = tpu.vector_load %arg6[%swap3A_311] {strides = array<i32>} : memref<80xi32, #tpu.memory_space<vmem>>, vector<16xi32>,
    tpu.vector_store %arg6[%swap3A_311], %add3A_310 {strides = array<i32>} : memref<80xi32, #tpu.memory_space<vmem>>, vector<16xi32>,
    %add3A_313 = arith.constant 48 : i32
    %add3A_314 = vector.broadcast %add3A_313 : i32 to vector<16xi32>
    %add3A_315 = arith.addi %iota3A, %add3A_314 : vector<16xi32>
    %shift_right_logical3A_316 = arith.constant 2 : i32
    %shift_right_logical3A_317 = vector.broadcast %shift_right_logical3A_316 : i32 to vector<16xi32>
    %shift_right_logical3A_318 = arith.shrui %add3A_315, %shift_right_logical3A_317 : vector<16xi32>
    %and3A_319 = arith.constant 3 : i32
    %and3A_320 = vector.broadcast %and3A_319 : i32 to vector<16xi32>
    %and3A_321 = arith.andi %add3A_315, %and3A_320 : vector<16xi32>
    %mul3A_322 = arith.constant 31 : i32
    %mul3A_323 = vector.broadcast %mul3A_322 : i32 to vector<16xi32>
    %mul3A_324 = arith.muli %shift_right_logical3A_318, %mul3A_323 : vector<16xi32>
    %add3A_325 = arith.addi %convert_element_type3A_264, %mul3A_324 : vector<16xi32>
    %add3A_326 = arith.addi %add3A_325, %and3A_321 : vector<16xi32>
    %swap3A_327 = arith.constant 48 : index
    %swap3A_328 = tpu.vector_load %arg6[%swap3A_327] {strides = array<i32>} : memref<80xi32, #tpu.memory_space<vmem>>, vector<16xi32>,
    tpu.vector_store %arg6[%swap3A_327], %add3A_326 {strides = array<i32>} : memref<80xi32, #tpu.memory_space<vmem>>, vector<16xi32>,
    %add3A_329 = arith.constant 64 : i32
    %add3A_330 = vector.broadcast %add3A_329 : i32 to vector<16xi32>
    %add3A_331 = arith.addi %iota3A, %add3A_330 : vector<16xi32>
    %shift_right_logical3A_332 = arith.constant 2 : i32
    %shift_right_logical3A_333 = vector.broadcast %shift_right_logical3A_332 : i32 to vector<16xi32>
    %shift_right_logical3A_334 = arith.shrui %add3A_331, %shift_right_logical3A_333 : vector<16xi32>
    %and3A_335 = arith.constant 3 : i32
    %and3A_336 = vector.broadcast %and3A_335 : i32 to vector<16xi32>
    %and3A_337 = arith.andi %add3A_331, %and3A_336 : vector<16xi32>
    %mul3A_338 = arith.constant 31 : i32
    %mul3A_339 = vector.broadcast %mul3A_338 : i32 to vector<16xi32>
    %mul3A_340 = arith.muli %shift_right_logical3A_334, %mul3A_339 : vector<16xi32>
    %add3A_341 = arith.addi %convert_element_type3A_264, %mul3A_340 : vector<16xi32>
    %add3A_342 = arith.addi %add3A_341, %and3A_337 : vector<16xi32>
    %swap3A_343 = arith.constant 64 : index
    %swap3A_344 = tpu.vector_load %arg6[%swap3A_343] {strides = array<i32>} : memref<80xi32, #tpu.memory_space<vmem>>, vector<16xi32>,
    tpu.vector_store %arg6[%swap3A_343], %add3A_342 {strides = array<i32>} : memref<80xi32, #tpu.memory_space<vmem>>, vector<16xi32>,
    %add3A_345 = arith.constant 80 : i32
    %add3A_346 = vector.broadcast %add3A_345 : i32 to vector<16xi32>
    %add3A_347 = arith.addi %iota3A, %add3A_346 : vector<16xi32>
    %shift_right_logical3A_348 = arith.constant 2 : i32
    %shift_right_logical3A_349 = vector.broadcast %shift_right_logical3A_348 : i32 to vector<16xi32>
    %shift_right_logical3A_350 = arith.shrui %add3A_347, %shift_right_logical3A_349 : vector<16xi32>
    %and3A_351 = arith.constant 3 : i32
    %and3A_352 = vector.broadcast %and3A_351 : i32 to vector<16xi32>
    %and3A_353 = arith.andi %add3A_347, %and3A_352 : vector<16xi32>
    %mul3A_354 = arith.constant 31 : i32
    %mul3A_355 = vector.broadcast %mul3A_354 : i32 to vector<16xi32>
    %mul3A_356 = arith.muli %shift_right_logical3A_350, %mul3A_355 : vector<16xi32>
    %add3A_357 = arith.addi %convert_element_type3A_264, %mul3A_356 : vector<16xi32>
    %add3A_358 = arith.addi %add3A_357, %and3A_353 : vector<16xi32>
    %swap3A_359 = arith.constant 0 : index
    %swap3A_360 = tpu.vector_load %arg7[%swap3A_359] {strides = array<i32>} : memref<80xi32, #tpu.memory_space<vmem>>, vector<16xi32>,
    tpu.vector_store %arg7[%swap3A_359], %add3A_358 {strides = array<i32>} : memref<80xi32, #tpu.memory_space<vmem>>, vector<16xi32>,
    %add3A_361 = arith.constant 96 : i32
    %add3A_362 = vector.broadcast %add3A_361 : i32 to vector<16xi32>
    %add3A_363 = arith.addi %iota3A, %add3A_362 : vector<16xi32>
    %shift_right_logical3A_364 = arith.constant 2 : i32
    %shift_right_logical3A_365 = vector.broadcast %shift_right_logical3A_364 : i32 to vector<16xi32>
    %shift_right_logical3A_366 = arith.shrui %add3A_363, %shift_right_logical3A_365 : vector<16xi32>
    %and3A_367 = arith.constant 3 : i32
    %and3A_368 = vector.broadcast %and3A_367 : i32 to vector<16xi32>
    %and3A_369 = arith.andi %add3A_363, %and3A_368 : vector<16xi32>
    %mul3A_370 = arith.constant 31 : i32
    %mul3A_371 = vector.broadcast %mul3A_370 : i32 to vector<16xi32>
    %mul3A_372 = arith.muli %shift_right_logical3A_366, %mul3A_371 : vector<16xi32>
    %add3A_373 = arith.addi %convert_element_type3A_264, %mul3A_372 : vector<16xi32>
    %add3A_374 = arith.addi %add3A_373, %and3A_369 : vector<16xi32>
    %swap3A_375 = arith.constant 16 : index
    %swap3A_376 = tpu.vector_load %arg7[%swap3A_375] {strides = array<i32>} : memref<80xi32, #tpu.memory_space<vmem>>, vector<16xi32>,
    tpu.vector_store %arg7[%swap3A_375], %add3A_374 {strides = array<i32>} : memref<80xi32, #tpu.memory_space<vmem>>, vector<16xi32>,
    %add3A_377 = arith.constant 112 : i32
    %add3A_378 = vector.broadcast %add3A_377 : i32 to vector<16xi32>
    %add3A_379 = arith.addi %iota3A, %add3A_378 : vector<16xi32>
    %shift_right_logical3A_380 = arith.constant 2 : i32
    %shift_right_logical3A_381 = vector.broadcast %shift_right_logical3A_380 : i32 to vector<16xi32>
    %shift_right_logical3A_382 = arith.shrui %add3A_379, %shift_right_logical3A_381 : vector<16xi32>
    %and3A_383 = arith.constant 3 : i32
    %and3A_384 = vector.broadcast %and3A_383 : i32 to vector<16xi32>
    %and3A_385 = arith.andi %add3A_379, %and3A_384 : vector<16xi32>
    %mul3A_386 = arith.constant 31 : i32
    %mul3A_387 = vector.broadcast %mul3A_386 : i32 to vector<16xi32>
    %mul3A_388 = arith.muli %shift_right_logical3A_382, %mul3A_387 : vector<16xi32>
    %add3A_389 = arith.addi %convert_element_type3A_264, %mul3A_388 : vector<16xi32>
    %add3A_390 = arith.addi %add3A_389, %and3A_385 : vector<16xi32>
    %swap3A_391 = arith.constant 32 : index
    %swap3A_392 = tpu.vector_load %arg7[%swap3A_391] {strides = array<i32>} : memref<80xi32, #tpu.memory_space<vmem>>, vector<16xi32>,
    tpu.vector_store %arg7[%swap3A_391], %add3A_390 {strides = array<i32>} : memref<80xi32, #tpu.memory_space<vmem>>, vector<16xi32>,
    %add3A_393 = arith.constant 128 : i32
    %add3A_394 = vector.broadcast %add3A_393 : i32 to vector<16xi32>
    %add3A_395 = arith.addi %iota3A, %add3A_394 : vector<16xi32>
    %shift_right_logical3A_396 = arith.constant 2 : i32
    %shift_right_logical3A_397 = vector.broadcast %shift_right_logical3A_396 : i32 to vector<16xi32>
    %shift_right_logical3A_398 = arith.shrui %add3A_395, %shift_right_logical3A_397 : vector<16xi32>
    %and3A_399 = arith.constant 3 : i32
    %and3A_400 = vector.broadcast %and3A_399 : i32 to vector<16xi32>
    %and3A_401 = arith.andi %add3A_395, %and3A_400 : vector<16xi32>
    %mul3A_402 = arith.constant 31 : i32
    %mul3A_403 = vector.broadcast %mul3A_402 : i32 to vector<16xi32>
    %mul3A_404 = arith.muli %shift_right_logical3A_398, %mul3A_403 : vector<16xi32>
    %add3A_405 = arith.addi %convert_element_type3A_264, %mul3A_404 : vector<16xi32>
    %add3A_406 = arith.addi %add3A_405, %and3A_401 : vector<16xi32>
    %swap3A_407 = arith.constant 48 : index
    %swap3A_408 = tpu.vector_load %arg7[%swap3A_407] {strides = array<i32>} : memref<80xi32, #tpu.memory_space<vmem>>, vector<16xi32>,
    tpu.vector_store %arg7[%swap3A_407], %add3A_406 {strides = array<i32>} : memref<80xi32, #tpu.memory_space<vmem>>, vector<16xi32>,
    %add3A_409 = arith.constant 144 : i32
    %add3A_410 = vector.broadcast %add3A_409 : i32 to vector<16xi32>
    %add3A_411 = arith.addi %iota3A, %add3A_410 : vector<16xi32>
    %shift_right_logical3A_412 = arith.constant 2 : i32
    %shift_right_logical3A_413 = vector.broadcast %shift_right_logical3A_412 : i32 to vector<16xi32>
    %shift_right_logical3A_414 = arith.shrui %add3A_411, %shift_right_logical3A_413 : vector<16xi32>
    %and3A_415 = arith.constant 3 : i32
    %and3A_416 = vector.broadcast %and3A_415 : i32 to vector<16xi32>
    %and3A_417 = arith.andi %add3A_411, %and3A_416 : vector<16xi32>
    %mul3A_418 = arith.constant 31 : i32
    %mul3A_419 = vector.broadcast %mul3A_418 : i32 to vector<16xi32>
    %mul3A_420 = arith.muli %shift_right_logical3A_414, %mul3A_419 : vector<16xi32>
    %add3A_421 = arith.addi %convert_element_type3A_264, %mul3A_420 : vector<16xi32>
    %add3A_422 = arith.addi %add3A_421, %and3A_417 : vector<16xi32>
    %swap3A_423 = arith.constant 64 : index
    %swap3A_424 = tpu.vector_load %arg7[%swap3A_423] {strides = array<i32>} : memref<80xi32, #tpu.memory_space<vmem>>, vector<16xi32>,
    tpu.vector_store %arg7[%swap3A_423], %add3A_422 {strides = array<i32>} : memref<80xi32, #tpu.memory_space<vmem>>, vector<16xi32>,
    %dma_start3A_425 = arith.constant 0 : i32
    %dma_start3A_426 = arith.constant 0 : i32
    %dma_start3A_427 = tpu.memref_slice %arg8[%dma_start3A_425, %dma_start3A_426] : memref<160x16xf32, #tpu.memory_space<vmem>> -> memref<80x16xf32, #tpu.memory_space<vmem>>
    %dma_start3A_428 = arith.constant 0 : i32
    %dma_start3A_429 = arith.constant 0 : i32
    %dma_start3A_430 = tpu.memref_slice %arg2[%dma_start3A_428, %dma_start3A_429] : memref<53568x16xf32, #tpu.memory_space<hbm>> -> memref<53568x16xf32, #tpu.memory_space<hbm>>
    tpu.enqueue_indirect_dma source(%dma_start3A_430 : memref<53568x16xf32, #tpu.memory_space<hbm>>) target(%dma_start3A_427 : memref<80x16xf32, #tpu.memory_space<vmem>>) offsets(%arg6 : memref<80xi32, #tpu.memory_space<vmem>>) semaphore(%arg10 : memref<!tpu.dma_semaphore, #tpu.memory_space<semaphore_mem>>)
    %dma_start3A_431 = arith.constant 80 : i32
    %dma_start3A_432 = arith.constant 0 : i32
    %dma_start3A_433 = tpu.memref_slice %arg8[%dma_start3A_431, %dma_start3A_432] : memref<160x16xf32, #tpu.memory_space<vmem>> -> memref<80x16xf32, #tpu.memory_space<vmem>>
    %dma_start3A_434 = arith.constant 0 : i32
    %dma_start3A_435 = arith.constant 0 : i32
    %dma_start3A_436 = tpu.memref_slice %arg2[%dma_start3A_434, %dma_start3A_435] : memref<53568x16xf32, #tpu.memory_space<hbm>> -> memref<53568x16xf32, #tpu.memory_space<hbm>>
    tpu.enqueue_indirect_dma source(%dma_start3A_436 : memref<53568x16xf32, #tpu.memory_space<hbm>>) target(%dma_start3A_433 : memref<80x16xf32, #tpu.memory_space<vmem>>) offsets(%arg7 : memref<80xi32, #tpu.memory_space<vmem>>) semaphore(%arg11 : memref<!tpu.dma_semaphore, #tpu.memory_space<semaphore_mem>>)
    %dma_wait3A_437 = arith.constant 0 : i32
    %dma_wait3A_438 = arith.constant 0 : i32
    %dma_wait3A_439 = tpu.memref_slice %arg8[%dma_wait3A_437, %dma_wait3A_438] : memref<160x16xf32, #tpu.memory_space<vmem>> -> memref<80x16xf32, #tpu.memory_space<vmem>>
    %dma_wait3A_440 = arith.constant 0 : i32
    %dma_wait3A_441 = arith.constant 0 : i32
    %dma_wait3A_442 = tpu.memref_slice %arg2[%dma_wait3A_440, %dma_wait3A_441] : memref<53568x16xf32, #tpu.memory_space<hbm>> -> memref<53568x16xf32, #tpu.memory_space<hbm>>
    tpu.wait_indirect_dma semaphore(%arg10 : memref<!tpu.dma_semaphore, #tpu.memory_space<semaphore_mem>>) src(%dma_wait3A_442 : memref<53568x16xf32, #tpu.memory_space<hbm>>) dst(%dma_wait3A_439 : memref<80x16xf32, #tpu.memory_space<vmem>>)
    %dma_wait3A_443 = arith.constant 80 : i32
    %dma_wait3A_444 = arith.constant 0 : i32
    %dma_wait3A_445 = tpu.memref_slice %arg8[%dma_wait3A_443, %dma_wait3A_444] : memref<160x16xf32, #tpu.memory_space<vmem>> -> memref<80x16xf32, #tpu.memory_space<vmem>>
    %dma_wait3A_446 = arith.constant 0 : i32
    %dma_wait3A_447 = arith.constant 0 : i32
    %dma_wait3A_448 = tpu.memref_slice %arg2[%dma_wait3A_446, %dma_wait3A_447] : memref<53568x16xf32, #tpu.memory_space<hbm>> -> memref<53568x16xf32, #tpu.memory_space<hbm>>
    tpu.wait_indirect_dma semaphore(%arg11 : memref<!tpu.dma_semaphore, #tpu.memory_space<semaphore_mem>>) src(%dma_wait3A_448 : memref<53568x16xf32, #tpu.memory_space<hbm>>) dst(%dma_wait3A_445 : memref<80x16xf32, #tpu.memory_space<vmem>>)
    %add3A_449 = arith.addf %gather3A_260, %convert_element_type3A : vector<16xf32>
    %sub3A_450 = arith.subf %add3A_449, %gather3A_239 : vector<16xf32>
    %sub3A_451 = arith.subf %gather3A_257, %gather3A_242 : vector<16xf32>
    %broadcast_in_dim3A_452 = arith.constant 0.000000e+00 : f32
    %broadcast_in_dim3A_453 = vector.broadcast %broadcast_in_dim3A_452 : f32 to vector<16xf32>
    %broadcast_in_dim3A_454 = arith.constant 0.000000e+00 : f32
    %broadcast_in_dim3A_455 = vector.broadcast %broadcast_in_dim3A_454 : f32 to vector<16xf32>
    %scan3A_456 = arith.constant 0 : i32
    %scan3A_457 = arith.constant 20 : i32
    %scan3A_458 = arith.addi %scan3A_456, %scan3A_457 : i32
    %scan3A_459 = arith.constant 1 : i32
    %scan3A_460:2 = scf.for %scan3A_1694 = %scan3A_456 to %scan3A_458 step %scan3A_459 iter_args(%scan3A_1695 = %broadcast_in_dim3A_453, %scan3A_1696 = %broadcast_in_dim3A_455) -> (vector<16xf32>, vector<16xf32>)  : i32 {
      %mul3A_1697 = arith.constant 2 : i32
      %mul3A_1698 = arith.muli %mul3A_1697, %scan3A_1694 : i32
      %broadcast_in_dim3A_1699 = vector.broadcast %mul3A_1698 : i32 to vector<16xi32>
      %convert_element_type3A_1700 = arith.sitofp %broadcast_in_dim3A_1699 : vector<16xi32> to vector<16xf32>
      %mul3A_1701 = arith.constant 8 : i32
      %mul3A_1702 = arith.muli %scan3A_1694, %mul3A_1701 : i32
      %add3A_1703 = arith.constant 0 : i32
      %add3A_1704 = arith.addi %mul3A_1702, %add3A_1703 : i32
      %add3A_1705 = arith.constant 0.000000e+00 : f32
      %add3A_1706 = vector.broadcast %add3A_1705 : f32 to vector<16xf32>
      %add3A_1707 = arith.addf %convert_element_type3A_1700, %add3A_1706 : vector<16xf32>
      %add3A_1708 = arith.addf %sub3A_451, %add3A_1707 : vector<16xf32>
      %add3A_1709 = arith.constant 0.000000e+00 : f32
      %add3A_1710 = vector.broadcast %add3A_1709 : f32 to vector<16xf32>
      %add3A_1711 = arith.addf %sub3A_450, %add3A_1710 : vector<16xf32>
      %mul3A_1712 = arith.mulf %add3A_1711, %gather3A_245 : vector<16xf32>
      %mul3A_1713 = arith.mulf %add3A_1708, %gather3A_248 : vector<16xf32>
      %add3A_1714 = arith.addf %mul3A_1712, %mul3A_1713 : vector<16xf32>
      %mul3A_1715 = arith.mulf %add3A_1708, %gather3A_245 : vector<16xf32>
      %mul3A_1716 = arith.mulf %add3A_1711, %gather3A_248 : vector<16xf32>
      %sub3A_1717 = arith.subf %mul3A_1715, %mul3A_1716 : vector<16xf32>
      %abs3A = math.absf %add3A_1714 : vector<16xf32>
      %le3A = arith.cmpf ole, %abs3A, %gather3A_251 : vector<16xf32>
      %abs3A_1718 = math.absf %sub3A_1717 : vector<16xf32>
      %le3A_1719 = arith.cmpf ole, %abs3A_1718, %gather3A_254 : vector<16xf32>
      %and3A_1720 = arith.andi %le3A, %le3A_1719 : vector<16xi1>
      %broadcast_in_dim3A_1721 = vector.broadcast %add3A_1704 : i32 to vector<16xi32>
      %gather3A_1722 = tpu.vector_load_idx %arg8[%broadcast_in_dim3A_1721, %iota3A] : memref<160x16xf32, #tpu.memory_space<vmem>>[vector<16xi32>, vector<16xi32>], vector<16xf32>,
      %ne3A = arith.constant 0.000000e+00 : f32
      %ne3A_1723 = vector.broadcast %ne3A : f32 to vector<16xf32>
      %ne3A_1724 = arith.cmpf one, %gather3A_1722, %ne3A_1723 : vector<16xf32>
      %and3A_1725 = arith.andi %and3A_1720, %ne3A_1724 : vector<16xi1>
      %jit3A = arith.constant 1.000000e+00 : f32
      %jit3A_1726 = arith.constant 0.000000e+00 : f32
      %broadcast_in_dim3A_1727 = vector.broadcast %jit3A : f32 to vector<16xf32>
      %broadcast_in_dim3A_1728 = vector.broadcast %jit3A_1726 : f32 to vector<16xf32>
      %select_n3A = arith.select %and3A_1725, %broadcast_in_dim3A_1727, %broadcast_in_dim3A_1728 : vector<16xi1>, vector<16xf32>
      %add3A_1729 = arith.addf %scan3A_1695, %select_n3A : vector<16xf32>
      %eq3A = arith.constant 3.000000e+00 : f32
      %eq3A_1730 = vector.broadcast %eq3A : f32 to vector<16xf32>
      %eq3A_1731 = arith.cmpf oeq, %gather3A_1722, %eq3A_1730 : vector<16xf32>
      %and3A_1732 = arith.andi %and3A_1720, %eq3A_1731 : vector<16xi1>
      %jit3A_1733 = arith.constant 1.000000e+00 : f32
      %jit3A_1734 = arith.constant 0.000000e+00 : f32
      %broadcast_in_dim3A_1735 = vector.broadcast %jit3A_1733 : f32 to vector<16xf32>
      %broadcast_in_dim3A_1736 = vector.broadcast %jit3A_1734 : f32 to vector<16xf32>
      %select_n3A_1737 = arith.select %and3A_1732, %broadcast_in_dim3A_1735, %broadcast_in_dim3A_1736 : vector<16xi1>, vector<16xf32>
      %add3A_1738 = arith.addf %scan3A_1696, %select_n3A_1737 : vector<16xf32>
      %mul3A_1739 = arith.constant 8 : i32
      %mul3A_1740 = arith.muli %scan3A_1694, %mul3A_1739 : i32
      %add3A_1741 = arith.constant 1 : i32
      %add3A_1742 = arith.addi %mul3A_1740, %add3A_1741 : i32
      %add3A_1743 = arith.constant 0.000000e+00 : f32
      %add3A_1744 = vector.broadcast %add3A_1743 : f32 to vector<16xf32>
      %add3A_1745 = arith.addf %convert_element_type3A_1700, %add3A_1744 : vector<16xf32>
      %add3A_1746 = arith.addf %sub3A_451, %add3A_1745 : vector<16xf32>
      %add3A_1747 = arith.constant 1.600000e+01 : f32
      %add3A_1748 = vector.broadcast %add3A_1747 : f32 to vector<16xf32>
      %add3A_1749 = arith.addf %sub3A_450, %add3A_1748 : vector<16xf32>
      %mul3A_1750 = arith.mulf %add3A_1749, %gather3A_245 : vector<16xf32>
      %mul3A_1751 = arith.mulf %add3A_1746, %gather3A_248 : vector<16xf32>
      %add3A_1752 = arith.addf %mul3A_1750, %mul3A_1751 : vector<16xf32>
      %mul3A_1753 = arith.mulf %add3A_1746, %gather3A_245 : vector<16xf32>
      %mul3A_1754 = arith.mulf %add3A_1749, %gather3A_248 : vector<16xf32>
      %sub3A_1755 = arith.subf %mul3A_1753, %mul3A_1754 : vector<16xf32>
      %abs3A_1756 = math.absf %add3A_1752 : vector<16xf32>
      %le3A_1757 = arith.cmpf ole, %abs3A_1756, %gather3A_251 : vector<16xf32>
      %abs3A_1758 = math.absf %sub3A_1755 : vector<16xf32>
      %le3A_1759 = arith.cmpf ole, %abs3A_1758, %gather3A_254 : vector<16xf32>
      %and3A_1760 = arith.andi %le3A_1757, %le3A_1759 : vector<16xi1>
      %broadcast_in_dim3A_1761 = vector.broadcast %add3A_1742 : i32 to vector<16xi32>
      %gather3A_1762 = tpu.vector_load_idx %arg8[%broadcast_in_dim3A_1761, %iota3A] : memref<160x16xf32, #tpu.memory_space<vmem>>[vector<16xi32>, vector<16xi32>], vector<16xf32>,
      %ne3A_1763 = arith.constant 0.000000e+00 : f32
      %ne3A_1764 = vector.broadcast %ne3A_1763 : f32 to vector<16xf32>
      %ne3A_1765 = arith.cmpf one, %gather3A_1762, %ne3A_1764 : vector<16xf32>
      %and3A_1766 = arith.andi %and3A_1760, %ne3A_1765 : vector<16xi1>
      %jit3A_1767 = arith.constant 1.000000e+00 : f32
      %jit3A_1768 = arith.constant 0.000000e+00 : f32
      %broadcast_in_dim3A_1769 = vector.broadcast %jit3A_1767 : f32 to vector<16xf32>
      %broadcast_in_dim3A_1770 = vector.broadcast %jit3A_1768 : f32 to vector<16xf32>
      %select_n3A_1771 = arith.select %and3A_1766, %broadcast_in_dim3A_1769, %broadcast_in_dim3A_1770 : vector<16xi1>, vector<16xf32>
      %add3A_1772 = arith.addf %add3A_1729, %select_n3A_1771 : vector<16xf32>
      %eq3A_1773 = arith.constant 3.000000e+00 : f32
      %eq3A_1774 = vector.broadcast %eq3A_1773 : f32 to vector<16xf32>
      %eq3A_1775 = arith.cmpf oeq, %gather3A_1762, %eq3A_1774 : vector<16xf32>
      %and3A_1776 = arith.andi %and3A_1760, %eq3A_1775 : vector<16xi1>
      %jit3A_1777 = arith.constant 1.000000e+00 : f32
      %jit3A_1778 = arith.constant 0.000000e+00 : f32
      %broadcast_in_dim3A_1779 = vector.broadcast %jit3A_1777 : f32 to vector<16xf32>
      %broadcast_in_dim3A_1780 = vector.broadcast %jit3A_1778 : f32 to vector<16xf32>
      %select_n3A_1781 = arith.select %and3A_1776, %broadcast_in_dim3A_1779, %broadcast_in_dim3A_1780 : vector<16xi1>, vector<16xf32>
      %add3A_1782 = arith.addf %add3A_1738, %select_n3A_1781 : vector<16xf32>
      %mul3A_1783 = arith.constant 8 : i32
      %mul3A_1784 = arith.muli %scan3A_1694, %mul3A_1783 : i32
      %add3A_1785 = arith.constant 2 : i32
      %add3A_1786 = arith.addi %mul3A_1784, %add3A_1785 : i32
      %add3A_1787 = arith.constant 0.000000e+00 : f32
      %add3A_1788 = vector.broadcast %add3A_1787 : f32 to vector<16xf32>
      %add3A_1789 = arith.addf %convert_element_type3A_1700, %add3A_1788 : vector<16xf32>
      %add3A_1790 = arith.addf %sub3A_451, %add3A_1789 : vector<16xf32>
      %add3A_1791 = arith.constant 3.200000e+01 : f32
      %add3A_1792 = vector.broadcast %add3A_1791 : f32 to vector<16xf32>
      %add3A_1793 = arith.addf %sub3A_450, %add3A_1792 : vector<16xf32>
      %mul3A_1794 = arith.mulf %add3A_1793, %gather3A_245 : vector<16xf32>
      %mul3A_1795 = arith.mulf %add3A_1790, %gather3A_248 : vector<16xf32>
      %add3A_1796 = arith.addf %mul3A_1794, %mul3A_1795 : vector<16xf32>
      %mul3A_1797 = arith.mulf %add3A_1790, %gather3A_245 : vector<16xf32>
      %mul3A_1798 = arith.mulf %add3A_1793, %gather3A_248 : vector<16xf32>
      %sub3A_1799 = arith.subf %mul3A_1797, %mul3A_1798 : vector<16xf32>
      %abs3A_1800 = math.absf %add3A_1796 : vector<16xf32>
      %le3A_1801 = arith.cmpf ole, %abs3A_1800, %gather3A_251 : vector<16xf32>
      %abs3A_1802 = math.absf %sub3A_1799 : vector<16xf32>
      %le3A_1803 = arith.cmpf ole, %abs3A_1802, %gather3A_254 : vector<16xf32>
      %and3A_1804 = arith.andi %le3A_1801, %le3A_1803 : vector<16xi1>
      %broadcast_in_dim3A_1805 = vector.broadcast %add3A_1786 : i32 to vector<16xi32>
      %gather3A_1806 = tpu.vector_load_idx %arg8[%broadcast_in_dim3A_1805, %iota3A] : memref<160x16xf32, #tpu.memory_space<vmem>>[vector<16xi32>, vector<16xi32>], vector<16xf32>,
      %ne3A_1807 = arith.constant 0.000000e+00 : f32
      %ne3A_1808 = vector.broadcast %ne3A_1807 : f32 to vector<16xf32>
      %ne3A_1809 = arith.cmpf one, %gather3A_1806, %ne3A_1808 : vector<16xf32>
      %and3A_1810 = arith.andi %and3A_1804, %ne3A_1809 : vector<16xi1>
      %jit3A_1811 = arith.constant 1.000000e+00 : f32
      %jit3A_1812 = arith.constant 0.000000e+00 : f32
      %broadcast_in_dim3A_1813 = vector.broadcast %jit3A_1811 : f32 to vector<16xf32>
      %broadcast_in_dim3A_1814 = vector.broadcast %jit3A_1812 : f32 to vector<16xf32>
      %select_n3A_1815 = arith.select %and3A_1810, %broadcast_in_dim3A_1813, %broadcast_in_dim3A_1814 : vector<16xi1>, vector<16xf32>
      %add3A_1816 = arith.addf %add3A_1772, %select_n3A_1815 : vector<16xf32>
      %eq3A_1817 = arith.constant 3.000000e+00 : f32
      %eq3A_1818 = vector.broadcast %eq3A_1817 : f32 to vector<16xf32>
      %eq3A_1819 = arith.cmpf oeq, %gather3A_1806, %eq3A_1818 : vector<16xf32>
      %and3A_1820 = arith.andi %and3A_1804, %eq3A_1819 : vector<16xi1>
      %jit3A_1821 = arith.constant 1.000000e+00 : f32
      %jit3A_1822 = arith.constant 0.000000e+00 : f32
      %broadcast_in_dim3A_1823 = vector.broadcast %jit3A_1821 : f32 to vector<16xf32>
      %broadcast_in_dim3A_1824 = vector.broadcast %jit3A_1822 : f32 to vector<16xf32>
      %select_n3A_1825 = arith.select %and3A_1820, %broadcast_in_dim3A_1823, %broadcast_in_dim3A_1824 : vector<16xi1>, vector<16xf32>
      %add3A_1826 = arith.addf %add3A_1782, %select_n3A_1825 : vector<16xf32>
      %mul3A_1827 = arith.constant 8 : i32
      %mul3A_1828 = arith.muli %scan3A_1694, %mul3A_1827 : i32
      %add3A_1829 = arith.constant 3 : i32
      %add3A_1830 = arith.addi %mul3A_1828, %add3A_1829 : i32
      %add3A_1831 = arith.constant 0.000000e+00 : f32
      %add3A_1832 = vector.broadcast %add3A_1831 : f32 to vector<16xf32>
      %add3A_1833 = arith.addf %convert_element_type3A_1700, %add3A_1832 : vector<16xf32>
      %add3A_1834 = arith.addf %sub3A_451, %add3A_1833 : vector<16xf32>
      %add3A_1835 = arith.constant 4.800000e+01 : f32
      %add3A_1836 = vector.broadcast %add3A_1835 : f32 to vector<16xf32>
      %add3A_1837 = arith.addf %sub3A_450, %add3A_1836 : vector<16xf32>
      %mul3A_1838 = arith.mulf %add3A_1837, %gather3A_245 : vector<16xf32>
      %mul3A_1839 = arith.mulf %add3A_1834, %gather3A_248 : vector<16xf32>
      %add3A_1840 = arith.addf %mul3A_1838, %mul3A_1839 : vector<16xf32>
      %mul3A_1841 = arith.mulf %add3A_1834, %gather3A_245 : vector<16xf32>
      %mul3A_1842 = arith.mulf %add3A_1837, %gather3A_248 : vector<16xf32>
      %sub3A_1843 = arith.subf %mul3A_1841, %mul3A_1842 : vector<16xf32>
      %abs3A_1844 = math.absf %add3A_1840 : vector<16xf32>
      %le3A_1845 = arith.cmpf ole, %abs3A_1844, %gather3A_251 : vector<16xf32>
      %abs3A_1846 = math.absf %sub3A_1843 : vector<16xf32>
      %le3A_1847 = arith.cmpf ole, %abs3A_1846, %gather3A_254 : vector<16xf32>
      %and3A_1848 = arith.andi %le3A_1845, %le3A_1847 : vector<16xi1>
      %broadcast_in_dim3A_1849 = vector.broadcast %add3A_1830 : i32 to vector<16xi32>
      %gather3A_1850 = tpu.vector_load_idx %arg8[%broadcast_in_dim3A_1849, %iota3A] : memref<160x16xf32, #tpu.memory_space<vmem>>[vector<16xi32>, vector<16xi32>], vector<16xf32>,
      %ne3A_1851 = arith.constant 0.000000e+00 : f32
      %ne3A_1852 = vector.broadcast %ne3A_1851 : f32 to vector<16xf32>
      %ne3A_1853 = arith.cmpf one, %gather3A_1850, %ne3A_1852 : vector<16xf32>
      %and3A_1854 = arith.andi %and3A_1848, %ne3A_1853 : vector<16xi1>
      %jit3A_1855 = arith.constant 1.000000e+00 : f32
      %jit3A_1856 = arith.constant 0.000000e+00 : f32
      %broadcast_in_dim3A_1857 = vector.broadcast %jit3A_1855 : f32 to vector<16xf32>
      %broadcast_in_dim3A_1858 = vector.broadcast %jit3A_1856 : f32 to vector<16xf32>
      %select_n3A_1859 = arith.select %and3A_1854, %broadcast_in_dim3A_1857, %broadcast_in_dim3A_1858 : vector<16xi1>, vector<16xf32>
      %add3A_1860 = arith.addf %add3A_1816, %select_n3A_1859 : vector<16xf32>
      %eq3A_1861 = arith.constant 3.000000e+00 : f32
      %eq3A_1862 = vector.broadcast %eq3A_1861 : f32 to vector<16xf32>
      %eq3A_1863 = arith.cmpf oeq, %gather3A_1850, %eq3A_1862 : vector<16xf32>
      %and3A_1864 = arith.andi %and3A_1848, %eq3A_1863 : vector<16xi1>
      %jit3A_1865 = arith.constant 1.000000e+00 : f32
      %jit3A_1866 = arith.constant 0.000000e+00 : f32
      %broadcast_in_dim3A_1867 = vector.broadcast %jit3A_1865 : f32 to vector<16xf32>
      %broadcast_in_dim3A_1868 = vector.broadcast %jit3A_1866 : f32 to vector<16xf32>
      %select_n3A_1869 = arith.select %and3A_1864, %broadcast_in_dim3A_1867, %broadcast_in_dim3A_1868 : vector<16xi1>, vector<16xf32>
      %add3A_1870 = arith.addf %add3A_1826, %select_n3A_1869 : vector<16xf32>
      %mul3A_1871 = arith.constant 8 : i32
      %mul3A_1872 = arith.muli %scan3A_1694, %mul3A_1871 : i32
      %add3A_1873 = arith.constant 4 : i32
      %add3A_1874 = arith.addi %mul3A_1872, %add3A_1873 : i32
      %add3A_1875 = arith.constant 1.000000e+00 : f32
      %add3A_1876 = vector.broadcast %add3A_1875 : f32 to vector<16xf32>
      %add3A_1877 = arith.addf %convert_element_type3A_1700, %add3A_1876 : vector<16xf32>
      %add3A_1878 = arith.addf %sub3A_451, %add3A_1877 : vector<16xf32>
      %add3A_1879 = arith.constant 0.000000e+00 : f32
      %add3A_1880 = vector.broadcast %add3A_1879 : f32 to vector<16xf32>
      %add3A_1881 = arith.addf %sub3A_450, %add3A_1880 : vector<16xf32>
      %mul3A_1882 = arith.mulf %add3A_1881, %gather3A_245 : vector<16xf32>
      %mul3A_1883 = arith.mulf %add3A_1878, %gather3A_248 : vector<16xf32>
      %add3A_1884 = arith.addf %mul3A_1882, %mul3A_1883 : vector<16xf32>
      %mul3A_1885 = arith.mulf %add3A_1878, %gather3A_245 : vector<16xf32>
      %mul3A_1886 = arith.mulf %add3A_1881, %gather3A_248 : vector<16xf32>
      %sub3A_1887 = arith.subf %mul3A_1885, %mul3A_1886 : vector<16xf32>
      %abs3A_1888 = math.absf %add3A_1884 : vector<16xf32>
      %le3A_1889 = arith.cmpf ole, %abs3A_1888, %gather3A_251 : vector<16xf32>
      %abs3A_1890 = math.absf %sub3A_1887 : vector<16xf32>
      %le3A_1891 = arith.cmpf ole, %abs3A_1890, %gather3A_254 : vector<16xf32>
      %and3A_1892 = arith.andi %le3A_1889, %le3A_1891 : vector<16xi1>
      %broadcast_in_dim3A_1893 = vector.broadcast %add3A_1874 : i32 to vector<16xi32>
      %gather3A_1894 = tpu.vector_load_idx %arg8[%broadcast_in_dim3A_1893, %iota3A] : memref<160x16xf32, #tpu.memory_space<vmem>>[vector<16xi32>, vector<16xi32>], vector<16xf32>,
      %ne3A_1895 = arith.constant 0.000000e+00 : f32
      %ne3A_1896 = vector.broadcast %ne3A_1895 : f32 to vector<16xf32>
      %ne3A_1897 = arith.cmpf one, %gather3A_1894, %ne3A_1896 : vector<16xf32>
      %and3A_1898 = arith.andi %and3A_1892, %ne3A_1897 : vector<16xi1>
      %jit3A_1899 = arith.constant 1.000000e+00 : f32
      %jit3A_1900 = arith.constant 0.000000e+00 : f32
      %broadcast_in_dim3A_1901 = vector.broadcast %jit3A_1899 : f32 to vector<16xf32>
      %broadcast_in_dim3A_1902 = vector.broadcast %jit3A_1900 : f32 to vector<16xf32>
      %select_n3A_1903 = arith.select %and3A_1898, %broadcast_in_dim3A_1901, %broadcast_in_dim3A_1902 : vector<16xi1>, vector<16xf32>
      %add3A_1904 = arith.addf %add3A_1860, %select_n3A_1903 : vector<16xf32>
      %eq3A_1905 = arith.constant 3.000000e+00 : f32
      %eq3A_1906 = vector.broadcast %eq3A_1905 : f32 to vector<16xf32>
      %eq3A_1907 = arith.cmpf oeq, %gather3A_1894, %eq3A_1906 : vector<16xf32>
      %and3A_1908 = arith.andi %and3A_1892, %eq3A_1907 : vector<16xi1>
      %jit3A_1909 = arith.constant 1.000000e+00 : f32
      %jit3A_1910 = arith.constant 0.000000e+00 : f32
      %broadcast_in_dim3A_1911 = vector.broadcast %jit3A_1909 : f32 to vector<16xf32>
      %broadcast_in_dim3A_1912 = vector.broadcast %jit3A_1910 : f32 to vector<16xf32>
      %select_n3A_1913 = arith.select %and3A_1908, %broadcast_in_dim3A_1911, %broadcast_in_dim3A_1912 : vector<16xi1>, vector<16xf32>
      %add3A_1914 = arith.addf %add3A_1870, %select_n3A_1913 : vector<16xf32>
      %mul3A_1915 = arith.constant 8 : i32
      %mul3A_1916 = arith.muli %scan3A_1694, %mul3A_1915 : i32
      %add3A_1917 = arith.constant 5 : i32
      %add3A_1918 = arith.addi %mul3A_1916, %add3A_1917 : i32
      %add3A_1919 = arith.constant 1.000000e+00 : f32
      %add3A_1920 = vector.broadcast %add3A_1919 : f32 to vector<16xf32>
      %add3A_1921 = arith.addf %convert_element_type3A_1700, %add3A_1920 : vector<16xf32>
      %add3A_1922 = arith.addf %sub3A_451, %add3A_1921 : vector<16xf32>
      %add3A_1923 = arith.constant 1.600000e+01 : f32
      %add3A_1924 = vector.broadcast %add3A_1923 : f32 to vector<16xf32>
      %add3A_1925 = arith.addf %sub3A_450, %add3A_1924 : vector<16xf32>
      %mul3A_1926 = arith.mulf %add3A_1925, %gather3A_245 : vector<16xf32>
      %mul3A_1927 = arith.mulf %add3A_1922, %gather3A_248 : vector<16xf32>
      %add3A_1928 = arith.addf %mul3A_1926, %mul3A_1927 : vector<16xf32>
      %mul3A_1929 = arith.mulf %add3A_1922, %gather3A_245 : vector<16xf32>
      %mul3A_1930 = arith.mulf %add3A_1925, %gather3A_248 : vector<16xf32>
      %sub3A_1931 = arith.subf %mul3A_1929, %mul3A_1930 : vector<16xf32>
      %abs3A_1932 = math.absf %add3A_1928 : vector<16xf32>
      %le3A_1933 = arith.cmpf ole, %abs3A_1932, %gather3A_251 : vector<16xf32>
      %abs3A_1934 = math.absf %sub3A_1931 : vector<16xf32>
      %le3A_1935 = arith.cmpf ole, %abs3A_1934, %gather3A_254 : vector<16xf32>
      %and3A_1936 = arith.andi %le3A_1933, %le3A_1935 : vector<16xi1>
      %broadcast_in_dim3A_1937 = vector.broadcast %add3A_1918 : i32 to vector<16xi32>
      %gather3A_1938 = tpu.vector_load_idx %arg8[%broadcast_in_dim3A_1937, %iota3A] : memref<160x16xf32, #tpu.memory_space<vmem>>[vector<16xi32>, vector<16xi32>], vector<16xf32>,
      %ne3A_1939 = arith.constant 0.000000e+00 : f32
      %ne3A_1940 = vector.broadcast %ne3A_1939 : f32 to vector<16xf32>
      %ne3A_1941 = arith.cmpf one, %gather3A_1938, %ne3A_1940 : vector<16xf32>
      %and3A_1942 = arith.andi %and3A_1936, %ne3A_1941 : vector<16xi1>
      %jit3A_1943 = arith.constant 1.000000e+00 : f32
      %jit3A_1944 = arith.constant 0.000000e+00 : f32
      %broadcast_in_dim3A_1945 = vector.broadcast %jit3A_1943 : f32 to vector<16xf32>
      %broadcast_in_dim3A_1946 = vector.broadcast %jit3A_1944 : f32 to vector<16xf32>
      %select_n3A_1947 = arith.select %and3A_1942, %broadcast_in_dim3A_1945, %broadcast_in_dim3A_1946 : vector<16xi1>, vector<16xf32>
      %add3A_1948 = arith.addf %add3A_1904, %select_n3A_1947 : vector<16xf32>
      %eq3A_1949 = arith.constant 3.000000e+00 : f32
      %eq3A_1950 = vector.broadcast %eq3A_1949 : f32 to vector<16xf32>
      %eq3A_1951 = arith.cmpf oeq, %gather3A_1938, %eq3A_1950 : vector<16xf32>
      %and3A_1952 = arith.andi %and3A_1936, %eq3A_1951 : vector<16xi1>
      %jit3A_1953 = arith.constant 1.000000e+00 : f32
      %jit3A_1954 = arith.constant 0.000000e+00 : f32
      %broadcast_in_dim3A_1955 = vector.broadcast %jit3A_1953 : f32 to vector<16xf32>
      %broadcast_in_dim3A_1956 = vector.broadcast %jit3A_1954 : f32 to vector<16xf32>
      %select_n3A_1957 = arith.select %and3A_1952, %broadcast_in_dim3A_1955, %broadcast_in_dim3A_1956 : vector<16xi1>, vector<16xf32>
      %add3A_1958 = arith.addf %add3A_1914, %select_n3A_1957 : vector<16xf32>
      %mul3A_1959 = arith.constant 8 : i32
      %mul3A_1960 = arith.muli %scan3A_1694, %mul3A_1959 : i32
      %add3A_1961 = arith.constant 6 : i32
      %add3A_1962 = arith.addi %mul3A_1960, %add3A_1961 : i32
      %add3A_1963 = arith.constant 1.000000e+00 : f32
      %add3A_1964 = vector.broadcast %add3A_1963 : f32 to vector<16xf32>
      %add3A_1965 = arith.addf %convert_element_type3A_1700, %add3A_1964 : vector<16xf32>
      %add3A_1966 = arith.addf %sub3A_451, %add3A_1965 : vector<16xf32>
      %add3A_1967 = arith.constant 3.200000e+01 : f32
      %add3A_1968 = vector.broadcast %add3A_1967 : f32 to vector<16xf32>
      %add3A_1969 = arith.addf %sub3A_450, %add3A_1968 : vector<16xf32>
      %mul3A_1970 = arith.mulf %add3A_1969, %gather3A_245 : vector<16xf32>
      %mul3A_1971 = arith.mulf %add3A_1966, %gather3A_248 : vector<16xf32>
      %add3A_1972 = arith.addf %mul3A_1970, %mul3A_1971 : vector<16xf32>
      %mul3A_1973 = arith.mulf %add3A_1966, %gather3A_245 : vector<16xf32>
      %mul3A_1974 = arith.mulf %add3A_1969, %gather3A_248 : vector<16xf32>
      %sub3A_1975 = arith.subf %mul3A_1973, %mul3A_1974 : vector<16xf32>
      %abs3A_1976 = math.absf %add3A_1972 : vector<16xf32>
      %le3A_1977 = arith.cmpf ole, %abs3A_1976, %gather3A_251 : vector<16xf32>
      %abs3A_1978 = math.absf %sub3A_1975 : vector<16xf32>
      %le3A_1979 = arith.cmpf ole, %abs3A_1978, %gather3A_254 : vector<16xf32>
      %and3A_1980 = arith.andi %le3A_1977, %le3A_1979 : vector<16xi1>
      %broadcast_in_dim3A_1981 = vector.broadcast %add3A_1962 : i32 to vector<16xi32>
      %gather3A_1982 = tpu.vector_load_idx %arg8[%broadcast_in_dim3A_1981, %iota3A] : memref<160x16xf32, #tpu.memory_space<vmem>>[vector<16xi32>, vector<16xi32>], vector<16xf32>,
      %ne3A_1983 = arith.constant 0.000000e+00 : f32
      %ne3A_1984 = vector.broadcast %ne3A_1983 : f32 to vector<16xf32>
      %ne3A_1985 = arith.cmpf one, %gather3A_1982, %ne3A_1984 : vector<16xf32>
      %and3A_1986 = arith.andi %and3A_1980, %ne3A_1985 : vector<16xi1>
      %jit3A_1987 = arith.constant 1.000000e+00 : f32
      %jit3A_1988 = arith.constant 0.000000e+00 : f32
      %broadcast_in_dim3A_1989 = vector.broadcast %jit3A_1987 : f32 to vector<16xf32>
      %broadcast_in_dim3A_1990 = vector.broadcast %jit3A_1988 : f32 to vector<16xf32>
      %select_n3A_1991 = arith.select %and3A_1986, %broadcast_in_dim3A_1989, %broadcast_in_dim3A_1990 : vector<16xi1>, vector<16xf32>
      %add3A_1992 = arith.addf %add3A_1948, %select_n3A_1991 : vector<16xf32>
      %eq3A_1993 = arith.constant 3.000000e+00 : f32
      %eq3A_1994 = vector.broadcast %eq3A_1993 : f32 to vector<16xf32>
      %eq3A_1995 = arith.cmpf oeq, %gather3A_1982, %eq3A_1994 : vector<16xf32>
      %and3A_1996 = arith.andi %and3A_1980, %eq3A_1995 : vector<16xi1>
      %jit3A_1997 = arith.constant 1.000000e+00 : f32
      %jit3A_1998 = arith.constant 0.000000e+00 : f32
      %broadcast_in_dim3A_1999 = vector.broadcast %jit3A_1997 : f32 to vector<16xf32>
      %broadcast_in_dim3A_2000 = vector.broadcast %jit3A_1998 : f32 to vector<16xf32>
      %select_n3A_2001 = arith.select %and3A_1996, %broadcast_in_dim3A_1999, %broadcast_in_dim3A_2000 : vector<16xi1>, vector<16xf32>
      %add3A_2002 = arith.addf %add3A_1958, %select_n3A_2001 : vector<16xf32>
      %mul3A_2003 = arith.constant 8 : i32
      %mul3A_2004 = arith.muli %scan3A_1694, %mul3A_2003 : i32
      %add3A_2005 = arith.constant 7 : i32
      %add3A_2006 = arith.addi %mul3A_2004, %add3A_2005 : i32
      %add3A_2007 = arith.constant 1.000000e+00 : f32
      %add3A_2008 = vector.broadcast %add3A_2007 : f32 to vector<16xf32>
      %add3A_2009 = arith.addf %convert_element_type3A_1700, %add3A_2008 : vector<16xf32>
      %add3A_2010 = arith.addf %sub3A_451, %add3A_2009 : vector<16xf32>
      %add3A_2011 = arith.constant 4.800000e+01 : f32
      %add3A_2012 = vector.broadcast %add3A_2011 : f32 to vector<16xf32>
      %add3A_2013 = arith.addf %sub3A_450, %add3A_2012 : vector<16xf32>
      %mul3A_2014 = arith.mulf %add3A_2013, %gather3A_245 : vector<16xf32>
      %mul3A_2015 = arith.mulf %add3A_2010, %gather3A_248 : vector<16xf32>
      %add3A_2016 = arith.addf %mul3A_2014, %mul3A_2015 : vector<16xf32>
      %mul3A_2017 = arith.mulf %add3A_2010, %gather3A_245 : vector<16xf32>
      %mul3A_2018 = arith.mulf %add3A_2013, %gather3A_248 : vector<16xf32>
      %sub3A_2019 = arith.subf %mul3A_2017, %mul3A_2018 : vector<16xf32>
      %abs3A_2020 = math.absf %add3A_2016 : vector<16xf32>
      %le3A_2021 = arith.cmpf ole, %abs3A_2020, %gather3A_251 : vector<16xf32>
      %abs3A_2022 = math.absf %sub3A_2019 : vector<16xf32>
      %le3A_2023 = arith.cmpf ole, %abs3A_2022, %gather3A_254 : vector<16xf32>
      %and3A_2024 = arith.andi %le3A_2021, %le3A_2023 : vector<16xi1>
      %broadcast_in_dim3A_2025 = vector.broadcast %add3A_2006 : i32 to vector<16xi32>
      %gather3A_2026 = tpu.vector_load_idx %arg8[%broadcast_in_dim3A_2025, %iota3A] : memref<160x16xf32, #tpu.memory_space<vmem>>[vector<16xi32>, vector<16xi32>], vector<16xf32>,
      %ne3A_2027 = arith.constant 0.000000e+00 : f32
      %ne3A_2028 = vector.broadcast %ne3A_2027 : f32 to vector<16xf32>
      %ne3A_2029 = arith.cmpf one, %gather3A_2026, %ne3A_2028 : vector<16xf32>
      %and3A_2030 = arith.andi %and3A_2024, %ne3A_2029 : vector<16xi1>
      %jit3A_2031 = arith.constant 1.000000e+00 : f32
      %jit3A_2032 = arith.constant 0.000000e+00 : f32
      %broadcast_in_dim3A_2033 = vector.broadcast %jit3A_2031 : f32 to vector<16xf32>
      %broadcast_in_dim3A_2034 = vector.broadcast %jit3A_2032 : f32 to vector<16xf32>
      %select_n3A_2035 = arith.select %and3A_2030, %broadcast_in_dim3A_2033, %broadcast_in_dim3A_2034 : vector<16xi1>, vector<16xf32>
      %add3A_2036 = arith.addf %add3A_1992, %select_n3A_2035 : vector<16xf32>
      %eq3A_2037 = arith.constant 3.000000e+00 : f32
      %eq3A_2038 = vector.broadcast %eq3A_2037 : f32 to vector<16xf32>
      %eq3A_2039 = arith.cmpf oeq, %gather3A_2026, %eq3A_2038 : vector<16xf32>
      %and3A_2040 = arith.andi %and3A_2024, %eq3A_2039 : vector<16xi1>
      %jit3A_2041 = arith.constant 1.000000e+00 : f32
      %jit3A_2042 = arith.constant 0.000000e+00 : f32
      %broadcast_in_dim3A_2043 = vector.broadcast %jit3A_2041 : f32 to vector<16xf32>
      %broadcast_in_dim3A_2044 = vector.broadcast %jit3A_2042 : f32 to vector<16xf32>
      %select_n3A_2045 = arith.select %and3A_2040, %broadcast_in_dim3A_2043, %broadcast_in_dim3A_2044 : vector<16xi1>, vector<16xf32>
      %add3A_2046 = arith.addf %add3A_2002, %select_n3A_2045 : vector<16xf32>
      scf.yield %add3A_2036, %add3A_2046 : vector<16xf32>, vector<16xf32>
    }
    %scan3A_461 = arith.constant 20 : i32
    %reduce_sum3A_462 = arith.constant true
    %reduce_sum3A_463 = vector.broadcast %reduce_sum3A_462 : i1 to vector<16xi1>
    %reduce_sum3A_464 = tpu.scan <sum>, %scan3A_460#0 masked %reduce_sum3A_463 : vector<16xf32>, vector<16xi1> -> vector<16xf32>
    %reduce_sum3A_465 = vector.extract %reduce_sum3A_464[15] : f32 from vector<16xf32>
    %reduce_sum3A_466 = arith.constant true
    %reduce_sum3A_467 = vector.broadcast %reduce_sum3A_466 : i1 to vector<16xi1>
    %reduce_sum3A_468 = tpu.scan <sum>, %scan3A_460#1 masked %reduce_sum3A_467 : vector<16xf32>, vector<16xi1> -> vector<16xf32>
    %reduce_sum3A_469 = vector.extract %reduce_sum3A_468[15] : f32 from vector<16xf32>
    %broadcast_in_dim3A_470 = vector.broadcast %reduce_sum3A_469 : f32 to vector<16xf32>
    %broadcast_in_dim3A_471 = vector.broadcast %reduce_sum3A_465 : f32 to vector<16xf32>
    %max3A_472 = arith.constant 1.000000e+00 : f32
    %max3A_473 = vector.broadcast %max3A_472 : f32 to vector<16xf32>
    %max3A_474 = arith.maximumf %broadcast_in_dim3A_471, %max3A_473 : vector<16xf32>
    %div3A_475 = arith.divf %broadcast_in_dim3A_470, %max3A_474 : vector<16xf32>
    %add3A_476 = arith.addf %add3A_233, %div3A_475 : vector<16xf32>
    %add3A_477 = arith.constant 64 : i32
    %add3A_478 = arith.addi %add3A, %add3A_477 : i32
    %broadcast_in_dim3A_479 = vector.broadcast %add3A_478 : i32 to vector<16xi32>
    %broadcast_in_dim3A_480 = arith.constant 0 : i32
    %broadcast_in_dim3A_481 = vector.broadcast %broadcast_in_dim3A_480 : i32 to vector<16xi32>
    %gather3A_482 = tpu.vector_load_idx %arg5[%broadcast_in_dim3A_481, %broadcast_in_dim3A_479] : memref<9x224xf32, #tpu.memory_space<vmem>>[vector<16xi32>, vector<16xi32>], vector<16xf32>,
    %broadcast_in_dim3A_483 = arith.constant 1 : i32
    %broadcast_in_dim3A_484 = vector.broadcast %broadcast_in_dim3A_483 : i32 to vector<16xi32>
    %gather3A_485 = tpu.vector_load_idx %arg5[%broadcast_in_dim3A_484, %broadcast_in_dim3A_479] : memref<9x224xf32, #tpu.memory_space<vmem>>[vector<16xi32>, vector<16xi32>], vector<16xf32>,
    %broadcast_in_dim3A_486 = arith.constant 2 : i32
    %broadcast_in_dim3A_487 = vector.broadcast %broadcast_in_dim3A_486 : i32 to vector<16xi32>
    %gather3A_488 = tpu.vector_load_idx %arg5[%broadcast_in_dim3A_487, %broadcast_in_dim3A_479] : memref<9x224xf32, #tpu.memory_space<vmem>>[vector<16xi32>, vector<16xi32>], vector<16xf32>,
    %broadcast_in_dim3A_489 = arith.constant 3 : i32
    %broadcast_in_dim3A_490 = vector.broadcast %broadcast_in_dim3A_489 : i32 to vector<16xi32>
    %gather3A_491 = tpu.vector_load_idx %arg5[%broadcast_in_dim3A_490, %broadcast_in_dim3A_479] : memref<9x224xf32, #tpu.memory_space<vmem>>[vector<16xi32>, vector<16xi32>], vector<16xf32>,
    %broadcast_in_dim3A_492 = arith.constant 4 : i32
    %broadcast_in_dim3A_493 = vector.broadcast %broadcast_in_dim3A_492 : i32 to vector<16xi32>
    %gather3A_494 = tpu.vector_load_idx %arg5[%broadcast_in_dim3A_493, %broadcast_in_dim3A_479] : memref<9x224xf32, #tpu.memory_space<vmem>>[vector<16xi32>, vector<16xi32>], vector<16xf32>,
    %broadcast_in_dim3A_495 = arith.constant 5 : i32
    %broadcast_in_dim3A_496 = vector.broadcast %broadcast_in_dim3A_495 : i32 to vector<16xi32>
    %gather3A_497 = tpu.vector_load_idx %arg5[%broadcast_in_dim3A_496, %broadcast_in_dim3A_479] : memref<9x224xf32, #tpu.memory_space<vmem>>[vector<16xi32>, vector<16xi32>], vector<16xf32>,
    %broadcast_in_dim3A_498 = arith.constant 6 : i32
    %broadcast_in_dim3A_499 = vector.broadcast %broadcast_in_dim3A_498 : i32 to vector<16xi32>
    %gather3A_500 = tpu.vector_load_idx %arg5[%broadcast_in_dim3A_499, %broadcast_in_dim3A_479] : memref<9x224xf32, #tpu.memory_space<vmem>>[vector<16xi32>, vector<16xi32>], vector<16xf32>,
    %broadcast_in_dim3A_501 = arith.constant 7 : i32
    %broadcast_in_dim3A_502 = vector.broadcast %broadcast_in_dim3A_501 : i32 to vector<16xi32>
    %gather3A_503 = tpu.vector_load_idx %arg5[%broadcast_in_dim3A_502, %broadcast_in_dim3A_479] : memref<9x224xf32, #tpu.memory_space<vmem>>[vector<16xi32>, vector<16xi32>], vector<16xf32>,
    %broadcast_in_dim3A_504 = arith.constant 8 : i32
    %broadcast_in_dim3A_505 = vector.broadcast %broadcast_in_dim3A_504 : i32 to vector<16xi32>
    %gather3A_506 = tpu.vector_load_idx %arg5[%broadcast_in_dim3A_505, %broadcast_in_dim3A_479] : memref<9x224xf32, #tpu.memory_space<vmem>>[vector<16xi32>, vector<16xi32>], vector<16xf32>,
    %convert_element_type3A_507 = arith.fptosi %gather3A_506 : vector<16xf32> to vector<16xi32>
    %add3A_508 = arith.constant 0 : i32
    %add3A_509 = vector.broadcast %add3A_508 : i32 to vector<16xi32>
    %add3A_510 = arith.addi %iota3A, %add3A_509 : vector<16xi32>
    %shift_right_logical3A_511 = arith.constant 2 : i32
    %shift_right_logical3A_512 = vector.broadcast %shift_right_logical3A_511 : i32 to vector<16xi32>
    %shift_right_logical3A_513 = arith.shrui %add3A_510, %shift_right_logical3A_512 : vector<16xi32>
    %and3A_514 = arith.constant 3 : i32
    %and3A_515 = vector.broadcast %and3A_514 : i32 to vector<16xi32>
    %and3A_516 = arith.andi %add3A_510, %and3A_515 : vector<16xi32>
    %mul3A_517 = arith.constant 31 : i32
    %mul3A_518 = vector.broadcast %mul3A_517 : i32 to vector<16xi32>
    %mul3A_519 = arith.muli %shift_right_logical3A_513, %mul3A_518 : vector<16xi32>
    %add3A_520 = arith.addi %convert_element_type3A_507, %mul3A_519 : vector<16xi32>
    %add3A_521 = arith.addi %add3A_520, %and3A_516 : vector<16xi32>
    %swap3A_522 = arith.constant 0 : index
    %swap3A_523 = tpu.vector_load %arg6[%swap3A_522] {strides = array<i32>} : memref<80xi32, #tpu.memory_space<vmem>>, vector<16xi32>,
    tpu.vector_store %arg6[%swap3A_522], %add3A_521 {strides = array<i32>} : memref<80xi32, #tpu.memory_space<vmem>>, vector<16xi32>,
    %add3A_524 = arith.constant 16 : i32
    %add3A_525 = vector.broadcast %add3A_524 : i32 to vector<16xi32>
    %add3A_526 = arith.addi %iota3A, %add3A_525 : vector<16xi32>
    %shift_right_logical3A_527 = arith.constant 2 : i32
    %shift_right_logical3A_528 = vector.broadcast %shift_right_logical3A_527 : i32 to vector<16xi32>
    %shift_right_logical3A_529 = arith.shrui %add3A_526, %shift_right_logical3A_528 : vector<16xi32>
    %and3A_530 = arith.constant 3 : i32
    %and3A_531 = vector.broadcast %and3A_530 : i32 to vector<16xi32>
    %and3A_532 = arith.andi %add3A_526, %and3A_531 : vector<16xi32>
    %mul3A_533 = arith.constant 31 : i32
    %mul3A_534 = vector.broadcast %mul3A_533 : i32 to vector<16xi32>
    %mul3A_535 = arith.muli %shift_right_logical3A_529, %mul3A_534 : vector<16xi32>
    %add3A_536 = arith.addi %convert_element_type3A_507, %mul3A_535 : vector<16xi32>
    %add3A_537 = arith.addi %add3A_536, %and3A_532 : vector<16xi32>
    %swap3A_538 = arith.constant 16 : index
    %swap3A_539 = tpu.vector_load %arg6[%swap3A_538] {strides = array<i32>} : memref<80xi32, #tpu.memory_space<vmem>>, vector<16xi32>,
    tpu.vector_store %arg6[%swap3A_538], %add3A_537 {strides = array<i32>} : memref<80xi32, #tpu.memory_space<vmem>>, vector<16xi32>,
    %add3A_540 = arith.constant 32 : i32
    %add3A_541 = vector.broadcast %add3A_540 : i32 to vector<16xi32>
    %add3A_542 = arith.addi %iota3A, %add3A_541 : vector<16xi32>
    %shift_right_logical3A_543 = arith.constant 2 : i32
    %shift_right_logical3A_544 = vector.broadcast %shift_right_logical3A_543 : i32 to vector<16xi32>
    %shift_right_logical3A_545 = arith.shrui %add3A_542, %shift_right_logical3A_544 : vector<16xi32>
    %and3A_546 = arith.constant 3 : i32
    %and3A_547 = vector.broadcast %and3A_546 : i32 to vector<16xi32>
    %and3A_548 = arith.andi %add3A_542, %and3A_547 : vector<16xi32>
    %mul3A_549 = arith.constant 31 : i32
    %mul3A_550 = vector.broadcast %mul3A_549 : i32 to vector<16xi32>
    %mul3A_551 = arith.muli %shift_right_logical3A_545, %mul3A_550 : vector<16xi32>
    %add3A_552 = arith.addi %convert_element_type3A_507, %mul3A_551 : vector<16xi32>
    %add3A_553 = arith.addi %add3A_552, %and3A_548 : vector<16xi32>
    %swap3A_554 = arith.constant 32 : index
    %swap3A_555 = tpu.vector_load %arg6[%swap3A_554] {strides = array<i32>} : memref<80xi32, #tpu.memory_space<vmem>>, vector<16xi32>,
    tpu.vector_store %arg6[%swap3A_554], %add3A_553 {strides = array<i32>} : memref<80xi32, #tpu.memory_space<vmem>>, vector<16xi32>,
    %add3A_556 = arith.constant 48 : i32
    %add3A_557 = vector.broadcast %add3A_556 : i32 to vector<16xi32>
    %add3A_558 = arith.addi %iota3A, %add3A_557 : vector<16xi32>
    %shift_right_logical3A_559 = arith.constant 2 : i32
    %shift_right_logical3A_560 = vector.broadcast %shift_right_logical3A_559 : i32 to vector<16xi32>
    %shift_right_logical3A_561 = arith.shrui %add3A_558, %shift_right_logical3A_560 : vector<16xi32>
    %and3A_562 = arith.constant 3 : i32
    %and3A_563 = vector.broadcast %and3A_562 : i32 to vector<16xi32>
    %and3A_564 = arith.andi %add3A_558, %and3A_563 : vector<16xi32>
    %mul3A_565 = arith.constant 31 : i32
    %mul3A_566 = vector.broadcast %mul3A_565 : i32 to vector<16xi32>
    %mul3A_567 = arith.muli %shift_right_logical3A_561, %mul3A_566 : vector<16xi32>
    %add3A_568 = arith.addi %convert_element_type3A_507, %mul3A_567 : vector<16xi32>
    %add3A_569 = arith.addi %add3A_568, %and3A_564 : vector<16xi32>
    %swap3A_570 = arith.constant 48 : index
    %swap3A_571 = tpu.vector_load %arg6[%swap3A_570] {strides = array<i32>} : memref<80xi32, #tpu.memory_space<vmem>>, vector<16xi32>,
    tpu.vector_store %arg6[%swap3A_570], %add3A_569 {strides = array<i32>} : memref<80xi32, #tpu.memory_space<vmem>>, vector<16xi32>,
    %add3A_572 = arith.constant 64 : i32
    %add3A_573 = vector.broadcast %add3A_572 : i32 to vector<16xi32>
    %add3A_574 = arith.addi %iota3A, %add3A_573 : vector<16xi32>
    %shift_right_logical3A_575 = arith.constant 2 : i32
    %shift_right_logical3A_576 = vector.broadcast %shift_right_logical3A_575 : i32 to vector<16xi32>
    %shift_right_logical3A_577 = arith.shrui %add3A_574, %shift_right_logical3A_576 : vector<16xi32>
    %and3A_578 = arith.constant 3 : i32
    %and3A_579 = vector.broadcast %and3A_578 : i32 to vector<16xi32>
    %and3A_580 = arith.andi %add3A_574, %and3A_579 : vector<16xi32>
    %mul3A_581 = arith.constant 31 : i32
    %mul3A_582 = vector.broadcast %mul3A_581 : i32 to vector<16xi32>
    %mul3A_583 = arith.muli %shift_right_logical3A_577, %mul3A_582 : vector<16xi32>
    %add3A_584 = arith.addi %convert_element_type3A_507, %mul3A_583 : vector<16xi32>
    %add3A_585 = arith.addi %add3A_584, %and3A_580 : vector<16xi32>
    %swap3A_586 = arith.constant 64 : index
    %swap3A_587 = tpu.vector_load %arg6[%swap3A_586] {strides = array<i32>} : memref<80xi32, #tpu.memory_space<vmem>>, vector<16xi32>,
    tpu.vector_store %arg6[%swap3A_586], %add3A_585 {strides = array<i32>} : memref<80xi32, #tpu.memory_space<vmem>>, vector<16xi32>,
    %add3A_588 = arith.constant 80 : i32
    %add3A_589 = vector.broadcast %add3A_588 : i32 to vector<16xi32>
    %add3A_590 = arith.addi %iota3A, %add3A_589 : vector<16xi32>
    %shift_right_logical3A_591 = arith.constant 2 : i32
    %shift_right_logical3A_592 = vector.broadcast %shift_right_logical3A_591 : i32 to vector<16xi32>
    %shift_right_logical3A_593 = arith.shrui %add3A_590, %shift_right_logical3A_592 : vector<16xi32>
    %and3A_594 = arith.constant 3 : i32
    %and3A_595 = vector.broadcast %and3A_594 : i32 to vector<16xi32>
    %and3A_596 = arith.andi %add3A_590, %and3A_595 : vector<16xi32>
    %mul3A_597 = arith.constant 31 : i32
    %mul3A_598 = vector.broadcast %mul3A_597 : i32 to vector<16xi32>
    %mul3A_599 = arith.muli %shift_right_logical3A_593, %mul3A_598 : vector<16xi32>
    %add3A_600 = arith.addi %convert_element_type3A_507, %mul3A_599 : vector<16xi32>
    %add3A_601 = arith.addi %add3A_600, %and3A_596 : vector<16xi32>
    %swap3A_602 = arith.constant 0 : index
    %swap3A_603 = tpu.vector_load %arg7[%swap3A_602] {strides = array<i32>} : memref<80xi32, #tpu.memory_space<vmem>>, vector<16xi32>,
    tpu.vector_store %arg7[%swap3A_602], %add3A_601 {strides = array<i32>} : memref<80xi32, #tpu.memory_space<vmem>>, vector<16xi32>,
    %add3A_604 = arith.constant 96 : i32
    %add3A_605 = vector.broadcast %add3A_604 : i32 to vector<16xi32>
    %add3A_606 = arith.addi %iota3A, %add3A_605 : vector<16xi32>
    %shift_right_logical3A_607 = arith.constant 2 : i32
    %shift_right_logical3A_608 = vector.broadcast %shift_right_logical3A_607 : i32 to vector<16xi32>
    %shift_right_logical3A_609 = arith.shrui %add3A_606, %shift_right_logical3A_608 : vector<16xi32>
    %and3A_610 = arith.constant 3 : i32
    %and3A_611 = vector.broadcast %and3A_610 : i32 to vector<16xi32>
    %and3A_612 = arith.andi %add3A_606, %and3A_611 : vector<16xi32>
    %mul3A_613 = arith.constant 31 : i32
    %mul3A_614 = vector.broadcast %mul3A_613 : i32 to vector<16xi32>
    %mul3A_615 = arith.muli %shift_right_logical3A_609, %mul3A_614 : vector<16xi32>
    %add3A_616 = arith.addi %convert_element_type3A_507, %mul3A_615 : vector<16xi32>
    %add3A_617 = arith.addi %add3A_616, %and3A_612 : vector<16xi32>
    %swap3A_618 = arith.constant 16 : index
    %swap3A_619 = tpu.vector_load %arg7[%swap3A_618] {strides = array<i32>} : memref<80xi32, #tpu.memory_space<vmem>>, vector<16xi32>,
    tpu.vector_store %arg7[%swap3A_618], %add3A_617 {strides = array<i32>} : memref<80xi32, #tpu.memory_space<vmem>>, vector<16xi32>,
    %add3A_620 = arith.constant 112 : i32
    %add3A_621 = vector.broadcast %add3A_620 : i32 to vector<16xi32>
    %add3A_622 = arith.addi %iota3A, %add3A_621 : vector<16xi32>
    %shift_right_logical3A_623 = arith.constant 2 : i32
    %shift_right_logical3A_624 = vector.broadcast %shift_right_logical3A_623 : i32 to vector<16xi32>
    %shift_right_logical3A_625 = arith.shrui %add3A_622, %shift_right_logical3A_624 : vector<16xi32>
    %and3A_626 = arith.constant 3 : i32
    %and3A_627 = vector.broadcast %and3A_626 : i32 to vector<16xi32>
    %and3A_628 = arith.andi %add3A_622, %and3A_627 : vector<16xi32>
    %mul3A_629 = arith.constant 31 : i32
    %mul3A_630 = vector.broadcast %mul3A_629 : i32 to vector<16xi32>
    %mul3A_631 = arith.muli %shift_right_logical3A_625, %mul3A_630 : vector<16xi32>
    %add3A_632 = arith.addi %convert_element_type3A_507, %mul3A_631 : vector<16xi32>
    %add3A_633 = arith.addi %add3A_632, %and3A_628 : vector<16xi32>
    %swap3A_634 = arith.constant 32 : index
    %swap3A_635 = tpu.vector_load %arg7[%swap3A_634] {strides = array<i32>} : memref<80xi32, #tpu.memory_space<vmem>>, vector<16xi32>,
    tpu.vector_store %arg7[%swap3A_634], %add3A_633 {strides = array<i32>} : memref<80xi32, #tpu.memory_space<vmem>>, vector<16xi32>,
    %add3A_636 = arith.constant 128 : i32
    %add3A_637 = vector.broadcast %add3A_636 : i32 to vector<16xi32>
    %add3A_638 = arith.addi %iota3A, %add3A_637 : vector<16xi32>
    %shift_right_logical3A_639 = arith.constant 2 : i32
    %shift_right_logical3A_640 = vector.broadcast %shift_right_logical3A_639 : i32 to vector<16xi32>
    %shift_right_logical3A_641 = arith.shrui %add3A_638, %shift_right_logical3A_640 : vector<16xi32>
    %and3A_642 = arith.constant 3 : i32
    %and3A_643 = vector.broadcast %and3A_642 : i32 to vector<16xi32>
    %and3A_644 = arith.andi %add3A_638, %and3A_643 : vector<16xi32>
    %mul3A_645 = arith.constant 31 : i32
    %mul3A_646 = vector.broadcast %mul3A_645 : i32 to vector<16xi32>
    %mul3A_647 = arith.muli %shift_right_logical3A_641, %mul3A_646 : vector<16xi32>
    %add3A_648 = arith.addi %convert_element_type3A_507, %mul3A_647 : vector<16xi32>
    %add3A_649 = arith.addi %add3A_648, %and3A_644 : vector<16xi32>
    %swap3A_650 = arith.constant 48 : index
    %swap3A_651 = tpu.vector_load %arg7[%swap3A_650] {strides = array<i32>} : memref<80xi32, #tpu.memory_space<vmem>>, vector<16xi32>,
    tpu.vector_store %arg7[%swap3A_650], %add3A_649 {strides = array<i32>} : memref<80xi32, #tpu.memory_space<vmem>>, vector<16xi32>,
    %add3A_652 = arith.constant 144 : i32
    %add3A_653 = vector.broadcast %add3A_652 : i32 to vector<16xi32>
    %add3A_654 = arith.addi %iota3A, %add3A_653 : vector<16xi32>
    %shift_right_logical3A_655 = arith.constant 2 : i32
    %shift_right_logical3A_656 = vector.broadcast %shift_right_logical3A_655 : i32 to vector<16xi32>
    %shift_right_logical3A_657 = arith.shrui %add3A_654, %shift_right_logical3A_656 : vector<16xi32>
    %and3A_658 = arith.constant 3 : i32
    %and3A_659 = vector.broadcast %and3A_658 : i32 to vector<16xi32>
    %and3A_660 = arith.andi %add3A_654, %and3A_659 : vector<16xi32>
    %mul3A_661 = arith.constant 31 : i32
    %mul3A_662 = vector.broadcast %mul3A_661 : i32 to vector<16xi32>
    %mul3A_663 = arith.muli %shift_right_logical3A_657, %mul3A_662 : vector<16xi32>
    %add3A_664 = arith.addi %convert_element_type3A_507, %mul3A_663 : vector<16xi32>
    %add3A_665 = arith.addi %add3A_664, %and3A_660 : vector<16xi32>
    %swap3A_666 = arith.constant 64 : index
    %swap3A_667 = tpu.vector_load %arg7[%swap3A_666] {strides = array<i32>} : memref<80xi32, #tpu.memory_space<vmem>>, vector<16xi32>,
    tpu.vector_store %arg7[%swap3A_666], %add3A_665 {strides = array<i32>} : memref<80xi32, #tpu.memory_space<vmem>>, vector<16xi32>,
    %dma_start3A_668 = arith.constant 0 : i32
    %dma_start3A_669 = arith.constant 0 : i32
    %dma_start3A_670 = tpu.memref_slice %arg8[%dma_start3A_668, %dma_start3A_669] : memref<160x16xf32, #tpu.memory_space<vmem>> -> memref<80x16xf32, #tpu.memory_space<vmem>>
    %dma_start3A_671 = arith.constant 0 : i32
    %dma_start3A_672 = arith.constant 0 : i32
    %dma_start3A_673 = tpu.memref_slice %arg2[%dma_start3A_671, %dma_start3A_672] : memref<53568x16xf32, #tpu.memory_space<hbm>> -> memref<53568x16xf32, #tpu.memory_space<hbm>>
    tpu.enqueue_indirect_dma source(%dma_start3A_673 : memref<53568x16xf32, #tpu.memory_space<hbm>>) target(%dma_start3A_670 : memref<80x16xf32, #tpu.memory_space<vmem>>) offsets(%arg6 : memref<80xi32, #tpu.memory_space<vmem>>) semaphore(%arg10 : memref<!tpu.dma_semaphore, #tpu.memory_space<semaphore_mem>>)
    %dma_start3A_674 = arith.constant 80 : i32
    %dma_start3A_675 = arith.constant 0 : i32
    %dma_start3A_676 = tpu.memref_slice %arg8[%dma_start3A_674, %dma_start3A_675] : memref<160x16xf32, #tpu.memory_space<vmem>> -> memref<80x16xf32, #tpu.memory_space<vmem>>
    %dma_start3A_677 = arith.constant 0 : i32
    %dma_start3A_678 = arith.constant 0 : i32
    %dma_start3A_679 = tpu.memref_slice %arg2[%dma_start3A_677, %dma_start3A_678] : memref<53568x16xf32, #tpu.memory_space<hbm>> -> memref<53568x16xf32, #tpu.memory_space<hbm>>
    tpu.enqueue_indirect_dma source(%dma_start3A_679 : memref<53568x16xf32, #tpu.memory_space<hbm>>) target(%dma_start3A_676 : memref<80x16xf32, #tpu.memory_space<vmem>>) offsets(%arg7 : memref<80xi32, #tpu.memory_space<vmem>>) semaphore(%arg11 : memref<!tpu.dma_semaphore, #tpu.memory_space<semaphore_mem>>)
    %dma_wait3A_680 = arith.constant 0 : i32
    %dma_wait3A_681 = arith.constant 0 : i32
    %dma_wait3A_682 = tpu.memref_slice %arg8[%dma_wait3A_680, %dma_wait3A_681] : memref<160x16xf32, #tpu.memory_space<vmem>> -> memref<80x16xf32, #tpu.memory_space<vmem>>
    %dma_wait3A_683 = arith.constant 0 : i32
    %dma_wait3A_684 = arith.constant 0 : i32
    %dma_wait3A_685 = tpu.memref_slice %arg2[%dma_wait3A_683, %dma_wait3A_684] : memref<53568x16xf32, #tpu.memory_space<hbm>> -> memref<53568x16xf32, #tpu.memory_space<hbm>>
    tpu.wait_indirect_dma semaphore(%arg10 : memref<!tpu.dma_semaphore, #tpu.memory_space<semaphore_mem>>) src(%dma_wait3A_685 : memref<53568x16xf32, #tpu.memory_space<hbm>>) dst(%dma_wait3A_682 : memref<80x16xf32, #tpu.memory_space<vmem>>)
    %dma_wait3A_686 = arith.constant 80 : i32
    %dma_wait3A_687 = arith.constant 0 : i32
    %dma_wait3A_688 = tpu.memref_slice %arg8[%dma_wait3A_686, %dma_wait3A_687] : memref<160x16xf32, #tpu.memory_space<vmem>> -> memref<80x16xf32, #tpu.memory_space<vmem>>
    %dma_wait3A_689 = arith.constant 0 : i32
    %dma_wait3A_690 = arith.constant 0 : i32
    %dma_wait3A_691 = tpu.memref_slice %arg2[%dma_wait3A_689, %dma_wait3A_690] : memref<53568x16xf32, #tpu.memory_space<hbm>> -> memref<53568x16xf32, #tpu.memory_space<hbm>>
    tpu.wait_indirect_dma semaphore(%arg11 : memref<!tpu.dma_semaphore, #tpu.memory_space<semaphore_mem>>) src(%dma_wait3A_691 : memref<53568x16xf32, #tpu.memory_space<hbm>>) dst(%dma_wait3A_688 : memref<80x16xf32, #tpu.memory_space<vmem>>)
    %add3A_692 = arith.addf %gather3A_503, %convert_element_type3A : vector<16xf32>
    %sub3A_693 = arith.subf %add3A_692, %gather3A_482 : vector<16xf32>
    %sub3A_694 = arith.subf %gather3A_500, %gather3A_485 : vector<16xf32>
    %broadcast_in_dim3A_695 = arith.constant 0.000000e+00 : f32
    %broadcast_in_dim3A_696 = vector.broadcast %broadcast_in_dim3A_695 : f32 to vector<16xf32>
    %broadcast_in_dim3A_697 = arith.constant 0.000000e+00 : f32
    %broadcast_in_dim3A_698 = vector.broadcast %broadcast_in_dim3A_697 : f32 to vector<16xf32>
    %scan3A_699 = arith.constant 0 : i32
    %scan3A_700 = arith.constant 20 : i32
    %scan3A_701 = arith.addi %scan3A_699, %scan3A_700 : i32
    %scan3A_702 = arith.constant 1 : i32
    %scan3A_703:2 = scf.for %scan3A_1694 = %scan3A_699 to %scan3A_701 step %scan3A_702 iter_args(%scan3A_1695 = %broadcast_in_dim3A_696, %scan3A_1696 = %broadcast_in_dim3A_698) -> (vector<16xf32>, vector<16xf32>)  : i32 {
      %mul3A_1697 = arith.constant 2 : i32
      %mul3A_1698 = arith.muli %mul3A_1697, %scan3A_1694 : i32
      %broadcast_in_dim3A_1699 = vector.broadcast %mul3A_1698 : i32 to vector<16xi32>
      %convert_element_type3A_1700 = arith.sitofp %broadcast_in_dim3A_1699 : vector<16xi32> to vector<16xf32>
      %mul3A_1701 = arith.constant 8 : i32
      %mul3A_1702 = arith.muli %scan3A_1694, %mul3A_1701 : i32
      %add3A_1703 = arith.constant 0 : i32
      %add3A_1704 = arith.addi %mul3A_1702, %add3A_1703 : i32
      %add3A_1705 = arith.constant 0.000000e+00 : f32
      %add3A_1706 = vector.broadcast %add3A_1705 : f32 to vector<16xf32>
      %add3A_1707 = arith.addf %convert_element_type3A_1700, %add3A_1706 : vector<16xf32>
      %add3A_1708 = arith.addf %sub3A_694, %add3A_1707 : vector<16xf32>
      %add3A_1709 = arith.constant 0.000000e+00 : f32
      %add3A_1710 = vector.broadcast %add3A_1709 : f32 to vector<16xf32>
      %add3A_1711 = arith.addf %sub3A_693, %add3A_1710 : vector<16xf32>
      %mul3A_1712 = arith.mulf %add3A_1711, %gather3A_488 : vector<16xf32>
      %mul3A_1713 = arith.mulf %add3A_1708, %gather3A_491 : vector<16xf32>
      %add3A_1714 = arith.addf %mul3A_1712, %mul3A_1713 : vector<16xf32>
      %mul3A_1715 = arith.mulf %add3A_1708, %gather3A_488 : vector<16xf32>
      %mul3A_1716 = arith.mulf %add3A_1711, %gather3A_491 : vector<16xf32>
      %sub3A_1717 = arith.subf %mul3A_1715, %mul3A_1716 : vector<16xf32>
      %abs3A = math.absf %add3A_1714 : vector<16xf32>
      %le3A = arith.cmpf ole, %abs3A, %gather3A_494 : vector<16xf32>
      %abs3A_1718 = math.absf %sub3A_1717 : vector<16xf32>
      %le3A_1719 = arith.cmpf ole, %abs3A_1718, %gather3A_497 : vector<16xf32>
      %and3A_1720 = arith.andi %le3A, %le3A_1719 : vector<16xi1>
      %broadcast_in_dim3A_1721 = vector.broadcast %add3A_1704 : i32 to vector<16xi32>
      %gather3A_1722 = tpu.vector_load_idx %arg8[%broadcast_in_dim3A_1721, %iota3A] : memref<160x16xf32, #tpu.memory_space<vmem>>[vector<16xi32>, vector<16xi32>], vector<16xf32>,
      %ne3A = arith.constant 0.000000e+00 : f32
      %ne3A_1723 = vector.broadcast %ne3A : f32 to vector<16xf32>
      %ne3A_1724 = arith.cmpf one, %gather3A_1722, %ne3A_1723 : vector<16xf32>
      %and3A_1725 = arith.andi %and3A_1720, %ne3A_1724 : vector<16xi1>
      %jit3A = arith.constant 1.000000e+00 : f32
      %jit3A_1726 = arith.constant 0.000000e+00 : f32
      %broadcast_in_dim3A_1727 = vector.broadcast %jit3A : f32 to vector<16xf32>
      %broadcast_in_dim3A_1728 = vector.broadcast %jit3A_1726 : f32 to vector<16xf32>
      %select_n3A = arith.select %and3A_1725, %broadcast_in_dim3A_1727, %broadcast_in_dim3A_1728 : vector<16xi1>, vector<16xf32>
      %add3A_1729 = arith.addf %scan3A_1695, %select_n3A : vector<16xf32>
      %eq3A = arith.constant 3.000000e+00 : f32
      %eq3A_1730 = vector.broadcast %eq3A : f32 to vector<16xf32>
      %eq3A_1731 = arith.cmpf oeq, %gather3A_1722, %eq3A_1730 : vector<16xf32>
      %and3A_1732 = arith.andi %and3A_1720, %eq3A_1731 : vector<16xi1>
      %jit3A_1733 = arith.constant 1.000000e+00 : f32
      %jit3A_1734 = arith.constant 0.000000e+00 : f32
      %broadcast_in_dim3A_1735 = vector.broadcast %jit3A_1733 : f32 to vector<16xf32>
      %broadcast_in_dim3A_1736 = vector.broadcast %jit3A_1734 : f32 to vector<16xf32>
      %select_n3A_1737 = arith.select %and3A_1732, %broadcast_in_dim3A_1735, %broadcast_in_dim3A_1736 : vector<16xi1>, vector<16xf32>
      %add3A_1738 = arith.addf %scan3A_1696, %select_n3A_1737 : vector<16xf32>
      %mul3A_1739 = arith.constant 8 : i32
      %mul3A_1740 = arith.muli %scan3A_1694, %mul3A_1739 : i32
      %add3A_1741 = arith.constant 1 : i32
      %add3A_1742 = arith.addi %mul3A_1740, %add3A_1741 : i32
      %add3A_1743 = arith.constant 0.000000e+00 : f32
      %add3A_1744 = vector.broadcast %add3A_1743 : f32 to vector<16xf32>
      %add3A_1745 = arith.addf %convert_element_type3A_1700, %add3A_1744 : vector<16xf32>
      %add3A_1746 = arith.addf %sub3A_694, %add3A_1745 : vector<16xf32>
      %add3A_1747 = arith.constant 1.600000e+01 : f32
      %add3A_1748 = vector.broadcast %add3A_1747 : f32 to vector<16xf32>
      %add3A_1749 = arith.addf %sub3A_693, %add3A_1748 : vector<16xf32>
      %mul3A_1750 = arith.mulf %add3A_1749, %gather3A_488 : vector<16xf32>
      %mul3A_1751 = arith.mulf %add3A_1746, %gather3A_491 : vector<16xf32>
      %add3A_1752 = arith.addf %mul3A_1750, %mul3A_1751 : vector<16xf32>
      %mul3A_1753 = arith.mulf %add3A_1746, %gather3A_488 : vector<16xf32>
      %mul3A_1754 = arith.mulf %add3A_1749, %gather3A_491 : vector<16xf32>
      %sub3A_1755 = arith.subf %mul3A_1753, %mul3A_1754 : vector<16xf32>
      %abs3A_1756 = math.absf %add3A_1752 : vector<16xf32>
      %le3A_1757 = arith.cmpf ole, %abs3A_1756, %gather3A_494 : vector<16xf32>
      %abs3A_1758 = math.absf %sub3A_1755 : vector<16xf32>
      %le3A_1759 = arith.cmpf ole, %abs3A_1758, %gather3A_497 : vector<16xf32>
      %and3A_1760 = arith.andi %le3A_1757, %le3A_1759 : vector<16xi1>
      %broadcast_in_dim3A_1761 = vector.broadcast %add3A_1742 : i32 to vector<16xi32>
      %gather3A_1762 = tpu.vector_load_idx %arg8[%broadcast_in_dim3A_1761, %iota3A] : memref<160x16xf32, #tpu.memory_space<vmem>>[vector<16xi32>, vector<16xi32>], vector<16xf32>,
      %ne3A_1763 = arith.constant 0.000000e+00 : f32
      %ne3A_1764 = vector.broadcast %ne3A_1763 : f32 to vector<16xf32>
      %ne3A_1765 = arith.cmpf one, %gather3A_1762, %ne3A_1764 : vector<16xf32>
      %and3A_1766 = arith.andi %and3A_1760, %ne3A_1765 : vector<16xi1>
      %jit3A_1767 = arith.constant 1.000000e+00 : f32
      %jit3A_1768 = arith.constant 0.000000e+00 : f32
      %broadcast_in_dim3A_1769 = vector.broadcast %jit3A_1767 : f32 to vector<16xf32>
      %broadcast_in_dim3A_1770 = vector.broadcast %jit3A_1768 : f32 to vector<16xf32>
      %select_n3A_1771 = arith.select %and3A_1766, %broadcast_in_dim3A_1769, %broadcast_in_dim3A_1770 : vector<16xi1>, vector<16xf32>
      %add3A_1772 = arith.addf %add3A_1729, %select_n3A_1771 : vector<16xf32>
      %eq3A_1773 = arith.constant 3.000000e+00 : f32
      %eq3A_1774 = vector.broadcast %eq3A_1773 : f32 to vector<16xf32>
      %eq3A_1775 = arith.cmpf oeq, %gather3A_1762, %eq3A_1774 : vector<16xf32>
      %and3A_1776 = arith.andi %and3A_1760, %eq3A_1775 : vector<16xi1>
      %jit3A_1777 = arith.constant 1.000000e+00 : f32
      %jit3A_1778 = arith.constant 0.000000e+00 : f32
      %broadcast_in_dim3A_1779 = vector.broadcast %jit3A_1777 : f32 to vector<16xf32>
      %broadcast_in_dim3A_1780 = vector.broadcast %jit3A_1778 : f32 to vector<16xf32>
      %select_n3A_1781 = arith.select %and3A_1776, %broadcast_in_dim3A_1779, %broadcast_in_dim3A_1780 : vector<16xi1>, vector<16xf32>
      %add3A_1782 = arith.addf %add3A_1738, %select_n3A_1781 : vector<16xf32>
      %mul3A_1783 = arith.constant 8 : i32
      %mul3A_1784 = arith.muli %scan3A_1694, %mul3A_1783 : i32
      %add3A_1785 = arith.constant 2 : i32
      %add3A_1786 = arith.addi %mul3A_1784, %add3A_1785 : i32
      %add3A_1787 = arith.constant 0.000000e+00 : f32
      %add3A_1788 = vector.broadcast %add3A_1787 : f32 to vector<16xf32>
      %add3A_1789 = arith.addf %convert_element_type3A_1700, %add3A_1788 : vector<16xf32>
      %add3A_1790 = arith.addf %sub3A_694, %add3A_1789 : vector<16xf32>
      %add3A_1791 = arith.constant 3.200000e+01 : f32
      %add3A_1792 = vector.broadcast %add3A_1791 : f32 to vector<16xf32>
      %add3A_1793 = arith.addf %sub3A_693, %add3A_1792 : vector<16xf32>
      %mul3A_1794 = arith.mulf %add3A_1793, %gather3A_488 : vector<16xf32>
      %mul3A_1795 = arith.mulf %add3A_1790, %gather3A_491 : vector<16xf32>
      %add3A_1796 = arith.addf %mul3A_1794, %mul3A_1795 : vector<16xf32>
      %mul3A_1797 = arith.mulf %add3A_1790, %gather3A_488 : vector<16xf32>
      %mul3A_1798 = arith.mulf %add3A_1793, %gather3A_491 : vector<16xf32>
      %sub3A_1799 = arith.subf %mul3A_1797, %mul3A_1798 : vector<16xf32>
      %abs3A_1800 = math.absf %add3A_1796 : vector<16xf32>
      %le3A_1801 = arith.cmpf ole, %abs3A_1800, %gather3A_494 : vector<16xf32>
      %abs3A_1802 = math.absf %sub3A_1799 : vector<16xf32>
      %le3A_1803 = arith.cmpf ole, %abs3A_1802, %gather3A_497 : vector<16xf32>
      %and3A_1804 = arith.andi %le3A_1801, %le3A_1803 : vector<16xi1>
      %broadcast_in_dim3A_1805 = vector.broadcast %add3A_1786 : i32 to vector<16xi32>
      %gather3A_1806 = tpu.vector_load_idx %arg8[%broadcast_in_dim3A_1805, %iota3A] : memref<160x16xf32, #tpu.memory_space<vmem>>[vector<16xi32>, vector<16xi32>], vector<16xf32>,
      %ne3A_1807 = arith.constant 0.000000e+00 : f32
      %ne3A_1808 = vector.broadcast %ne3A_1807 : f32 to vector<16xf32>
      %ne3A_1809 = arith.cmpf one, %gather3A_1806, %ne3A_1808 : vector<16xf32>
      %and3A_1810 = arith.andi %and3A_1804, %ne3A_1809 : vector<16xi1>
      %jit3A_1811 = arith.constant 1.000000e+00 : f32
      %jit3A_1812 = arith.constant 0.000000e+00 : f32
      %broadcast_in_dim3A_1813 = vector.broadcast %jit3A_1811 : f32 to vector<16xf32>
      %broadcast_in_dim3A_1814 = vector.broadcast %jit3A_1812 : f32 to vector<16xf32>
      %select_n3A_1815 = arith.select %and3A_1810, %broadcast_in_dim3A_1813, %broadcast_in_dim3A_1814 : vector<16xi1>, vector<16xf32>
      %add3A_1816 = arith.addf %add3A_1772, %select_n3A_1815 : vector<16xf32>
      %eq3A_1817 = arith.constant 3.000000e+00 : f32
      %eq3A_1818 = vector.broadcast %eq3A_1817 : f32 to vector<16xf32>
      %eq3A_1819 = arith.cmpf oeq, %gather3A_1806, %eq3A_1818 : vector<16xf32>
      %and3A_1820 = arith.andi %and3A_1804, %eq3A_1819 : vector<16xi1>
      %jit3A_1821 = arith.constant 1.000000e+00 : f32
      %jit3A_1822 = arith.constant 0.000000e+00 : f32
      %broadcast_in_dim3A_1823 = vector.broadcast %jit3A_1821 : f32 to vector<16xf32>
      %broadcast_in_dim3A_1824 = vector.broadcast %jit3A_1822 : f32 to vector<16xf32>
      %select_n3A_1825 = arith.select %and3A_1820, %broadcast_in_dim3A_1823, %broadcast_in_dim3A_1824 : vector<16xi1>, vector<16xf32>
      %add3A_1826 = arith.addf %add3A_1782, %select_n3A_1825 : vector<16xf32>
      %mul3A_1827 = arith.constant 8 : i32
      %mul3A_1828 = arith.muli %scan3A_1694, %mul3A_1827 : i32
      %add3A_1829 = arith.constant 3 : i32
      %add3A_1830 = arith.addi %mul3A_1828, %add3A_1829 : i32
      %add3A_1831 = arith.constant 0.000000e+00 : f32
      %add3A_1832 = vector.broadcast %add3A_1831 : f32 to vector<16xf32>
      %add3A_1833 = arith.addf %convert_element_type3A_1700, %add3A_1832 : vector<16xf32>
      %add3A_1834 = arith.addf %sub3A_694, %add3A_1833 : vector<16xf32>
      %add3A_1835 = arith.constant 4.800000e+01 : f32
      %add3A_1836 = vector.broadcast %add3A_1835 : f32 to vector<16xf32>
      %add3A_1837 = arith.addf %sub3A_693, %add3A_1836 : vector<16xf32>
      %mul3A_1838 = arith.mulf %add3A_1837, %gather3A_488 : vector<16xf32>
      %mul3A_1839 = arith.mulf %add3A_1834, %gather3A_491 : vector<16xf32>
      %add3A_1840 = arith.addf %mul3A_1838, %mul3A_1839 : vector<16xf32>
      %mul3A_1841 = arith.mulf %add3A_1834, %gather3A_488 : vector<16xf32>
      %mul3A_1842 = arith.mulf %add3A_1837, %gather3A_491 : vector<16xf32>
      %sub3A_1843 = arith.subf %mul3A_1841, %mul3A_1842 : vector<16xf32>
      %abs3A_1844 = math.absf %add3A_1840 : vector<16xf32>
      %le3A_1845 = arith.cmpf ole, %abs3A_1844, %gather3A_494 : vector<16xf32>
      %abs3A_1846 = math.absf %sub3A_1843 : vector<16xf32>
      %le3A_1847 = arith.cmpf ole, %abs3A_1846, %gather3A_497 : vector<16xf32>
      %and3A_1848 = arith.andi %le3A_1845, %le3A_1847 : vector<16xi1>
      %broadcast_in_dim3A_1849 = vector.broadcast %add3A_1830 : i32 to vector<16xi32>
      %gather3A_1850 = tpu.vector_load_idx %arg8[%broadcast_in_dim3A_1849, %iota3A] : memref<160x16xf32, #tpu.memory_space<vmem>>[vector<16xi32>, vector<16xi32>], vector<16xf32>,
      %ne3A_1851 = arith.constant 0.000000e+00 : f32
      %ne3A_1852 = vector.broadcast %ne3A_1851 : f32 to vector<16xf32>
      %ne3A_1853 = arith.cmpf one, %gather3A_1850, %ne3A_1852 : vector<16xf32>
      %and3A_1854 = arith.andi %and3A_1848, %ne3A_1853 : vector<16xi1>
      %jit3A_1855 = arith.constant 1.000000e+00 : f32
      %jit3A_1856 = arith.constant 0.000000e+00 : f32
      %broadcast_in_dim3A_1857 = vector.broadcast %jit3A_1855 : f32 to vector<16xf32>
      %broadcast_in_dim3A_1858 = vector.broadcast %jit3A_1856 : f32 to vector<16xf32>
      %select_n3A_1859 = arith.select %and3A_1854, %broadcast_in_dim3A_1857, %broadcast_in_dim3A_1858 : vector<16xi1>, vector<16xf32>
      %add3A_1860 = arith.addf %add3A_1816, %select_n3A_1859 : vector<16xf32>
      %eq3A_1861 = arith.constant 3.000000e+00 : f32
      %eq3A_1862 = vector.broadcast %eq3A_1861 : f32 to vector<16xf32>
      %eq3A_1863 = arith.cmpf oeq, %gather3A_1850, %eq3A_1862 : vector<16xf32>
      %and3A_1864 = arith.andi %and3A_1848, %eq3A_1863 : vector<16xi1>
      %jit3A_1865 = arith.constant 1.000000e+00 : f32
      %jit3A_1866 = arith.constant 0.000000e+00 : f32
      %broadcast_in_dim3A_1867 = vector.broadcast %jit3A_1865 : f32 to vector<16xf32>
      %broadcast_in_dim3A_1868 = vector.broadcast %jit3A_1866 : f32 to vector<16xf32>
      %select_n3A_1869 = arith.select %and3A_1864, %broadcast_in_dim3A_1867, %broadcast_in_dim3A_1868 : vector<16xi1>, vector<16xf32>
      %add3A_1870 = arith.addf %add3A_1826, %select_n3A_1869 : vector<16xf32>
      %mul3A_1871 = arith.constant 8 : i32
      %mul3A_1872 = arith.muli %scan3A_1694, %mul3A_1871 : i32
      %add3A_1873 = arith.constant 4 : i32
      %add3A_1874 = arith.addi %mul3A_1872, %add3A_1873 : i32
      %add3A_1875 = arith.constant 1.000000e+00 : f32
      %add3A_1876 = vector.broadcast %add3A_1875 : f32 to vector<16xf32>
      %add3A_1877 = arith.addf %convert_element_type3A_1700, %add3A_1876 : vector<16xf32>
      %add3A_1878 = arith.addf %sub3A_694, %add3A_1877 : vector<16xf32>
      %add3A_1879 = arith.constant 0.000000e+00 : f32
      %add3A_1880 = vector.broadcast %add3A_1879 : f32 to vector<16xf32>
      %add3A_1881 = arith.addf %sub3A_693, %add3A_1880 : vector<16xf32>
      %mul3A_1882 = arith.mulf %add3A_1881, %gather3A_488 : vector<16xf32>
      %mul3A_1883 = arith.mulf %add3A_1878, %gather3A_491 : vector<16xf32>
      %add3A_1884 = arith.addf %mul3A_1882, %mul3A_1883 : vector<16xf32>
      %mul3A_1885 = arith.mulf %add3A_1878, %gather3A_488 : vector<16xf32>
      %mul3A_1886 = arith.mulf %add3A_1881, %gather3A_491 : vector<16xf32>
      %sub3A_1887 = arith.subf %mul3A_1885, %mul3A_1886 : vector<16xf32>
      %abs3A_1888 = math.absf %add3A_1884 : vector<16xf32>
      %le3A_1889 = arith.cmpf ole, %abs3A_1888, %gather3A_494 : vector<16xf32>
      %abs3A_1890 = math.absf %sub3A_1887 : vector<16xf32>
      %le3A_1891 = arith.cmpf ole, %abs3A_1890, %gather3A_497 : vector<16xf32>
      %and3A_1892 = arith.andi %le3A_1889, %le3A_1891 : vector<16xi1>
      %broadcast_in_dim3A_1893 = vector.broadcast %add3A_1874 : i32 to vector<16xi32>
      %gather3A_1894 = tpu.vector_load_idx %arg8[%broadcast_in_dim3A_1893, %iota3A] : memref<160x16xf32, #tpu.memory_space<vmem>>[vector<16xi32>, vector<16xi32>], vector<16xf32>,
      %ne3A_1895 = arith.constant 0.000000e+00 : f32
      %ne3A_1896 = vector.broadcast %ne3A_1895 : f32 to vector<16xf32>
      %ne3A_1897 = arith.cmpf one, %gather3A_1894, %ne3A_1896 : vector<16xf32>
      %and3A_1898 = arith.andi %and3A_1892, %ne3A_1897 : vector<16xi1>
      %jit3A_1899 = arith.constant 1.000000e+00 : f32
      %jit3A_1900 = arith.constant 0.000000e+00 : f32
      %broadcast_in_dim3A_1901 = vector.broadcast %jit3A_1899 : f32 to vector<16xf32>
      %broadcast_in_dim3A_1902 = vector.broadcast %jit3A_1900 : f32 to vector<16xf32>
      %select_n3A_1903 = arith.select %and3A_1898, %broadcast_in_dim3A_1901, %broadcast_in_dim3A_1902 : vector<16xi1>, vector<16xf32>
      %add3A_1904 = arith.addf %add3A_1860, %select_n3A_1903 : vector<16xf32>
      %eq3A_1905 = arith.constant 3.000000e+00 : f32
      %eq3A_1906 = vector.broadcast %eq3A_1905 : f32 to vector<16xf32>
      %eq3A_1907 = arith.cmpf oeq, %gather3A_1894, %eq3A_1906 : vector<16xf32>
      %and3A_1908 = arith.andi %and3A_1892, %eq3A_1907 : vector<16xi1>
      %jit3A_1909 = arith.constant 1.000000e+00 : f32
      %jit3A_1910 = arith.constant 0.000000e+00 : f32
      %broadcast_in_dim3A_1911 = vector.broadcast %jit3A_1909 : f32 to vector<16xf32>
      %broadcast_in_dim3A_1912 = vector.broadcast %jit3A_1910 : f32 to vector<16xf32>
      %select_n3A_1913 = arith.select %and3A_1908, %broadcast_in_dim3A_1911, %broadcast_in_dim3A_1912 : vector<16xi1>, vector<16xf32>
      %add3A_1914 = arith.addf %add3A_1870, %select_n3A_1913 : vector<16xf32>
      %mul3A_1915 = arith.constant 8 : i32
      %mul3A_1916 = arith.muli %scan3A_1694, %mul3A_1915 : i32
      %add3A_1917 = arith.constant 5 : i32
      %add3A_1918 = arith.addi %mul3A_1916, %add3A_1917 : i32
      %add3A_1919 = arith.constant 1.000000e+00 : f32
      %add3A_1920 = vector.broadcast %add3A_1919 : f32 to vector<16xf32>
      %add3A_1921 = arith.addf %convert_element_type3A_1700, %add3A_1920 : vector<16xf32>
      %add3A_1922 = arith.addf %sub3A_694, %add3A_1921 : vector<16xf32>
      %add3A_1923 = arith.constant 1.600000e+01 : f32
      %add3A_1924 = vector.broadcast %add3A_1923 : f32 to vector<16xf32>
      %add3A_1925 = arith.addf %sub3A_693, %add3A_1924 : vector<16xf32>
      %mul3A_1926 = arith.mulf %add3A_1925, %gather3A_488 : vector<16xf32>
      %mul3A_1927 = arith.mulf %add3A_1922, %gather3A_491 : vector<16xf32>
      %add3A_1928 = arith.addf %mul3A_1926, %mul3A_1927 : vector<16xf32>
      %mul3A_1929 = arith.mulf %add3A_1922, %gather3A_488 : vector<16xf32>
      %mul3A_1930 = arith.mulf %add3A_1925, %gather3A_491 : vector<16xf32>
      %sub3A_1931 = arith.subf %mul3A_1929, %mul3A_1930 : vector<16xf32>
      %abs3A_1932 = math.absf %add3A_1928 : vector<16xf32>
      %le3A_1933 = arith.cmpf ole, %abs3A_1932, %gather3A_494 : vector<16xf32>
      %abs3A_1934 = math.absf %sub3A_1931 : vector<16xf32>
      %le3A_1935 = arith.cmpf ole, %abs3A_1934, %gather3A_497 : vector<16xf32>
      %and3A_1936 = arith.andi %le3A_1933, %le3A_1935 : vector<16xi1>
      %broadcast_in_dim3A_1937 = vector.broadcast %add3A_1918 : i32 to vector<16xi32>
      %gather3A_1938 = tpu.vector_load_idx %arg8[%broadcast_in_dim3A_1937, %iota3A] : memref<160x16xf32, #tpu.memory_space<vmem>>[vector<16xi32>, vector<16xi32>], vector<16xf32>,
      %ne3A_1939 = arith.constant 0.000000e+00 : f32
      %ne3A_1940 = vector.broadcast %ne3A_1939 : f32 to vector<16xf32>
      %ne3A_1941 = arith.cmpf one, %gather3A_1938, %ne3A_1940 : vector<16xf32>
      %and3A_1942 = arith.andi %and3A_1936, %ne3A_1941 : vector<16xi1>
      %jit3A_1943 = arith.constant 1.000000e+00 : f32
      %jit3A_1944 = arith.constant 0.000000e+00 : f32
      %broadcast_in_dim3A_1945 = vector.broadcast %jit3A_1943 : f32 to vector<16xf32>
      %broadcast_in_dim3A_1946 = vector.broadcast %jit3A_1944 : f32 to vector<16xf32>
      %select_n3A_1947 = arith.select %and3A_1942, %broadcast_in_dim3A_1945, %broadcast_in_dim3A_1946 : vector<16xi1>, vector<16xf32>
      %add3A_1948 = arith.addf %add3A_1904, %select_n3A_1947 : vector<16xf32>
      %eq3A_1949 = arith.constant 3.000000e+00 : f32
      %eq3A_1950 = vector.broadcast %eq3A_1949 : f32 to vector<16xf32>
      %eq3A_1951 = arith.cmpf oeq, %gather3A_1938, %eq3A_1950 : vector<16xf32>
      %and3A_1952 = arith.andi %and3A_1936, %eq3A_1951 : vector<16xi1>
      %jit3A_1953 = arith.constant 1.000000e+00 : f32
      %jit3A_1954 = arith.constant 0.000000e+00 : f32
      %broadcast_in_dim3A_1955 = vector.broadcast %jit3A_1953 : f32 to vector<16xf32>
      %broadcast_in_dim3A_1956 = vector.broadcast %jit3A_1954 : f32 to vector<16xf32>
      %select_n3A_1957 = arith.select %and3A_1952, %broadcast_in_dim3A_1955, %broadcast_in_dim3A_1956 : vector<16xi1>, vector<16xf32>
      %add3A_1958 = arith.addf %add3A_1914, %select_n3A_1957 : vector<16xf32>
      %mul3A_1959 = arith.constant 8 : i32
      %mul3A_1960 = arith.muli %scan3A_1694, %mul3A_1959 : i32
      %add3A_1961 = arith.constant 6 : i32
      %add3A_1962 = arith.addi %mul3A_1960, %add3A_1961 : i32
      %add3A_1963 = arith.constant 1.000000e+00 : f32
      %add3A_1964 = vector.broadcast %add3A_1963 : f32 to vector<16xf32>
      %add3A_1965 = arith.addf %convert_element_type3A_1700, %add3A_1964 : vector<16xf32>
      %add3A_1966 = arith.addf %sub3A_694, %add3A_1965 : vector<16xf32>
      %add3A_1967 = arith.constant 3.200000e+01 : f32
      %add3A_1968 = vector.broadcast %add3A_1967 : f32 to vector<16xf32>
      %add3A_1969 = arith.addf %sub3A_693, %add3A_1968 : vector<16xf32>
      %mul3A_1970 = arith.mulf %add3A_1969, %gather3A_488 : vector<16xf32>
      %mul3A_1971 = arith.mulf %add3A_1966, %gather3A_491 : vector<16xf32>
      %add3A_1972 = arith.addf %mul3A_1970, %mul3A_1971 : vector<16xf32>
      %mul3A_1973 = arith.mulf %add3A_1966, %gather3A_488 : vector<16xf32>
      %mul3A_1974 = arith.mulf %add3A_1969, %gather3A_491 : vector<16xf32>
      %sub3A_1975 = arith.subf %mul3A_1973, %mul3A_1974 : vector<16xf32>
      %abs3A_1976 = math.absf %add3A_1972 : vector<16xf32>
      %le3A_1977 = arith.cmpf ole, %abs3A_1976, %gather3A_494 : vector<16xf32>
      %abs3A_1978 = math.absf %sub3A_1975 : vector<16xf32>
      %le3A_1979 = arith.cmpf ole, %abs3A_1978, %gather3A_497 : vector<16xf32>
      %and3A_1980 = arith.andi %le3A_1977, %le3A_1979 : vector<16xi1>
      %broadcast_in_dim3A_1981 = vector.broadcast %add3A_1962 : i32 to vector<16xi32>
      %gather3A_1982 = tpu.vector_load_idx %arg8[%broadcast_in_dim3A_1981, %iota3A] : memref<160x16xf32, #tpu.memory_space<vmem>>[vector<16xi32>, vector<16xi32>], vector<16xf32>,
      %ne3A_1983 = arith.constant 0.000000e+00 : f32
      %ne3A_1984 = vector.broadcast %ne3A_1983 : f32 to vector<16xf32>
      %ne3A_1985 = arith.cmpf one, %gather3A_1982, %ne3A_1984 : vector<16xf32>
      %and3A_1986 = arith.andi %and3A_1980, %ne3A_1985 : vector<16xi1>
      %jit3A_1987 = arith.constant 1.000000e+00 : f32
      %jit3A_1988 = arith.constant 0.000000e+00 : f32
      %broadcast_in_dim3A_1989 = vector.broadcast %jit3A_1987 : f32 to vector<16xf32>
      %broadcast_in_dim3A_1990 = vector.broadcast %jit3A_1988 : f32 to vector<16xf32>
      %select_n3A_1991 = arith.select %and3A_1986, %broadcast_in_dim3A_1989, %broadcast_in_dim3A_1990 : vector<16xi1>, vector<16xf32>
      %add3A_1992 = arith.addf %add3A_1948, %select_n3A_1991 : vector<16xf32>
      %eq3A_1993 = arith.constant 3.000000e+00 : f32
      %eq3A_1994 = vector.broadcast %eq3A_1993 : f32 to vector<16xf32>
      %eq3A_1995 = arith.cmpf oeq, %gather3A_1982, %eq3A_1994 : vector<16xf32>
      %and3A_1996 = arith.andi %and3A_1980, %eq3A_1995 : vector<16xi1>
      %jit3A_1997 = arith.constant 1.000000e+00 : f32
      %jit3A_1998 = arith.constant 0.000000e+00 : f32
      %broadcast_in_dim3A_1999 = vector.broadcast %jit3A_1997 : f32 to vector<16xf32>
      %broadcast_in_dim3A_2000 = vector.broadcast %jit3A_1998 : f32 to vector<16xf32>
      %select_n3A_2001 = arith.select %and3A_1996, %broadcast_in_dim3A_1999, %broadcast_in_dim3A_2000 : vector<16xi1>, vector<16xf32>
      %add3A_2002 = arith.addf %add3A_1958, %select_n3A_2001 : vector<16xf32>
      %mul3A_2003 = arith.constant 8 : i32
      %mul3A_2004 = arith.muli %scan3A_1694, %mul3A_2003 : i32
      %add3A_2005 = arith.constant 7 : i32
      %add3A_2006 = arith.addi %mul3A_2004, %add3A_2005 : i32
      %add3A_2007 = arith.constant 1.000000e+00 : f32
      %add3A_2008 = vector.broadcast %add3A_2007 : f32 to vector<16xf32>
      %add3A_2009 = arith.addf %convert_element_type3A_1700, %add3A_2008 : vector<16xf32>
      %add3A_2010 = arith.addf %sub3A_694, %add3A_2009 : vector<16xf32>
      %add3A_2011 = arith.constant 4.800000e+01 : f32
      %add3A_2012 = vector.broadcast %add3A_2011 : f32 to vector<16xf32>
      %add3A_2013 = arith.addf %sub3A_693, %add3A_2012 : vector<16xf32>
      %mul3A_2014 = arith.mulf %add3A_2013, %gather3A_488 : vector<16xf32>
      %mul3A_2015 = arith.mulf %add3A_2010, %gather3A_491 : vector<16xf32>
      %add3A_2016 = arith.addf %mul3A_2014, %mul3A_2015 : vector<16xf32>
      %mul3A_2017 = arith.mulf %add3A_2010, %gather3A_488 : vector<16xf32>
      %mul3A_2018 = arith.mulf %add3A_2013, %gather3A_491 : vector<16xf32>
      %sub3A_2019 = arith.subf %mul3A_2017, %mul3A_2018 : vector<16xf32>
      %abs3A_2020 = math.absf %add3A_2016 : vector<16xf32>
      %le3A_2021 = arith.cmpf ole, %abs3A_2020, %gather3A_494 : vector<16xf32>
      %abs3A_2022 = math.absf %sub3A_2019 : vector<16xf32>
      %le3A_2023 = arith.cmpf ole, %abs3A_2022, %gather3A_497 : vector<16xf32>
      %and3A_2024 = arith.andi %le3A_2021, %le3A_2023 : vector<16xi1>
      %broadcast_in_dim3A_2025 = vector.broadcast %add3A_2006 : i32 to vector<16xi32>
      %gather3A_2026 = tpu.vector_load_idx %arg8[%broadcast_in_dim3A_2025, %iota3A] : memref<160x16xf32, #tpu.memory_space<vmem>>[vector<16xi32>, vector<16xi32>], vector<16xf32>,
      %ne3A_2027 = arith.constant 0.000000e+00 : f32
      %ne3A_2028 = vector.broadcast %ne3A_2027 : f32 to vector<16xf32>
      %ne3A_2029 = arith.cmpf one, %gather3A_2026, %ne3A_2028 : vector<16xf32>
      %and3A_2030 = arith.andi %and3A_2024, %ne3A_2029 : vector<16xi1>
      %jit3A_2031 = arith.constant 1.000000e+00 : f32
      %jit3A_2032 = arith.constant 0.000000e+00 : f32
      %broadcast_in_dim3A_2033 = vector.broadcast %jit3A_2031 : f32 to vector<16xf32>
      %broadcast_in_dim3A_2034 = vector.broadcast %jit3A_2032 : f32 to vector<16xf32>
      %select_n3A_2035 = arith.select %and3A_2030, %broadcast_in_dim3A_2033, %broadcast_in_dim3A_2034 : vector<16xi1>, vector<16xf32>
      %add3A_2036 = arith.addf %add3A_1992, %select_n3A_2035 : vector<16xf32>
      %eq3A_2037 = arith.constant 3.000000e+00 : f32
      %eq3A_2038 = vector.broadcast %eq3A_2037 : f32 to vector<16xf32>
      %eq3A_2039 = arith.cmpf oeq, %gather3A_2026, %eq3A_2038 : vector<16xf32>
      %and3A_2040 = arith.andi %and3A_2024, %eq3A_2039 : vector<16xi1>
      %jit3A_2041 = arith.constant 1.000000e+00 : f32
      %jit3A_2042 = arith.constant 0.000000e+00 : f32
      %broadcast_in_dim3A_2043 = vector.broadcast %jit3A_2041 : f32 to vector<16xf32>
      %broadcast_in_dim3A_2044 = vector.broadcast %jit3A_2042 : f32 to vector<16xf32>
      %select_n3A_2045 = arith.select %and3A_2040, %broadcast_in_dim3A_2043, %broadcast_in_dim3A_2044 : vector<16xi1>, vector<16xf32>
      %add3A_2046 = arith.addf %add3A_2002, %select_n3A_2045 : vector<16xf32>
      scf.yield %add3A_2036, %add3A_2046 : vector<16xf32>, vector<16xf32>
    }
    %scan3A_704 = arith.constant 20 : i32
    %reduce_sum3A_705 = arith.constant true
    %reduce_sum3A_706 = vector.broadcast %reduce_sum3A_705 : i1 to vector<16xi1>
    %reduce_sum3A_707 = tpu.scan <sum>, %scan3A_703#0 masked %reduce_sum3A_706 : vector<16xf32>, vector<16xi1> -> vector<16xf32>
    %reduce_sum3A_708 = vector.extract %reduce_sum3A_707[15] : f32 from vector<16xf32>
    %reduce_sum3A_709 = arith.constant true
    %reduce_sum3A_710 = vector.broadcast %reduce_sum3A_709 : i1 to vector<16xi1>
    %reduce_sum3A_711 = tpu.scan <sum>, %scan3A_703#1 masked %reduce_sum3A_710 : vector<16xf32>, vector<16xi1> -> vector<16xf32>
    %reduce_sum3A_712 = vector.extract %reduce_sum3A_711[15] : f32 from vector<16xf32>
    %broadcast_in_dim3A_713 = vector.broadcast %reduce_sum3A_712 : f32 to vector<16xf32>
    %broadcast_in_dim3A_714 = vector.broadcast %reduce_sum3A_708 : f32 to vector<16xf32>
    %max3A_715 = arith.constant 1.000000e+00 : f32
    %max3A_716 = vector.broadcast %max3A_715 : f32 to vector<16xf32>
    %max3A_717 = arith.maximumf %broadcast_in_dim3A_714, %max3A_716 : vector<16xf32>
    %div3A_718 = arith.divf %broadcast_in_dim3A_713, %max3A_717 : vector<16xf32>
    %add3A_719 = arith.addf %add3A_476, %div3A_718 : vector<16xf32>
    %add3A_720 = arith.constant 96 : i32
    %add3A_721 = arith.addi %add3A, %add3A_720 : i32
    %broadcast_in_dim3A_722 = vector.broadcast %add3A_721 : i32 to vector<16xi32>
    %broadcast_in_dim3A_723 = arith.constant 0 : i32
    %broadcast_in_dim3A_724 = vector.broadcast %broadcast_in_dim3A_723 : i32 to vector<16xi32>
    %gather3A_725 = tpu.vector_load_idx %arg5[%broadcast_in_dim3A_724, %broadcast_in_dim3A_722] : memref<9x224xf32, #tpu.memory_space<vmem>>[vector<16xi32>, vector<16xi32>], vector<16xf32>,
    %broadcast_in_dim3A_726 = arith.constant 1 : i32
    %broadcast_in_dim3A_727 = vector.broadcast %broadcast_in_dim3A_726 : i32 to vector<16xi32>
    %gather3A_728 = tpu.vector_load_idx %arg5[%broadcast_in_dim3A_727, %broadcast_in_dim3A_722] : memref<9x224xf32, #tpu.memory_space<vmem>>[vector<16xi32>, vector<16xi32>], vector<16xf32>,
    %broadcast_in_dim3A_729 = arith.constant 2 : i32
    %broadcast_in_dim3A_730 = vector.broadcast %broadcast_in_dim3A_729 : i32 to vector<16xi32>
    %gather3A_731 = tpu.vector_load_idx %arg5[%broadcast_in_dim3A_730, %broadcast_in_dim3A_722] : memref<9x224xf32, #tpu.memory_space<vmem>>[vector<16xi32>, vector<16xi32>], vector<16xf32>,
    %broadcast_in_dim3A_732 = arith.constant 3 : i32
    %broadcast_in_dim3A_733 = vector.broadcast %broadcast_in_dim3A_732 : i32 to vector<16xi32>
    %gather3A_734 = tpu.vector_load_idx %arg5[%broadcast_in_dim3A_733, %broadcast_in_dim3A_722] : memref<9x224xf32, #tpu.memory_space<vmem>>[vector<16xi32>, vector<16xi32>], vector<16xf32>,
    %broadcast_in_dim3A_735 = arith.constant 4 : i32
    %broadcast_in_dim3A_736 = vector.broadcast %broadcast_in_dim3A_735 : i32 to vector<16xi32>
    %gather3A_737 = tpu.vector_load_idx %arg5[%broadcast_in_dim3A_736, %broadcast_in_dim3A_722] : memref<9x224xf32, #tpu.memory_space<vmem>>[vector<16xi32>, vector<16xi32>], vector<16xf32>,
    %broadcast_in_dim3A_738 = arith.constant 5 : i32
    %broadcast_in_dim3A_739 = vector.broadcast %broadcast_in_dim3A_738 : i32 to vector<16xi32>
    %gather3A_740 = tpu.vector_load_idx %arg5[%broadcast_in_dim3A_739, %broadcast_in_dim3A_722] : memref<9x224xf32, #tpu.memory_space<vmem>>[vector<16xi32>, vector<16xi32>], vector<16xf32>,
    %broadcast_in_dim3A_741 = arith.constant 6 : i32
    %broadcast_in_dim3A_742 = vector.broadcast %broadcast_in_dim3A_741 : i32 to vector<16xi32>
    %gather3A_743 = tpu.vector_load_idx %arg5[%broadcast_in_dim3A_742, %broadcast_in_dim3A_722] : memref<9x224xf32, #tpu.memory_space<vmem>>[vector<16xi32>, vector<16xi32>], vector<16xf32>,
    %broadcast_in_dim3A_744 = arith.constant 7 : i32
    %broadcast_in_dim3A_745 = vector.broadcast %broadcast_in_dim3A_744 : i32 to vector<16xi32>
    %gather3A_746 = tpu.vector_load_idx %arg5[%broadcast_in_dim3A_745, %broadcast_in_dim3A_722] : memref<9x224xf32, #tpu.memory_space<vmem>>[vector<16xi32>, vector<16xi32>], vector<16xf32>,
    %broadcast_in_dim3A_747 = arith.constant 8 : i32
    %broadcast_in_dim3A_748 = vector.broadcast %broadcast_in_dim3A_747 : i32 to vector<16xi32>
    %gather3A_749 = tpu.vector_load_idx %arg5[%broadcast_in_dim3A_748, %broadcast_in_dim3A_722] : memref<9x224xf32, #tpu.memory_space<vmem>>[vector<16xi32>, vector<16xi32>], vector<16xf32>,
    %convert_element_type3A_750 = arith.fptosi %gather3A_749 : vector<16xf32> to vector<16xi32>
    %add3A_751 = arith.constant 0 : i32
    %add3A_752 = vector.broadcast %add3A_751 : i32 to vector<16xi32>
    %add3A_753 = arith.addi %iota3A, %add3A_752 : vector<16xi32>
    %shift_right_logical3A_754 = arith.constant 2 : i32
    %shift_right_logical3A_755 = vector.broadcast %shift_right_logical3A_754 : i32 to vector<16xi32>
    %shift_right_logical3A_756 = arith.shrui %add3A_753, %shift_right_logical3A_755 : vector<16xi32>
    %and3A_757 = arith.constant 3 : i32
    %and3A_758 = vector.broadcast %and3A_757 : i32 to vector<16xi32>
    %and3A_759 = arith.andi %add3A_753, %and3A_758 : vector<16xi32>
    %mul3A_760 = arith.constant 31 : i32
    %mul3A_761 = vector.broadcast %mul3A_760 : i32 to vector<16xi32>
    %mul3A_762 = arith.muli %shift_right_logical3A_756, %mul3A_761 : vector<16xi32>
    %add3A_763 = arith.addi %convert_element_type3A_750, %mul3A_762 : vector<16xi32>
    %add3A_764 = arith.addi %add3A_763, %and3A_759 : vector<16xi32>
    %swap3A_765 = arith.constant 0 : index
    %swap3A_766 = tpu.vector_load %arg6[%swap3A_765] {strides = array<i32>} : memref<80xi32, #tpu.memory_space<vmem>>, vector<16xi32>,
    tpu.vector_store %arg6[%swap3A_765], %add3A_764 {strides = array<i32>} : memref<80xi32, #tpu.memory_space<vmem>>, vector<16xi32>,
    %add3A_767 = arith.constant 16 : i32
    %add3A_768 = vector.broadcast %add3A_767 : i32 to vector<16xi32>
    %add3A_769 = arith.addi %iota3A, %add3A_768 : vector<16xi32>
    %shift_right_logical3A_770 = arith.constant 2 : i32
    %shift_right_logical3A_771 = vector.broadcast %shift_right_logical3A_770 : i32 to vector<16xi32>
    %shift_right_logical3A_772 = arith.shrui %add3A_769, %shift_right_logical3A_771 : vector<16xi32>
    %and3A_773 = arith.constant 3 : i32
    %and3A_774 = vector.broadcast %and3A_773 : i32 to vector<16xi32>
    %and3A_775 = arith.andi %add3A_769, %and3A_774 : vector<16xi32>
    %mul3A_776 = arith.constant 31 : i32
    %mul3A_777 = vector.broadcast %mul3A_776 : i32 to vector<16xi32>
    %mul3A_778 = arith.muli %shift_right_logical3A_772, %mul3A_777 : vector<16xi32>
    %add3A_779 = arith.addi %convert_element_type3A_750, %mul3A_778 : vector<16xi32>
    %add3A_780 = arith.addi %add3A_779, %and3A_775 : vector<16xi32>
    %swap3A_781 = arith.constant 16 : index
    %swap3A_782 = tpu.vector_load %arg6[%swap3A_781] {strides = array<i32>} : memref<80xi32, #tpu.memory_space<vmem>>, vector<16xi32>,
    tpu.vector_store %arg6[%swap3A_781], %add3A_780 {strides = array<i32>} : memref<80xi32, #tpu.memory_space<vmem>>, vector<16xi32>,
    %add3A_783 = arith.constant 32 : i32
    %add3A_784 = vector.broadcast %add3A_783 : i32 to vector<16xi32>
    %add3A_785 = arith.addi %iota3A, %add3A_784 : vector<16xi32>
    %shift_right_logical3A_786 = arith.constant 2 : i32
    %shift_right_logical3A_787 = vector.broadcast %shift_right_logical3A_786 : i32 to vector<16xi32>
    %shift_right_logical3A_788 = arith.shrui %add3A_785, %shift_right_logical3A_787 : vector<16xi32>
    %and3A_789 = arith.constant 3 : i32
    %and3A_790 = vector.broadcast %and3A_789 : i32 to vector<16xi32>
    %and3A_791 = arith.andi %add3A_785, %and3A_790 : vector<16xi32>
    %mul3A_792 = arith.constant 31 : i32
    %mul3A_793 = vector.broadcast %mul3A_792 : i32 to vector<16xi32>
    %mul3A_794 = arith.muli %shift_right_logical3A_788, %mul3A_793 : vector<16xi32>
    %add3A_795 = arith.addi %convert_element_type3A_750, %mul3A_794 : vector<16xi32>
    %add3A_796 = arith.addi %add3A_795, %and3A_791 : vector<16xi32>
    %swap3A_797 = arith.constant 32 : index
    %swap3A_798 = tpu.vector_load %arg6[%swap3A_797] {strides = array<i32>} : memref<80xi32, #tpu.memory_space<vmem>>, vector<16xi32>,
    tpu.vector_store %arg6[%swap3A_797], %add3A_796 {strides = array<i32>} : memref<80xi32, #tpu.memory_space<vmem>>, vector<16xi32>,
    %add3A_799 = arith.constant 48 : i32
    %add3A_800 = vector.broadcast %add3A_799 : i32 to vector<16xi32>
    %add3A_801 = arith.addi %iota3A, %add3A_800 : vector<16xi32>
    %shift_right_logical3A_802 = arith.constant 2 : i32
    %shift_right_logical3A_803 = vector.broadcast %shift_right_logical3A_802 : i32 to vector<16xi32>
    %shift_right_logical3A_804 = arith.shrui %add3A_801, %shift_right_logical3A_803 : vector<16xi32>
    %and3A_805 = arith.constant 3 : i32
    %and3A_806 = vector.broadcast %and3A_805 : i32 to vector<16xi32>
    %and3A_807 = arith.andi %add3A_801, %and3A_806 : vector<16xi32>
    %mul3A_808 = arith.constant 31 : i32
    %mul3A_809 = vector.broadcast %mul3A_808 : i32 to vector<16xi32>
    %mul3A_810 = arith.muli %shift_right_logical3A_804, %mul3A_809 : vector<16xi32>
    %add3A_811 = arith.addi %convert_element_type3A_750, %mul3A_810 : vector<16xi32>
    %add3A_812 = arith.addi %add3A_811, %and3A_807 : vector<16xi32>
    %swap3A_813 = arith.constant 48 : index
    %swap3A_814 = tpu.vector_load %arg6[%swap3A_813] {strides = array<i32>} : memref<80xi32, #tpu.memory_space<vmem>>, vector<16xi32>,
    tpu.vector_store %arg6[%swap3A_813], %add3A_812 {strides = array<i32>} : memref<80xi32, #tpu.memory_space<vmem>>, vector<16xi32>,
    %add3A_815 = arith.constant 64 : i32
    %add3A_816 = vector.broadcast %add3A_815 : i32 to vector<16xi32>
    %add3A_817 = arith.addi %iota3A, %add3A_816 : vector<16xi32>
    %shift_right_logical3A_818 = arith.constant 2 : i32
    %shift_right_logical3A_819 = vector.broadcast %shift_right_logical3A_818 : i32 to vector<16xi32>
    %shift_right_logical3A_820 = arith.shrui %add3A_817, %shift_right_logical3A_819 : vector<16xi32>
    %and3A_821 = arith.constant 3 : i32
    %and3A_822 = vector.broadcast %and3A_821 : i32 to vector<16xi32>
    %and3A_823 = arith.andi %add3A_817, %and3A_822 : vector<16xi32>
    %mul3A_824 = arith.constant 31 : i32
    %mul3A_825 = vector.broadcast %mul3A_824 : i32 to vector<16xi32>
    %mul3A_826 = arith.muli %shift_right_logical3A_820, %mul3A_825 : vector<16xi32>
    %add3A_827 = arith.addi %convert_element_type3A_750, %mul3A_826 : vector<16xi32>
    %add3A_828 = arith.addi %add3A_827, %and3A_823 : vector<16xi32>
    %swap3A_829 = arith.constant 64 : index
    %swap3A_830 = tpu.vector_load %arg6[%swap3A_829] {strides = array<i32>} : memref<80xi32, #tpu.memory_space<vmem>>, vector<16xi32>,
    tpu.vector_store %arg6[%swap3A_829], %add3A_828 {strides = array<i32>} : memref<80xi32, #tpu.memory_space<vmem>>, vector<16xi32>,
    %add3A_831 = arith.constant 80 : i32
    %add3A_832 = vector.broadcast %add3A_831 : i32 to vector<16xi32>
    %add3A_833 = arith.addi %iota3A, %add3A_832 : vector<16xi32>
    %shift_right_logical3A_834 = arith.constant 2 : i32
    %shift_right_logical3A_835 = vector.broadcast %shift_right_logical3A_834 : i32 to vector<16xi32>
    %shift_right_logical3A_836 = arith.shrui %add3A_833, %shift_right_logical3A_835 : vector<16xi32>
    %and3A_837 = arith.constant 3 : i32
    %and3A_838 = vector.broadcast %and3A_837 : i32 to vector<16xi32>
    %and3A_839 = arith.andi %add3A_833, %and3A_838 : vector<16xi32>
    %mul3A_840 = arith.constant 31 : i32
    %mul3A_841 = vector.broadcast %mul3A_840 : i32 to vector<16xi32>
    %mul3A_842 = arith.muli %shift_right_logical3A_836, %mul3A_841 : vector<16xi32>
    %add3A_843 = arith.addi %convert_element_type3A_750, %mul3A_842 : vector<16xi32>
    %add3A_844 = arith.addi %add3A_843, %and3A_839 : vector<16xi32>
    %swap3A_845 = arith.constant 0 : index
    %swap3A_846 = tpu.vector_load %arg7[%swap3A_845] {strides = array<i32>} : memref<80xi32, #tpu.memory_space<vmem>>, vector<16xi32>,
    tpu.vector_store %arg7[%swap3A_845], %add3A_844 {strides = array<i32>} : memref<80xi32, #tpu.memory_space<vmem>>, vector<16xi32>,
    %add3A_847 = arith.constant 96 : i32
    %add3A_848 = vector.broadcast %add3A_847 : i32 to vector<16xi32>
    %add3A_849 = arith.addi %iota3A, %add3A_848 : vector<16xi32>
    %shift_right_logical3A_850 = arith.constant 2 : i32
    %shift_right_logical3A_851 = vector.broadcast %shift_right_logical3A_850 : i32 to vector<16xi32>
    %shift_right_logical3A_852 = arith.shrui %add3A_849, %shift_right_logical3A_851 : vector<16xi32>
    %and3A_853 = arith.constant 3 : i32
    %and3A_854 = vector.broadcast %and3A_853 : i32 to vector<16xi32>
    %and3A_855 = arith.andi %add3A_849, %and3A_854 : vector<16xi32>
    %mul3A_856 = arith.constant 31 : i32
    %mul3A_857 = vector.broadcast %mul3A_856 : i32 to vector<16xi32>
    %mul3A_858 = arith.muli %shift_right_logical3A_852, %mul3A_857 : vector<16xi32>
    %add3A_859 = arith.addi %convert_element_type3A_750, %mul3A_858 : vector<16xi32>
    %add3A_860 = arith.addi %add3A_859, %and3A_855 : vector<16xi32>
    %swap3A_861 = arith.constant 16 : index
    %swap3A_862 = tpu.vector_load %arg7[%swap3A_861] {strides = array<i32>} : memref<80xi32, #tpu.memory_space<vmem>>, vector<16xi32>,
    tpu.vector_store %arg7[%swap3A_861], %add3A_860 {strides = array<i32>} : memref<80xi32, #tpu.memory_space<vmem>>, vector<16xi32>,
    %add3A_863 = arith.constant 112 : i32
    %add3A_864 = vector.broadcast %add3A_863 : i32 to vector<16xi32>
    %add3A_865 = arith.addi %iota3A, %add3A_864 : vector<16xi32>
    %shift_right_logical3A_866 = arith.constant 2 : i32
    %shift_right_logical3A_867 = vector.broadcast %shift_right_logical3A_866 : i32 to vector<16xi32>
    %shift_right_logical3A_868 = arith.shrui %add3A_865, %shift_right_logical3A_867 : vector<16xi32>
    %and3A_869 = arith.constant 3 : i32
    %and3A_870 = vector.broadcast %and3A_869 : i32 to vector<16xi32>
    %and3A_871 = arith.andi %add3A_865, %and3A_870 : vector<16xi32>
    %mul3A_872 = arith.constant 31 : i32
    %mul3A_873 = vector.broadcast %mul3A_872 : i32 to vector<16xi32>
    %mul3A_874 = arith.muli %shift_right_logical3A_868, %mul3A_873 : vector<16xi32>
    %add3A_875 = arith.addi %convert_element_type3A_750, %mul3A_874 : vector<16xi32>
    %add3A_876 = arith.addi %add3A_875, %and3A_871 : vector<16xi32>
    %swap3A_877 = arith.constant 32 : index
    %swap3A_878 = tpu.vector_load %arg7[%swap3A_877] {strides = array<i32>} : memref<80xi32, #tpu.memory_space<vmem>>, vector<16xi32>,
    tpu.vector_store %arg7[%swap3A_877], %add3A_876 {strides = array<i32>} : memref<80xi32, #tpu.memory_space<vmem>>, vector<16xi32>,
    %add3A_879 = arith.constant 128 : i32
    %add3A_880 = vector.broadcast %add3A_879 : i32 to vector<16xi32>
    %add3A_881 = arith.addi %iota3A, %add3A_880 : vector<16xi32>
    %shift_right_logical3A_882 = arith.constant 2 : i32
    %shift_right_logical3A_883 = vector.broadcast %shift_right_logical3A_882 : i32 to vector<16xi32>
    %shift_right_logical3A_884 = arith.shrui %add3A_881, %shift_right_logical3A_883 : vector<16xi32>
    %and3A_885 = arith.constant 3 : i32
    %and3A_886 = vector.broadcast %and3A_885 : i32 to vector<16xi32>
    %and3A_887 = arith.andi %add3A_881, %and3A_886 : vector<16xi32>
    %mul3A_888 = arith.constant 31 : i32
    %mul3A_889 = vector.broadcast %mul3A_888 : i32 to vector<16xi32>
    %mul3A_890 = arith.muli %shift_right_logical3A_884, %mul3A_889 : vector<16xi32>
    %add3A_891 = arith.addi %convert_element_type3A_750, %mul3A_890 : vector<16xi32>
    %add3A_892 = arith.addi %add3A_891, %and3A_887 : vector<16xi32>
    %swap3A_893 = arith.constant 48 : index
    %swap3A_894 = tpu.vector_load %arg7[%swap3A_893] {strides = array<i32>} : memref<80xi32, #tpu.memory_space<vmem>>, vector<16xi32>,
    tpu.vector_store %arg7[%swap3A_893], %add3A_892 {strides = array<i32>} : memref<80xi32, #tpu.memory_space<vmem>>, vector<16xi32>,
    %add3A_895 = arith.constant 144 : i32
    %add3A_896 = vector.broadcast %add3A_895 : i32 to vector<16xi32>
    %add3A_897 = arith.addi %iota3A, %add3A_896 : vector<16xi32>
    %shift_right_logical3A_898 = arith.constant 2 : i32
    %shift_right_logical3A_899 = vector.broadcast %shift_right_logical3A_898 : i32 to vector<16xi32>
    %shift_right_logical3A_900 = arith.shrui %add3A_897, %shift_right_logical3A_899 : vector<16xi32>
    %and3A_901 = arith.constant 3 : i32
    %and3A_902 = vector.broadcast %and3A_901 : i32 to vector<16xi32>
    %and3A_903 = arith.andi %add3A_897, %and3A_902 : vector<16xi32>
    %mul3A_904 = arith.constant 31 : i32
    %mul3A_905 = vector.broadcast %mul3A_904 : i32 to vector<16xi32>
    %mul3A_906 = arith.muli %shift_right_logical3A_900, %mul3A_905 : vector<16xi32>
    %add3A_907 = arith.addi %convert_element_type3A_750, %mul3A_906 : vector<16xi32>
    %add3A_908 = arith.addi %add3A_907, %and3A_903 : vector<16xi32>
    %swap3A_909 = arith.constant 64 : index
    %swap3A_910 = tpu.vector_load %arg7[%swap3A_909] {strides = array<i32>} : memref<80xi32, #tpu.memory_space<vmem>>, vector<16xi32>,
    tpu.vector_store %arg7[%swap3A_909], %add3A_908 {strides = array<i32>} : memref<80xi32, #tpu.memory_space<vmem>>, vector<16xi32>,
    %dma_start3A_911 = arith.constant 0 : i32
    %dma_start3A_912 = arith.constant 0 : i32
    %dma_start3A_913 = tpu.memref_slice %arg8[%dma_start3A_911, %dma_start3A_912] : memref<160x16xf32, #tpu.memory_space<vmem>> -> memref<80x16xf32, #tpu.memory_space<vmem>>
    %dma_start3A_914 = arith.constant 0 : i32
    %dma_start3A_915 = arith.constant 0 : i32
    %dma_start3A_916 = tpu.memref_slice %arg2[%dma_start3A_914, %dma_start3A_915] : memref<53568x16xf32, #tpu.memory_space<hbm>> -> memref<53568x16xf32, #tpu.memory_space<hbm>>
    tpu.enqueue_indirect_dma source(%dma_start3A_916 : memref<53568x16xf32, #tpu.memory_space<hbm>>) target(%dma_start3A_913 : memref<80x16xf32, #tpu.memory_space<vmem>>) offsets(%arg6 : memref<80xi32, #tpu.memory_space<vmem>>) semaphore(%arg10 : memref<!tpu.dma_semaphore, #tpu.memory_space<semaphore_mem>>)
    %dma_start3A_917 = arith.constant 80 : i32
    %dma_start3A_918 = arith.constant 0 : i32
    %dma_start3A_919 = tpu.memref_slice %arg8[%dma_start3A_917, %dma_start3A_918] : memref<160x16xf32, #tpu.memory_space<vmem>> -> memref<80x16xf32, #tpu.memory_space<vmem>>
    %dma_start3A_920 = arith.constant 0 : i32
    %dma_start3A_921 = arith.constant 0 : i32
    %dma_start3A_922 = tpu.memref_slice %arg2[%dma_start3A_920, %dma_start3A_921] : memref<53568x16xf32, #tpu.memory_space<hbm>> -> memref<53568x16xf32, #tpu.memory_space<hbm>>
    tpu.enqueue_indirect_dma source(%dma_start3A_922 : memref<53568x16xf32, #tpu.memory_space<hbm>>) target(%dma_start3A_919 : memref<80x16xf32, #tpu.memory_space<vmem>>) offsets(%arg7 : memref<80xi32, #tpu.memory_space<vmem>>) semaphore(%arg11 : memref<!tpu.dma_semaphore, #tpu.memory_space<semaphore_mem>>)
    %dma_wait3A_923 = arith.constant 0 : i32
    %dma_wait3A_924 = arith.constant 0 : i32
    %dma_wait3A_925 = tpu.memref_slice %arg8[%dma_wait3A_923, %dma_wait3A_924] : memref<160x16xf32, #tpu.memory_space<vmem>> -> memref<80x16xf32, #tpu.memory_space<vmem>>
    %dma_wait3A_926 = arith.constant 0 : i32
    %dma_wait3A_927 = arith.constant 0 : i32
    %dma_wait3A_928 = tpu.memref_slice %arg2[%dma_wait3A_926, %dma_wait3A_927] : memref<53568x16xf32, #tpu.memory_space<hbm>> -> memref<53568x16xf32, #tpu.memory_space<hbm>>
    tpu.wait_indirect_dma semaphore(%arg10 : memref<!tpu.dma_semaphore, #tpu.memory_space<semaphore_mem>>) src(%dma_wait3A_928 : memref<53568x16xf32, #tpu.memory_space<hbm>>) dst(%dma_wait3A_925 : memref<80x16xf32, #tpu.memory_space<vmem>>)
    %dma_wait3A_929 = arith.constant 80 : i32
    %dma_wait3A_930 = arith.constant 0 : i32
    %dma_wait3A_931 = tpu.memref_slice %arg8[%dma_wait3A_929, %dma_wait3A_930] : memref<160x16xf32, #tpu.memory_space<vmem>> -> memref<80x16xf32, #tpu.memory_space<vmem>>
    %dma_wait3A_932 = arith.constant 0 : i32
    %dma_wait3A_933 = arith.constant 0 : i32
    %dma_wait3A_934 = tpu.memref_slice %arg2[%dma_wait3A_932, %dma_wait3A_933] : memref<53568x16xf32, #tpu.memory_space<hbm>> -> memref<53568x16xf32, #tpu.memory_space<hbm>>
    tpu.wait_indirect_dma semaphore(%arg11 : memref<!tpu.dma_semaphore, #tpu.memory_space<semaphore_mem>>) src(%dma_wait3A_934 : memref<53568x16xf32, #tpu.memory_space<hbm>>) dst(%dma_wait3A_931 : memref<80x16xf32, #tpu.memory_space<vmem>>)
    %add3A_935 = arith.addf %gather3A_746, %convert_element_type3A : vector<16xf32>
    %sub3A_936 = arith.subf %add3A_935, %gather3A_725 : vector<16xf32>
    %sub3A_937 = arith.subf %gather3A_743, %gather3A_728 : vector<16xf32>
    %broadcast_in_dim3A_938 = arith.constant 0.000000e+00 : f32
    %broadcast_in_dim3A_939 = vector.broadcast %broadcast_in_dim3A_938 : f32 to vector<16xf32>
    %broadcast_in_dim3A_940 = arith.constant 0.000000e+00 : f32
    %broadcast_in_dim3A_941 = vector.broadcast %broadcast_in_dim3A_940 : f32 to vector<16xf32>
    %scan3A_942 = arith.constant 0 : i32
    %scan3A_943 = arith.constant 20 : i32
    %scan3A_944 = arith.addi %scan3A_942, %scan3A_943 : i32
    %scan3A_945 = arith.constant 1 : i32
    %scan3A_946:2 = scf.for %scan3A_1694 = %scan3A_942 to %scan3A_944 step %scan3A_945 iter_args(%scan3A_1695 = %broadcast_in_dim3A_939, %scan3A_1696 = %broadcast_in_dim3A_941) -> (vector<16xf32>, vector<16xf32>)  : i32 {
      %mul3A_1697 = arith.constant 2 : i32
      %mul3A_1698 = arith.muli %mul3A_1697, %scan3A_1694 : i32
      %broadcast_in_dim3A_1699 = vector.broadcast %mul3A_1698 : i32 to vector<16xi32>
      %convert_element_type3A_1700 = arith.sitofp %broadcast_in_dim3A_1699 : vector<16xi32> to vector<16xf32>
      %mul3A_1701 = arith.constant 8 : i32
      %mul3A_1702 = arith.muli %scan3A_1694, %mul3A_1701 : i32
      %add3A_1703 = arith.constant 0 : i32
      %add3A_1704 = arith.addi %mul3A_1702, %add3A_1703 : i32
      %add3A_1705 = arith.constant 0.000000e+00 : f32
      %add3A_1706 = vector.broadcast %add3A_1705 : f32 to vector<16xf32>
      %add3A_1707 = arith.addf %convert_element_type3A_1700, %add3A_1706 : vector<16xf32>
      %add3A_1708 = arith.addf %sub3A_937, %add3A_1707 : vector<16xf32>
      %add3A_1709 = arith.constant 0.000000e+00 : f32
      %add3A_1710 = vector.broadcast %add3A_1709 : f32 to vector<16xf32>
      %add3A_1711 = arith.addf %sub3A_936, %add3A_1710 : vector<16xf32>
      %mul3A_1712 = arith.mulf %add3A_1711, %gather3A_731 : vector<16xf32>
      %mul3A_1713 = arith.mulf %add3A_1708, %gather3A_734 : vector<16xf32>
      %add3A_1714 = arith.addf %mul3A_1712, %mul3A_1713 : vector<16xf32>
      %mul3A_1715 = arith.mulf %add3A_1708, %gather3A_731 : vector<16xf32>
      %mul3A_1716 = arith.mulf %add3A_1711, %gather3A_734 : vector<16xf32>
      %sub3A_1717 = arith.subf %mul3A_1715, %mul3A_1716 : vector<16xf32>
      %abs3A = math.absf %add3A_1714 : vector<16xf32>
      %le3A = arith.cmpf ole, %abs3A, %gather3A_737 : vector<16xf32>
      %abs3A_1718 = math.absf %sub3A_1717 : vector<16xf32>
      %le3A_1719 = arith.cmpf ole, %abs3A_1718, %gather3A_740 : vector<16xf32>
      %and3A_1720 = arith.andi %le3A, %le3A_1719 : vector<16xi1>
      %broadcast_in_dim3A_1721 = vector.broadcast %add3A_1704 : i32 to vector<16xi32>
      %gather3A_1722 = tpu.vector_load_idx %arg8[%broadcast_in_dim3A_1721, %iota3A] : memref<160x16xf32, #tpu.memory_space<vmem>>[vector<16xi32>, vector<16xi32>], vector<16xf32>,
      %ne3A = arith.constant 0.000000e+00 : f32
      %ne3A_1723 = vector.broadcast %ne3A : f32 to vector<16xf32>
      %ne3A_1724 = arith.cmpf one, %gather3A_1722, %ne3A_1723 : vector<16xf32>
      %and3A_1725 = arith.andi %and3A_1720, %ne3A_1724 : vector<16xi1>
      %jit3A = arith.constant 1.000000e+00 : f32
      %jit3A_1726 = arith.constant 0.000000e+00 : f32
      %broadcast_in_dim3A_1727 = vector.broadcast %jit3A : f32 to vector<16xf32>
      %broadcast_in_dim3A_1728 = vector.broadcast %jit3A_1726 : f32 to vector<16xf32>
      %select_n3A = arith.select %and3A_1725, %broadcast_in_dim3A_1727, %broadcast_in_dim3A_1728 : vector<16xi1>, vector<16xf32>
      %add3A_1729 = arith.addf %scan3A_1695, %select_n3A : vector<16xf32>
      %eq3A = arith.constant 3.000000e+00 : f32
      %eq3A_1730 = vector.broadcast %eq3A : f32 to vector<16xf32>
      %eq3A_1731 = arith.cmpf oeq, %gather3A_1722, %eq3A_1730 : vector<16xf32>
      %and3A_1732 = arith.andi %and3A_1720, %eq3A_1731 : vector<16xi1>
      %jit3A_1733 = arith.constant 1.000000e+00 : f32
      %jit3A_1734 = arith.constant 0.000000e+00 : f32
      %broadcast_in_dim3A_1735 = vector.broadcast %jit3A_1733 : f32 to vector<16xf32>
      %broadcast_in_dim3A_1736 = vector.broadcast %jit3A_1734 : f32 to vector<16xf32>
      %select_n3A_1737 = arith.select %and3A_1732, %broadcast_in_dim3A_1735, %broadcast_in_dim3A_1736 : vector<16xi1>, vector<16xf32>
      %add3A_1738 = arith.addf %scan3A_1696, %select_n3A_1737 : vector<16xf32>
      %mul3A_1739 = arith.constant 8 : i32
      %mul3A_1740 = arith.muli %scan3A_1694, %mul3A_1739 : i32
      %add3A_1741 = arith.constant 1 : i32
      %add3A_1742 = arith.addi %mul3A_1740, %add3A_1741 : i32
      %add3A_1743 = arith.constant 0.000000e+00 : f32
      %add3A_1744 = vector.broadcast %add3A_1743 : f32 to vector<16xf32>
      %add3A_1745 = arith.addf %convert_element_type3A_1700, %add3A_1744 : vector<16xf32>
      %add3A_1746 = arith.addf %sub3A_937, %add3A_1745 : vector<16xf32>
      %add3A_1747 = arith.constant 1.600000e+01 : f32
      %add3A_1748 = vector.broadcast %add3A_1747 : f32 to vector<16xf32>
      %add3A_1749 = arith.addf %sub3A_936, %add3A_1748 : vector<16xf32>
      %mul3A_1750 = arith.mulf %add3A_1749, %gather3A_731 : vector<16xf32>
      %mul3A_1751 = arith.mulf %add3A_1746, %gather3A_734 : vector<16xf32>
      %add3A_1752 = arith.addf %mul3A_1750, %mul3A_1751 : vector<16xf32>
      %mul3A_1753 = arith.mulf %add3A_1746, %gather3A_731 : vector<16xf32>
      %mul3A_1754 = arith.mulf %add3A_1749, %gather3A_734 : vector<16xf32>
      %sub3A_1755 = arith.subf %mul3A_1753, %mul3A_1754 : vector<16xf32>
      %abs3A_1756 = math.absf %add3A_1752 : vector<16xf32>
      %le3A_1757 = arith.cmpf ole, %abs3A_1756, %gather3A_737 : vector<16xf32>
      %abs3A_1758 = math.absf %sub3A_1755 : vector<16xf32>
      %le3A_1759 = arith.cmpf ole, %abs3A_1758, %gather3A_740 : vector<16xf32>
      %and3A_1760 = arith.andi %le3A_1757, %le3A_1759 : vector<16xi1>
      %broadcast_in_dim3A_1761 = vector.broadcast %add3A_1742 : i32 to vector<16xi32>
      %gather3A_1762 = tpu.vector_load_idx %arg8[%broadcast_in_dim3A_1761, %iota3A] : memref<160x16xf32, #tpu.memory_space<vmem>>[vector<16xi32>, vector<16xi32>], vector<16xf32>,
      %ne3A_1763 = arith.constant 0.000000e+00 : f32
      %ne3A_1764 = vector.broadcast %ne3A_1763 : f32 to vector<16xf32>
      %ne3A_1765 = arith.cmpf one, %gather3A_1762, %ne3A_1764 : vector<16xf32>
      %and3A_1766 = arith.andi %and3A_1760, %ne3A_1765 : vector<16xi1>
      %jit3A_1767 = arith.constant 1.000000e+00 : f32
      %jit3A_1768 = arith.constant 0.000000e+00 : f32
      %broadcast_in_dim3A_1769 = vector.broadcast %jit3A_1767 : f32 to vector<16xf32>
      %broadcast_in_dim3A_1770 = vector.broadcast %jit3A_1768 : f32 to vector<16xf32>
      %select_n3A_1771 = arith.select %and3A_1766, %broadcast_in_dim3A_1769, %broadcast_in_dim3A_1770 : vector<16xi1>, vector<16xf32>
      %add3A_1772 = arith.addf %add3A_1729, %select_n3A_1771 : vector<16xf32>
      %eq3A_1773 = arith.constant 3.000000e+00 : f32
      %eq3A_1774 = vector.broadcast %eq3A_1773 : f32 to vector<16xf32>
      %eq3A_1775 = arith.cmpf oeq, %gather3A_1762, %eq3A_1774 : vector<16xf32>
      %and3A_1776 = arith.andi %and3A_1760, %eq3A_1775 : vector<16xi1>
      %jit3A_1777 = arith.constant 1.000000e+00 : f32
      %jit3A_1778 = arith.constant 0.000000e+00 : f32
      %broadcast_in_dim3A_1779 = vector.broadcast %jit3A_1777 : f32 to vector<16xf32>
      %broadcast_in_dim3A_1780 = vector.broadcast %jit3A_1778 : f32 to vector<16xf32>
      %select_n3A_1781 = arith.select %and3A_1776, %broadcast_in_dim3A_1779, %broadcast_in_dim3A_1780 : vector<16xi1>, vector<16xf32>
      %add3A_1782 = arith.addf %add3A_1738, %select_n3A_1781 : vector<16xf32>
      %mul3A_1783 = arith.constant 8 : i32
      %mul3A_1784 = arith.muli %scan3A_1694, %mul3A_1783 : i32
      %add3A_1785 = arith.constant 2 : i32
      %add3A_1786 = arith.addi %mul3A_1784, %add3A_1785 : i32
      %add3A_1787 = arith.constant 0.000000e+00 : f32
      %add3A_1788 = vector.broadcast %add3A_1787 : f32 to vector<16xf32>
      %add3A_1789 = arith.addf %convert_element_type3A_1700, %add3A_1788 : vector<16xf32>
      %add3A_1790 = arith.addf %sub3A_937, %add3A_1789 : vector<16xf32>
      %add3A_1791 = arith.constant 3.200000e+01 : f32
      %add3A_1792 = vector.broadcast %add3A_1791 : f32 to vector<16xf32>
      %add3A_1793 = arith.addf %sub3A_936, %add3A_1792 : vector<16xf32>
      %mul3A_1794 = arith.mulf %add3A_1793, %gather3A_731 : vector<16xf32>
      %mul3A_1795 = arith.mulf %add3A_1790, %gather3A_734 : vector<16xf32>
      %add3A_1796 = arith.addf %mul3A_1794, %mul3A_1795 : vector<16xf32>
      %mul3A_1797 = arith.mulf %add3A_1790, %gather3A_731 : vector<16xf32>
      %mul3A_1798 = arith.mulf %add3A_1793, %gather3A_734 : vector<16xf32>
      %sub3A_1799 = arith.subf %mul3A_1797, %mul3A_1798 : vector<16xf32>
      %abs3A_1800 = math.absf %add3A_1796 : vector<16xf32>
      %le3A_1801 = arith.cmpf ole, %abs3A_1800, %gather3A_737 : vector<16xf32>
      %abs3A_1802 = math.absf %sub3A_1799 : vector<16xf32>
      %le3A_1803 = arith.cmpf ole, %abs3A_1802, %gather3A_740 : vector<16xf32>
      %and3A_1804 = arith.andi %le3A_1801, %le3A_1803 : vector<16xi1>
      %broadcast_in_dim3A_1805 = vector.broadcast %add3A_1786 : i32 to vector<16xi32>
      %gather3A_1806 = tpu.vector_load_idx %arg8[%broadcast_in_dim3A_1805, %iota3A] : memref<160x16xf32, #tpu.memory_space<vmem>>[vector<16xi32>, vector<16xi32>], vector<16xf32>,
      %ne3A_1807 = arith.constant 0.000000e+00 : f32
      %ne3A_1808 = vector.broadcast %ne3A_1807 : f32 to vector<16xf32>
      %ne3A_1809 = arith.cmpf one, %gather3A_1806, %ne3A_1808 : vector<16xf32>
      %and3A_1810 = arith.andi %and3A_1804, %ne3A_1809 : vector<16xi1>
      %jit3A_1811 = arith.constant 1.000000e+00 : f32
      %jit3A_1812 = arith.constant 0.000000e+00 : f32
      %broadcast_in_dim3A_1813 = vector.broadcast %jit3A_1811 : f32 to vector<16xf32>
      %broadcast_in_dim3A_1814 = vector.broadcast %jit3A_1812 : f32 to vector<16xf32>
      %select_n3A_1815 = arith.select %and3A_1810, %broadcast_in_dim3A_1813, %broadcast_in_dim3A_1814 : vector<16xi1>, vector<16xf32>
      %add3A_1816 = arith.addf %add3A_1772, %select_n3A_1815 : vector<16xf32>
      %eq3A_1817 = arith.constant 3.000000e+00 : f32
      %eq3A_1818 = vector.broadcast %eq3A_1817 : f32 to vector<16xf32>
      %eq3A_1819 = arith.cmpf oeq, %gather3A_1806, %eq3A_1818 : vector<16xf32>
      %and3A_1820 = arith.andi %and3A_1804, %eq3A_1819 : vector<16xi1>
      %jit3A_1821 = arith.constant 1.000000e+00 : f32
      %jit3A_1822 = arith.constant 0.000000e+00 : f32
      %broadcast_in_dim3A_1823 = vector.broadcast %jit3A_1821 : f32 to vector<16xf32>
      %broadcast_in_dim3A_1824 = vector.broadcast %jit3A_1822 : f32 to vector<16xf32>
      %select_n3A_1825 = arith.select %and3A_1820, %broadcast_in_dim3A_1823, %broadcast_in_dim3A_1824 : vector<16xi1>, vector<16xf32>
      %add3A_1826 = arith.addf %add3A_1782, %select_n3A_1825 : vector<16xf32>
      %mul3A_1827 = arith.constant 8 : i32
      %mul3A_1828 = arith.muli %scan3A_1694, %mul3A_1827 : i32
      %add3A_1829 = arith.constant 3 : i32
      %add3A_1830 = arith.addi %mul3A_1828, %add3A_1829 : i32
      %add3A_1831 = arith.constant 0.000000e+00 : f32
      %add3A_1832 = vector.broadcast %add3A_1831 : f32 to vector<16xf32>
      %add3A_1833 = arith.addf %convert_element_type3A_1700, %add3A_1832 : vector<16xf32>
      %add3A_1834 = arith.addf %sub3A_937, %add3A_1833 : vector<16xf32>
      %add3A_1835 = arith.constant 4.800000e+01 : f32
      %add3A_1836 = vector.broadcast %add3A_1835 : f32 to vector<16xf32>
      %add3A_1837 = arith.addf %sub3A_936, %add3A_1836 : vector<16xf32>
      %mul3A_1838 = arith.mulf %add3A_1837, %gather3A_731 : vector<16xf32>
      %mul3A_1839 = arith.mulf %add3A_1834, %gather3A_734 : vector<16xf32>
      %add3A_1840 = arith.addf %mul3A_1838, %mul3A_1839 : vector<16xf32>
      %mul3A_1841 = arith.mulf %add3A_1834, %gather3A_731 : vector<16xf32>
      %mul3A_1842 = arith.mulf %add3A_1837, %gather3A_734 : vector<16xf32>
      %sub3A_1843 = arith.subf %mul3A_1841, %mul3A_1842 : vector<16xf32>
      %abs3A_1844 = math.absf %add3A_1840 : vector<16xf32>
      %le3A_1845 = arith.cmpf ole, %abs3A_1844, %gather3A_737 : vector<16xf32>
      %abs3A_1846 = math.absf %sub3A_1843 : vector<16xf32>
      %le3A_1847 = arith.cmpf ole, %abs3A_1846, %gather3A_740 : vector<16xf32>
      %and3A_1848 = arith.andi %le3A_1845, %le3A_1847 : vector<16xi1>
      %broadcast_in_dim3A_1849 = vector.broadcast %add3A_1830 : i32 to vector<16xi32>
      %gather3A_1850 = tpu.vector_load_idx %arg8[%broadcast_in_dim3A_1849, %iota3A] : memref<160x16xf32, #tpu.memory_space<vmem>>[vector<16xi32>, vector<16xi32>], vector<16xf32>,
      %ne3A_1851 = arith.constant 0.000000e+00 : f32
      %ne3A_1852 = vector.broadcast %ne3A_1851 : f32 to vector<16xf32>
      %ne3A_1853 = arith.cmpf one, %gather3A_1850, %ne3A_1852 : vector<16xf32>
      %and3A_1854 = arith.andi %and3A_1848, %ne3A_1853 : vector<16xi1>
      %jit3A_1855 = arith.constant 1.000000e+00 : f32
      %jit3A_1856 = arith.constant 0.000000e+00 : f32
      %broadcast_in_dim3A_1857 = vector.broadcast %jit3A_1855 : f32 to vector<16xf32>
      %broadcast_in_dim3A_1858 = vector.broadcast %jit3A_1856 : f32 to vector<16xf32>
      %select_n3A_1859 = arith.select %and3A_1854, %broadcast_in_dim3A_1857, %broadcast_in_dim3A_1858 : vector<16xi1>, vector<16xf32>
      %add3A_1860 = arith.addf %add3A_1816, %select_n3A_1859 : vector<16xf32>
      %eq3A_1861 = arith.constant 3.000000e+00 : f32
      %eq3A_1862 = vector.broadcast %eq3A_1861 : f32 to vector<16xf32>
      %eq3A_1863 = arith.cmpf oeq, %gather3A_1850, %eq3A_1862 : vector<16xf32>
      %and3A_1864 = arith.andi %and3A_1848, %eq3A_1863 : vector<16xi1>
      %jit3A_1865 = arith.constant 1.000000e+00 : f32
      %jit3A_1866 = arith.constant 0.000000e+00 : f32
      %broadcast_in_dim3A_1867 = vector.broadcast %jit3A_1865 : f32 to vector<16xf32>
      %broadcast_in_dim3A_1868 = vector.broadcast %jit3A_1866 : f32 to vector<16xf32>
      %select_n3A_1869 = arith.select %and3A_1864, %broadcast_in_dim3A_1867, %broadcast_in_dim3A_1868 : vector<16xi1>, vector<16xf32>
      %add3A_1870 = arith.addf %add3A_1826, %select_n3A_1869 : vector<16xf32>
      %mul3A_1871 = arith.constant 8 : i32
      %mul3A_1872 = arith.muli %scan3A_1694, %mul3A_1871 : i32
      %add3A_1873 = arith.constant 4 : i32
      %add3A_1874 = arith.addi %mul3A_1872, %add3A_1873 : i32
      %add3A_1875 = arith.constant 1.000000e+00 : f32
      %add3A_1876 = vector.broadcast %add3A_1875 : f32 to vector<16xf32>
      %add3A_1877 = arith.addf %convert_element_type3A_1700, %add3A_1876 : vector<16xf32>
      %add3A_1878 = arith.addf %sub3A_937, %add3A_1877 : vector<16xf32>
      %add3A_1879 = arith.constant 0.000000e+00 : f32
      %add3A_1880 = vector.broadcast %add3A_1879 : f32 to vector<16xf32>
      %add3A_1881 = arith.addf %sub3A_936, %add3A_1880 : vector<16xf32>
      %mul3A_1882 = arith.mulf %add3A_1881, %gather3A_731 : vector<16xf32>
      %mul3A_1883 = arith.mulf %add3A_1878, %gather3A_734 : vector<16xf32>
      %add3A_1884 = arith.addf %mul3A_1882, %mul3A_1883 : vector<16xf32>
      %mul3A_1885 = arith.mulf %add3A_1878, %gather3A_731 : vector<16xf32>
      %mul3A_1886 = arith.mulf %add3A_1881, %gather3A_734 : vector<16xf32>
      %sub3A_1887 = arith.subf %mul3A_1885, %mul3A_1886 : vector<16xf32>
      %abs3A_1888 = math.absf %add3A_1884 : vector<16xf32>
      %le3A_1889 = arith.cmpf ole, %abs3A_1888, %gather3A_737 : vector<16xf32>
      %abs3A_1890 = math.absf %sub3A_1887 : vector<16xf32>
      %le3A_1891 = arith.cmpf ole, %abs3A_1890, %gather3A_740 : vector<16xf32>
      %and3A_1892 = arith.andi %le3A_1889, %le3A_1891 : vector<16xi1>
      %broadcast_in_dim3A_1893 = vector.broadcast %add3A_1874 : i32 to vector<16xi32>
      %gather3A_1894 = tpu.vector_load_idx %arg8[%broadcast_in_dim3A_1893, %iota3A] : memref<160x16xf32, #tpu.memory_space<vmem>>[vector<16xi32>, vector<16xi32>], vector<16xf32>,
      %ne3A_1895 = arith.constant 0.000000e+00 : f32
      %ne3A_1896 = vector.broadcast %ne3A_1895 : f32 to vector<16xf32>
      %ne3A_1897 = arith.cmpf one, %gather3A_1894, %ne3A_1896 : vector<16xf32>
      %and3A_1898 = arith.andi %and3A_1892, %ne3A_1897 : vector<16xi1>
      %jit3A_1899 = arith.constant 1.000000e+00 : f32
      %jit3A_1900 = arith.constant 0.000000e+00 : f32
      %broadcast_in_dim3A_1901 = vector.broadcast %jit3A_1899 : f32 to vector<16xf32>
      %broadcast_in_dim3A_1902 = vector.broadcast %jit3A_1900 : f32 to vector<16xf32>
      %select_n3A_1903 = arith.select %and3A_1898, %broadcast_in_dim3A_1901, %broadcast_in_dim3A_1902 : vector<16xi1>, vector<16xf32>
      %add3A_1904 = arith.addf %add3A_1860, %select_n3A_1903 : vector<16xf32>
      %eq3A_1905 = arith.constant 3.000000e+00 : f32
      %eq3A_1906 = vector.broadcast %eq3A_1905 : f32 to vector<16xf32>
      %eq3A_1907 = arith.cmpf oeq, %gather3A_1894, %eq3A_1906 : vector<16xf32>
      %and3A_1908 = arith.andi %and3A_1892, %eq3A_1907 : vector<16xi1>
      %jit3A_1909 = arith.constant 1.000000e+00 : f32
      %jit3A_1910 = arith.constant 0.000000e+00 : f32
      %broadcast_in_dim3A_1911 = vector.broadcast %jit3A_1909 : f32 to vector<16xf32>
      %broadcast_in_dim3A_1912 = vector.broadcast %jit3A_1910 : f32 to vector<16xf32>
      %select_n3A_1913 = arith.select %and3A_1908, %broadcast_in_dim3A_1911, %broadcast_in_dim3A_1912 : vector<16xi1>, vector<16xf32>
      %add3A_1914 = arith.addf %add3A_1870, %select_n3A_1913 : vector<16xf32>
      %mul3A_1915 = arith.constant 8 : i32
      %mul3A_1916 = arith.muli %scan3A_1694, %mul3A_1915 : i32
      %add3A_1917 = arith.constant 5 : i32
      %add3A_1918 = arith.addi %mul3A_1916, %add3A_1917 : i32
      %add3A_1919 = arith.constant 1.000000e+00 : f32
      %add3A_1920 = vector.broadcast %add3A_1919 : f32 to vector<16xf32>
      %add3A_1921 = arith.addf %convert_element_type3A_1700, %add3A_1920 : vector<16xf32>
      %add3A_1922 = arith.addf %sub3A_937, %add3A_1921 : vector<16xf32>
      %add3A_1923 = arith.constant 1.600000e+01 : f32
      %add3A_1924 = vector.broadcast %add3A_1923 : f32 to vector<16xf32>
      %add3A_1925 = arith.addf %sub3A_936, %add3A_1924 : vector<16xf32>
      %mul3A_1926 = arith.mulf %add3A_1925, %gather3A_731 : vector<16xf32>
      %mul3A_1927 = arith.mulf %add3A_1922, %gather3A_734 : vector<16xf32>
      %add3A_1928 = arith.addf %mul3A_1926, %mul3A_1927 : vector<16xf32>
      %mul3A_1929 = arith.mulf %add3A_1922, %gather3A_731 : vector<16xf32>
      %mul3A_1930 = arith.mulf %add3A_1925, %gather3A_734 : vector<16xf32>
      %sub3A_1931 = arith.subf %mul3A_1929, %mul3A_1930 : vector<16xf32>
      %abs3A_1932 = math.absf %add3A_1928 : vector<16xf32>
      %le3A_1933 = arith.cmpf ole, %abs3A_1932, %gather3A_737 : vector<16xf32>
      %abs3A_1934 = math.absf %sub3A_1931 : vector<16xf32>
      %le3A_1935 = arith.cmpf ole, %abs3A_1934, %gather3A_740 : vector<16xf32>
      %and3A_1936 = arith.andi %le3A_1933, %le3A_1935 : vector<16xi1>
      %broadcast_in_dim3A_1937 = vector.broadcast %add3A_1918 : i32 to vector<16xi32>
      %gather3A_1938 = tpu.vector_load_idx %arg8[%broadcast_in_dim3A_1937, %iota3A] : memref<160x16xf32, #tpu.memory_space<vmem>>[vector<16xi32>, vector<16xi32>], vector<16xf32>,
      %ne3A_1939 = arith.constant 0.000000e+00 : f32
      %ne3A_1940 = vector.broadcast %ne3A_1939 : f32 to vector<16xf32>
      %ne3A_1941 = arith.cmpf one, %gather3A_1938, %ne3A_1940 : vector<16xf32>
      %and3A_1942 = arith.andi %and3A_1936, %ne3A_1941 : vector<16xi1>
      %jit3A_1943 = arith.constant 1.000000e+00 : f32
      %jit3A_1944 = arith.constant 0.000000e+00 : f32
      %broadcast_in_dim3A_1945 = vector.broadcast %jit3A_1943 : f32 to vector<16xf32>
      %broadcast_in_dim3A_1946 = vector.broadcast %jit3A_1944 : f32 to vector<16xf32>
      %select_n3A_1947 = arith.select %and3A_1942, %broadcast_in_dim3A_1945, %broadcast_in_dim3A_1946 : vector<16xi1>, vector<16xf32>
      %add3A_1948 = arith.addf %add3A_1904, %select_n3A_1947 : vector<16xf32>
      %eq3A_1949 = arith.constant 3.000000e+00 : f32
      %eq3A_1950 = vector.broadcast %eq3A_1949 : f32 to vector<16xf32>
      %eq3A_1951 = arith.cmpf oeq, %gather3A_1938, %eq3A_1950 : vector<16xf32>
      %and3A_1952 = arith.andi %and3A_1936, %eq3A_1951 : vector<16xi1>
      %jit3A_1953 = arith.constant 1.000000e+00 : f32
      %jit3A_1954 = arith.constant 0.000000e+00 : f32
      %broadcast_in_dim3A_1955 = vector.broadcast %jit3A_1953 : f32 to vector<16xf32>
      %broadcast_in_dim3A_1956 = vector.broadcast %jit3A_1954 : f32 to vector<16xf32>
      %select_n3A_1957 = arith.select %and3A_1952, %broadcast_in_dim3A_1955, %broadcast_in_dim3A_1956 : vector<16xi1>, vector<16xf32>
      %add3A_1958 = arith.addf %add3A_1914, %select_n3A_1957 : vector<16xf32>
      %mul3A_1959 = arith.constant 8 : i32
      %mul3A_1960 = arith.muli %scan3A_1694, %mul3A_1959 : i32
      %add3A_1961 = arith.constant 6 : i32
      %add3A_1962 = arith.addi %mul3A_1960, %add3A_1961 : i32
      %add3A_1963 = arith.constant 1.000000e+00 : f32
      %add3A_1964 = vector.broadcast %add3A_1963 : f32 to vector<16xf32>
      %add3A_1965 = arith.addf %convert_element_type3A_1700, %add3A_1964 : vector<16xf32>
      %add3A_1966 = arith.addf %sub3A_937, %add3A_1965 : vector<16xf32>
      %add3A_1967 = arith.constant 3.200000e+01 : f32
      %add3A_1968 = vector.broadcast %add3A_1967 : f32 to vector<16xf32>
      %add3A_1969 = arith.addf %sub3A_936, %add3A_1968 : vector<16xf32>
      %mul3A_1970 = arith.mulf %add3A_1969, %gather3A_731 : vector<16xf32>
      %mul3A_1971 = arith.mulf %add3A_1966, %gather3A_734 : vector<16xf32>
      %add3A_1972 = arith.addf %mul3A_1970, %mul3A_1971 : vector<16xf32>
      %mul3A_1973 = arith.mulf %add3A_1966, %gather3A_731 : vector<16xf32>
      %mul3A_1974 = arith.mulf %add3A_1969, %gather3A_734 : vector<16xf32>
      %sub3A_1975 = arith.subf %mul3A_1973, %mul3A_1974 : vector<16xf32>
      %abs3A_1976 = math.absf %add3A_1972 : vector<16xf32>
      %le3A_1977 = arith.cmpf ole, %abs3A_1976, %gather3A_737 : vector<16xf32>
      %abs3A_1978 = math.absf %sub3A_1975 : vector<16xf32>
      %le3A_1979 = arith.cmpf ole, %abs3A_1978, %gather3A_740 : vector<16xf32>
      %and3A_1980 = arith.andi %le3A_1977, %le3A_1979 : vector<16xi1>
      %broadcast_in_dim3A_1981 = vector.broadcast %add3A_1962 : i32 to vector<16xi32>
      %gather3A_1982 = tpu.vector_load_idx %arg8[%broadcast_in_dim3A_1981, %iota3A] : memref<160x16xf32, #tpu.memory_space<vmem>>[vector<16xi32>, vector<16xi32>], vector<16xf32>,
      %ne3A_1983 = arith.constant 0.000000e+00 : f32
      %ne3A_1984 = vector.broadcast %ne3A_1983 : f32 to vector<16xf32>
      %ne3A_1985 = arith.cmpf one, %gather3A_1982, %ne3A_1984 : vector<16xf32>
      %and3A_1986 = arith.andi %and3A_1980, %ne3A_1985 : vector<16xi1>
      %jit3A_1987 = arith.constant 1.000000e+00 : f32
      %jit3A_1988 = arith.constant 0.000000e+00 : f32
      %broadcast_in_dim3A_1989 = vector.broadcast %jit3A_1987 : f32 to vector<16xf32>
      %broadcast_in_dim3A_1990 = vector.broadcast %jit3A_1988 : f32 to vector<16xf32>
      %select_n3A_1991 = arith.select %and3A_1986, %broadcast_in_dim3A_1989, %broadcast_in_dim3A_1990 : vector<16xi1>, vector<16xf32>
      %add3A_1992 = arith.addf %add3A_1948, %select_n3A_1991 : vector<16xf32>
      %eq3A_1993 = arith.constant 3.000000e+00 : f32
      %eq3A_1994 = vector.broadcast %eq3A_1993 : f32 to vector<16xf32>
      %eq3A_1995 = arith.cmpf oeq, %gather3A_1982, %eq3A_1994 : vector<16xf32>
      %and3A_1996 = arith.andi %and3A_1980, %eq3A_1995 : vector<16xi1>
      %jit3A_1997 = arith.constant 1.000000e+00 : f32
      %jit3A_1998 = arith.constant 0.000000e+00 : f32
      %broadcast_in_dim3A_1999 = vector.broadcast %jit3A_1997 : f32 to vector<16xf32>
      %broadcast_in_dim3A_2000 = vector.broadcast %jit3A_1998 : f32 to vector<16xf32>
      %select_n3A_2001 = arith.select %and3A_1996, %broadcast_in_dim3A_1999, %broadcast_in_dim3A_2000 : vector<16xi1>, vector<16xf32>
      %add3A_2002 = arith.addf %add3A_1958, %select_n3A_2001 : vector<16xf32>
      %mul3A_2003 = arith.constant 8 : i32
      %mul3A_2004 = arith.muli %scan3A_1694, %mul3A_2003 : i32
      %add3A_2005 = arith.constant 7 : i32
      %add3A_2006 = arith.addi %mul3A_2004, %add3A_2005 : i32
      %add3A_2007 = arith.constant 1.000000e+00 : f32
      %add3A_2008 = vector.broadcast %add3A_2007 : f32 to vector<16xf32>
      %add3A_2009 = arith.addf %convert_element_type3A_1700, %add3A_2008 : vector<16xf32>
      %add3A_2010 = arith.addf %sub3A_937, %add3A_2009 : vector<16xf32>
      %add3A_2011 = arith.constant 4.800000e+01 : f32
      %add3A_2012 = vector.broadcast %add3A_2011 : f32 to vector<16xf32>
      %add3A_2013 = arith.addf %sub3A_936, %add3A_2012 : vector<16xf32>
      %mul3A_2014 = arith.mulf %add3A_2013, %gather3A_731 : vector<16xf32>
      %mul3A_2015 = arith.mulf %add3A_2010, %gather3A_734 : vector<16xf32>
      %add3A_2016 = arith.addf %mul3A_2014, %mul3A_2015 : vector<16xf32>
      %mul3A_2017 = arith.mulf %add3A_2010, %gather3A_731 : vector<16xf32>
      %mul3A_2018 = arith.mulf %add3A_2013, %gather3A_734 : vector<16xf32>
      %sub3A_2019 = arith.subf %mul3A_2017, %mul3A_2018 : vector<16xf32>
      %abs3A_2020 = math.absf %add3A_2016 : vector<16xf32>
      %le3A_2021 = arith.cmpf ole, %abs3A_2020, %gather3A_737 : vector<16xf32>
      %abs3A_2022 = math.absf %sub3A_2019 : vector<16xf32>
      %le3A_2023 = arith.cmpf ole, %abs3A_2022, %gather3A_740 : vector<16xf32>
      %and3A_2024 = arith.andi %le3A_2021, %le3A_2023 : vector<16xi1>
      %broadcast_in_dim3A_2025 = vector.broadcast %add3A_2006 : i32 to vector<16xi32>
      %gather3A_2026 = tpu.vector_load_idx %arg8[%broadcast_in_dim3A_2025, %iota3A] : memref<160x16xf32, #tpu.memory_space<vmem>>[vector<16xi32>, vector<16xi32>], vector<16xf32>,
      %ne3A_2027 = arith.constant 0.000000e+00 : f32
      %ne3A_2028 = vector.broadcast %ne3A_2027 : f32 to vector<16xf32>
      %ne3A_2029 = arith.cmpf one, %gather3A_2026, %ne3A_2028 : vector<16xf32>
      %and3A_2030 = arith.andi %and3A_2024, %ne3A_2029 : vector<16xi1>
      %jit3A_2031 = arith.constant 1.000000e+00 : f32
      %jit3A_2032 = arith.constant 0.000000e+00 : f32
      %broadcast_in_dim3A_2033 = vector.broadcast %jit3A_2031 : f32 to vector<16xf32>
      %broadcast_in_dim3A_2034 = vector.broadcast %jit3A_2032 : f32 to vector<16xf32>
      %select_n3A_2035 = arith.select %and3A_2030, %broadcast_in_dim3A_2033, %broadcast_in_dim3A_2034 : vector<16xi1>, vector<16xf32>
      %add3A_2036 = arith.addf %add3A_1992, %select_n3A_2035 : vector<16xf32>
      %eq3A_2037 = arith.constant 3.000000e+00 : f32
      %eq3A_2038 = vector.broadcast %eq3A_2037 : f32 to vector<16xf32>
      %eq3A_2039 = arith.cmpf oeq, %gather3A_2026, %eq3A_2038 : vector<16xf32>
      %and3A_2040 = arith.andi %and3A_2024, %eq3A_2039 : vector<16xi1>
      %jit3A_2041 = arith.constant 1.000000e+00 : f32
      %jit3A_2042 = arith.constant 0.000000e+00 : f32
      %broadcast_in_dim3A_2043 = vector.broadcast %jit3A_2041 : f32 to vector<16xf32>
      %broadcast_in_dim3A_2044 = vector.broadcast %jit3A_2042 : f32 to vector<16xf32>
      %select_n3A_2045 = arith.select %and3A_2040, %broadcast_in_dim3A_2043, %broadcast_in_dim3A_2044 : vector<16xi1>, vector<16xf32>
      %add3A_2046 = arith.addf %add3A_2002, %select_n3A_2045 : vector<16xf32>
      scf.yield %add3A_2036, %add3A_2046 : vector<16xf32>, vector<16xf32>
    }
    %scan3A_947 = arith.constant 20 : i32
    %reduce_sum3A_948 = arith.constant true
    %reduce_sum3A_949 = vector.broadcast %reduce_sum3A_948 : i1 to vector<16xi1>
    %reduce_sum3A_950 = tpu.scan <sum>, %scan3A_946#0 masked %reduce_sum3A_949 : vector<16xf32>, vector<16xi1> -> vector<16xf32>
    %reduce_sum3A_951 = vector.extract %reduce_sum3A_950[15] : f32 from vector<16xf32>
    %reduce_sum3A_952 = arith.constant true
    %reduce_sum3A_953 = vector.broadcast %reduce_sum3A_952 : i1 to vector<16xi1>
    %reduce_sum3A_954 = tpu.scan <sum>, %scan3A_946#1 masked %reduce_sum3A_953 : vector<16xf32>, vector<16xi1> -> vector<16xf32>
    %reduce_sum3A_955 = vector.extract %reduce_sum3A_954[15] : f32 from vector<16xf32>
    %broadcast_in_dim3A_956 = vector.broadcast %reduce_sum3A_955 : f32 to vector<16xf32>
    %broadcast_in_dim3A_957 = vector.broadcast %reduce_sum3A_951 : f32 to vector<16xf32>
    %max3A_958 = arith.constant 1.000000e+00 : f32
    %max3A_959 = vector.broadcast %max3A_958 : f32 to vector<16xf32>
    %max3A_960 = arith.maximumf %broadcast_in_dim3A_957, %max3A_959 : vector<16xf32>
    %div3A_961 = arith.divf %broadcast_in_dim3A_956, %max3A_960 : vector<16xf32>
    %add3A_962 = arith.addf %add3A_719, %div3A_961 : vector<16xf32>
    %add3A_963 = arith.constant 128 : i32
    %add3A_964 = arith.addi %add3A, %add3A_963 : i32
    %broadcast_in_dim3A_965 = vector.broadcast %add3A_964 : i32 to vector<16xi32>
    %broadcast_in_dim3A_966 = arith.constant 0 : i32
    %broadcast_in_dim3A_967 = vector.broadcast %broadcast_in_dim3A_966 : i32 to vector<16xi32>
    %gather3A_968 = tpu.vector_load_idx %arg5[%broadcast_in_dim3A_967, %broadcast_in_dim3A_965] : memref<9x224xf32, #tpu.memory_space<vmem>>[vector<16xi32>, vector<16xi32>], vector<16xf32>,
    %broadcast_in_dim3A_969 = arith.constant 1 : i32
    %broadcast_in_dim3A_970 = vector.broadcast %broadcast_in_dim3A_969 : i32 to vector<16xi32>
    %gather3A_971 = tpu.vector_load_idx %arg5[%broadcast_in_dim3A_970, %broadcast_in_dim3A_965] : memref<9x224xf32, #tpu.memory_space<vmem>>[vector<16xi32>, vector<16xi32>], vector<16xf32>,
    %broadcast_in_dim3A_972 = arith.constant 2 : i32
    %broadcast_in_dim3A_973 = vector.broadcast %broadcast_in_dim3A_972 : i32 to vector<16xi32>
    %gather3A_974 = tpu.vector_load_idx %arg5[%broadcast_in_dim3A_973, %broadcast_in_dim3A_965] : memref<9x224xf32, #tpu.memory_space<vmem>>[vector<16xi32>, vector<16xi32>], vector<16xf32>,
    %broadcast_in_dim3A_975 = arith.constant 3 : i32
    %broadcast_in_dim3A_976 = vector.broadcast %broadcast_in_dim3A_975 : i32 to vector<16xi32>
    %gather3A_977 = tpu.vector_load_idx %arg5[%broadcast_in_dim3A_976, %broadcast_in_dim3A_965] : memref<9x224xf32, #tpu.memory_space<vmem>>[vector<16xi32>, vector<16xi32>], vector<16xf32>,
    %broadcast_in_dim3A_978 = arith.constant 4 : i32
    %broadcast_in_dim3A_979 = vector.broadcast %broadcast_in_dim3A_978 : i32 to vector<16xi32>
    %gather3A_980 = tpu.vector_load_idx %arg5[%broadcast_in_dim3A_979, %broadcast_in_dim3A_965] : memref<9x224xf32, #tpu.memory_space<vmem>>[vector<16xi32>, vector<16xi32>], vector<16xf32>,
    %broadcast_in_dim3A_981 = arith.constant 5 : i32
    %broadcast_in_dim3A_982 = vector.broadcast %broadcast_in_dim3A_981 : i32 to vector<16xi32>
    %gather3A_983 = tpu.vector_load_idx %arg5[%broadcast_in_dim3A_982, %broadcast_in_dim3A_965] : memref<9x224xf32, #tpu.memory_space<vmem>>[vector<16xi32>, vector<16xi32>], vector<16xf32>,
    %broadcast_in_dim3A_984 = arith.constant 6 : i32
    %broadcast_in_dim3A_985 = vector.broadcast %broadcast_in_dim3A_984 : i32 to vector<16xi32>
    %gather3A_986 = tpu.vector_load_idx %arg5[%broadcast_in_dim3A_985, %broadcast_in_dim3A_965] : memref<9x224xf32, #tpu.memory_space<vmem>>[vector<16xi32>, vector<16xi32>], vector<16xf32>,
    %broadcast_in_dim3A_987 = arith.constant 7 : i32
    %broadcast_in_dim3A_988 = vector.broadcast %broadcast_in_dim3A_987 : i32 to vector<16xi32>
    %gather3A_989 = tpu.vector_load_idx %arg5[%broadcast_in_dim3A_988, %broadcast_in_dim3A_965] : memref<9x224xf32, #tpu.memory_space<vmem>>[vector<16xi32>, vector<16xi32>], vector<16xf32>,
    %broadcast_in_dim3A_990 = arith.constant 8 : i32
    %broadcast_in_dim3A_991 = vector.broadcast %broadcast_in_dim3A_990 : i32 to vector<16xi32>
    %gather3A_992 = tpu.vector_load_idx %arg5[%broadcast_in_dim3A_991, %broadcast_in_dim3A_965] : memref<9x224xf32, #tpu.memory_space<vmem>>[vector<16xi32>, vector<16xi32>], vector<16xf32>,
    %convert_element_type3A_993 = arith.fptosi %gather3A_992 : vector<16xf32> to vector<16xi32>
    %add3A_994 = arith.constant 0 : i32
    %add3A_995 = vector.broadcast %add3A_994 : i32 to vector<16xi32>
    %add3A_996 = arith.addi %iota3A, %add3A_995 : vector<16xi32>
    %shift_right_logical3A_997 = arith.constant 2 : i32
    %shift_right_logical3A_998 = vector.broadcast %shift_right_logical3A_997 : i32 to vector<16xi32>
    %shift_right_logical3A_999 = arith.shrui %add3A_996, %shift_right_logical3A_998 : vector<16xi32>
    %and3A_1000 = arith.constant 3 : i32
    %and3A_1001 = vector.broadcast %and3A_1000 : i32 to vector<16xi32>
    %and3A_1002 = arith.andi %add3A_996, %and3A_1001 : vector<16xi32>
    %mul3A_1003 = arith.constant 31 : i32
    %mul3A_1004 = vector.broadcast %mul3A_1003 : i32 to vector<16xi32>
    %mul3A_1005 = arith.muli %shift_right_logical3A_999, %mul3A_1004 : vector<16xi32>
    %add3A_1006 = arith.addi %convert_element_type3A_993, %mul3A_1005 : vector<16xi32>
    %add3A_1007 = arith.addi %add3A_1006, %and3A_1002 : vector<16xi32>
    %swap3A_1008 = arith.constant 0 : index
    %swap3A_1009 = tpu.vector_load %arg6[%swap3A_1008] {strides = array<i32>} : memref<80xi32, #tpu.memory_space<vmem>>, vector<16xi32>,
    tpu.vector_store %arg6[%swap3A_1008], %add3A_1007 {strides = array<i32>} : memref<80xi32, #tpu.memory_space<vmem>>, vector<16xi32>,
    %add3A_1010 = arith.constant 16 : i32
    %add3A_1011 = vector.broadcast %add3A_1010 : i32 to vector<16xi32>
    %add3A_1012 = arith.addi %iota3A, %add3A_1011 : vector<16xi32>
    %shift_right_logical3A_1013 = arith.constant 2 : i32
    %shift_right_logical3A_1014 = vector.broadcast %shift_right_logical3A_1013 : i32 to vector<16xi32>
    %shift_right_logical3A_1015 = arith.shrui %add3A_1012, %shift_right_logical3A_1014 : vector<16xi32>
    %and3A_1016 = arith.constant 3 : i32
    %and3A_1017 = vector.broadcast %and3A_1016 : i32 to vector<16xi32>
    %and3A_1018 = arith.andi %add3A_1012, %and3A_1017 : vector<16xi32>
    %mul3A_1019 = arith.constant 31 : i32
    %mul3A_1020 = vector.broadcast %mul3A_1019 : i32 to vector<16xi32>
    %mul3A_1021 = arith.muli %shift_right_logical3A_1015, %mul3A_1020 : vector<16xi32>
    %add3A_1022 = arith.addi %convert_element_type3A_993, %mul3A_1021 : vector<16xi32>
    %add3A_1023 = arith.addi %add3A_1022, %and3A_1018 : vector<16xi32>
    %swap3A_1024 = arith.constant 16 : index
    %swap3A_1025 = tpu.vector_load %arg6[%swap3A_1024] {strides = array<i32>} : memref<80xi32, #tpu.memory_space<vmem>>, vector<16xi32>,
    tpu.vector_store %arg6[%swap3A_1024], %add3A_1023 {strides = array<i32>} : memref<80xi32, #tpu.memory_space<vmem>>, vector<16xi32>,
    %add3A_1026 = arith.constant 32 : i32
    %add3A_1027 = vector.broadcast %add3A_1026 : i32 to vector<16xi32>
    %add3A_1028 = arith.addi %iota3A, %add3A_1027 : vector<16xi32>
    %shift_right_logical3A_1029 = arith.constant 2 : i32
    %shift_right_logical3A_1030 = vector.broadcast %shift_right_logical3A_1029 : i32 to vector<16xi32>
    %shift_right_logical3A_1031 = arith.shrui %add3A_1028, %shift_right_logical3A_1030 : vector<16xi32>
    %and3A_1032 = arith.constant 3 : i32
    %and3A_1033 = vector.broadcast %and3A_1032 : i32 to vector<16xi32>
    %and3A_1034 = arith.andi %add3A_1028, %and3A_1033 : vector<16xi32>
    %mul3A_1035 = arith.constant 31 : i32
    %mul3A_1036 = vector.broadcast %mul3A_1035 : i32 to vector<16xi32>
    %mul3A_1037 = arith.muli %shift_right_logical3A_1031, %mul3A_1036 : vector<16xi32>
    %add3A_1038 = arith.addi %convert_element_type3A_993, %mul3A_1037 : vector<16xi32>
    %add3A_1039 = arith.addi %add3A_1038, %and3A_1034 : vector<16xi32>
    %swap3A_1040 = arith.constant 32 : index
    %swap3A_1041 = tpu.vector_load %arg6[%swap3A_1040] {strides = array<i32>} : memref<80xi32, #tpu.memory_space<vmem>>, vector<16xi32>,
    tpu.vector_store %arg6[%swap3A_1040], %add3A_1039 {strides = array<i32>} : memref<80xi32, #tpu.memory_space<vmem>>, vector<16xi32>,
    %add3A_1042 = arith.constant 48 : i32
    %add3A_1043 = vector.broadcast %add3A_1042 : i32 to vector<16xi32>
    %add3A_1044 = arith.addi %iota3A, %add3A_1043 : vector<16xi32>
    %shift_right_logical3A_1045 = arith.constant 2 : i32
    %shift_right_logical3A_1046 = vector.broadcast %shift_right_logical3A_1045 : i32 to vector<16xi32>
    %shift_right_logical3A_1047 = arith.shrui %add3A_1044, %shift_right_logical3A_1046 : vector<16xi32>
    %and3A_1048 = arith.constant 3 : i32
    %and3A_1049 = vector.broadcast %and3A_1048 : i32 to vector<16xi32>
    %and3A_1050 = arith.andi %add3A_1044, %and3A_1049 : vector<16xi32>
    %mul3A_1051 = arith.constant 31 : i32
    %mul3A_1052 = vector.broadcast %mul3A_1051 : i32 to vector<16xi32>
    %mul3A_1053 = arith.muli %shift_right_logical3A_1047, %mul3A_1052 : vector<16xi32>
    %add3A_1054 = arith.addi %convert_element_type3A_993, %mul3A_1053 : vector<16xi32>
    %add3A_1055 = arith.addi %add3A_1054, %and3A_1050 : vector<16xi32>
    %swap3A_1056 = arith.constant 48 : index
    %swap3A_1057 = tpu.vector_load %arg6[%swap3A_1056] {strides = array<i32>} : memref<80xi32, #tpu.memory_space<vmem>>, vector<16xi32>,
    tpu.vector_store %arg6[%swap3A_1056], %add3A_1055 {strides = array<i32>} : memref<80xi32, #tpu.memory_space<vmem>>, vector<16xi32>,
    %add3A_1058 = arith.constant 64 : i32
    %add3A_1059 = vector.broadcast %add3A_1058 : i32 to vector<16xi32>
    %add3A_1060 = arith.addi %iota3A, %add3A_1059 : vector<16xi32>
    %shift_right_logical3A_1061 = arith.constant 2 : i32
    %shift_right_logical3A_1062 = vector.broadcast %shift_right_logical3A_1061 : i32 to vector<16xi32>
    %shift_right_logical3A_1063 = arith.shrui %add3A_1060, %shift_right_logical3A_1062 : vector<16xi32>
    %and3A_1064 = arith.constant 3 : i32
    %and3A_1065 = vector.broadcast %and3A_1064 : i32 to vector<16xi32>
    %and3A_1066 = arith.andi %add3A_1060, %and3A_1065 : vector<16xi32>
    %mul3A_1067 = arith.constant 31 : i32
    %mul3A_1068 = vector.broadcast %mul3A_1067 : i32 to vector<16xi32>
    %mul3A_1069 = arith.muli %shift_right_logical3A_1063, %mul3A_1068 : vector<16xi32>
    %add3A_1070 = arith.addi %convert_element_type3A_993, %mul3A_1069 : vector<16xi32>
    %add3A_1071 = arith.addi %add3A_1070, %and3A_1066 : vector<16xi32>
    %swap3A_1072 = arith.constant 64 : index
    %swap3A_1073 = tpu.vector_load %arg6[%swap3A_1072] {strides = array<i32>} : memref<80xi32, #tpu.memory_space<vmem>>, vector<16xi32>,
    tpu.vector_store %arg6[%swap3A_1072], %add3A_1071 {strides = array<i32>} : memref<80xi32, #tpu.memory_space<vmem>>, vector<16xi32>,
    %add3A_1074 = arith.constant 80 : i32
    %add3A_1075 = vector.broadcast %add3A_1074 : i32 to vector<16xi32>
    %add3A_1076 = arith.addi %iota3A, %add3A_1075 : vector<16xi32>
    %shift_right_logical3A_1077 = arith.constant 2 : i32
    %shift_right_logical3A_1078 = vector.broadcast %shift_right_logical3A_1077 : i32 to vector<16xi32>
    %shift_right_logical3A_1079 = arith.shrui %add3A_1076, %shift_right_logical3A_1078 : vector<16xi32>
    %and3A_1080 = arith.constant 3 : i32
    %and3A_1081 = vector.broadcast %and3A_1080 : i32 to vector<16xi32>
    %and3A_1082 = arith.andi %add3A_1076, %and3A_1081 : vector<16xi32>
    %mul3A_1083 = arith.constant 31 : i32
    %mul3A_1084 = vector.broadcast %mul3A_1083 : i32 to vector<16xi32>
    %mul3A_1085 = arith.muli %shift_right_logical3A_1079, %mul3A_1084 : vector<16xi32>
    %add3A_1086 = arith.addi %convert_element_type3A_993, %mul3A_1085 : vector<16xi32>
    %add3A_1087 = arith.addi %add3A_1086, %and3A_1082 : vector<16xi32>
    %swap3A_1088 = arith.constant 0 : index
    %swap3A_1089 = tpu.vector_load %arg7[%swap3A_1088] {strides = array<i32>} : memref<80xi32, #tpu.memory_space<vmem>>, vector<16xi32>,
    tpu.vector_store %arg7[%swap3A_1088], %add3A_1087 {strides = array<i32>} : memref<80xi32, #tpu.memory_space<vmem>>, vector<16xi32>,
    %add3A_1090 = arith.constant 96 : i32
    %add3A_1091 = vector.broadcast %add3A_1090 : i32 to vector<16xi32>
    %add3A_1092 = arith.addi %iota3A, %add3A_1091 : vector<16xi32>
    %shift_right_logical3A_1093 = arith.constant 2 : i32
    %shift_right_logical3A_1094 = vector.broadcast %shift_right_logical3A_1093 : i32 to vector<16xi32>
    %shift_right_logical3A_1095 = arith.shrui %add3A_1092, %shift_right_logical3A_1094 : vector<16xi32>
    %and3A_1096 = arith.constant 3 : i32
    %and3A_1097 = vector.broadcast %and3A_1096 : i32 to vector<16xi32>
    %and3A_1098 = arith.andi %add3A_1092, %and3A_1097 : vector<16xi32>
    %mul3A_1099 = arith.constant 31 : i32
    %mul3A_1100 = vector.broadcast %mul3A_1099 : i32 to vector<16xi32>
    %mul3A_1101 = arith.muli %shift_right_logical3A_1095, %mul3A_1100 : vector<16xi32>
    %add3A_1102 = arith.addi %convert_element_type3A_993, %mul3A_1101 : vector<16xi32>
    %add3A_1103 = arith.addi %add3A_1102, %and3A_1098 : vector<16xi32>
    %swap3A_1104 = arith.constant 16 : index
    %swap3A_1105 = tpu.vector_load %arg7[%swap3A_1104] {strides = array<i32>} : memref<80xi32, #tpu.memory_space<vmem>>, vector<16xi32>,
    tpu.vector_store %arg7[%swap3A_1104], %add3A_1103 {strides = array<i32>} : memref<80xi32, #tpu.memory_space<vmem>>, vector<16xi32>,
    %add3A_1106 = arith.constant 112 : i32
    %add3A_1107 = vector.broadcast %add3A_1106 : i32 to vector<16xi32>
    %add3A_1108 = arith.addi %iota3A, %add3A_1107 : vector<16xi32>
    %shift_right_logical3A_1109 = arith.constant 2 : i32
    %shift_right_logical3A_1110 = vector.broadcast %shift_right_logical3A_1109 : i32 to vector<16xi32>
    %shift_right_logical3A_1111 = arith.shrui %add3A_1108, %shift_right_logical3A_1110 : vector<16xi32>
    %and3A_1112 = arith.constant 3 : i32
    %and3A_1113 = vector.broadcast %and3A_1112 : i32 to vector<16xi32>
    %and3A_1114 = arith.andi %add3A_1108, %and3A_1113 : vector<16xi32>
    %mul3A_1115 = arith.constant 31 : i32
    %mul3A_1116 = vector.broadcast %mul3A_1115 : i32 to vector<16xi32>
    %mul3A_1117 = arith.muli %shift_right_logical3A_1111, %mul3A_1116 : vector<16xi32>
    %add3A_1118 = arith.addi %convert_element_type3A_993, %mul3A_1117 : vector<16xi32>
    %add3A_1119 = arith.addi %add3A_1118, %and3A_1114 : vector<16xi32>
    %swap3A_1120 = arith.constant 32 : index
    %swap3A_1121 = tpu.vector_load %arg7[%swap3A_1120] {strides = array<i32>} : memref<80xi32, #tpu.memory_space<vmem>>, vector<16xi32>,
    tpu.vector_store %arg7[%swap3A_1120], %add3A_1119 {strides = array<i32>} : memref<80xi32, #tpu.memory_space<vmem>>, vector<16xi32>,
    %add3A_1122 = arith.constant 128 : i32
    %add3A_1123 = vector.broadcast %add3A_1122 : i32 to vector<16xi32>
    %add3A_1124 = arith.addi %iota3A, %add3A_1123 : vector<16xi32>
    %shift_right_logical3A_1125 = arith.constant 2 : i32
    %shift_right_logical3A_1126 = vector.broadcast %shift_right_logical3A_1125 : i32 to vector<16xi32>
    %shift_right_logical3A_1127 = arith.shrui %add3A_1124, %shift_right_logical3A_1126 : vector<16xi32>
    %and3A_1128 = arith.constant 3 : i32
    %and3A_1129 = vector.broadcast %and3A_1128 : i32 to vector<16xi32>
    %and3A_1130 = arith.andi %add3A_1124, %and3A_1129 : vector<16xi32>
    %mul3A_1131 = arith.constant 31 : i32
    %mul3A_1132 = vector.broadcast %mul3A_1131 : i32 to vector<16xi32>
    %mul3A_1133 = arith.muli %shift_right_logical3A_1127, %mul3A_1132 : vector<16xi32>
    %add3A_1134 = arith.addi %convert_element_type3A_993, %mul3A_1133 : vector<16xi32>
    %add3A_1135 = arith.addi %add3A_1134, %and3A_1130 : vector<16xi32>
    %swap3A_1136 = arith.constant 48 : index
    %swap3A_1137 = tpu.vector_load %arg7[%swap3A_1136] {strides = array<i32>} : memref<80xi32, #tpu.memory_space<vmem>>, vector<16xi32>,
    tpu.vector_store %arg7[%swap3A_1136], %add3A_1135 {strides = array<i32>} : memref<80xi32, #tpu.memory_space<vmem>>, vector<16xi32>,
    %add3A_1138 = arith.constant 144 : i32
    %add3A_1139 = vector.broadcast %add3A_1138 : i32 to vector<16xi32>
    %add3A_1140 = arith.addi %iota3A, %add3A_1139 : vector<16xi32>
    %shift_right_logical3A_1141 = arith.constant 2 : i32
    %shift_right_logical3A_1142 = vector.broadcast %shift_right_logical3A_1141 : i32 to vector<16xi32>
    %shift_right_logical3A_1143 = arith.shrui %add3A_1140, %shift_right_logical3A_1142 : vector<16xi32>
    %and3A_1144 = arith.constant 3 : i32
    %and3A_1145 = vector.broadcast %and3A_1144 : i32 to vector<16xi32>
    %and3A_1146 = arith.andi %add3A_1140, %and3A_1145 : vector<16xi32>
    %mul3A_1147 = arith.constant 31 : i32
    %mul3A_1148 = vector.broadcast %mul3A_1147 : i32 to vector<16xi32>
    %mul3A_1149 = arith.muli %shift_right_logical3A_1143, %mul3A_1148 : vector<16xi32>
    %add3A_1150 = arith.addi %convert_element_type3A_993, %mul3A_1149 : vector<16xi32>
    %add3A_1151 = arith.addi %add3A_1150, %and3A_1146 : vector<16xi32>
    %swap3A_1152 = arith.constant 64 : index
    %swap3A_1153 = tpu.vector_load %arg7[%swap3A_1152] {strides = array<i32>} : memref<80xi32, #tpu.memory_space<vmem>>, vector<16xi32>,
    tpu.vector_store %arg7[%swap3A_1152], %add3A_1151 {strides = array<i32>} : memref<80xi32, #tpu.memory_space<vmem>>, vector<16xi32>,
    %dma_start3A_1154 = arith.constant 0 : i32
    %dma_start3A_1155 = arith.constant 0 : i32
    %dma_start3A_1156 = tpu.memref_slice %arg8[%dma_start3A_1154, %dma_start3A_1155] : memref<160x16xf32, #tpu.memory_space<vmem>> -> memref<80x16xf32, #tpu.memory_space<vmem>>
    %dma_start3A_1157 = arith.constant 0 : i32
    %dma_start3A_1158 = arith.constant 0 : i32
    %dma_start3A_1159 = tpu.memref_slice %arg2[%dma_start3A_1157, %dma_start3A_1158] : memref<53568x16xf32, #tpu.memory_space<hbm>> -> memref<53568x16xf32, #tpu.memory_space<hbm>>
    tpu.enqueue_indirect_dma source(%dma_start3A_1159 : memref<53568x16xf32, #tpu.memory_space<hbm>>) target(%dma_start3A_1156 : memref<80x16xf32, #tpu.memory_space<vmem>>) offsets(%arg6 : memref<80xi32, #tpu.memory_space<vmem>>) semaphore(%arg10 : memref<!tpu.dma_semaphore, #tpu.memory_space<semaphore_mem>>)
    %dma_start3A_1160 = arith.constant 80 : i32
    %dma_start3A_1161 = arith.constant 0 : i32
    %dma_start3A_1162 = tpu.memref_slice %arg8[%dma_start3A_1160, %dma_start3A_1161] : memref<160x16xf32, #tpu.memory_space<vmem>> -> memref<80x16xf32, #tpu.memory_space<vmem>>
    %dma_start3A_1163 = arith.constant 0 : i32
    %dma_start3A_1164 = arith.constant 0 : i32
    %dma_start3A_1165 = tpu.memref_slice %arg2[%dma_start3A_1163, %dma_start3A_1164] : memref<53568x16xf32, #tpu.memory_space<hbm>> -> memref<53568x16xf32, #tpu.memory_space<hbm>>
    tpu.enqueue_indirect_dma source(%dma_start3A_1165 : memref<53568x16xf32, #tpu.memory_space<hbm>>) target(%dma_start3A_1162 : memref<80x16xf32, #tpu.memory_space<vmem>>) offsets(%arg7 : memref<80xi32, #tpu.memory_space<vmem>>) semaphore(%arg11 : memref<!tpu.dma_semaphore, #tpu.memory_space<semaphore_mem>>)
    %dma_wait3A_1166 = arith.constant 0 : i32
    %dma_wait3A_1167 = arith.constant 0 : i32
    %dma_wait3A_1168 = tpu.memref_slice %arg8[%dma_wait3A_1166, %dma_wait3A_1167] : memref<160x16xf32, #tpu.memory_space<vmem>> -> memref<80x16xf32, #tpu.memory_space<vmem>>
    %dma_wait3A_1169 = arith.constant 0 : i32
    %dma_wait3A_1170 = arith.constant 0 : i32
    %dma_wait3A_1171 = tpu.memref_slice %arg2[%dma_wait3A_1169, %dma_wait3A_1170] : memref<53568x16xf32, #tpu.memory_space<hbm>> -> memref<53568x16xf32, #tpu.memory_space<hbm>>
    tpu.wait_indirect_dma semaphore(%arg10 : memref<!tpu.dma_semaphore, #tpu.memory_space<semaphore_mem>>) src(%dma_wait3A_1171 : memref<53568x16xf32, #tpu.memory_space<hbm>>) dst(%dma_wait3A_1168 : memref<80x16xf32, #tpu.memory_space<vmem>>)
    %dma_wait3A_1172 = arith.constant 80 : i32
    %dma_wait3A_1173 = arith.constant 0 : i32
    %dma_wait3A_1174 = tpu.memref_slice %arg8[%dma_wait3A_1172, %dma_wait3A_1173] : memref<160x16xf32, #tpu.memory_space<vmem>> -> memref<80x16xf32, #tpu.memory_space<vmem>>
    %dma_wait3A_1175 = arith.constant 0 : i32
    %dma_wait3A_1176 = arith.constant 0 : i32
    %dma_wait3A_1177 = tpu.memref_slice %arg2[%dma_wait3A_1175, %dma_wait3A_1176] : memref<53568x16xf32, #tpu.memory_space<hbm>> -> memref<53568x16xf32, #tpu.memory_space<hbm>>
    tpu.wait_indirect_dma semaphore(%arg11 : memref<!tpu.dma_semaphore, #tpu.memory_space<semaphore_mem>>) src(%dma_wait3A_1177 : memref<53568x16xf32, #tpu.memory_space<hbm>>) dst(%dma_wait3A_1174 : memref<80x16xf32, #tpu.memory_space<vmem>>)
    %add3A_1178 = arith.addf %gather3A_989, %convert_element_type3A : vector<16xf32>
    %sub3A_1179 = arith.subf %add3A_1178, %gather3A_968 : vector<16xf32>
    %sub3A_1180 = arith.subf %gather3A_986, %gather3A_971 : vector<16xf32>
    %broadcast_in_dim3A_1181 = arith.constant 0.000000e+00 : f32
    %broadcast_in_dim3A_1182 = vector.broadcast %broadcast_in_dim3A_1181 : f32 to vector<16xf32>
    %broadcast_in_dim3A_1183 = arith.constant 0.000000e+00 : f32
    %broadcast_in_dim3A_1184 = vector.broadcast %broadcast_in_dim3A_1183 : f32 to vector<16xf32>
    %scan3A_1185 = arith.constant 0 : i32
    %scan3A_1186 = arith.constant 20 : i32
    %scan3A_1187 = arith.addi %scan3A_1185, %scan3A_1186 : i32
    %scan3A_1188 = arith.constant 1 : i32
    %scan3A_1189:2 = scf.for %scan3A_1694 = %scan3A_1185 to %scan3A_1187 step %scan3A_1188 iter_args(%scan3A_1695 = %broadcast_in_dim3A_1182, %scan3A_1696 = %broadcast_in_dim3A_1184) -> (vector<16xf32>, vector<16xf32>)  : i32 {
      %mul3A_1697 = arith.constant 2 : i32
      %mul3A_1698 = arith.muli %mul3A_1697, %scan3A_1694 : i32
      %broadcast_in_dim3A_1699 = vector.broadcast %mul3A_1698 : i32 to vector<16xi32>
      %convert_element_type3A_1700 = arith.sitofp %broadcast_in_dim3A_1699 : vector<16xi32> to vector<16xf32>
      %mul3A_1701 = arith.constant 8 : i32
      %mul3A_1702 = arith.muli %scan3A_1694, %mul3A_1701 : i32
      %add3A_1703 = arith.constant 0 : i32
      %add3A_1704 = arith.addi %mul3A_1702, %add3A_1703 : i32
      %add3A_1705 = arith.constant 0.000000e+00 : f32
      %add3A_1706 = vector.broadcast %add3A_1705 : f32 to vector<16xf32>
      %add3A_1707 = arith.addf %convert_element_type3A_1700, %add3A_1706 : vector<16xf32>
      %add3A_1708 = arith.addf %sub3A_1180, %add3A_1707 : vector<16xf32>
      %add3A_1709 = arith.constant 0.000000e+00 : f32
      %add3A_1710 = vector.broadcast %add3A_1709 : f32 to vector<16xf32>
      %add3A_1711 = arith.addf %sub3A_1179, %add3A_1710 : vector<16xf32>
      %mul3A_1712 = arith.mulf %add3A_1711, %gather3A_974 : vector<16xf32>
      %mul3A_1713 = arith.mulf %add3A_1708, %gather3A_977 : vector<16xf32>
      %add3A_1714 = arith.addf %mul3A_1712, %mul3A_1713 : vector<16xf32>
      %mul3A_1715 = arith.mulf %add3A_1708, %gather3A_974 : vector<16xf32>
      %mul3A_1716 = arith.mulf %add3A_1711, %gather3A_977 : vector<16xf32>
      %sub3A_1717 = arith.subf %mul3A_1715, %mul3A_1716 : vector<16xf32>
      %abs3A = math.absf %add3A_1714 : vector<16xf32>
      %le3A = arith.cmpf ole, %abs3A, %gather3A_980 : vector<16xf32>
      %abs3A_1718 = math.absf %sub3A_1717 : vector<16xf32>
      %le3A_1719 = arith.cmpf ole, %abs3A_1718, %gather3A_983 : vector<16xf32>
      %and3A_1720 = arith.andi %le3A, %le3A_1719 : vector<16xi1>
      %broadcast_in_dim3A_1721 = vector.broadcast %add3A_1704 : i32 to vector<16xi32>
      %gather3A_1722 = tpu.vector_load_idx %arg8[%broadcast_in_dim3A_1721, %iota3A] : memref<160x16xf32, #tpu.memory_space<vmem>>[vector<16xi32>, vector<16xi32>], vector<16xf32>,
      %ne3A = arith.constant 0.000000e+00 : f32
      %ne3A_1723 = vector.broadcast %ne3A : f32 to vector<16xf32>
      %ne3A_1724 = arith.cmpf one, %gather3A_1722, %ne3A_1723 : vector<16xf32>
      %and3A_1725 = arith.andi %and3A_1720, %ne3A_1724 : vector<16xi1>
      %jit3A = arith.constant 1.000000e+00 : f32
      %jit3A_1726 = arith.constant 0.000000e+00 : f32
      %broadcast_in_dim3A_1727 = vector.broadcast %jit3A : f32 to vector<16xf32>
      %broadcast_in_dim3A_1728 = vector.broadcast %jit3A_1726 : f32 to vector<16xf32>
      %select_n3A = arith.select %and3A_1725, %broadcast_in_dim3A_1727, %broadcast_in_dim3A_1728 : vector<16xi1>, vector<16xf32>
      %add3A_1729 = arith.addf %scan3A_1695, %select_n3A : vector<16xf32>
      %eq3A = arith.constant 3.000000e+00 : f32
      %eq3A_1730 = vector.broadcast %eq3A : f32 to vector<16xf32>
      %eq3A_1731 = arith.cmpf oeq, %gather3A_1722, %eq3A_1730 : vector<16xf32>
      %and3A_1732 = arith.andi %and3A_1720, %eq3A_1731 : vector<16xi1>
      %jit3A_1733 = arith.constant 1.000000e+00 : f32
      %jit3A_1734 = arith.constant 0.000000e+00 : f32
      %broadcast_in_dim3A_1735 = vector.broadcast %jit3A_1733 : f32 to vector<16xf32>
      %broadcast_in_dim3A_1736 = vector.broadcast %jit3A_1734 : f32 to vector<16xf32>
      %select_n3A_1737 = arith.select %and3A_1732, %broadcast_in_dim3A_1735, %broadcast_in_dim3A_1736 : vector<16xi1>, vector<16xf32>
      %add3A_1738 = arith.addf %scan3A_1696, %select_n3A_1737 : vector<16xf32>
      %mul3A_1739 = arith.constant 8 : i32
      %mul3A_1740 = arith.muli %scan3A_1694, %mul3A_1739 : i32
      %add3A_1741 = arith.constant 1 : i32
      %add3A_1742 = arith.addi %mul3A_1740, %add3A_1741 : i32
      %add3A_1743 = arith.constant 0.000000e+00 : f32
      %add3A_1744 = vector.broadcast %add3A_1743 : f32 to vector<16xf32>
      %add3A_1745 = arith.addf %convert_element_type3A_1700, %add3A_1744 : vector<16xf32>
      %add3A_1746 = arith.addf %sub3A_1180, %add3A_1745 : vector<16xf32>
      %add3A_1747 = arith.constant 1.600000e+01 : f32
      %add3A_1748 = vector.broadcast %add3A_1747 : f32 to vector<16xf32>
      %add3A_1749 = arith.addf %sub3A_1179, %add3A_1748 : vector<16xf32>
      %mul3A_1750 = arith.mulf %add3A_1749, %gather3A_974 : vector<16xf32>
      %mul3A_1751 = arith.mulf %add3A_1746, %gather3A_977 : vector<16xf32>
      %add3A_1752 = arith.addf %mul3A_1750, %mul3A_1751 : vector<16xf32>
      %mul3A_1753 = arith.mulf %add3A_1746, %gather3A_974 : vector<16xf32>
      %mul3A_1754 = arith.mulf %add3A_1749, %gather3A_977 : vector<16xf32>
      %sub3A_1755 = arith.subf %mul3A_1753, %mul3A_1754 : vector<16xf32>
      %abs3A_1756 = math.absf %add3A_1752 : vector<16xf32>
      %le3A_1757 = arith.cmpf ole, %abs3A_1756, %gather3A_980 : vector<16xf32>
      %abs3A_1758 = math.absf %sub3A_1755 : vector<16xf32>
      %le3A_1759 = arith.cmpf ole, %abs3A_1758, %gather3A_983 : vector<16xf32>
      %and3A_1760 = arith.andi %le3A_1757, %le3A_1759 : vector<16xi1>
      %broadcast_in_dim3A_1761 = vector.broadcast %add3A_1742 : i32 to vector<16xi32>
      %gather3A_1762 = tpu.vector_load_idx %arg8[%broadcast_in_dim3A_1761, %iota3A] : memref<160x16xf32, #tpu.memory_space<vmem>>[vector<16xi32>, vector<16xi32>], vector<16xf32>,
      %ne3A_1763 = arith.constant 0.000000e+00 : f32
      %ne3A_1764 = vector.broadcast %ne3A_1763 : f32 to vector<16xf32>
      %ne3A_1765 = arith.cmpf one, %gather3A_1762, %ne3A_1764 : vector<16xf32>
      %and3A_1766 = arith.andi %and3A_1760, %ne3A_1765 : vector<16xi1>
      %jit3A_1767 = arith.constant 1.000000e+00 : f32
      %jit3A_1768 = arith.constant 0.000000e+00 : f32
      %broadcast_in_dim3A_1769 = vector.broadcast %jit3A_1767 : f32 to vector<16xf32>
      %broadcast_in_dim3A_1770 = vector.broadcast %jit3A_1768 : f32 to vector<16xf32>
      %select_n3A_1771 = arith.select %and3A_1766, %broadcast_in_dim3A_1769, %broadcast_in_dim3A_1770 : vector<16xi1>, vector<16xf32>
      %add3A_1772 = arith.addf %add3A_1729, %select_n3A_1771 : vector<16xf32>
      %eq3A_1773 = arith.constant 3.000000e+00 : f32
      %eq3A_1774 = vector.broadcast %eq3A_1773 : f32 to vector<16xf32>
      %eq3A_1775 = arith.cmpf oeq, %gather3A_1762, %eq3A_1774 : vector<16xf32>
      %and3A_1776 = arith.andi %and3A_1760, %eq3A_1775 : vector<16xi1>
      %jit3A_1777 = arith.constant 1.000000e+00 : f32
      %jit3A_1778 = arith.constant 0.000000e+00 : f32
      %broadcast_in_dim3A_1779 = vector.broadcast %jit3A_1777 : f32 to vector<16xf32>
      %broadcast_in_dim3A_1780 = vector.broadcast %jit3A_1778 : f32 to vector<16xf32>
      %select_n3A_1781 = arith.select %and3A_1776, %broadcast_in_dim3A_1779, %broadcast_in_dim3A_1780 : vector<16xi1>, vector<16xf32>
      %add3A_1782 = arith.addf %add3A_1738, %select_n3A_1781 : vector<16xf32>
      %mul3A_1783 = arith.constant 8 : i32
      %mul3A_1784 = arith.muli %scan3A_1694, %mul3A_1783 : i32
      %add3A_1785 = arith.constant 2 : i32
      %add3A_1786 = arith.addi %mul3A_1784, %add3A_1785 : i32
      %add3A_1787 = arith.constant 0.000000e+00 : f32
      %add3A_1788 = vector.broadcast %add3A_1787 : f32 to vector<16xf32>
      %add3A_1789 = arith.addf %convert_element_type3A_1700, %add3A_1788 : vector<16xf32>
      %add3A_1790 = arith.addf %sub3A_1180, %add3A_1789 : vector<16xf32>
      %add3A_1791 = arith.constant 3.200000e+01 : f32
      %add3A_1792 = vector.broadcast %add3A_1791 : f32 to vector<16xf32>
      %add3A_1793 = arith.addf %sub3A_1179, %add3A_1792 : vector<16xf32>
      %mul3A_1794 = arith.mulf %add3A_1793, %gather3A_974 : vector<16xf32>
      %mul3A_1795 = arith.mulf %add3A_1790, %gather3A_977 : vector<16xf32>
      %add3A_1796 = arith.addf %mul3A_1794, %mul3A_1795 : vector<16xf32>
      %mul3A_1797 = arith.mulf %add3A_1790, %gather3A_974 : vector<16xf32>
      %mul3A_1798 = arith.mulf %add3A_1793, %gather3A_977 : vector<16xf32>
      %sub3A_1799 = arith.subf %mul3A_1797, %mul3A_1798 : vector<16xf32>
      %abs3A_1800 = math.absf %add3A_1796 : vector<16xf32>
      %le3A_1801 = arith.cmpf ole, %abs3A_1800, %gather3A_980 : vector<16xf32>
      %abs3A_1802 = math.absf %sub3A_1799 : vector<16xf32>
      %le3A_1803 = arith.cmpf ole, %abs3A_1802, %gather3A_983 : vector<16xf32>
      %and3A_1804 = arith.andi %le3A_1801, %le3A_1803 : vector<16xi1>
      %broadcast_in_dim3A_1805 = vector.broadcast %add3A_1786 : i32 to vector<16xi32>
      %gather3A_1806 = tpu.vector_load_idx %arg8[%broadcast_in_dim3A_1805, %iota3A] : memref<160x16xf32, #tpu.memory_space<vmem>>[vector<16xi32>, vector<16xi32>], vector<16xf32>,
      %ne3A_1807 = arith.constant 0.000000e+00 : f32
      %ne3A_1808 = vector.broadcast %ne3A_1807 : f32 to vector<16xf32>
      %ne3A_1809 = arith.cmpf one, %gather3A_1806, %ne3A_1808 : vector<16xf32>
      %and3A_1810 = arith.andi %and3A_1804, %ne3A_1809 : vector<16xi1>
      %jit3A_1811 = arith.constant 1.000000e+00 : f32
      %jit3A_1812 = arith.constant 0.000000e+00 : f32
      %broadcast_in_dim3A_1813 = vector.broadcast %jit3A_1811 : f32 to vector<16xf32>
      %broadcast_in_dim3A_1814 = vector.broadcast %jit3A_1812 : f32 to vector<16xf32>
      %select_n3A_1815 = arith.select %and3A_1810, %broadcast_in_dim3A_1813, %broadcast_in_dim3A_1814 : vector<16xi1>, vector<16xf32>
      %add3A_1816 = arith.addf %add3A_1772, %select_n3A_1815 : vector<16xf32>
      %eq3A_1817 = arith.constant 3.000000e+00 : f32
      %eq3A_1818 = vector.broadcast %eq3A_1817 : f32 to vector<16xf32>
      %eq3A_1819 = arith.cmpf oeq, %gather3A_1806, %eq3A_1818 : vector<16xf32>
      %and3A_1820 = arith.andi %and3A_1804, %eq3A_1819 : vector<16xi1>
      %jit3A_1821 = arith.constant 1.000000e+00 : f32
      %jit3A_1822 = arith.constant 0.000000e+00 : f32
      %broadcast_in_dim3A_1823 = vector.broadcast %jit3A_1821 : f32 to vector<16xf32>
      %broadcast_in_dim3A_1824 = vector.broadcast %jit3A_1822 : f32 to vector<16xf32>
      %select_n3A_1825 = arith.select %and3A_1820, %broadcast_in_dim3A_1823, %broadcast_in_dim3A_1824 : vector<16xi1>, vector<16xf32>
      %add3A_1826 = arith.addf %add3A_1782, %select_n3A_1825 : vector<16xf32>
      %mul3A_1827 = arith.constant 8 : i32
      %mul3A_1828 = arith.muli %scan3A_1694, %mul3A_1827 : i32
      %add3A_1829 = arith.constant 3 : i32
      %add3A_1830 = arith.addi %mul3A_1828, %add3A_1829 : i32
      %add3A_1831 = arith.constant 0.000000e+00 : f32
      %add3A_1832 = vector.broadcast %add3A_1831 : f32 to vector<16xf32>
      %add3A_1833 = arith.addf %convert_element_type3A_1700, %add3A_1832 : vector<16xf32>
      %add3A_1834 = arith.addf %sub3A_1180, %add3A_1833 : vector<16xf32>
      %add3A_1835 = arith.constant 4.800000e+01 : f32
      %add3A_1836 = vector.broadcast %add3A_1835 : f32 to vector<16xf32>
      %add3A_1837 = arith.addf %sub3A_1179, %add3A_1836 : vector<16xf32>
      %mul3A_1838 = arith.mulf %add3A_1837, %gather3A_974 : vector<16xf32>
      %mul3A_1839 = arith.mulf %add3A_1834, %gather3A_977 : vector<16xf32>
      %add3A_1840 = arith.addf %mul3A_1838, %mul3A_1839 : vector<16xf32>
      %mul3A_1841 = arith.mulf %add3A_1834, %gather3A_974 : vector<16xf32>
      %mul3A_1842 = arith.mulf %add3A_1837, %gather3A_977 : vector<16xf32>
      %sub3A_1843 = arith.subf %mul3A_1841, %mul3A_1842 : vector<16xf32>
      %abs3A_1844 = math.absf %add3A_1840 : vector<16xf32>
      %le3A_1845 = arith.cmpf ole, %abs3A_1844, %gather3A_980 : vector<16xf32>
      %abs3A_1846 = math.absf %sub3A_1843 : vector<16xf32>
      %le3A_1847 = arith.cmpf ole, %abs3A_1846, %gather3A_983 : vector<16xf32>
      %and3A_1848 = arith.andi %le3A_1845, %le3A_1847 : vector<16xi1>
      %broadcast_in_dim3A_1849 = vector.broadcast %add3A_1830 : i32 to vector<16xi32>
      %gather3A_1850 = tpu.vector_load_idx %arg8[%broadcast_in_dim3A_1849, %iota3A] : memref<160x16xf32, #tpu.memory_space<vmem>>[vector<16xi32>, vector<16xi32>], vector<16xf32>,
      %ne3A_1851 = arith.constant 0.000000e+00 : f32
      %ne3A_1852 = vector.broadcast %ne3A_1851 : f32 to vector<16xf32>
      %ne3A_1853 = arith.cmpf one, %gather3A_1850, %ne3A_1852 : vector<16xf32>
      %and3A_1854 = arith.andi %and3A_1848, %ne3A_1853 : vector<16xi1>
      %jit3A_1855 = arith.constant 1.000000e+00 : f32
      %jit3A_1856 = arith.constant 0.000000e+00 : f32
      %broadcast_in_dim3A_1857 = vector.broadcast %jit3A_1855 : f32 to vector<16xf32>
      %broadcast_in_dim3A_1858 = vector.broadcast %jit3A_1856 : f32 to vector<16xf32>
      %select_n3A_1859 = arith.select %and3A_1854, %broadcast_in_dim3A_1857, %broadcast_in_dim3A_1858 : vector<16xi1>, vector<16xf32>
      %add3A_1860 = arith.addf %add3A_1816, %select_n3A_1859 : vector<16xf32>
      %eq3A_1861 = arith.constant 3.000000e+00 : f32
      %eq3A_1862 = vector.broadcast %eq3A_1861 : f32 to vector<16xf32>
      %eq3A_1863 = arith.cmpf oeq, %gather3A_1850, %eq3A_1862 : vector<16xf32>
      %and3A_1864 = arith.andi %and3A_1848, %eq3A_1863 : vector<16xi1>
      %jit3A_1865 = arith.constant 1.000000e+00 : f32
      %jit3A_1866 = arith.constant 0.000000e+00 : f32
      %broadcast_in_dim3A_1867 = vector.broadcast %jit3A_1865 : f32 to vector<16xf32>
      %broadcast_in_dim3A_1868 = vector.broadcast %jit3A_1866 : f32 to vector<16xf32>
      %select_n3A_1869 = arith.select %and3A_1864, %broadcast_in_dim3A_1867, %broadcast_in_dim3A_1868 : vector<16xi1>, vector<16xf32>
      %add3A_1870 = arith.addf %add3A_1826, %select_n3A_1869 : vector<16xf32>
      %mul3A_1871 = arith.constant 8 : i32
      %mul3A_1872 = arith.muli %scan3A_1694, %mul3A_1871 : i32
      %add3A_1873 = arith.constant 4 : i32
      %add3A_1874 = arith.addi %mul3A_1872, %add3A_1873 : i32
      %add3A_1875 = arith.constant 1.000000e+00 : f32
      %add3A_1876 = vector.broadcast %add3A_1875 : f32 to vector<16xf32>
      %add3A_1877 = arith.addf %convert_element_type3A_1700, %add3A_1876 : vector<16xf32>
      %add3A_1878 = arith.addf %sub3A_1180, %add3A_1877 : vector<16xf32>
      %add3A_1879 = arith.constant 0.000000e+00 : f32
      %add3A_1880 = vector.broadcast %add3A_1879 : f32 to vector<16xf32>
      %add3A_1881 = arith.addf %sub3A_1179, %add3A_1880 : vector<16xf32>
      %mul3A_1882 = arith.mulf %add3A_1881, %gather3A_974 : vector<16xf32>
      %mul3A_1883 = arith.mulf %add3A_1878, %gather3A_977 : vector<16xf32>
      %add3A_1884 = arith.addf %mul3A_1882, %mul3A_1883 : vector<16xf32>
      %mul3A_1885 = arith.mulf %add3A_1878, %gather3A_974 : vector<16xf32>
      %mul3A_1886 = arith.mulf %add3A_1881, %gather3A_977 : vector<16xf32>
      %sub3A_1887 = arith.subf %mul3A_1885, %mul3A_1886 : vector<16xf32>
      %abs3A_1888 = math.absf %add3A_1884 : vector<16xf32>
      %le3A_1889 = arith.cmpf ole, %abs3A_1888, %gather3A_980 : vector<16xf32>
      %abs3A_1890 = math.absf %sub3A_1887 : vector<16xf32>
      %le3A_1891 = arith.cmpf ole, %abs3A_1890, %gather3A_983 : vector<16xf32>
      %and3A_1892 = arith.andi %le3A_1889, %le3A_1891 : vector<16xi1>
      %broadcast_in_dim3A_1893 = vector.broadcast %add3A_1874 : i32 to vector<16xi32>
      %gather3A_1894 = tpu.vector_load_idx %arg8[%broadcast_in_dim3A_1893, %iota3A] : memref<160x16xf32, #tpu.memory_space<vmem>>[vector<16xi32>, vector<16xi32>], vector<16xf32>,
      %ne3A_1895 = arith.constant 0.000000e+00 : f32
      %ne3A_1896 = vector.broadcast %ne3A_1895 : f32 to vector<16xf32>
      %ne3A_1897 = arith.cmpf one, %gather3A_1894, %ne3A_1896 : vector<16xf32>
      %and3A_1898 = arith.andi %and3A_1892, %ne3A_1897 : vector<16xi1>
      %jit3A_1899 = arith.constant 1.000000e+00 : f32
      %jit3A_1900 = arith.constant 0.000000e+00 : f32
      %broadcast_in_dim3A_1901 = vector.broadcast %jit3A_1899 : f32 to vector<16xf32>
      %broadcast_in_dim3A_1902 = vector.broadcast %jit3A_1900 : f32 to vector<16xf32>
      %select_n3A_1903 = arith.select %and3A_1898, %broadcast_in_dim3A_1901, %broadcast_in_dim3A_1902 : vector<16xi1>, vector<16xf32>
      %add3A_1904 = arith.addf %add3A_1860, %select_n3A_1903 : vector<16xf32>
      %eq3A_1905 = arith.constant 3.000000e+00 : f32
      %eq3A_1906 = vector.broadcast %eq3A_1905 : f32 to vector<16xf32>
      %eq3A_1907 = arith.cmpf oeq, %gather3A_1894, %eq3A_1906 : vector<16xf32>
      %and3A_1908 = arith.andi %and3A_1892, %eq3A_1907 : vector<16xi1>
      %jit3A_1909 = arith.constant 1.000000e+00 : f32
      %jit3A_1910 = arith.constant 0.000000e+00 : f32
      %broadcast_in_dim3A_1911 = vector.broadcast %jit3A_1909 : f32 to vector<16xf32>
      %broadcast_in_dim3A_1912 = vector.broadcast %jit3A_1910 : f32 to vector<16xf32>
      %select_n3A_1913 = arith.select %and3A_1908, %broadcast_in_dim3A_1911, %broadcast_in_dim3A_1912 : vector<16xi1>, vector<16xf32>
      %add3A_1914 = arith.addf %add3A_1870, %select_n3A_1913 : vector<16xf32>
      %mul3A_1915 = arith.constant 8 : i32
      %mul3A_1916 = arith.muli %scan3A_1694, %mul3A_1915 : i32
      %add3A_1917 = arith.constant 5 : i32
      %add3A_1918 = arith.addi %mul3A_1916, %add3A_1917 : i32
      %add3A_1919 = arith.constant 1.000000e+00 : f32
      %add3A_1920 = vector.broadcast %add3A_1919 : f32 to vector<16xf32>
      %add3A_1921 = arith.addf %convert_element_type3A_1700, %add3A_1920 : vector<16xf32>
      %add3A_1922 = arith.addf %sub3A_1180, %add3A_1921 : vector<16xf32>
      %add3A_1923 = arith.constant 1.600000e+01 : f32
      %add3A_1924 = vector.broadcast %add3A_1923 : f32 to vector<16xf32>
      %add3A_1925 = arith.addf %sub3A_1179, %add3A_1924 : vector<16xf32>
      %mul3A_1926 = arith.mulf %add3A_1925, %gather3A_974 : vector<16xf32>
      %mul3A_1927 = arith.mulf %add3A_1922, %gather3A_977 : vector<16xf32>
      %add3A_1928 = arith.addf %mul3A_1926, %mul3A_1927 : vector<16xf32>
      %mul3A_1929 = arith.mulf %add3A_1922, %gather3A_974 : vector<16xf32>
      %mul3A_1930 = arith.mulf %add3A_1925, %gather3A_977 : vector<16xf32>
      %sub3A_1931 = arith.subf %mul3A_1929, %mul3A_1930 : vector<16xf32>
      %abs3A_1932 = math.absf %add3A_1928 : vector<16xf32>
      %le3A_1933 = arith.cmpf ole, %abs3A_1932, %gather3A_980 : vector<16xf32>
      %abs3A_1934 = math.absf %sub3A_1931 : vector<16xf32>
      %le3A_1935 = arith.cmpf ole, %abs3A_1934, %gather3A_983 : vector<16xf32>
      %and3A_1936 = arith.andi %le3A_1933, %le3A_1935 : vector<16xi1>
      %broadcast_in_dim3A_1937 = vector.broadcast %add3A_1918 : i32 to vector<16xi32>
      %gather3A_1938 = tpu.vector_load_idx %arg8[%broadcast_in_dim3A_1937, %iota3A] : memref<160x16xf32, #tpu.memory_space<vmem>>[vector<16xi32>, vector<16xi32>], vector<16xf32>,
      %ne3A_1939 = arith.constant 0.000000e+00 : f32
      %ne3A_1940 = vector.broadcast %ne3A_1939 : f32 to vector<16xf32>
      %ne3A_1941 = arith.cmpf one, %gather3A_1938, %ne3A_1940 : vector<16xf32>
      %and3A_1942 = arith.andi %and3A_1936, %ne3A_1941 : vector<16xi1>
      %jit3A_1943 = arith.constant 1.000000e+00 : f32
      %jit3A_1944 = arith.constant 0.000000e+00 : f32
      %broadcast_in_dim3A_1945 = vector.broadcast %jit3A_1943 : f32 to vector<16xf32>
      %broadcast_in_dim3A_1946 = vector.broadcast %jit3A_1944 : f32 to vector<16xf32>
      %select_n3A_1947 = arith.select %and3A_1942, %broadcast_in_dim3A_1945, %broadcast_in_dim3A_1946 : vector<16xi1>, vector<16xf32>
      %add3A_1948 = arith.addf %add3A_1904, %select_n3A_1947 : vector<16xf32>
      %eq3A_1949 = arith.constant 3.000000e+00 : f32
      %eq3A_1950 = vector.broadcast %eq3A_1949 : f32 to vector<16xf32>
      %eq3A_1951 = arith.cmpf oeq, %gather3A_1938, %eq3A_1950 : vector<16xf32>
      %and3A_1952 = arith.andi %and3A_1936, %eq3A_1951 : vector<16xi1>
      %jit3A_1953 = arith.constant 1.000000e+00 : f32
      %jit3A_1954 = arith.constant 0.000000e+00 : f32
      %broadcast_in_dim3A_1955 = vector.broadcast %jit3A_1953 : f32 to vector<16xf32>
      %broadcast_in_dim3A_1956 = vector.broadcast %jit3A_1954 : f32 to vector<16xf32>
      %select_n3A_1957 = arith.select %and3A_1952, %broadcast_in_dim3A_1955, %broadcast_in_dim3A_1956 : vector<16xi1>, vector<16xf32>
      %add3A_1958 = arith.addf %add3A_1914, %select_n3A_1957 : vector<16xf32>
      %mul3A_1959 = arith.constant 8 : i32
      %mul3A_1960 = arith.muli %scan3A_1694, %mul3A_1959 : i32
      %add3A_1961 = arith.constant 6 : i32
      %add3A_1962 = arith.addi %mul3A_1960, %add3A_1961 : i32
      %add3A_1963 = arith.constant 1.000000e+00 : f32
      %add3A_1964 = vector.broadcast %add3A_1963 : f32 to vector<16xf32>
      %add3A_1965 = arith.addf %convert_element_type3A_1700, %add3A_1964 : vector<16xf32>
      %add3A_1966 = arith.addf %sub3A_1180, %add3A_1965 : vector<16xf32>
      %add3A_1967 = arith.constant 3.200000e+01 : f32
      %add3A_1968 = vector.broadcast %add3A_1967 : f32 to vector<16xf32>
      %add3A_1969 = arith.addf %sub3A_1179, %add3A_1968 : vector<16xf32>
      %mul3A_1970 = arith.mulf %add3A_1969, %gather3A_974 : vector<16xf32>
      %mul3A_1971 = arith.mulf %add3A_1966, %gather3A_977 : vector<16xf32>
      %add3A_1972 = arith.addf %mul3A_1970, %mul3A_1971 : vector<16xf32>
      %mul3A_1973 = arith.mulf %add3A_1966, %gather3A_974 : vector<16xf32>
      %mul3A_1974 = arith.mulf %add3A_1969, %gather3A_977 : vector<16xf32>
      %sub3A_1975 = arith.subf %mul3A_1973, %mul3A_1974 : vector<16xf32>
      %abs3A_1976 = math.absf %add3A_1972 : vector<16xf32>
      %le3A_1977 = arith.cmpf ole, %abs3A_1976, %gather3A_980 : vector<16xf32>
      %abs3A_1978 = math.absf %sub3A_1975 : vector<16xf32>
      %le3A_1979 = arith.cmpf ole, %abs3A_1978, %gather3A_983 : vector<16xf32>
      %and3A_1980 = arith.andi %le3A_1977, %le3A_1979 : vector<16xi1>
      %broadcast_in_dim3A_1981 = vector.broadcast %add3A_1962 : i32 to vector<16xi32>
      %gather3A_1982 = tpu.vector_load_idx %arg8[%broadcast_in_dim3A_1981, %iota3A] : memref<160x16xf32, #tpu.memory_space<vmem>>[vector<16xi32>, vector<16xi32>], vector<16xf32>,
      %ne3A_1983 = arith.constant 0.000000e+00 : f32
      %ne3A_1984 = vector.broadcast %ne3A_1983 : f32 to vector<16xf32>
      %ne3A_1985 = arith.cmpf one, %gather3A_1982, %ne3A_1984 : vector<16xf32>
      %and3A_1986 = arith.andi %and3A_1980, %ne3A_1985 : vector<16xi1>
      %jit3A_1987 = arith.constant 1.000000e+00 : f32
      %jit3A_1988 = arith.constant 0.000000e+00 : f32
      %broadcast_in_dim3A_1989 = vector.broadcast %jit3A_1987 : f32 to vector<16xf32>
      %broadcast_in_dim3A_1990 = vector.broadcast %jit3A_1988 : f32 to vector<16xf32>
      %select_n3A_1991 = arith.select %and3A_1986, %broadcast_in_dim3A_1989, %broadcast_in_dim3A_1990 : vector<16xi1>, vector<16xf32>
      %add3A_1992 = arith.addf %add3A_1948, %select_n3A_1991 : vector<16xf32>
      %eq3A_1993 = arith.constant 3.000000e+00 : f32
      %eq3A_1994 = vector.broadcast %eq3A_1993 : f32 to vector<16xf32>
      %eq3A_1995 = arith.cmpf oeq, %gather3A_1982, %eq3A_1994 : vector<16xf32>
      %and3A_1996 = arith.andi %and3A_1980, %eq3A_1995 : vector<16xi1>
      %jit3A_1997 = arith.constant 1.000000e+00 : f32
      %jit3A_1998 = arith.constant 0.000000e+00 : f32
      %broadcast_in_dim3A_1999 = vector.broadcast %jit3A_1997 : f32 to vector<16xf32>
      %broadcast_in_dim3A_2000 = vector.broadcast %jit3A_1998 : f32 to vector<16xf32>
      %select_n3A_2001 = arith.select %and3A_1996, %broadcast_in_dim3A_1999, %broadcast_in_dim3A_2000 : vector<16xi1>, vector<16xf32>
      %add3A_2002 = arith.addf %add3A_1958, %select_n3A_2001 : vector<16xf32>
      %mul3A_2003 = arith.constant 8 : i32
      %mul3A_2004 = arith.muli %scan3A_1694, %mul3A_2003 : i32
      %add3A_2005 = arith.constant 7 : i32
      %add3A_2006 = arith.addi %mul3A_2004, %add3A_2005 : i32
      %add3A_2007 = arith.constant 1.000000e+00 : f32
      %add3A_2008 = vector.broadcast %add3A_2007 : f32 to vector<16xf32>
      %add3A_2009 = arith.addf %convert_element_type3A_1700, %add3A_2008 : vector<16xf32>
      %add3A_2010 = arith.addf %sub3A_1180, %add3A_2009 : vector<16xf32>
      %add3A_2011 = arith.constant 4.800000e+01 : f32
      %add3A_2012 = vector.broadcast %add3A_2011 : f32 to vector<16xf32>
      %add3A_2013 = arith.addf %sub3A_1179, %add3A_2012 : vector<16xf32>
      %mul3A_2014 = arith.mulf %add3A_2013, %gather3A_974 : vector<16xf32>
      %mul3A_2015 = arith.mulf %add3A_2010, %gather3A_977 : vector<16xf32>
      %add3A_2016 = arith.addf %mul3A_2014, %mul3A_2015 : vector<16xf32>
      %mul3A_2017 = arith.mulf %add3A_2010, %gather3A_974 : vector<16xf32>
      %mul3A_2018 = arith.mulf %add3A_2013, %gather3A_977 : vector<16xf32>
      %sub3A_2019 = arith.subf %mul3A_2017, %mul3A_2018 : vector<16xf32>
      %abs3A_2020 = math.absf %add3A_2016 : vector<16xf32>
      %le3A_2021 = arith.cmpf ole, %abs3A_2020, %gather3A_980 : vector<16xf32>
      %abs3A_2022 = math.absf %sub3A_2019 : vector<16xf32>
      %le3A_2023 = arith.cmpf ole, %abs3A_2022, %gather3A_983 : vector<16xf32>
      %and3A_2024 = arith.andi %le3A_2021, %le3A_2023 : vector<16xi1>
      %broadcast_in_dim3A_2025 = vector.broadcast %add3A_2006 : i32 to vector<16xi32>
      %gather3A_2026 = tpu.vector_load_idx %arg8[%broadcast_in_dim3A_2025, %iota3A] : memref<160x16xf32, #tpu.memory_space<vmem>>[vector<16xi32>, vector<16xi32>], vector<16xf32>,
      %ne3A_2027 = arith.constant 0.000000e+00 : f32
      %ne3A_2028 = vector.broadcast %ne3A_2027 : f32 to vector<16xf32>
      %ne3A_2029 = arith.cmpf one, %gather3A_2026, %ne3A_2028 : vector<16xf32>
      %and3A_2030 = arith.andi %and3A_2024, %ne3A_2029 : vector<16xi1>
      %jit3A_2031 = arith.constant 1.000000e+00 : f32
      %jit3A_2032 = arith.constant 0.000000e+00 : f32
      %broadcast_in_dim3A_2033 = vector.broadcast %jit3A_2031 : f32 to vector<16xf32>
      %broadcast_in_dim3A_2034 = vector.broadcast %jit3A_2032 : f32 to vector<16xf32>
      %select_n3A_2035 = arith.select %and3A_2030, %broadcast_in_dim3A_2033, %broadcast_in_dim3A_2034 : vector<16xi1>, vector<16xf32>
      %add3A_2036 = arith.addf %add3A_1992, %select_n3A_2035 : vector<16xf32>
      %eq3A_2037 = arith.constant 3.000000e+00 : f32
      %eq3A_2038 = vector.broadcast %eq3A_2037 : f32 to vector<16xf32>
      %eq3A_2039 = arith.cmpf oeq, %gather3A_2026, %eq3A_2038 : vector<16xf32>
      %and3A_2040 = arith.andi %and3A_2024, %eq3A_2039 : vector<16xi1>
      %jit3A_2041 = arith.constant 1.000000e+00 : f32
      %jit3A_2042 = arith.constant 0.000000e+00 : f32
      %broadcast_in_dim3A_2043 = vector.broadcast %jit3A_2041 : f32 to vector<16xf32>
      %broadcast_in_dim3A_2044 = vector.broadcast %jit3A_2042 : f32 to vector<16xf32>
      %select_n3A_2045 = arith.select %and3A_2040, %broadcast_in_dim3A_2043, %broadcast_in_dim3A_2044 : vector<16xi1>, vector<16xf32>
      %add3A_2046 = arith.addf %add3A_2002, %select_n3A_2045 : vector<16xf32>
      scf.yield %add3A_2036, %add3A_2046 : vector<16xf32>, vector<16xf32>
    }
    %scan3A_1190 = arith.constant 20 : i32
    %reduce_sum3A_1191 = arith.constant true
    %reduce_sum3A_1192 = vector.broadcast %reduce_sum3A_1191 : i1 to vector<16xi1>
    %reduce_sum3A_1193 = tpu.scan <sum>, %scan3A_1189#0 masked %reduce_sum3A_1192 : vector<16xf32>, vector<16xi1> -> vector<16xf32>
    %reduce_sum3A_1194 = vector.extract %reduce_sum3A_1193[15] : f32 from vector<16xf32>
    %reduce_sum3A_1195 = arith.constant true
    %reduce_sum3A_1196 = vector.broadcast %reduce_sum3A_1195 : i1 to vector<16xi1>
    %reduce_sum3A_1197 = tpu.scan <sum>, %scan3A_1189#1 masked %reduce_sum3A_1196 : vector<16xf32>, vector<16xi1> -> vector<16xf32>
    %reduce_sum3A_1198 = vector.extract %reduce_sum3A_1197[15] : f32 from vector<16xf32>
    %broadcast_in_dim3A_1199 = vector.broadcast %reduce_sum3A_1198 : f32 to vector<16xf32>
    %broadcast_in_dim3A_1200 = vector.broadcast %reduce_sum3A_1194 : f32 to vector<16xf32>
    %max3A_1201 = arith.constant 1.000000e+00 : f32
    %max3A_1202 = vector.broadcast %max3A_1201 : f32 to vector<16xf32>
    %max3A_1203 = arith.maximumf %broadcast_in_dim3A_1200, %max3A_1202 : vector<16xf32>
    %div3A_1204 = arith.divf %broadcast_in_dim3A_1199, %max3A_1203 : vector<16xf32>
    %add3A_1205 = arith.addf %add3A_962, %div3A_1204 : vector<16xf32>
    %add3A_1206 = arith.constant 160 : i32
    %add3A_1207 = arith.addi %add3A, %add3A_1206 : i32
    %broadcast_in_dim3A_1208 = vector.broadcast %add3A_1207 : i32 to vector<16xi32>
    %broadcast_in_dim3A_1209 = arith.constant 0 : i32
    %broadcast_in_dim3A_1210 = vector.broadcast %broadcast_in_dim3A_1209 : i32 to vector<16xi32>
    %gather3A_1211 = tpu.vector_load_idx %arg5[%broadcast_in_dim3A_1210, %broadcast_in_dim3A_1208] : memref<9x224xf32, #tpu.memory_space<vmem>>[vector<16xi32>, vector<16xi32>], vector<16xf32>,
    %broadcast_in_dim3A_1212 = arith.constant 1 : i32
    %broadcast_in_dim3A_1213 = vector.broadcast %broadcast_in_dim3A_1212 : i32 to vector<16xi32>
    %gather3A_1214 = tpu.vector_load_idx %arg5[%broadcast_in_dim3A_1213, %broadcast_in_dim3A_1208] : memref<9x224xf32, #tpu.memory_space<vmem>>[vector<16xi32>, vector<16xi32>], vector<16xf32>,
    %broadcast_in_dim3A_1215 = arith.constant 2 : i32
    %broadcast_in_dim3A_1216 = vector.broadcast %broadcast_in_dim3A_1215 : i32 to vector<16xi32>
    %gather3A_1217 = tpu.vector_load_idx %arg5[%broadcast_in_dim3A_1216, %broadcast_in_dim3A_1208] : memref<9x224xf32, #tpu.memory_space<vmem>>[vector<16xi32>, vector<16xi32>], vector<16xf32>,
    %broadcast_in_dim3A_1218 = arith.constant 3 : i32
    %broadcast_in_dim3A_1219 = vector.broadcast %broadcast_in_dim3A_1218 : i32 to vector<16xi32>
    %gather3A_1220 = tpu.vector_load_idx %arg5[%broadcast_in_dim3A_1219, %broadcast_in_dim3A_1208] : memref<9x224xf32, #tpu.memory_space<vmem>>[vector<16xi32>, vector<16xi32>], vector<16xf32>,
    %broadcast_in_dim3A_1221 = arith.constant 4 : i32
    %broadcast_in_dim3A_1222 = vector.broadcast %broadcast_in_dim3A_1221 : i32 to vector<16xi32>
    %gather3A_1223 = tpu.vector_load_idx %arg5[%broadcast_in_dim3A_1222, %broadcast_in_dim3A_1208] : memref<9x224xf32, #tpu.memory_space<vmem>>[vector<16xi32>, vector<16xi32>], vector<16xf32>,
    %broadcast_in_dim3A_1224 = arith.constant 5 : i32
    %broadcast_in_dim3A_1225 = vector.broadcast %broadcast_in_dim3A_1224 : i32 to vector<16xi32>
    %gather3A_1226 = tpu.vector_load_idx %arg5[%broadcast_in_dim3A_1225, %broadcast_in_dim3A_1208] : memref<9x224xf32, #tpu.memory_space<vmem>>[vector<16xi32>, vector<16xi32>], vector<16xf32>,
    %broadcast_in_dim3A_1227 = arith.constant 6 : i32
    %broadcast_in_dim3A_1228 = vector.broadcast %broadcast_in_dim3A_1227 : i32 to vector<16xi32>
    %gather3A_1229 = tpu.vector_load_idx %arg5[%broadcast_in_dim3A_1228, %broadcast_in_dim3A_1208] : memref<9x224xf32, #tpu.memory_space<vmem>>[vector<16xi32>, vector<16xi32>], vector<16xf32>,
    %broadcast_in_dim3A_1230 = arith.constant 7 : i32
    %broadcast_in_dim3A_1231 = vector.broadcast %broadcast_in_dim3A_1230 : i32 to vector<16xi32>
    %gather3A_1232 = tpu.vector_load_idx %arg5[%broadcast_in_dim3A_1231, %broadcast_in_dim3A_1208] : memref<9x224xf32, #tpu.memory_space<vmem>>[vector<16xi32>, vector<16xi32>], vector<16xf32>,
    %broadcast_in_dim3A_1233 = arith.constant 8 : i32
    %broadcast_in_dim3A_1234 = vector.broadcast %broadcast_in_dim3A_1233 : i32 to vector<16xi32>
    %gather3A_1235 = tpu.vector_load_idx %arg5[%broadcast_in_dim3A_1234, %broadcast_in_dim3A_1208] : memref<9x224xf32, #tpu.memory_space<vmem>>[vector<16xi32>, vector<16xi32>], vector<16xf32>,
    %convert_element_type3A_1236 = arith.fptosi %gather3A_1235 : vector<16xf32> to vector<16xi32>
    %add3A_1237 = arith.constant 0 : i32
    %add3A_1238 = vector.broadcast %add3A_1237 : i32 to vector<16xi32>
    %add3A_1239 = arith.addi %iota3A, %add3A_1238 : vector<16xi32>
    %shift_right_logical3A_1240 = arith.constant 2 : i32
    %shift_right_logical3A_1241 = vector.broadcast %shift_right_logical3A_1240 : i32 to vector<16xi32>
    %shift_right_logical3A_1242 = arith.shrui %add3A_1239, %shift_right_logical3A_1241 : vector<16xi32>
    %and3A_1243 = arith.constant 3 : i32
    %and3A_1244 = vector.broadcast %and3A_1243 : i32 to vector<16xi32>
    %and3A_1245 = arith.andi %add3A_1239, %and3A_1244 : vector<16xi32>
    %mul3A_1246 = arith.constant 31 : i32
    %mul3A_1247 = vector.broadcast %mul3A_1246 : i32 to vector<16xi32>
    %mul3A_1248 = arith.muli %shift_right_logical3A_1242, %mul3A_1247 : vector<16xi32>
    %add3A_1249 = arith.addi %convert_element_type3A_1236, %mul3A_1248 : vector<16xi32>
    %add3A_1250 = arith.addi %add3A_1249, %and3A_1245 : vector<16xi32>
    %swap3A_1251 = arith.constant 0 : index
    %swap3A_1252 = tpu.vector_load %arg6[%swap3A_1251] {strides = array<i32>} : memref<80xi32, #tpu.memory_space<vmem>>, vector<16xi32>,
    tpu.vector_store %arg6[%swap3A_1251], %add3A_1250 {strides = array<i32>} : memref<80xi32, #tpu.memory_space<vmem>>, vector<16xi32>,
    %add3A_1253 = arith.constant 16 : i32
    %add3A_1254 = vector.broadcast %add3A_1253 : i32 to vector<16xi32>
    %add3A_1255 = arith.addi %iota3A, %add3A_1254 : vector<16xi32>
    %shift_right_logical3A_1256 = arith.constant 2 : i32
    %shift_right_logical3A_1257 = vector.broadcast %shift_right_logical3A_1256 : i32 to vector<16xi32>
    %shift_right_logical3A_1258 = arith.shrui %add3A_1255, %shift_right_logical3A_1257 : vector<16xi32>
    %and3A_1259 = arith.constant 3 : i32
    %and3A_1260 = vector.broadcast %and3A_1259 : i32 to vector<16xi32>
    %and3A_1261 = arith.andi %add3A_1255, %and3A_1260 : vector<16xi32>
    %mul3A_1262 = arith.constant 31 : i32
    %mul3A_1263 = vector.broadcast %mul3A_1262 : i32 to vector<16xi32>
    %mul3A_1264 = arith.muli %shift_right_logical3A_1258, %mul3A_1263 : vector<16xi32>
    %add3A_1265 = arith.addi %convert_element_type3A_1236, %mul3A_1264 : vector<16xi32>
    %add3A_1266 = arith.addi %add3A_1265, %and3A_1261 : vector<16xi32>
    %swap3A_1267 = arith.constant 16 : index
    %swap3A_1268 = tpu.vector_load %arg6[%swap3A_1267] {strides = array<i32>} : memref<80xi32, #tpu.memory_space<vmem>>, vector<16xi32>,
    tpu.vector_store %arg6[%swap3A_1267], %add3A_1266 {strides = array<i32>} : memref<80xi32, #tpu.memory_space<vmem>>, vector<16xi32>,
    %add3A_1269 = arith.constant 32 : i32
    %add3A_1270 = vector.broadcast %add3A_1269 : i32 to vector<16xi32>
    %add3A_1271 = arith.addi %iota3A, %add3A_1270 : vector<16xi32>
    %shift_right_logical3A_1272 = arith.constant 2 : i32
    %shift_right_logical3A_1273 = vector.broadcast %shift_right_logical3A_1272 : i32 to vector<16xi32>
    %shift_right_logical3A_1274 = arith.shrui %add3A_1271, %shift_right_logical3A_1273 : vector<16xi32>
    %and3A_1275 = arith.constant 3 : i32
    %and3A_1276 = vector.broadcast %and3A_1275 : i32 to vector<16xi32>
    %and3A_1277 = arith.andi %add3A_1271, %and3A_1276 : vector<16xi32>
    %mul3A_1278 = arith.constant 31 : i32
    %mul3A_1279 = vector.broadcast %mul3A_1278 : i32 to vector<16xi32>
    %mul3A_1280 = arith.muli %shift_right_logical3A_1274, %mul3A_1279 : vector<16xi32>
    %add3A_1281 = arith.addi %convert_element_type3A_1236, %mul3A_1280 : vector<16xi32>
    %add3A_1282 = arith.addi %add3A_1281, %and3A_1277 : vector<16xi32>
    %swap3A_1283 = arith.constant 32 : index
    %swap3A_1284 = tpu.vector_load %arg6[%swap3A_1283] {strides = array<i32>} : memref<80xi32, #tpu.memory_space<vmem>>, vector<16xi32>,
    tpu.vector_store %arg6[%swap3A_1283], %add3A_1282 {strides = array<i32>} : memref<80xi32, #tpu.memory_space<vmem>>, vector<16xi32>,
    %add3A_1285 = arith.constant 48 : i32
    %add3A_1286 = vector.broadcast %add3A_1285 : i32 to vector<16xi32>
    %add3A_1287 = arith.addi %iota3A, %add3A_1286 : vector<16xi32>
    %shift_right_logical3A_1288 = arith.constant 2 : i32
    %shift_right_logical3A_1289 = vector.broadcast %shift_right_logical3A_1288 : i32 to vector<16xi32>
    %shift_right_logical3A_1290 = arith.shrui %add3A_1287, %shift_right_logical3A_1289 : vector<16xi32>
    %and3A_1291 = arith.constant 3 : i32
    %and3A_1292 = vector.broadcast %and3A_1291 : i32 to vector<16xi32>
    %and3A_1293 = arith.andi %add3A_1287, %and3A_1292 : vector<16xi32>
    %mul3A_1294 = arith.constant 31 : i32
    %mul3A_1295 = vector.broadcast %mul3A_1294 : i32 to vector<16xi32>
    %mul3A_1296 = arith.muli %shift_right_logical3A_1290, %mul3A_1295 : vector<16xi32>
    %add3A_1297 = arith.addi %convert_element_type3A_1236, %mul3A_1296 : vector<16xi32>
    %add3A_1298 = arith.addi %add3A_1297, %and3A_1293 : vector<16xi32>
    %swap3A_1299 = arith.constant 48 : index
    %swap3A_1300 = tpu.vector_load %arg6[%swap3A_1299] {strides = array<i32>} : memref<80xi32, #tpu.memory_space<vmem>>, vector<16xi32>,
    tpu.vector_store %arg6[%swap3A_1299], %add3A_1298 {strides = array<i32>} : memref<80xi32, #tpu.memory_space<vmem>>, vector<16xi32>,
    %add3A_1301 = arith.constant 64 : i32
    %add3A_1302 = vector.broadcast %add3A_1301 : i32 to vector<16xi32>
    %add3A_1303 = arith.addi %iota3A, %add3A_1302 : vector<16xi32>
    %shift_right_logical3A_1304 = arith.constant 2 : i32
    %shift_right_logical3A_1305 = vector.broadcast %shift_right_logical3A_1304 : i32 to vector<16xi32>
    %shift_right_logical3A_1306 = arith.shrui %add3A_1303, %shift_right_logical3A_1305 : vector<16xi32>
    %and3A_1307 = arith.constant 3 : i32
    %and3A_1308 = vector.broadcast %and3A_1307 : i32 to vector<16xi32>
    %and3A_1309 = arith.andi %add3A_1303, %and3A_1308 : vector<16xi32>
    %mul3A_1310 = arith.constant 31 : i32
    %mul3A_1311 = vector.broadcast %mul3A_1310 : i32 to vector<16xi32>
    %mul3A_1312 = arith.muli %shift_right_logical3A_1306, %mul3A_1311 : vector<16xi32>
    %add3A_1313 = arith.addi %convert_element_type3A_1236, %mul3A_1312 : vector<16xi32>
    %add3A_1314 = arith.addi %add3A_1313, %and3A_1309 : vector<16xi32>
    %swap3A_1315 = arith.constant 64 : index
    %swap3A_1316 = tpu.vector_load %arg6[%swap3A_1315] {strides = array<i32>} : memref<80xi32, #tpu.memory_space<vmem>>, vector<16xi32>,
    tpu.vector_store %arg6[%swap3A_1315], %add3A_1314 {strides = array<i32>} : memref<80xi32, #tpu.memory_space<vmem>>, vector<16xi32>,
    %add3A_1317 = arith.constant 80 : i32
    %add3A_1318 = vector.broadcast %add3A_1317 : i32 to vector<16xi32>
    %add3A_1319 = arith.addi %iota3A, %add3A_1318 : vector<16xi32>
    %shift_right_logical3A_1320 = arith.constant 2 : i32
    %shift_right_logical3A_1321 = vector.broadcast %shift_right_logical3A_1320 : i32 to vector<16xi32>
    %shift_right_logical3A_1322 = arith.shrui %add3A_1319, %shift_right_logical3A_1321 : vector<16xi32>
    %and3A_1323 = arith.constant 3 : i32
    %and3A_1324 = vector.broadcast %and3A_1323 : i32 to vector<16xi32>
    %and3A_1325 = arith.andi %add3A_1319, %and3A_1324 : vector<16xi32>
    %mul3A_1326 = arith.constant 31 : i32
    %mul3A_1327 = vector.broadcast %mul3A_1326 : i32 to vector<16xi32>
    %mul3A_1328 = arith.muli %shift_right_logical3A_1322, %mul3A_1327 : vector<16xi32>
    %add3A_1329 = arith.addi %convert_element_type3A_1236, %mul3A_1328 : vector<16xi32>
    %add3A_1330 = arith.addi %add3A_1329, %and3A_1325 : vector<16xi32>
    %swap3A_1331 = arith.constant 0 : index
    %swap3A_1332 = tpu.vector_load %arg7[%swap3A_1331] {strides = array<i32>} : memref<80xi32, #tpu.memory_space<vmem>>, vector<16xi32>,
    tpu.vector_store %arg7[%swap3A_1331], %add3A_1330 {strides = array<i32>} : memref<80xi32, #tpu.memory_space<vmem>>, vector<16xi32>,
    %add3A_1333 = arith.constant 96 : i32
    %add3A_1334 = vector.broadcast %add3A_1333 : i32 to vector<16xi32>
    %add3A_1335 = arith.addi %iota3A, %add3A_1334 : vector<16xi32>
    %shift_right_logical3A_1336 = arith.constant 2 : i32
    %shift_right_logical3A_1337 = vector.broadcast %shift_right_logical3A_1336 : i32 to vector<16xi32>
    %shift_right_logical3A_1338 = arith.shrui %add3A_1335, %shift_right_logical3A_1337 : vector<16xi32>
    %and3A_1339 = arith.constant 3 : i32
    %and3A_1340 = vector.broadcast %and3A_1339 : i32 to vector<16xi32>
    %and3A_1341 = arith.andi %add3A_1335, %and3A_1340 : vector<16xi32>
    %mul3A_1342 = arith.constant 31 : i32
    %mul3A_1343 = vector.broadcast %mul3A_1342 : i32 to vector<16xi32>
    %mul3A_1344 = arith.muli %shift_right_logical3A_1338, %mul3A_1343 : vector<16xi32>
    %add3A_1345 = arith.addi %convert_element_type3A_1236, %mul3A_1344 : vector<16xi32>
    %add3A_1346 = arith.addi %add3A_1345, %and3A_1341 : vector<16xi32>
    %swap3A_1347 = arith.constant 16 : index
    %swap3A_1348 = tpu.vector_load %arg7[%swap3A_1347] {strides = array<i32>} : memref<80xi32, #tpu.memory_space<vmem>>, vector<16xi32>,
    tpu.vector_store %arg7[%swap3A_1347], %add3A_1346 {strides = array<i32>} : memref<80xi32, #tpu.memory_space<vmem>>, vector<16xi32>,
    %add3A_1349 = arith.constant 112 : i32
    %add3A_1350 = vector.broadcast %add3A_1349 : i32 to vector<16xi32>
    %add3A_1351 = arith.addi %iota3A, %add3A_1350 : vector<16xi32>
    %shift_right_logical3A_1352 = arith.constant 2 : i32
    %shift_right_logical3A_1353 = vector.broadcast %shift_right_logical3A_1352 : i32 to vector<16xi32>
    %shift_right_logical3A_1354 = arith.shrui %add3A_1351, %shift_right_logical3A_1353 : vector<16xi32>
    %and3A_1355 = arith.constant 3 : i32
    %and3A_1356 = vector.broadcast %and3A_1355 : i32 to vector<16xi32>
    %and3A_1357 = arith.andi %add3A_1351, %and3A_1356 : vector<16xi32>
    %mul3A_1358 = arith.constant 31 : i32
    %mul3A_1359 = vector.broadcast %mul3A_1358 : i32 to vector<16xi32>
    %mul3A_1360 = arith.muli %shift_right_logical3A_1354, %mul3A_1359 : vector<16xi32>
    %add3A_1361 = arith.addi %convert_element_type3A_1236, %mul3A_1360 : vector<16xi32>
    %add3A_1362 = arith.addi %add3A_1361, %and3A_1357 : vector<16xi32>
    %swap3A_1363 = arith.constant 32 : index
    %swap3A_1364 = tpu.vector_load %arg7[%swap3A_1363] {strides = array<i32>} : memref<80xi32, #tpu.memory_space<vmem>>, vector<16xi32>,
    tpu.vector_store %arg7[%swap3A_1363], %add3A_1362 {strides = array<i32>} : memref<80xi32, #tpu.memory_space<vmem>>, vector<16xi32>,
    %add3A_1365 = arith.constant 128 : i32
    %add3A_1366 = vector.broadcast %add3A_1365 : i32 to vector<16xi32>
    %add3A_1367 = arith.addi %iota3A, %add3A_1366 : vector<16xi32>
    %shift_right_logical3A_1368 = arith.constant 2 : i32
    %shift_right_logical3A_1369 = vector.broadcast %shift_right_logical3A_1368 : i32 to vector<16xi32>
    %shift_right_logical3A_1370 = arith.shrui %add3A_1367, %shift_right_logical3A_1369 : vector<16xi32>
    %and3A_1371 = arith.constant 3 : i32
    %and3A_1372 = vector.broadcast %and3A_1371 : i32 to vector<16xi32>
    %and3A_1373 = arith.andi %add3A_1367, %and3A_1372 : vector<16xi32>
    %mul3A_1374 = arith.constant 31 : i32
    %mul3A_1375 = vector.broadcast %mul3A_1374 : i32 to vector<16xi32>
    %mul3A_1376 = arith.muli %shift_right_logical3A_1370, %mul3A_1375 : vector<16xi32>
    %add3A_1377 = arith.addi %convert_element_type3A_1236, %mul3A_1376 : vector<16xi32>
    %add3A_1378 = arith.addi %add3A_1377, %and3A_1373 : vector<16xi32>
    %swap3A_1379 = arith.constant 48 : index
    %swap3A_1380 = tpu.vector_load %arg7[%swap3A_1379] {strides = array<i32>} : memref<80xi32, #tpu.memory_space<vmem>>, vector<16xi32>,
    tpu.vector_store %arg7[%swap3A_1379], %add3A_1378 {strides = array<i32>} : memref<80xi32, #tpu.memory_space<vmem>>, vector<16xi32>,
    %add3A_1381 = arith.constant 144 : i32
    %add3A_1382 = vector.broadcast %add3A_1381 : i32 to vector<16xi32>
    %add3A_1383 = arith.addi %iota3A, %add3A_1382 : vector<16xi32>
    %shift_right_logical3A_1384 = arith.constant 2 : i32
    %shift_right_logical3A_1385 = vector.broadcast %shift_right_logical3A_1384 : i32 to vector<16xi32>
    %shift_right_logical3A_1386 = arith.shrui %add3A_1383, %shift_right_logical3A_1385 : vector<16xi32>
    %and3A_1387 = arith.constant 3 : i32
    %and3A_1388 = vector.broadcast %and3A_1387 : i32 to vector<16xi32>
    %and3A_1389 = arith.andi %add3A_1383, %and3A_1388 : vector<16xi32>
    %mul3A_1390 = arith.constant 31 : i32
    %mul3A_1391 = vector.broadcast %mul3A_1390 : i32 to vector<16xi32>
    %mul3A_1392 = arith.muli %shift_right_logical3A_1386, %mul3A_1391 : vector<16xi32>
    %add3A_1393 = arith.addi %convert_element_type3A_1236, %mul3A_1392 : vector<16xi32>
    %add3A_1394 = arith.addi %add3A_1393, %and3A_1389 : vector<16xi32>
    %swap3A_1395 = arith.constant 64 : index
    %swap3A_1396 = tpu.vector_load %arg7[%swap3A_1395] {strides = array<i32>} : memref<80xi32, #tpu.memory_space<vmem>>, vector<16xi32>,
    tpu.vector_store %arg7[%swap3A_1395], %add3A_1394 {strides = array<i32>} : memref<80xi32, #tpu.memory_space<vmem>>, vector<16xi32>,
    %dma_start3A_1397 = arith.constant 0 : i32
    %dma_start3A_1398 = arith.constant 0 : i32
    %dma_start3A_1399 = tpu.memref_slice %arg8[%dma_start3A_1397, %dma_start3A_1398] : memref<160x16xf32, #tpu.memory_space<vmem>> -> memref<80x16xf32, #tpu.memory_space<vmem>>
    %dma_start3A_1400 = arith.constant 0 : i32
    %dma_start3A_1401 = arith.constant 0 : i32
    %dma_start3A_1402 = tpu.memref_slice %arg2[%dma_start3A_1400, %dma_start3A_1401] : memref<53568x16xf32, #tpu.memory_space<hbm>> -> memref<53568x16xf32, #tpu.memory_space<hbm>>
    tpu.enqueue_indirect_dma source(%dma_start3A_1402 : memref<53568x16xf32, #tpu.memory_space<hbm>>) target(%dma_start3A_1399 : memref<80x16xf32, #tpu.memory_space<vmem>>) offsets(%arg6 : memref<80xi32, #tpu.memory_space<vmem>>) semaphore(%arg10 : memref<!tpu.dma_semaphore, #tpu.memory_space<semaphore_mem>>)
    %dma_start3A_1403 = arith.constant 80 : i32
    %dma_start3A_1404 = arith.constant 0 : i32
    %dma_start3A_1405 = tpu.memref_slice %arg8[%dma_start3A_1403, %dma_start3A_1404] : memref<160x16xf32, #tpu.memory_space<vmem>> -> memref<80x16xf32, #tpu.memory_space<vmem>>
    %dma_start3A_1406 = arith.constant 0 : i32
    %dma_start3A_1407 = arith.constant 0 : i32
    %dma_start3A_1408 = tpu.memref_slice %arg2[%dma_start3A_1406, %dma_start3A_1407] : memref<53568x16xf32, #tpu.memory_space<hbm>> -> memref<53568x16xf32, #tpu.memory_space<hbm>>
    tpu.enqueue_indirect_dma source(%dma_start3A_1408 : memref<53568x16xf32, #tpu.memory_space<hbm>>) target(%dma_start3A_1405 : memref<80x16xf32, #tpu.memory_space<vmem>>) offsets(%arg7 : memref<80xi32, #tpu.memory_space<vmem>>) semaphore(%arg11 : memref<!tpu.dma_semaphore, #tpu.memory_space<semaphore_mem>>)
    %dma_wait3A_1409 = arith.constant 0 : i32
    %dma_wait3A_1410 = arith.constant 0 : i32
    %dma_wait3A_1411 = tpu.memref_slice %arg8[%dma_wait3A_1409, %dma_wait3A_1410] : memref<160x16xf32, #tpu.memory_space<vmem>> -> memref<80x16xf32, #tpu.memory_space<vmem>>
    %dma_wait3A_1412 = arith.constant 0 : i32
    %dma_wait3A_1413 = arith.constant 0 : i32
    %dma_wait3A_1414 = tpu.memref_slice %arg2[%dma_wait3A_1412, %dma_wait3A_1413] : memref<53568x16xf32, #tpu.memory_space<hbm>> -> memref<53568x16xf32, #tpu.memory_space<hbm>>
    tpu.wait_indirect_dma semaphore(%arg10 : memref<!tpu.dma_semaphore, #tpu.memory_space<semaphore_mem>>) src(%dma_wait3A_1414 : memref<53568x16xf32, #tpu.memory_space<hbm>>) dst(%dma_wait3A_1411 : memref<80x16xf32, #tpu.memory_space<vmem>>)
    %dma_wait3A_1415 = arith.constant 80 : i32
    %dma_wait3A_1416 = arith.constant 0 : i32
    %dma_wait3A_1417 = tpu.memref_slice %arg8[%dma_wait3A_1415, %dma_wait3A_1416] : memref<160x16xf32, #tpu.memory_space<vmem>> -> memref<80x16xf32, #tpu.memory_space<vmem>>
    %dma_wait3A_1418 = arith.constant 0 : i32
    %dma_wait3A_1419 = arith.constant 0 : i32
    %dma_wait3A_1420 = tpu.memref_slice %arg2[%dma_wait3A_1418, %dma_wait3A_1419] : memref<53568x16xf32, #tpu.memory_space<hbm>> -> memref<53568x16xf32, #tpu.memory_space<hbm>>
    tpu.wait_indirect_dma semaphore(%arg11 : memref<!tpu.dma_semaphore, #tpu.memory_space<semaphore_mem>>) src(%dma_wait3A_1420 : memref<53568x16xf32, #tpu.memory_space<hbm>>) dst(%dma_wait3A_1417 : memref<80x16xf32, #tpu.memory_space<vmem>>)
    %add3A_1421 = arith.addf %gather3A_1232, %convert_element_type3A : vector<16xf32>
    %sub3A_1422 = arith.subf %add3A_1421, %gather3A_1211 : vector<16xf32>
    %sub3A_1423 = arith.subf %gather3A_1229, %gather3A_1214 : vector<16xf32>
    %broadcast_in_dim3A_1424 = arith.constant 0.000000e+00 : f32
    %broadcast_in_dim3A_1425 = vector.broadcast %broadcast_in_dim3A_1424 : f32 to vector<16xf32>
    %broadcast_in_dim3A_1426 = arith.constant 0.000000e+00 : f32
    %broadcast_in_dim3A_1427 = vector.broadcast %broadcast_in_dim3A_1426 : f32 to vector<16xf32>
    %scan3A_1428 = arith.constant 0 : i32
    %scan3A_1429 = arith.constant 20 : i32
    %scan3A_1430 = arith.addi %scan3A_1428, %scan3A_1429 : i32
    %scan3A_1431 = arith.constant 1 : i32
    %scan3A_1432:2 = scf.for %scan3A_1694 = %scan3A_1428 to %scan3A_1430 step %scan3A_1431 iter_args(%scan3A_1695 = %broadcast_in_dim3A_1425, %scan3A_1696 = %broadcast_in_dim3A_1427) -> (vector<16xf32>, vector<16xf32>)  : i32 {
      %mul3A_1697 = arith.constant 2 : i32
      %mul3A_1698 = arith.muli %mul3A_1697, %scan3A_1694 : i32
      %broadcast_in_dim3A_1699 = vector.broadcast %mul3A_1698 : i32 to vector<16xi32>
      %convert_element_type3A_1700 = arith.sitofp %broadcast_in_dim3A_1699 : vector<16xi32> to vector<16xf32>
      %mul3A_1701 = arith.constant 8 : i32
      %mul3A_1702 = arith.muli %scan3A_1694, %mul3A_1701 : i32
      %add3A_1703 = arith.constant 0 : i32
      %add3A_1704 = arith.addi %mul3A_1702, %add3A_1703 : i32
      %add3A_1705 = arith.constant 0.000000e+00 : f32
      %add3A_1706 = vector.broadcast %add3A_1705 : f32 to vector<16xf32>
      %add3A_1707 = arith.addf %convert_element_type3A_1700, %add3A_1706 : vector<16xf32>
      %add3A_1708 = arith.addf %sub3A_1423, %add3A_1707 : vector<16xf32>
      %add3A_1709 = arith.constant 0.000000e+00 : f32
      %add3A_1710 = vector.broadcast %add3A_1709 : f32 to vector<16xf32>
      %add3A_1711 = arith.addf %sub3A_1422, %add3A_1710 : vector<16xf32>
      %mul3A_1712 = arith.mulf %add3A_1711, %gather3A_1217 : vector<16xf32>
      %mul3A_1713 = arith.mulf %add3A_1708, %gather3A_1220 : vector<16xf32>
      %add3A_1714 = arith.addf %mul3A_1712, %mul3A_1713 : vector<16xf32>
      %mul3A_1715 = arith.mulf %add3A_1708, %gather3A_1217 : vector<16xf32>
      %mul3A_1716 = arith.mulf %add3A_1711, %gather3A_1220 : vector<16xf32>
      %sub3A_1717 = arith.subf %mul3A_1715, %mul3A_1716 : vector<16xf32>
      %abs3A = math.absf %add3A_1714 : vector<16xf32>
      %le3A = arith.cmpf ole, %abs3A, %gather3A_1223 : vector<16xf32>
      %abs3A_1718 = math.absf %sub3A_1717 : vector<16xf32>
      %le3A_1719 = arith.cmpf ole, %abs3A_1718, %gather3A_1226 : vector<16xf32>
      %and3A_1720 = arith.andi %le3A, %le3A_1719 : vector<16xi1>
      %broadcast_in_dim3A_1721 = vector.broadcast %add3A_1704 : i32 to vector<16xi32>
      %gather3A_1722 = tpu.vector_load_idx %arg8[%broadcast_in_dim3A_1721, %iota3A] : memref<160x16xf32, #tpu.memory_space<vmem>>[vector<16xi32>, vector<16xi32>], vector<16xf32>,
      %ne3A = arith.constant 0.000000e+00 : f32
      %ne3A_1723 = vector.broadcast %ne3A : f32 to vector<16xf32>
      %ne3A_1724 = arith.cmpf one, %gather3A_1722, %ne3A_1723 : vector<16xf32>
      %and3A_1725 = arith.andi %and3A_1720, %ne3A_1724 : vector<16xi1>
      %jit3A = arith.constant 1.000000e+00 : f32
      %jit3A_1726 = arith.constant 0.000000e+00 : f32
      %broadcast_in_dim3A_1727 = vector.broadcast %jit3A : f32 to vector<16xf32>
      %broadcast_in_dim3A_1728 = vector.broadcast %jit3A_1726 : f32 to vector<16xf32>
      %select_n3A = arith.select %and3A_1725, %broadcast_in_dim3A_1727, %broadcast_in_dim3A_1728 : vector<16xi1>, vector<16xf32>
      %add3A_1729 = arith.addf %scan3A_1695, %select_n3A : vector<16xf32>
      %eq3A = arith.constant 3.000000e+00 : f32
      %eq3A_1730 = vector.broadcast %eq3A : f32 to vector<16xf32>
      %eq3A_1731 = arith.cmpf oeq, %gather3A_1722, %eq3A_1730 : vector<16xf32>
      %and3A_1732 = arith.andi %and3A_1720, %eq3A_1731 : vector<16xi1>
      %jit3A_1733 = arith.constant 1.000000e+00 : f32
      %jit3A_1734 = arith.constant 0.000000e+00 : f32
      %broadcast_in_dim3A_1735 = vector.broadcast %jit3A_1733 : f32 to vector<16xf32>
      %broadcast_in_dim3A_1736 = vector.broadcast %jit3A_1734 : f32 to vector<16xf32>
      %select_n3A_1737 = arith.select %and3A_1732, %broadcast_in_dim3A_1735, %broadcast_in_dim3A_1736 : vector<16xi1>, vector<16xf32>
      %add3A_1738 = arith.addf %scan3A_1696, %select_n3A_1737 : vector<16xf32>
      %mul3A_1739 = arith.constant 8 : i32
      %mul3A_1740 = arith.muli %scan3A_1694, %mul3A_1739 : i32
      %add3A_1741 = arith.constant 1 : i32
      %add3A_1742 = arith.addi %mul3A_1740, %add3A_1741 : i32
      %add3A_1743 = arith.constant 0.000000e+00 : f32
      %add3A_1744 = vector.broadcast %add3A_1743 : f32 to vector<16xf32>
      %add3A_1745 = arith.addf %convert_element_type3A_1700, %add3A_1744 : vector<16xf32>
      %add3A_1746 = arith.addf %sub3A_1423, %add3A_1745 : vector<16xf32>
      %add3A_1747 = arith.constant 1.600000e+01 : f32
      %add3A_1748 = vector.broadcast %add3A_1747 : f32 to vector<16xf32>
      %add3A_1749 = arith.addf %sub3A_1422, %add3A_1748 : vector<16xf32>
      %mul3A_1750 = arith.mulf %add3A_1749, %gather3A_1217 : vector<16xf32>
      %mul3A_1751 = arith.mulf %add3A_1746, %gather3A_1220 : vector<16xf32>
      %add3A_1752 = arith.addf %mul3A_1750, %mul3A_1751 : vector<16xf32>
      %mul3A_1753 = arith.mulf %add3A_1746, %gather3A_1217 : vector<16xf32>
      %mul3A_1754 = arith.mulf %add3A_1749, %gather3A_1220 : vector<16xf32>
      %sub3A_1755 = arith.subf %mul3A_1753, %mul3A_1754 : vector<16xf32>
      %abs3A_1756 = math.absf %add3A_1752 : vector<16xf32>
      %le3A_1757 = arith.cmpf ole, %abs3A_1756, %gather3A_1223 : vector<16xf32>
      %abs3A_1758 = math.absf %sub3A_1755 : vector<16xf32>
      %le3A_1759 = arith.cmpf ole, %abs3A_1758, %gather3A_1226 : vector<16xf32>
      %and3A_1760 = arith.andi %le3A_1757, %le3A_1759 : vector<16xi1>
      %broadcast_in_dim3A_1761 = vector.broadcast %add3A_1742 : i32 to vector<16xi32>
      %gather3A_1762 = tpu.vector_load_idx %arg8[%broadcast_in_dim3A_1761, %iota3A] : memref<160x16xf32, #tpu.memory_space<vmem>>[vector<16xi32>, vector<16xi32>], vector<16xf32>,
      %ne3A_1763 = arith.constant 0.000000e+00 : f32
      %ne3A_1764 = vector.broadcast %ne3A_1763 : f32 to vector<16xf32>
      %ne3A_1765 = arith.cmpf one, %gather3A_1762, %ne3A_1764 : vector<16xf32>
      %and3A_1766 = arith.andi %and3A_1760, %ne3A_1765 : vector<16xi1>
      %jit3A_1767 = arith.constant 1.000000e+00 : f32
      %jit3A_1768 = arith.constant 0.000000e+00 : f32
      %broadcast_in_dim3A_1769 = vector.broadcast %jit3A_1767 : f32 to vector<16xf32>
      %broadcast_in_dim3A_1770 = vector.broadcast %jit3A_1768 : f32 to vector<16xf32>
      %select_n3A_1771 = arith.select %and3A_1766, %broadcast_in_dim3A_1769, %broadcast_in_dim3A_1770 : vector<16xi1>, vector<16xf32>
      %add3A_1772 = arith.addf %add3A_1729, %select_n3A_1771 : vector<16xf32>
      %eq3A_1773 = arith.constant 3.000000e+00 : f32
      %eq3A_1774 = vector.broadcast %eq3A_1773 : f32 to vector<16xf32>
      %eq3A_1775 = arith.cmpf oeq, %gather3A_1762, %eq3A_1774 : vector<16xf32>
      %and3A_1776 = arith.andi %and3A_1760, %eq3A_1775 : vector<16xi1>
      %jit3A_1777 = arith.constant 1.000000e+00 : f32
      %jit3A_1778 = arith.constant 0.000000e+00 : f32
      %broadcast_in_dim3A_1779 = vector.broadcast %jit3A_1777 : f32 to vector<16xf32>
      %broadcast_in_dim3A_1780 = vector.broadcast %jit3A_1778 : f32 to vector<16xf32>
      %select_n3A_1781 = arith.select %and3A_1776, %broadcast_in_dim3A_1779, %broadcast_in_dim3A_1780 : vector<16xi1>, vector<16xf32>
      %add3A_1782 = arith.addf %add3A_1738, %select_n3A_1781 : vector<16xf32>
      %mul3A_1783 = arith.constant 8 : i32
      %mul3A_1784 = arith.muli %scan3A_1694, %mul3A_1783 : i32
      %add3A_1785 = arith.constant 2 : i32
      %add3A_1786 = arith.addi %mul3A_1784, %add3A_1785 : i32
      %add3A_1787 = arith.constant 0.000000e+00 : f32
      %add3A_1788 = vector.broadcast %add3A_1787 : f32 to vector<16xf32>
      %add3A_1789 = arith.addf %convert_element_type3A_1700, %add3A_1788 : vector<16xf32>
      %add3A_1790 = arith.addf %sub3A_1423, %add3A_1789 : vector<16xf32>
      %add3A_1791 = arith.constant 3.200000e+01 : f32
      %add3A_1792 = vector.broadcast %add3A_1791 : f32 to vector<16xf32>
      %add3A_1793 = arith.addf %sub3A_1422, %add3A_1792 : vector<16xf32>
      %mul3A_1794 = arith.mulf %add3A_1793, %gather3A_1217 : vector<16xf32>
      %mul3A_1795 = arith.mulf %add3A_1790, %gather3A_1220 : vector<16xf32>
      %add3A_1796 = arith.addf %mul3A_1794, %mul3A_1795 : vector<16xf32>
      %mul3A_1797 = arith.mulf %add3A_1790, %gather3A_1217 : vector<16xf32>
      %mul3A_1798 = arith.mulf %add3A_1793, %gather3A_1220 : vector<16xf32>
      %sub3A_1799 = arith.subf %mul3A_1797, %mul3A_1798 : vector<16xf32>
      %abs3A_1800 = math.absf %add3A_1796 : vector<16xf32>
      %le3A_1801 = arith.cmpf ole, %abs3A_1800, %gather3A_1223 : vector<16xf32>
      %abs3A_1802 = math.absf %sub3A_1799 : vector<16xf32>
      %le3A_1803 = arith.cmpf ole, %abs3A_1802, %gather3A_1226 : vector<16xf32>
      %and3A_1804 = arith.andi %le3A_1801, %le3A_1803 : vector<16xi1>
      %broadcast_in_dim3A_1805 = vector.broadcast %add3A_1786 : i32 to vector<16xi32>
      %gather3A_1806 = tpu.vector_load_idx %arg8[%broadcast_in_dim3A_1805, %iota3A] : memref<160x16xf32, #tpu.memory_space<vmem>>[vector<16xi32>, vector<16xi32>], vector<16xf32>,
      %ne3A_1807 = arith.constant 0.000000e+00 : f32
      %ne3A_1808 = vector.broadcast %ne3A_1807 : f32 to vector<16xf32>
      %ne3A_1809 = arith.cmpf one, %gather3A_1806, %ne3A_1808 : vector<16xf32>
      %and3A_1810 = arith.andi %and3A_1804, %ne3A_1809 : vector<16xi1>
      %jit3A_1811 = arith.constant 1.000000e+00 : f32
      %jit3A_1812 = arith.constant 0.000000e+00 : f32
      %broadcast_in_dim3A_1813 = vector.broadcast %jit3A_1811 : f32 to vector<16xf32>
      %broadcast_in_dim3A_1814 = vector.broadcast %jit3A_1812 : f32 to vector<16xf32>
      %select_n3A_1815 = arith.select %and3A_1810, %broadcast_in_dim3A_1813, %broadcast_in_dim3A_1814 : vector<16xi1>, vector<16xf32>
      %add3A_1816 = arith.addf %add3A_1772, %select_n3A_1815 : vector<16xf32>
      %eq3A_1817 = arith.constant 3.000000e+00 : f32
      %eq3A_1818 = vector.broadcast %eq3A_1817 : f32 to vector<16xf32>
      %eq3A_1819 = arith.cmpf oeq, %gather3A_1806, %eq3A_1818 : vector<16xf32>
      %and3A_1820 = arith.andi %and3A_1804, %eq3A_1819 : vector<16xi1>
      %jit3A_1821 = arith.constant 1.000000e+00 : f32
      %jit3A_1822 = arith.constant 0.000000e+00 : f32
      %broadcast_in_dim3A_1823 = vector.broadcast %jit3A_1821 : f32 to vector<16xf32>
      %broadcast_in_dim3A_1824 = vector.broadcast %jit3A_1822 : f32 to vector<16xf32>
      %select_n3A_1825 = arith.select %and3A_1820, %broadcast_in_dim3A_1823, %broadcast_in_dim3A_1824 : vector<16xi1>, vector<16xf32>
      %add3A_1826 = arith.addf %add3A_1782, %select_n3A_1825 : vector<16xf32>
      %mul3A_1827 = arith.constant 8 : i32
      %mul3A_1828 = arith.muli %scan3A_1694, %mul3A_1827 : i32
      %add3A_1829 = arith.constant 3 : i32
      %add3A_1830 = arith.addi %mul3A_1828, %add3A_1829 : i32
      %add3A_1831 = arith.constant 0.000000e+00 : f32
      %add3A_1832 = vector.broadcast %add3A_1831 : f32 to vector<16xf32>
      %add3A_1833 = arith.addf %convert_element_type3A_1700, %add3A_1832 : vector<16xf32>
      %add3A_1834 = arith.addf %sub3A_1423, %add3A_1833 : vector<16xf32>
      %add3A_1835 = arith.constant 4.800000e+01 : f32
      %add3A_1836 = vector.broadcast %add3A_1835 : f32 to vector<16xf32>
      %add3A_1837 = arith.addf %sub3A_1422, %add3A_1836 : vector<16xf32>
      %mul3A_1838 = arith.mulf %add3A_1837, %gather3A_1217 : vector<16xf32>
      %mul3A_1839 = arith.mulf %add3A_1834, %gather3A_1220 : vector<16xf32>
      %add3A_1840 = arith.addf %mul3A_1838, %mul3A_1839 : vector<16xf32>
      %mul3A_1841 = arith.mulf %add3A_1834, %gather3A_1217 : vector<16xf32>
      %mul3A_1842 = arith.mulf %add3A_1837, %gather3A_1220 : vector<16xf32>
      %sub3A_1843 = arith.subf %mul3A_1841, %mul3A_1842 : vector<16xf32>
      %abs3A_1844 = math.absf %add3A_1840 : vector<16xf32>
      %le3A_1845 = arith.cmpf ole, %abs3A_1844, %gather3A_1223 : vector<16xf32>
      %abs3A_1846 = math.absf %sub3A_1843 : vector<16xf32>
      %le3A_1847 = arith.cmpf ole, %abs3A_1846, %gather3A_1226 : vector<16xf32>
      %and3A_1848 = arith.andi %le3A_1845, %le3A_1847 : vector<16xi1>
      %broadcast_in_dim3A_1849 = vector.broadcast %add3A_1830 : i32 to vector<16xi32>
      %gather3A_1850 = tpu.vector_load_idx %arg8[%broadcast_in_dim3A_1849, %iota3A] : memref<160x16xf32, #tpu.memory_space<vmem>>[vector<16xi32>, vector<16xi32>], vector<16xf32>,
      %ne3A_1851 = arith.constant 0.000000e+00 : f32
      %ne3A_1852 = vector.broadcast %ne3A_1851 : f32 to vector<16xf32>
      %ne3A_1853 = arith.cmpf one, %gather3A_1850, %ne3A_1852 : vector<16xf32>
      %and3A_1854 = arith.andi %and3A_1848, %ne3A_1853 : vector<16xi1>
      %jit3A_1855 = arith.constant 1.000000e+00 : f32
      %jit3A_1856 = arith.constant 0.000000e+00 : f32
      %broadcast_in_dim3A_1857 = vector.broadcast %jit3A_1855 : f32 to vector<16xf32>
      %broadcast_in_dim3A_1858 = vector.broadcast %jit3A_1856 : f32 to vector<16xf32>
      %select_n3A_1859 = arith.select %and3A_1854, %broadcast_in_dim3A_1857, %broadcast_in_dim3A_1858 : vector<16xi1>, vector<16xf32>
      %add3A_1860 = arith.addf %add3A_1816, %select_n3A_1859 : vector<16xf32>
      %eq3A_1861 = arith.constant 3.000000e+00 : f32
      %eq3A_1862 = vector.broadcast %eq3A_1861 : f32 to vector<16xf32>
      %eq3A_1863 = arith.cmpf oeq, %gather3A_1850, %eq3A_1862 : vector<16xf32>
      %and3A_1864 = arith.andi %and3A_1848, %eq3A_1863 : vector<16xi1>
      %jit3A_1865 = arith.constant 1.000000e+00 : f32
      %jit3A_1866 = arith.constant 0.000000e+00 : f32
      %broadcast_in_dim3A_1867 = vector.broadcast %jit3A_1865 : f32 to vector<16xf32>
      %broadcast_in_dim3A_1868 = vector.broadcast %jit3A_1866 : f32 to vector<16xf32>
      %select_n3A_1869 = arith.select %and3A_1864, %broadcast_in_dim3A_1867, %broadcast_in_dim3A_1868 : vector<16xi1>, vector<16xf32>
      %add3A_1870 = arith.addf %add3A_1826, %select_n3A_1869 : vector<16xf32>
      %mul3A_1871 = arith.constant 8 : i32
      %mul3A_1872 = arith.muli %scan3A_1694, %mul3A_1871 : i32
      %add3A_1873 = arith.constant 4 : i32
      %add3A_1874 = arith.addi %mul3A_1872, %add3A_1873 : i32
      %add3A_1875 = arith.constant 1.000000e+00 : f32
      %add3A_1876 = vector.broadcast %add3A_1875 : f32 to vector<16xf32>
      %add3A_1877 = arith.addf %convert_element_type3A_1700, %add3A_1876 : vector<16xf32>
      %add3A_1878 = arith.addf %sub3A_1423, %add3A_1877 : vector<16xf32>
      %add3A_1879 = arith.constant 0.000000e+00 : f32
      %add3A_1880 = vector.broadcast %add3A_1879 : f32 to vector<16xf32>
      %add3A_1881 = arith.addf %sub3A_1422, %add3A_1880 : vector<16xf32>
      %mul3A_1882 = arith.mulf %add3A_1881, %gather3A_1217 : vector<16xf32>
      %mul3A_1883 = arith.mulf %add3A_1878, %gather3A_1220 : vector<16xf32>
      %add3A_1884 = arith.addf %mul3A_1882, %mul3A_1883 : vector<16xf32>
      %mul3A_1885 = arith.mulf %add3A_1878, %gather3A_1217 : vector<16xf32>
      %mul3A_1886 = arith.mulf %add3A_1881, %gather3A_1220 : vector<16xf32>
      %sub3A_1887 = arith.subf %mul3A_1885, %mul3A_1886 : vector<16xf32>
      %abs3A_1888 = math.absf %add3A_1884 : vector<16xf32>
      %le3A_1889 = arith.cmpf ole, %abs3A_1888, %gather3A_1223 : vector<16xf32>
      %abs3A_1890 = math.absf %sub3A_1887 : vector<16xf32>
      %le3A_1891 = arith.cmpf ole, %abs3A_1890, %gather3A_1226 : vector<16xf32>
      %and3A_1892 = arith.andi %le3A_1889, %le3A_1891 : vector<16xi1>
      %broadcast_in_dim3A_1893 = vector.broadcast %add3A_1874 : i32 to vector<16xi32>
      %gather3A_1894 = tpu.vector_load_idx %arg8[%broadcast_in_dim3A_1893, %iota3A] : memref<160x16xf32, #tpu.memory_space<vmem>>[vector<16xi32>, vector<16xi32>], vector<16xf32>,
      %ne3A_1895 = arith.constant 0.000000e+00 : f32
      %ne3A_1896 = vector.broadcast %ne3A_1895 : f32 to vector<16xf32>
      %ne3A_1897 = arith.cmpf one, %gather3A_1894, %ne3A_1896 : vector<16xf32>
      %and3A_1898 = arith.andi %and3A_1892, %ne3A_1897 : vector<16xi1>
      %jit3A_1899 = arith.constant 1.000000e+00 : f32
      %jit3A_1900 = arith.constant 0.000000e+00 : f32
      %broadcast_in_dim3A_1901 = vector.broadcast %jit3A_1899 : f32 to vector<16xf32>
      %broadcast_in_dim3A_1902 = vector.broadcast %jit3A_1900 : f32 to vector<16xf32>
      %select_n3A_1903 = arith.select %and3A_1898, %broadcast_in_dim3A_1901, %broadcast_in_dim3A_1902 : vector<16xi1>, vector<16xf32>
      %add3A_1904 = arith.addf %add3A_1860, %select_n3A_1903 : vector<16xf32>
      %eq3A_1905 = arith.constant 3.000000e+00 : f32
      %eq3A_1906 = vector.broadcast %eq3A_1905 : f32 to vector<16xf32>
      %eq3A_1907 = arith.cmpf oeq, %gather3A_1894, %eq3A_1906 : vector<16xf32>
      %and3A_1908 = arith.andi %and3A_1892, %eq3A_1907 : vector<16xi1>
      %jit3A_1909 = arith.constant 1.000000e+00 : f32
      %jit3A_1910 = arith.constant 0.000000e+00 : f32
      %broadcast_in_dim3A_1911 = vector.broadcast %jit3A_1909 : f32 to vector<16xf32>
      %broadcast_in_dim3A_1912 = vector.broadcast %jit3A_1910 : f32 to vector<16xf32>
      %select_n3A_1913 = arith.select %and3A_1908, %broadcast_in_dim3A_1911, %broadcast_in_dim3A_1912 : vector<16xi1>, vector<16xf32>
      %add3A_1914 = arith.addf %add3A_1870, %select_n3A_1913 : vector<16xf32>
      %mul3A_1915 = arith.constant 8 : i32
      %mul3A_1916 = arith.muli %scan3A_1694, %mul3A_1915 : i32
      %add3A_1917 = arith.constant 5 : i32
      %add3A_1918 = arith.addi %mul3A_1916, %add3A_1917 : i32
      %add3A_1919 = arith.constant 1.000000e+00 : f32
      %add3A_1920 = vector.broadcast %add3A_1919 : f32 to vector<16xf32>
      %add3A_1921 = arith.addf %convert_element_type3A_1700, %add3A_1920 : vector<16xf32>
      %add3A_1922 = arith.addf %sub3A_1423, %add3A_1921 : vector<16xf32>
      %add3A_1923 = arith.constant 1.600000e+01 : f32
      %add3A_1924 = vector.broadcast %add3A_1923 : f32 to vector<16xf32>
      %add3A_1925 = arith.addf %sub3A_1422, %add3A_1924 : vector<16xf32>
      %mul3A_1926 = arith.mulf %add3A_1925, %gather3A_1217 : vector<16xf32>
      %mul3A_1927 = arith.mulf %add3A_1922, %gather3A_1220 : vector<16xf32>
      %add3A_1928 = arith.addf %mul3A_1926, %mul3A_1927 : vector<16xf32>
      %mul3A_1929 = arith.mulf %add3A_1922, %gather3A_1217 : vector<16xf32>
      %mul3A_1930 = arith.mulf %add3A_1925, %gather3A_1220 : vector<16xf32>
      %sub3A_1931 = arith.subf %mul3A_1929, %mul3A_1930 : vector<16xf32>
      %abs3A_1932 = math.absf %add3A_1928 : vector<16xf32>
      %le3A_1933 = arith.cmpf ole, %abs3A_1932, %gather3A_1223 : vector<16xf32>
      %abs3A_1934 = math.absf %sub3A_1931 : vector<16xf32>
      %le3A_1935 = arith.cmpf ole, %abs3A_1934, %gather3A_1226 : vector<16xf32>
      %and3A_1936 = arith.andi %le3A_1933, %le3A_1935 : vector<16xi1>
      %broadcast_in_dim3A_1937 = vector.broadcast %add3A_1918 : i32 to vector<16xi32>
      %gather3A_1938 = tpu.vector_load_idx %arg8[%broadcast_in_dim3A_1937, %iota3A] : memref<160x16xf32, #tpu.memory_space<vmem>>[vector<16xi32>, vector<16xi32>], vector<16xf32>,
      %ne3A_1939 = arith.constant 0.000000e+00 : f32
      %ne3A_1940 = vector.broadcast %ne3A_1939 : f32 to vector<16xf32>
      %ne3A_1941 = arith.cmpf one, %gather3A_1938, %ne3A_1940 : vector<16xf32>
      %and3A_1942 = arith.andi %and3A_1936, %ne3A_1941 : vector<16xi1>
      %jit3A_1943 = arith.constant 1.000000e+00 : f32
      %jit3A_1944 = arith.constant 0.000000e+00 : f32
      %broadcast_in_dim3A_1945 = vector.broadcast %jit3A_1943 : f32 to vector<16xf32>
      %broadcast_in_dim3A_1946 = vector.broadcast %jit3A_1944 : f32 to vector<16xf32>
      %select_n3A_1947 = arith.select %and3A_1942, %broadcast_in_dim3A_1945, %broadcast_in_dim3A_1946 : vector<16xi1>, vector<16xf32>
      %add3A_1948 = arith.addf %add3A_1904, %select_n3A_1947 : vector<16xf32>
      %eq3A_1949 = arith.constant 3.000000e+00 : f32
      %eq3A_1950 = vector.broadcast %eq3A_1949 : f32 to vector<16xf32>
      %eq3A_1951 = arith.cmpf oeq, %gather3A_1938, %eq3A_1950 : vector<16xf32>
      %and3A_1952 = arith.andi %and3A_1936, %eq3A_1951 : vector<16xi1>
      %jit3A_1953 = arith.constant 1.000000e+00 : f32
      %jit3A_1954 = arith.constant 0.000000e+00 : f32
      %broadcast_in_dim3A_1955 = vector.broadcast %jit3A_1953 : f32 to vector<16xf32>
      %broadcast_in_dim3A_1956 = vector.broadcast %jit3A_1954 : f32 to vector<16xf32>
      %select_n3A_1957 = arith.select %and3A_1952, %broadcast_in_dim3A_1955, %broadcast_in_dim3A_1956 : vector<16xi1>, vector<16xf32>
      %add3A_1958 = arith.addf %add3A_1914, %select_n3A_1957 : vector<16xf32>
      %mul3A_1959 = arith.constant 8 : i32
      %mul3A_1960 = arith.muli %scan3A_1694, %mul3A_1959 : i32
      %add3A_1961 = arith.constant 6 : i32
      %add3A_1962 = arith.addi %mul3A_1960, %add3A_1961 : i32
      %add3A_1963 = arith.constant 1.000000e+00 : f32
      %add3A_1964 = vector.broadcast %add3A_1963 : f32 to vector<16xf32>
      %add3A_1965 = arith.addf %convert_element_type3A_1700, %add3A_1964 : vector<16xf32>
      %add3A_1966 = arith.addf %sub3A_1423, %add3A_1965 : vector<16xf32>
      %add3A_1967 = arith.constant 3.200000e+01 : f32
      %add3A_1968 = vector.broadcast %add3A_1967 : f32 to vector<16xf32>
      %add3A_1969 = arith.addf %sub3A_1422, %add3A_1968 : vector<16xf32>
      %mul3A_1970 = arith.mulf %add3A_1969, %gather3A_1217 : vector<16xf32>
      %mul3A_1971 = arith.mulf %add3A_1966, %gather3A_1220 : vector<16xf32>
      %add3A_1972 = arith.addf %mul3A_1970, %mul3A_1971 : vector<16xf32>
      %mul3A_1973 = arith.mulf %add3A_1966, %gather3A_1217 : vector<16xf32>
      %mul3A_1974 = arith.mulf %add3A_1969, %gather3A_1220 : vector<16xf32>
      %sub3A_1975 = arith.subf %mul3A_1973, %mul3A_1974 : vector<16xf32>
      %abs3A_1976 = math.absf %add3A_1972 : vector<16xf32>
      %le3A_1977 = arith.cmpf ole, %abs3A_1976, %gather3A_1223 : vector<16xf32>
      %abs3A_1978 = math.absf %sub3A_1975 : vector<16xf32>
      %le3A_1979 = arith.cmpf ole, %abs3A_1978, %gather3A_1226 : vector<16xf32>
      %and3A_1980 = arith.andi %le3A_1977, %le3A_1979 : vector<16xi1>
      %broadcast_in_dim3A_1981 = vector.broadcast %add3A_1962 : i32 to vector<16xi32>
      %gather3A_1982 = tpu.vector_load_idx %arg8[%broadcast_in_dim3A_1981, %iota3A] : memref<160x16xf32, #tpu.memory_space<vmem>>[vector<16xi32>, vector<16xi32>], vector<16xf32>,
      %ne3A_1983 = arith.constant 0.000000e+00 : f32
      %ne3A_1984 = vector.broadcast %ne3A_1983 : f32 to vector<16xf32>
      %ne3A_1985 = arith.cmpf one, %gather3A_1982, %ne3A_1984 : vector<16xf32>
      %and3A_1986 = arith.andi %and3A_1980, %ne3A_1985 : vector<16xi1>
      %jit3A_1987 = arith.constant 1.000000e+00 : f32
      %jit3A_1988 = arith.constant 0.000000e+00 : f32
      %broadcast_in_dim3A_1989 = vector.broadcast %jit3A_1987 : f32 to vector<16xf32>
      %broadcast_in_dim3A_1990 = vector.broadcast %jit3A_1988 : f32 to vector<16xf32>
      %select_n3A_1991 = arith.select %and3A_1986, %broadcast_in_dim3A_1989, %broadcast_in_dim3A_1990 : vector<16xi1>, vector<16xf32>
      %add3A_1992 = arith.addf %add3A_1948, %select_n3A_1991 : vector<16xf32>
      %eq3A_1993 = arith.constant 3.000000e+00 : f32
      %eq3A_1994 = vector.broadcast %eq3A_1993 : f32 to vector<16xf32>
      %eq3A_1995 = arith.cmpf oeq, %gather3A_1982, %eq3A_1994 : vector<16xf32>
      %and3A_1996 = arith.andi %and3A_1980, %eq3A_1995 : vector<16xi1>
      %jit3A_1997 = arith.constant 1.000000e+00 : f32
      %jit3A_1998 = arith.constant 0.000000e+00 : f32
      %broadcast_in_dim3A_1999 = vector.broadcast %jit3A_1997 : f32 to vector<16xf32>
      %broadcast_in_dim3A_2000 = vector.broadcast %jit3A_1998 : f32 to vector<16xf32>
      %select_n3A_2001 = arith.select %and3A_1996, %broadcast_in_dim3A_1999, %broadcast_in_dim3A_2000 : vector<16xi1>, vector<16xf32>
      %add3A_2002 = arith.addf %add3A_1958, %select_n3A_2001 : vector<16xf32>
      %mul3A_2003 = arith.constant 8 : i32
      %mul3A_2004 = arith.muli %scan3A_1694, %mul3A_2003 : i32
      %add3A_2005 = arith.constant 7 : i32
      %add3A_2006 = arith.addi %mul3A_2004, %add3A_2005 : i32
      %add3A_2007 = arith.constant 1.000000e+00 : f32
      %add3A_2008 = vector.broadcast %add3A_2007 : f32 to vector<16xf32>
      %add3A_2009 = arith.addf %convert_element_type3A_1700, %add3A_2008 : vector<16xf32>
      %add3A_2010 = arith.addf %sub3A_1423, %add3A_2009 : vector<16xf32>
      %add3A_2011 = arith.constant 4.800000e+01 : f32
      %add3A_2012 = vector.broadcast %add3A_2011 : f32 to vector<16xf32>
      %add3A_2013 = arith.addf %sub3A_1422, %add3A_2012 : vector<16xf32>
      %mul3A_2014 = arith.mulf %add3A_2013, %gather3A_1217 : vector<16xf32>
      %mul3A_2015 = arith.mulf %add3A_2010, %gather3A_1220 : vector<16xf32>
      %add3A_2016 = arith.addf %mul3A_2014, %mul3A_2015 : vector<16xf32>
      %mul3A_2017 = arith.mulf %add3A_2010, %gather3A_1217 : vector<16xf32>
      %mul3A_2018 = arith.mulf %add3A_2013, %gather3A_1220 : vector<16xf32>
      %sub3A_2019 = arith.subf %mul3A_2017, %mul3A_2018 : vector<16xf32>
      %abs3A_2020 = math.absf %add3A_2016 : vector<16xf32>
      %le3A_2021 = arith.cmpf ole, %abs3A_2020, %gather3A_1223 : vector<16xf32>
      %abs3A_2022 = math.absf %sub3A_2019 : vector<16xf32>
      %le3A_2023 = arith.cmpf ole, %abs3A_2022, %gather3A_1226 : vector<16xf32>
      %and3A_2024 = arith.andi %le3A_2021, %le3A_2023 : vector<16xi1>
      %broadcast_in_dim3A_2025 = vector.broadcast %add3A_2006 : i32 to vector<16xi32>
      %gather3A_2026 = tpu.vector_load_idx %arg8[%broadcast_in_dim3A_2025, %iota3A] : memref<160x16xf32, #tpu.memory_space<vmem>>[vector<16xi32>, vector<16xi32>], vector<16xf32>,
      %ne3A_2027 = arith.constant 0.000000e+00 : f32
      %ne3A_2028 = vector.broadcast %ne3A_2027 : f32 to vector<16xf32>
      %ne3A_2029 = arith.cmpf one, %gather3A_2026, %ne3A_2028 : vector<16xf32>
      %and3A_2030 = arith.andi %and3A_2024, %ne3A_2029 : vector<16xi1>
      %jit3A_2031 = arith.constant 1.000000e+00 : f32
      %jit3A_2032 = arith.constant 0.000000e+00 : f32
      %broadcast_in_dim3A_2033 = vector.broadcast %jit3A_2031 : f32 to vector<16xf32>
      %broadcast_in_dim3A_2034 = vector.broadcast %jit3A_2032 : f32 to vector<16xf32>
      %select_n3A_2035 = arith.select %and3A_2030, %broadcast_in_dim3A_2033, %broadcast_in_dim3A_2034 : vector<16xi1>, vector<16xf32>
      %add3A_2036 = arith.addf %add3A_1992, %select_n3A_2035 : vector<16xf32>
      %eq3A_2037 = arith.constant 3.000000e+00 : f32
      %eq3A_2038 = vector.broadcast %eq3A_2037 : f32 to vector<16xf32>
      %eq3A_2039 = arith.cmpf oeq, %gather3A_2026, %eq3A_2038 : vector<16xf32>
      %and3A_2040 = arith.andi %and3A_2024, %eq3A_2039 : vector<16xi1>
      %jit3A_2041 = arith.constant 1.000000e+00 : f32
      %jit3A_2042 = arith.constant 0.000000e+00 : f32
      %broadcast_in_dim3A_2043 = vector.broadcast %jit3A_2041 : f32 to vector<16xf32>
      %broadcast_in_dim3A_2044 = vector.broadcast %jit3A_2042 : f32 to vector<16xf32>
      %select_n3A_2045 = arith.select %and3A_2040, %broadcast_in_dim3A_2043, %broadcast_in_dim3A_2044 : vector<16xi1>, vector<16xf32>
      %add3A_2046 = arith.addf %add3A_2002, %select_n3A_2045 : vector<16xf32>
      scf.yield %add3A_2036, %add3A_2046 : vector<16xf32>, vector<16xf32>
    }
    %scan3A_1433 = arith.constant 20 : i32
    %reduce_sum3A_1434 = arith.constant true
    %reduce_sum3A_1435 = vector.broadcast %reduce_sum3A_1434 : i1 to vector<16xi1>
    %reduce_sum3A_1436 = tpu.scan <sum>, %scan3A_1432#0 masked %reduce_sum3A_1435 : vector<16xf32>, vector<16xi1> -> vector<16xf32>
    %reduce_sum3A_1437 = vector.extract %reduce_sum3A_1436[15] : f32 from vector<16xf32>
    %reduce_sum3A_1438 = arith.constant true
    %reduce_sum3A_1439 = vector.broadcast %reduce_sum3A_1438 : i1 to vector<16xi1>
    %reduce_sum3A_1440 = tpu.scan <sum>, %scan3A_1432#1 masked %reduce_sum3A_1439 : vector<16xf32>, vector<16xi1> -> vector<16xf32>
    %reduce_sum3A_1441 = vector.extract %reduce_sum3A_1440[15] : f32 from vector<16xf32>
    %broadcast_in_dim3A_1442 = vector.broadcast %reduce_sum3A_1441 : f32 to vector<16xf32>
    %broadcast_in_dim3A_1443 = vector.broadcast %reduce_sum3A_1437 : f32 to vector<16xf32>
    %max3A_1444 = arith.constant 1.000000e+00 : f32
    %max3A_1445 = vector.broadcast %max3A_1444 : f32 to vector<16xf32>
    %max3A_1446 = arith.maximumf %broadcast_in_dim3A_1443, %max3A_1445 : vector<16xf32>
    %div3A_1447 = arith.divf %broadcast_in_dim3A_1442, %max3A_1446 : vector<16xf32>
    %add3A_1448 = arith.addf %add3A_1205, %div3A_1447 : vector<16xf32>
    %add3A_1449 = arith.constant 192 : i32
    %add3A_1450 = arith.addi %add3A, %add3A_1449 : i32
    %broadcast_in_dim3A_1451 = vector.broadcast %add3A_1450 : i32 to vector<16xi32>
    %broadcast_in_dim3A_1452 = arith.constant 0 : i32
    %broadcast_in_dim3A_1453 = vector.broadcast %broadcast_in_dim3A_1452 : i32 to vector<16xi32>
    %gather3A_1454 = tpu.vector_load_idx %arg5[%broadcast_in_dim3A_1453, %broadcast_in_dim3A_1451] : memref<9x224xf32, #tpu.memory_space<vmem>>[vector<16xi32>, vector<16xi32>], vector<16xf32>,
    %broadcast_in_dim3A_1455 = arith.constant 1 : i32
    %broadcast_in_dim3A_1456 = vector.broadcast %broadcast_in_dim3A_1455 : i32 to vector<16xi32>
    %gather3A_1457 = tpu.vector_load_idx %arg5[%broadcast_in_dim3A_1456, %broadcast_in_dim3A_1451] : memref<9x224xf32, #tpu.memory_space<vmem>>[vector<16xi32>, vector<16xi32>], vector<16xf32>,
    %broadcast_in_dim3A_1458 = arith.constant 2 : i32
    %broadcast_in_dim3A_1459 = vector.broadcast %broadcast_in_dim3A_1458 : i32 to vector<16xi32>
    %gather3A_1460 = tpu.vector_load_idx %arg5[%broadcast_in_dim3A_1459, %broadcast_in_dim3A_1451] : memref<9x224xf32, #tpu.memory_space<vmem>>[vector<16xi32>, vector<16xi32>], vector<16xf32>,
    %broadcast_in_dim3A_1461 = arith.constant 3 : i32
    %broadcast_in_dim3A_1462 = vector.broadcast %broadcast_in_dim3A_1461 : i32 to vector<16xi32>
    %gather3A_1463 = tpu.vector_load_idx %arg5[%broadcast_in_dim3A_1462, %broadcast_in_dim3A_1451] : memref<9x224xf32, #tpu.memory_space<vmem>>[vector<16xi32>, vector<16xi32>], vector<16xf32>,
    %broadcast_in_dim3A_1464 = arith.constant 4 : i32
    %broadcast_in_dim3A_1465 = vector.broadcast %broadcast_in_dim3A_1464 : i32 to vector<16xi32>
    %gather3A_1466 = tpu.vector_load_idx %arg5[%broadcast_in_dim3A_1465, %broadcast_in_dim3A_1451] : memref<9x224xf32, #tpu.memory_space<vmem>>[vector<16xi32>, vector<16xi32>], vector<16xf32>,
    %broadcast_in_dim3A_1467 = arith.constant 5 : i32
    %broadcast_in_dim3A_1468 = vector.broadcast %broadcast_in_dim3A_1467 : i32 to vector<16xi32>
    %gather3A_1469 = tpu.vector_load_idx %arg5[%broadcast_in_dim3A_1468, %broadcast_in_dim3A_1451] : memref<9x224xf32, #tpu.memory_space<vmem>>[vector<16xi32>, vector<16xi32>], vector<16xf32>,
    %broadcast_in_dim3A_1470 = arith.constant 6 : i32
    %broadcast_in_dim3A_1471 = vector.broadcast %broadcast_in_dim3A_1470 : i32 to vector<16xi32>
    %gather3A_1472 = tpu.vector_load_idx %arg5[%broadcast_in_dim3A_1471, %broadcast_in_dim3A_1451] : memref<9x224xf32, #tpu.memory_space<vmem>>[vector<16xi32>, vector<16xi32>], vector<16xf32>,
    %broadcast_in_dim3A_1473 = arith.constant 7 : i32
    %broadcast_in_dim3A_1474 = vector.broadcast %broadcast_in_dim3A_1473 : i32 to vector<16xi32>
    %gather3A_1475 = tpu.vector_load_idx %arg5[%broadcast_in_dim3A_1474, %broadcast_in_dim3A_1451] : memref<9x224xf32, #tpu.memory_space<vmem>>[vector<16xi32>, vector<16xi32>], vector<16xf32>,
    %broadcast_in_dim3A_1476 = arith.constant 8 : i32
    %broadcast_in_dim3A_1477 = vector.broadcast %broadcast_in_dim3A_1476 : i32 to vector<16xi32>
    %gather3A_1478 = tpu.vector_load_idx %arg5[%broadcast_in_dim3A_1477, %broadcast_in_dim3A_1451] : memref<9x224xf32, #tpu.memory_space<vmem>>[vector<16xi32>, vector<16xi32>], vector<16xf32>,
    %convert_element_type3A_1479 = arith.fptosi %gather3A_1478 : vector<16xf32> to vector<16xi32>
    %add3A_1480 = arith.constant 0 : i32
    %add3A_1481 = vector.broadcast %add3A_1480 : i32 to vector<16xi32>
    %add3A_1482 = arith.addi %iota3A, %add3A_1481 : vector<16xi32>
    %shift_right_logical3A_1483 = arith.constant 2 : i32
    %shift_right_logical3A_1484 = vector.broadcast %shift_right_logical3A_1483 : i32 to vector<16xi32>
    %shift_right_logical3A_1485 = arith.shrui %add3A_1482, %shift_right_logical3A_1484 : vector<16xi32>
    %and3A_1486 = arith.constant 3 : i32
    %and3A_1487 = vector.broadcast %and3A_1486 : i32 to vector<16xi32>
    %and3A_1488 = arith.andi %add3A_1482, %and3A_1487 : vector<16xi32>
    %mul3A_1489 = arith.constant 31 : i32
    %mul3A_1490 = vector.broadcast %mul3A_1489 : i32 to vector<16xi32>
    %mul3A_1491 = arith.muli %shift_right_logical3A_1485, %mul3A_1490 : vector<16xi32>
    %add3A_1492 = arith.addi %convert_element_type3A_1479, %mul3A_1491 : vector<16xi32>
    %add3A_1493 = arith.addi %add3A_1492, %and3A_1488 : vector<16xi32>
    %swap3A_1494 = arith.constant 0 : index
    %swap3A_1495 = tpu.vector_load %arg6[%swap3A_1494] {strides = array<i32>} : memref<80xi32, #tpu.memory_space<vmem>>, vector<16xi32>,
    tpu.vector_store %arg6[%swap3A_1494], %add3A_1493 {strides = array<i32>} : memref<80xi32, #tpu.memory_space<vmem>>, vector<16xi32>,
    %add3A_1496 = arith.constant 16 : i32
    %add3A_1497 = vector.broadcast %add3A_1496 : i32 to vector<16xi32>
    %add3A_1498 = arith.addi %iota3A, %add3A_1497 : vector<16xi32>
    %shift_right_logical3A_1499 = arith.constant 2 : i32
    %shift_right_logical3A_1500 = vector.broadcast %shift_right_logical3A_1499 : i32 to vector<16xi32>
    %shift_right_logical3A_1501 = arith.shrui %add3A_1498, %shift_right_logical3A_1500 : vector<16xi32>
    %and3A_1502 = arith.constant 3 : i32
    %and3A_1503 = vector.broadcast %and3A_1502 : i32 to vector<16xi32>
    %and3A_1504 = arith.andi %add3A_1498, %and3A_1503 : vector<16xi32>
    %mul3A_1505 = arith.constant 31 : i32
    %mul3A_1506 = vector.broadcast %mul3A_1505 : i32 to vector<16xi32>
    %mul3A_1507 = arith.muli %shift_right_logical3A_1501, %mul3A_1506 : vector<16xi32>
    %add3A_1508 = arith.addi %convert_element_type3A_1479, %mul3A_1507 : vector<16xi32>
    %add3A_1509 = arith.addi %add3A_1508, %and3A_1504 : vector<16xi32>
    %swap3A_1510 = arith.constant 16 : index
    %swap3A_1511 = tpu.vector_load %arg6[%swap3A_1510] {strides = array<i32>} : memref<80xi32, #tpu.memory_space<vmem>>, vector<16xi32>,
    tpu.vector_store %arg6[%swap3A_1510], %add3A_1509 {strides = array<i32>} : memref<80xi32, #tpu.memory_space<vmem>>, vector<16xi32>,
    %add3A_1512 = arith.constant 32 : i32
    %add3A_1513 = vector.broadcast %add3A_1512 : i32 to vector<16xi32>
    %add3A_1514 = arith.addi %iota3A, %add3A_1513 : vector<16xi32>
    %shift_right_logical3A_1515 = arith.constant 2 : i32
    %shift_right_logical3A_1516 = vector.broadcast %shift_right_logical3A_1515 : i32 to vector<16xi32>
    %shift_right_logical3A_1517 = arith.shrui %add3A_1514, %shift_right_logical3A_1516 : vector<16xi32>
    %and3A_1518 = arith.constant 3 : i32
    %and3A_1519 = vector.broadcast %and3A_1518 : i32 to vector<16xi32>
    %and3A_1520 = arith.andi %add3A_1514, %and3A_1519 : vector<16xi32>
    %mul3A_1521 = arith.constant 31 : i32
    %mul3A_1522 = vector.broadcast %mul3A_1521 : i32 to vector<16xi32>
    %mul3A_1523 = arith.muli %shift_right_logical3A_1517, %mul3A_1522 : vector<16xi32>
    %add3A_1524 = arith.addi %convert_element_type3A_1479, %mul3A_1523 : vector<16xi32>
    %add3A_1525 = arith.addi %add3A_1524, %and3A_1520 : vector<16xi32>
    %swap3A_1526 = arith.constant 32 : index
    %swap3A_1527 = tpu.vector_load %arg6[%swap3A_1526] {strides = array<i32>} : memref<80xi32, #tpu.memory_space<vmem>>, vector<16xi32>,
    tpu.vector_store %arg6[%swap3A_1526], %add3A_1525 {strides = array<i32>} : memref<80xi32, #tpu.memory_space<vmem>>, vector<16xi32>,
    %add3A_1528 = arith.constant 48 : i32
    %add3A_1529 = vector.broadcast %add3A_1528 : i32 to vector<16xi32>
    %add3A_1530 = arith.addi %iota3A, %add3A_1529 : vector<16xi32>
    %shift_right_logical3A_1531 = arith.constant 2 : i32
    %shift_right_logical3A_1532 = vector.broadcast %shift_right_logical3A_1531 : i32 to vector<16xi32>
    %shift_right_logical3A_1533 = arith.shrui %add3A_1530, %shift_right_logical3A_1532 : vector<16xi32>
    %and3A_1534 = arith.constant 3 : i32
    %and3A_1535 = vector.broadcast %and3A_1534 : i32 to vector<16xi32>
    %and3A_1536 = arith.andi %add3A_1530, %and3A_1535 : vector<16xi32>
    %mul3A_1537 = arith.constant 31 : i32
    %mul3A_1538 = vector.broadcast %mul3A_1537 : i32 to vector<16xi32>
    %mul3A_1539 = arith.muli %shift_right_logical3A_1533, %mul3A_1538 : vector<16xi32>
    %add3A_1540 = arith.addi %convert_element_type3A_1479, %mul3A_1539 : vector<16xi32>
    %add3A_1541 = arith.addi %add3A_1540, %and3A_1536 : vector<16xi32>
    %swap3A_1542 = arith.constant 48 : index
    %swap3A_1543 = tpu.vector_load %arg6[%swap3A_1542] {strides = array<i32>} : memref<80xi32, #tpu.memory_space<vmem>>, vector<16xi32>,
    tpu.vector_store %arg6[%swap3A_1542], %add3A_1541 {strides = array<i32>} : memref<80xi32, #tpu.memory_space<vmem>>, vector<16xi32>,
    %add3A_1544 = arith.constant 64 : i32
    %add3A_1545 = vector.broadcast %add3A_1544 : i32 to vector<16xi32>
    %add3A_1546 = arith.addi %iota3A, %add3A_1545 : vector<16xi32>
    %shift_right_logical3A_1547 = arith.constant 2 : i32
    %shift_right_logical3A_1548 = vector.broadcast %shift_right_logical3A_1547 : i32 to vector<16xi32>
    %shift_right_logical3A_1549 = arith.shrui %add3A_1546, %shift_right_logical3A_1548 : vector<16xi32>
    %and3A_1550 = arith.constant 3 : i32
    %and3A_1551 = vector.broadcast %and3A_1550 : i32 to vector<16xi32>
    %and3A_1552 = arith.andi %add3A_1546, %and3A_1551 : vector<16xi32>
    %mul3A_1553 = arith.constant 31 : i32
    %mul3A_1554 = vector.broadcast %mul3A_1553 : i32 to vector<16xi32>
    %mul3A_1555 = arith.muli %shift_right_logical3A_1549, %mul3A_1554 : vector<16xi32>
    %add3A_1556 = arith.addi %convert_element_type3A_1479, %mul3A_1555 : vector<16xi32>
    %add3A_1557 = arith.addi %add3A_1556, %and3A_1552 : vector<16xi32>
    %swap3A_1558 = arith.constant 64 : index
    %swap3A_1559 = tpu.vector_load %arg6[%swap3A_1558] {strides = array<i32>} : memref<80xi32, #tpu.memory_space<vmem>>, vector<16xi32>,
    tpu.vector_store %arg6[%swap3A_1558], %add3A_1557 {strides = array<i32>} : memref<80xi32, #tpu.memory_space<vmem>>, vector<16xi32>,
    %add3A_1560 = arith.constant 80 : i32
    %add3A_1561 = vector.broadcast %add3A_1560 : i32 to vector<16xi32>
    %add3A_1562 = arith.addi %iota3A, %add3A_1561 : vector<16xi32>
    %shift_right_logical3A_1563 = arith.constant 2 : i32
    %shift_right_logical3A_1564 = vector.broadcast %shift_right_logical3A_1563 : i32 to vector<16xi32>
    %shift_right_logical3A_1565 = arith.shrui %add3A_1562, %shift_right_logical3A_1564 : vector<16xi32>
    %and3A_1566 = arith.constant 3 : i32
    %and3A_1567 = vector.broadcast %and3A_1566 : i32 to vector<16xi32>
    %and3A_1568 = arith.andi %add3A_1562, %and3A_1567 : vector<16xi32>
    %mul3A_1569 = arith.constant 31 : i32
    %mul3A_1570 = vector.broadcast %mul3A_1569 : i32 to vector<16xi32>
    %mul3A_1571 = arith.muli %shift_right_logical3A_1565, %mul3A_1570 : vector<16xi32>
    %add3A_1572 = arith.addi %convert_element_type3A_1479, %mul3A_1571 : vector<16xi32>
    %add3A_1573 = arith.addi %add3A_1572, %and3A_1568 : vector<16xi32>
    %swap3A_1574 = arith.constant 0 : index
    %swap3A_1575 = tpu.vector_load %arg7[%swap3A_1574] {strides = array<i32>} : memref<80xi32, #tpu.memory_space<vmem>>, vector<16xi32>,
    tpu.vector_store %arg7[%swap3A_1574], %add3A_1573 {strides = array<i32>} : memref<80xi32, #tpu.memory_space<vmem>>, vector<16xi32>,
    %add3A_1576 = arith.constant 96 : i32
    %add3A_1577 = vector.broadcast %add3A_1576 : i32 to vector<16xi32>
    %add3A_1578 = arith.addi %iota3A, %add3A_1577 : vector<16xi32>
    %shift_right_logical3A_1579 = arith.constant 2 : i32
    %shift_right_logical3A_1580 = vector.broadcast %shift_right_logical3A_1579 : i32 to vector<16xi32>
    %shift_right_logical3A_1581 = arith.shrui %add3A_1578, %shift_right_logical3A_1580 : vector<16xi32>
    %and3A_1582 = arith.constant 3 : i32
    %and3A_1583 = vector.broadcast %and3A_1582 : i32 to vector<16xi32>
    %and3A_1584 = arith.andi %add3A_1578, %and3A_1583 : vector<16xi32>
    %mul3A_1585 = arith.constant 31 : i32
    %mul3A_1586 = vector.broadcast %mul3A_1585 : i32 to vector<16xi32>
    %mul3A_1587 = arith.muli %shift_right_logical3A_1581, %mul3A_1586 : vector<16xi32>
    %add3A_1588 = arith.addi %convert_element_type3A_1479, %mul3A_1587 : vector<16xi32>
    %add3A_1589 = arith.addi %add3A_1588, %and3A_1584 : vector<16xi32>
    %swap3A_1590 = arith.constant 16 : index
    %swap3A_1591 = tpu.vector_load %arg7[%swap3A_1590] {strides = array<i32>} : memref<80xi32, #tpu.memory_space<vmem>>, vector<16xi32>,
    tpu.vector_store %arg7[%swap3A_1590], %add3A_1589 {strides = array<i32>} : memref<80xi32, #tpu.memory_space<vmem>>, vector<16xi32>,
    %add3A_1592 = arith.constant 112 : i32
    %add3A_1593 = vector.broadcast %add3A_1592 : i32 to vector<16xi32>
    %add3A_1594 = arith.addi %iota3A, %add3A_1593 : vector<16xi32>
    %shift_right_logical3A_1595 = arith.constant 2 : i32
    %shift_right_logical3A_1596 = vector.broadcast %shift_right_logical3A_1595 : i32 to vector<16xi32>
    %shift_right_logical3A_1597 = arith.shrui %add3A_1594, %shift_right_logical3A_1596 : vector<16xi32>
    %and3A_1598 = arith.constant 3 : i32
    %and3A_1599 = vector.broadcast %and3A_1598 : i32 to vector<16xi32>
    %and3A_1600 = arith.andi %add3A_1594, %and3A_1599 : vector<16xi32>
    %mul3A_1601 = arith.constant 31 : i32
    %mul3A_1602 = vector.broadcast %mul3A_1601 : i32 to vector<16xi32>
    %mul3A_1603 = arith.muli %shift_right_logical3A_1597, %mul3A_1602 : vector<16xi32>
    %add3A_1604 = arith.addi %convert_element_type3A_1479, %mul3A_1603 : vector<16xi32>
    %add3A_1605 = arith.addi %add3A_1604, %and3A_1600 : vector<16xi32>
    %swap3A_1606 = arith.constant 32 : index
    %swap3A_1607 = tpu.vector_load %arg7[%swap3A_1606] {strides = array<i32>} : memref<80xi32, #tpu.memory_space<vmem>>, vector<16xi32>,
    tpu.vector_store %arg7[%swap3A_1606], %add3A_1605 {strides = array<i32>} : memref<80xi32, #tpu.memory_space<vmem>>, vector<16xi32>,
    %add3A_1608 = arith.constant 128 : i32
    %add3A_1609 = vector.broadcast %add3A_1608 : i32 to vector<16xi32>
    %add3A_1610 = arith.addi %iota3A, %add3A_1609 : vector<16xi32>
    %shift_right_logical3A_1611 = arith.constant 2 : i32
    %shift_right_logical3A_1612 = vector.broadcast %shift_right_logical3A_1611 : i32 to vector<16xi32>
    %shift_right_logical3A_1613 = arith.shrui %add3A_1610, %shift_right_logical3A_1612 : vector<16xi32>
    %and3A_1614 = arith.constant 3 : i32
    %and3A_1615 = vector.broadcast %and3A_1614 : i32 to vector<16xi32>
    %and3A_1616 = arith.andi %add3A_1610, %and3A_1615 : vector<16xi32>
    %mul3A_1617 = arith.constant 31 : i32
    %mul3A_1618 = vector.broadcast %mul3A_1617 : i32 to vector<16xi32>
    %mul3A_1619 = arith.muli %shift_right_logical3A_1613, %mul3A_1618 : vector<16xi32>
    %add3A_1620 = arith.addi %convert_element_type3A_1479, %mul3A_1619 : vector<16xi32>
    %add3A_1621 = arith.addi %add3A_1620, %and3A_1616 : vector<16xi32>
    %swap3A_1622 = arith.constant 48 : index
    %swap3A_1623 = tpu.vector_load %arg7[%swap3A_1622] {strides = array<i32>} : memref<80xi32, #tpu.memory_space<vmem>>, vector<16xi32>,
    tpu.vector_store %arg7[%swap3A_1622], %add3A_1621 {strides = array<i32>} : memref<80xi32, #tpu.memory_space<vmem>>, vector<16xi32>,
    %add3A_1624 = arith.constant 144 : i32
    %add3A_1625 = vector.broadcast %add3A_1624 : i32 to vector<16xi32>
    %add3A_1626 = arith.addi %iota3A, %add3A_1625 : vector<16xi32>
    %shift_right_logical3A_1627 = arith.constant 2 : i32
    %shift_right_logical3A_1628 = vector.broadcast %shift_right_logical3A_1627 : i32 to vector<16xi32>
    %shift_right_logical3A_1629 = arith.shrui %add3A_1626, %shift_right_logical3A_1628 : vector<16xi32>
    %and3A_1630 = arith.constant 3 : i32
    %and3A_1631 = vector.broadcast %and3A_1630 : i32 to vector<16xi32>
    %and3A_1632 = arith.andi %add3A_1626, %and3A_1631 : vector<16xi32>
    %mul3A_1633 = arith.constant 31 : i32
    %mul3A_1634 = vector.broadcast %mul3A_1633 : i32 to vector<16xi32>
    %mul3A_1635 = arith.muli %shift_right_logical3A_1629, %mul3A_1634 : vector<16xi32>
    %add3A_1636 = arith.addi %convert_element_type3A_1479, %mul3A_1635 : vector<16xi32>
    %add3A_1637 = arith.addi %add3A_1636, %and3A_1632 : vector<16xi32>
    %swap3A_1638 = arith.constant 64 : index
    %swap3A_1639 = tpu.vector_load %arg7[%swap3A_1638] {strides = array<i32>} : memref<80xi32, #tpu.memory_space<vmem>>, vector<16xi32>,
    tpu.vector_store %arg7[%swap3A_1638], %add3A_1637 {strides = array<i32>} : memref<80xi32, #tpu.memory_space<vmem>>, vector<16xi32>,
    %dma_start3A_1640 = arith.constant 0 : i32
    %dma_start3A_1641 = arith.constant 0 : i32
    %dma_start3A_1642 = tpu.memref_slice %arg8[%dma_start3A_1640, %dma_start3A_1641] : memref<160x16xf32, #tpu.memory_space<vmem>> -> memref<80x16xf32, #tpu.memory_space<vmem>>
    %dma_start3A_1643 = arith.constant 0 : i32
    %dma_start3A_1644 = arith.constant 0 : i32
    %dma_start3A_1645 = tpu.memref_slice %arg2[%dma_start3A_1643, %dma_start3A_1644] : memref<53568x16xf32, #tpu.memory_space<hbm>> -> memref<53568x16xf32, #tpu.memory_space<hbm>>
    tpu.enqueue_indirect_dma source(%dma_start3A_1645 : memref<53568x16xf32, #tpu.memory_space<hbm>>) target(%dma_start3A_1642 : memref<80x16xf32, #tpu.memory_space<vmem>>) offsets(%arg6 : memref<80xi32, #tpu.memory_space<vmem>>) semaphore(%arg10 : memref<!tpu.dma_semaphore, #tpu.memory_space<semaphore_mem>>)
    %dma_start3A_1646 = arith.constant 80 : i32
    %dma_start3A_1647 = arith.constant 0 : i32
    %dma_start3A_1648 = tpu.memref_slice %arg8[%dma_start3A_1646, %dma_start3A_1647] : memref<160x16xf32, #tpu.memory_space<vmem>> -> memref<80x16xf32, #tpu.memory_space<vmem>>
    %dma_start3A_1649 = arith.constant 0 : i32
    %dma_start3A_1650 = arith.constant 0 : i32
    %dma_start3A_1651 = tpu.memref_slice %arg2[%dma_start3A_1649, %dma_start3A_1650] : memref<53568x16xf32, #tpu.memory_space<hbm>> -> memref<53568x16xf32, #tpu.memory_space<hbm>>
    tpu.enqueue_indirect_dma source(%dma_start3A_1651 : memref<53568x16xf32, #tpu.memory_space<hbm>>) target(%dma_start3A_1648 : memref<80x16xf32, #tpu.memory_space<vmem>>) offsets(%arg7 : memref<80xi32, #tpu.memory_space<vmem>>) semaphore(%arg11 : memref<!tpu.dma_semaphore, #tpu.memory_space<semaphore_mem>>)
    %dma_wait3A_1652 = arith.constant 0 : i32
    %dma_wait3A_1653 = arith.constant 0 : i32
    %dma_wait3A_1654 = tpu.memref_slice %arg8[%dma_wait3A_1652, %dma_wait3A_1653] : memref<160x16xf32, #tpu.memory_space<vmem>> -> memref<80x16xf32, #tpu.memory_space<vmem>>
    %dma_wait3A_1655 = arith.constant 0 : i32
    %dma_wait3A_1656 = arith.constant 0 : i32
    %dma_wait3A_1657 = tpu.memref_slice %arg2[%dma_wait3A_1655, %dma_wait3A_1656] : memref<53568x16xf32, #tpu.memory_space<hbm>> -> memref<53568x16xf32, #tpu.memory_space<hbm>>
    tpu.wait_indirect_dma semaphore(%arg10 : memref<!tpu.dma_semaphore, #tpu.memory_space<semaphore_mem>>) src(%dma_wait3A_1657 : memref<53568x16xf32, #tpu.memory_space<hbm>>) dst(%dma_wait3A_1654 : memref<80x16xf32, #tpu.memory_space<vmem>>)
    %dma_wait3A_1658 = arith.constant 80 : i32
    %dma_wait3A_1659 = arith.constant 0 : i32
    %dma_wait3A_1660 = tpu.memref_slice %arg8[%dma_wait3A_1658, %dma_wait3A_1659] : memref<160x16xf32, #tpu.memory_space<vmem>> -> memref<80x16xf32, #tpu.memory_space<vmem>>
    %dma_wait3A_1661 = arith.constant 0 : i32
    %dma_wait3A_1662 = arith.constant 0 : i32
    %dma_wait3A_1663 = tpu.memref_slice %arg2[%dma_wait3A_1661, %dma_wait3A_1662] : memref<53568x16xf32, #tpu.memory_space<hbm>> -> memref<53568x16xf32, #tpu.memory_space<hbm>>
    tpu.wait_indirect_dma semaphore(%arg11 : memref<!tpu.dma_semaphore, #tpu.memory_space<semaphore_mem>>) src(%dma_wait3A_1663 : memref<53568x16xf32, #tpu.memory_space<hbm>>) dst(%dma_wait3A_1660 : memref<80x16xf32, #tpu.memory_space<vmem>>)
    %add3A_1664 = arith.addf %gather3A_1475, %convert_element_type3A : vector<16xf32>
    %sub3A_1665 = arith.subf %add3A_1664, %gather3A_1454 : vector<16xf32>
    %sub3A_1666 = arith.subf %gather3A_1472, %gather3A_1457 : vector<16xf32>
    %broadcast_in_dim3A_1667 = arith.constant 0.000000e+00 : f32
    %broadcast_in_dim3A_1668 = vector.broadcast %broadcast_in_dim3A_1667 : f32 to vector<16xf32>
    %broadcast_in_dim3A_1669 = arith.constant 0.000000e+00 : f32
    %broadcast_in_dim3A_1670 = vector.broadcast %broadcast_in_dim3A_1669 : f32 to vector<16xf32>
    %scan3A_1671 = arith.constant 0 : i32
    %scan3A_1672 = arith.constant 20 : i32
    %scan3A_1673 = arith.addi %scan3A_1671, %scan3A_1672 : i32
    %scan3A_1674 = arith.constant 1 : i32
    %scan3A_1675:2 = scf.for %scan3A_1694 = %scan3A_1671 to %scan3A_1673 step %scan3A_1674 iter_args(%scan3A_1695 = %broadcast_in_dim3A_1668, %scan3A_1696 = %broadcast_in_dim3A_1670) -> (vector<16xf32>, vector<16xf32>)  : i32 {
      %mul3A_1697 = arith.constant 2 : i32
      %mul3A_1698 = arith.muli %mul3A_1697, %scan3A_1694 : i32
      %broadcast_in_dim3A_1699 = vector.broadcast %mul3A_1698 : i32 to vector<16xi32>
      %convert_element_type3A_1700 = arith.sitofp %broadcast_in_dim3A_1699 : vector<16xi32> to vector<16xf32>
      %mul3A_1701 = arith.constant 8 : i32
      %mul3A_1702 = arith.muli %scan3A_1694, %mul3A_1701 : i32
      %add3A_1703 = arith.constant 0 : i32
      %add3A_1704 = arith.addi %mul3A_1702, %add3A_1703 : i32
      %add3A_1705 = arith.constant 0.000000e+00 : f32
      %add3A_1706 = vector.broadcast %add3A_1705 : f32 to vector<16xf32>
      %add3A_1707 = arith.addf %convert_element_type3A_1700, %add3A_1706 : vector<16xf32>
      %add3A_1708 = arith.addf %sub3A_1666, %add3A_1707 : vector<16xf32>
      %add3A_1709 = arith.constant 0.000000e+00 : f32
      %add3A_1710 = vector.broadcast %add3A_1709 : f32 to vector<16xf32>
      %add3A_1711 = arith.addf %sub3A_1665, %add3A_1710 : vector<16xf32>
      %mul3A_1712 = arith.mulf %add3A_1711, %gather3A_1460 : vector<16xf32>
      %mul3A_1713 = arith.mulf %add3A_1708, %gather3A_1463 : vector<16xf32>
      %add3A_1714 = arith.addf %mul3A_1712, %mul3A_1713 : vector<16xf32>
      %mul3A_1715 = arith.mulf %add3A_1708, %gather3A_1460 : vector<16xf32>
      %mul3A_1716 = arith.mulf %add3A_1711, %gather3A_1463 : vector<16xf32>
      %sub3A_1717 = arith.subf %mul3A_1715, %mul3A_1716 : vector<16xf32>
      %abs3A = math.absf %add3A_1714 : vector<16xf32>
      %le3A = arith.cmpf ole, %abs3A, %gather3A_1466 : vector<16xf32>
      %abs3A_1718 = math.absf %sub3A_1717 : vector<16xf32>
      %le3A_1719 = arith.cmpf ole, %abs3A_1718, %gather3A_1469 : vector<16xf32>
      %and3A_1720 = arith.andi %le3A, %le3A_1719 : vector<16xi1>
      %broadcast_in_dim3A_1721 = vector.broadcast %add3A_1704 : i32 to vector<16xi32>
      %gather3A_1722 = tpu.vector_load_idx %arg8[%broadcast_in_dim3A_1721, %iota3A] : memref<160x16xf32, #tpu.memory_space<vmem>>[vector<16xi32>, vector<16xi32>], vector<16xf32>,
      %ne3A = arith.constant 0.000000e+00 : f32
      %ne3A_1723 = vector.broadcast %ne3A : f32 to vector<16xf32>
      %ne3A_1724 = arith.cmpf one, %gather3A_1722, %ne3A_1723 : vector<16xf32>
      %and3A_1725 = arith.andi %and3A_1720, %ne3A_1724 : vector<16xi1>
      %jit3A = arith.constant 1.000000e+00 : f32
      %jit3A_1726 = arith.constant 0.000000e+00 : f32
      %broadcast_in_dim3A_1727 = vector.broadcast %jit3A : f32 to vector<16xf32>
      %broadcast_in_dim3A_1728 = vector.broadcast %jit3A_1726 : f32 to vector<16xf32>
      %select_n3A = arith.select %and3A_1725, %broadcast_in_dim3A_1727, %broadcast_in_dim3A_1728 : vector<16xi1>, vector<16xf32>
      %add3A_1729 = arith.addf %scan3A_1695, %select_n3A : vector<16xf32>
      %eq3A = arith.constant 3.000000e+00 : f32
      %eq3A_1730 = vector.broadcast %eq3A : f32 to vector<16xf32>
      %eq3A_1731 = arith.cmpf oeq, %gather3A_1722, %eq3A_1730 : vector<16xf32>
      %and3A_1732 = arith.andi %and3A_1720, %eq3A_1731 : vector<16xi1>
      %jit3A_1733 = arith.constant 1.000000e+00 : f32
      %jit3A_1734 = arith.constant 0.000000e+00 : f32
      %broadcast_in_dim3A_1735 = vector.broadcast %jit3A_1733 : f32 to vector<16xf32>
      %broadcast_in_dim3A_1736 = vector.broadcast %jit3A_1734 : f32 to vector<16xf32>
      %select_n3A_1737 = arith.select %and3A_1732, %broadcast_in_dim3A_1735, %broadcast_in_dim3A_1736 : vector<16xi1>, vector<16xf32>
      %add3A_1738 = arith.addf %scan3A_1696, %select_n3A_1737 : vector<16xf32>
      %mul3A_1739 = arith.constant 8 : i32
      %mul3A_1740 = arith.muli %scan3A_1694, %mul3A_1739 : i32
      %add3A_1741 = arith.constant 1 : i32
      %add3A_1742 = arith.addi %mul3A_1740, %add3A_1741 : i32
      %add3A_1743 = arith.constant 0.000000e+00 : f32
      %add3A_1744 = vector.broadcast %add3A_1743 : f32 to vector<16xf32>
      %add3A_1745 = arith.addf %convert_element_type3A_1700, %add3A_1744 : vector<16xf32>
      %add3A_1746 = arith.addf %sub3A_1666, %add3A_1745 : vector<16xf32>
      %add3A_1747 = arith.constant 1.600000e+01 : f32
      %add3A_1748 = vector.broadcast %add3A_1747 : f32 to vector<16xf32>
      %add3A_1749 = arith.addf %sub3A_1665, %add3A_1748 : vector<16xf32>
      %mul3A_1750 = arith.mulf %add3A_1749, %gather3A_1460 : vector<16xf32>
      %mul3A_1751 = arith.mulf %add3A_1746, %gather3A_1463 : vector<16xf32>
      %add3A_1752 = arith.addf %mul3A_1750, %mul3A_1751 : vector<16xf32>
      %mul3A_1753 = arith.mulf %add3A_1746, %gather3A_1460 : vector<16xf32>
      %mul3A_1754 = arith.mulf %add3A_1749, %gather3A_1463 : vector<16xf32>
      %sub3A_1755 = arith.subf %mul3A_1753, %mul3A_1754 : vector<16xf32>
      %abs3A_1756 = math.absf %add3A_1752 : vector<16xf32>
      %le3A_1757 = arith.cmpf ole, %abs3A_1756, %gather3A_1466 : vector<16xf32>
      %abs3A_1758 = math.absf %sub3A_1755 : vector<16xf32>
      %le3A_1759 = arith.cmpf ole, %abs3A_1758, %gather3A_1469 : vector<16xf32>
      %and3A_1760 = arith.andi %le3A_1757, %le3A_1759 : vector<16xi1>
      %broadcast_in_dim3A_1761 = vector.broadcast %add3A_1742 : i32 to vector<16xi32>
      %gather3A_1762 = tpu.vector_load_idx %arg8[%broadcast_in_dim3A_1761, %iota3A] : memref<160x16xf32, #tpu.memory_space<vmem>>[vector<16xi32>, vector<16xi32>], vector<16xf32>,
      %ne3A_1763 = arith.constant 0.000000e+00 : f32
      %ne3A_1764 = vector.broadcast %ne3A_1763 : f32 to vector<16xf32>
      %ne3A_1765 = arith.cmpf one, %gather3A_1762, %ne3A_1764 : vector<16xf32>
      %and3A_1766 = arith.andi %and3A_1760, %ne3A_1765 : vector<16xi1>
      %jit3A_1767 = arith.constant 1.000000e+00 : f32
      %jit3A_1768 = arith.constant 0.000000e+00 : f32
      %broadcast_in_dim3A_1769 = vector.broadcast %jit3A_1767 : f32 to vector<16xf32>
      %broadcast_in_dim3A_1770 = vector.broadcast %jit3A_1768 : f32 to vector<16xf32>
      %select_n3A_1771 = arith.select %and3A_1766, %broadcast_in_dim3A_1769, %broadcast_in_dim3A_1770 : vector<16xi1>, vector<16xf32>
      %add3A_1772 = arith.addf %add3A_1729, %select_n3A_1771 : vector<16xf32>
      %eq3A_1773 = arith.constant 3.000000e+00 : f32
      %eq3A_1774 = vector.broadcast %eq3A_1773 : f32 to vector<16xf32>
      %eq3A_1775 = arith.cmpf oeq, %gather3A_1762, %eq3A_1774 : vector<16xf32>
      %and3A_1776 = arith.andi %and3A_1760, %eq3A_1775 : vector<16xi1>
      %jit3A_1777 = arith.constant 1.000000e+00 : f32
      %jit3A_1778 = arith.constant 0.000000e+00 : f32
      %broadcast_in_dim3A_1779 = vector.broadcast %jit3A_1777 : f32 to vector<16xf32>
      %broadcast_in_dim3A_1780 = vector.broadcast %jit3A_1778 : f32 to vector<16xf32>
      %select_n3A_1781 = arith.select %and3A_1776, %broadcast_in_dim3A_1779, %broadcast_in_dim3A_1780 : vector<16xi1>, vector<16xf32>
      %add3A_1782 = arith.addf %add3A_1738, %select_n3A_1781 : vector<16xf32>
      %mul3A_1783 = arith.constant 8 : i32
      %mul3A_1784 = arith.muli %scan3A_1694, %mul3A_1783 : i32
      %add3A_1785 = arith.constant 2 : i32
      %add3A_1786 = arith.addi %mul3A_1784, %add3A_1785 : i32
      %add3A_1787 = arith.constant 0.000000e+00 : f32
      %add3A_1788 = vector.broadcast %add3A_1787 : f32 to vector<16xf32>
      %add3A_1789 = arith.addf %convert_element_type3A_1700, %add3A_1788 : vector<16xf32>
      %add3A_1790 = arith.addf %sub3A_1666, %add3A_1789 : vector<16xf32>
      %add3A_1791 = arith.constant 3.200000e+01 : f32
      %add3A_1792 = vector.broadcast %add3A_1791 : f32 to vector<16xf32>
      %add3A_1793 = arith.addf %sub3A_1665, %add3A_1792 : vector<16xf32>
      %mul3A_1794 = arith.mulf %add3A_1793, %gather3A_1460 : vector<16xf32>
      %mul3A_1795 = arith.mulf %add3A_1790, %gather3A_1463 : vector<16xf32>
      %add3A_1796 = arith.addf %mul3A_1794, %mul3A_1795 : vector<16xf32>
      %mul3A_1797 = arith.mulf %add3A_1790, %gather3A_1460 : vector<16xf32>
      %mul3A_1798 = arith.mulf %add3A_1793, %gather3A_1463 : vector<16xf32>
      %sub3A_1799 = arith.subf %mul3A_1797, %mul3A_1798 : vector<16xf32>
      %abs3A_1800 = math.absf %add3A_1796 : vector<16xf32>
      %le3A_1801 = arith.cmpf ole, %abs3A_1800, %gather3A_1466 : vector<16xf32>
      %abs3A_1802 = math.absf %sub3A_1799 : vector<16xf32>
      %le3A_1803 = arith.cmpf ole, %abs3A_1802, %gather3A_1469 : vector<16xf32>
      %and3A_1804 = arith.andi %le3A_1801, %le3A_1803 : vector<16xi1>
      %broadcast_in_dim3A_1805 = vector.broadcast %add3A_1786 : i32 to vector<16xi32>
      %gather3A_1806 = tpu.vector_load_idx %arg8[%broadcast_in_dim3A_1805, %iota3A] : memref<160x16xf32, #tpu.memory_space<vmem>>[vector<16xi32>, vector<16xi32>], vector<16xf32>,
      %ne3A_1807 = arith.constant 0.000000e+00 : f32
      %ne3A_1808 = vector.broadcast %ne3A_1807 : f32 to vector<16xf32>
      %ne3A_1809 = arith.cmpf one, %gather3A_1806, %ne3A_1808 : vector<16xf32>
      %and3A_1810 = arith.andi %and3A_1804, %ne3A_1809 : vector<16xi1>
      %jit3A_1811 = arith.constant 1.000000e+00 : f32
      %jit3A_1812 = arith.constant 0.000000e+00 : f32
      %broadcast_in_dim3A_1813 = vector.broadcast %jit3A_1811 : f32 to vector<16xf32>
      %broadcast_in_dim3A_1814 = vector.broadcast %jit3A_1812 : f32 to vector<16xf32>
      %select_n3A_1815 = arith.select %and3A_1810, %broadcast_in_dim3A_1813, %broadcast_in_dim3A_1814 : vector<16xi1>, vector<16xf32>
      %add3A_1816 = arith.addf %add3A_1772, %select_n3A_1815 : vector<16xf32>
      %eq3A_1817 = arith.constant 3.000000e+00 : f32
      %eq3A_1818 = vector.broadcast %eq3A_1817 : f32 to vector<16xf32>
      %eq3A_1819 = arith.cmpf oeq, %gather3A_1806, %eq3A_1818 : vector<16xf32>
      %and3A_1820 = arith.andi %and3A_1804, %eq3A_1819 : vector<16xi1>
      %jit3A_1821 = arith.constant 1.000000e+00 : f32
      %jit3A_1822 = arith.constant 0.000000e+00 : f32
      %broadcast_in_dim3A_1823 = vector.broadcast %jit3A_1821 : f32 to vector<16xf32>
      %broadcast_in_dim3A_1824 = vector.broadcast %jit3A_1822 : f32 to vector<16xf32>
      %select_n3A_1825 = arith.select %and3A_1820, %broadcast_in_dim3A_1823, %broadcast_in_dim3A_1824 : vector<16xi1>, vector<16xf32>
      %add3A_1826 = arith.addf %add3A_1782, %select_n3A_1825 : vector<16xf32>
      %mul3A_1827 = arith.constant 8 : i32
      %mul3A_1828 = arith.muli %scan3A_1694, %mul3A_1827 : i32
      %add3A_1829 = arith.constant 3 : i32
      %add3A_1830 = arith.addi %mul3A_1828, %add3A_1829 : i32
      %add3A_1831 = arith.constant 0.000000e+00 : f32
      %add3A_1832 = vector.broadcast %add3A_1831 : f32 to vector<16xf32>
      %add3A_1833 = arith.addf %convert_element_type3A_1700, %add3A_1832 : vector<16xf32>
      %add3A_1834 = arith.addf %sub3A_1666, %add3A_1833 : vector<16xf32>
      %add3A_1835 = arith.constant 4.800000e+01 : f32
      %add3A_1836 = vector.broadcast %add3A_1835 : f32 to vector<16xf32>
      %add3A_1837 = arith.addf %sub3A_1665, %add3A_1836 : vector<16xf32>
      %mul3A_1838 = arith.mulf %add3A_1837, %gather3A_1460 : vector<16xf32>
      %mul3A_1839 = arith.mulf %add3A_1834, %gather3A_1463 : vector<16xf32>
      %add3A_1840 = arith.addf %mul3A_1838, %mul3A_1839 : vector<16xf32>
      %mul3A_1841 = arith.mulf %add3A_1834, %gather3A_1460 : vector<16xf32>
      %mul3A_1842 = arith.mulf %add3A_1837, %gather3A_1463 : vector<16xf32>
      %sub3A_1843 = arith.subf %mul3A_1841, %mul3A_1842 : vector<16xf32>
      %abs3A_1844 = math.absf %add3A_1840 : vector<16xf32>
      %le3A_1845 = arith.cmpf ole, %abs3A_1844, %gather3A_1466 : vector<16xf32>
      %abs3A_1846 = math.absf %sub3A_1843 : vector<16xf32>
      %le3A_1847 = arith.cmpf ole, %abs3A_1846, %gather3A_1469 : vector<16xf32>
      %and3A_1848 = arith.andi %le3A_1845, %le3A_1847 : vector<16xi1>
      %broadcast_in_dim3A_1849 = vector.broadcast %add3A_1830 : i32 to vector<16xi32>
      %gather3A_1850 = tpu.vector_load_idx %arg8[%broadcast_in_dim3A_1849, %iota3A] : memref<160x16xf32, #tpu.memory_space<vmem>>[vector<16xi32>, vector<16xi32>], vector<16xf32>,
      %ne3A_1851 = arith.constant 0.000000e+00 : f32
      %ne3A_1852 = vector.broadcast %ne3A_1851 : f32 to vector<16xf32>
      %ne3A_1853 = arith.cmpf one, %gather3A_1850, %ne3A_1852 : vector<16xf32>
      %and3A_1854 = arith.andi %and3A_1848, %ne3A_1853 : vector<16xi1>
      %jit3A_1855 = arith.constant 1.000000e+00 : f32
      %jit3A_1856 = arith.constant 0.000000e+00 : f32
      %broadcast_in_dim3A_1857 = vector.broadcast %jit3A_1855 : f32 to vector<16xf32>
      %broadcast_in_dim3A_1858 = vector.broadcast %jit3A_1856 : f32 to vector<16xf32>
      %select_n3A_1859 = arith.select %and3A_1854, %broadcast_in_dim3A_1857, %broadcast_in_dim3A_1858 : vector<16xi1>, vector<16xf32>
      %add3A_1860 = arith.addf %add3A_1816, %select_n3A_1859 : vector<16xf32>
      %eq3A_1861 = arith.constant 3.000000e+00 : f32
      %eq3A_1862 = vector.broadcast %eq3A_1861 : f32 to vector<16xf32>
      %eq3A_1863 = arith.cmpf oeq, %gather3A_1850, %eq3A_1862 : vector<16xf32>
      %and3A_1864 = arith.andi %and3A_1848, %eq3A_1863 : vector<16xi1>
      %jit3A_1865 = arith.constant 1.000000e+00 : f32
      %jit3A_1866 = arith.constant 0.000000e+00 : f32
      %broadcast_in_dim3A_1867 = vector.broadcast %jit3A_1865 : f32 to vector<16xf32>
      %broadcast_in_dim3A_1868 = vector.broadcast %jit3A_1866 : f32 to vector<16xf32>
      %select_n3A_1869 = arith.select %and3A_1864, %broadcast_in_dim3A_1867, %broadcast_in_dim3A_1868 : vector<16xi1>, vector<16xf32>
      %add3A_1870 = arith.addf %add3A_1826, %select_n3A_1869 : vector<16xf32>
      %mul3A_1871 = arith.constant 8 : i32
      %mul3A_1872 = arith.muli %scan3A_1694, %mul3A_1871 : i32
      %add3A_1873 = arith.constant 4 : i32
      %add3A_1874 = arith.addi %mul3A_1872, %add3A_1873 : i32
      %add3A_1875 = arith.constant 1.000000e+00 : f32
      %add3A_1876 = vector.broadcast %add3A_1875 : f32 to vector<16xf32>
      %add3A_1877 = arith.addf %convert_element_type3A_1700, %add3A_1876 : vector<16xf32>
      %add3A_1878 = arith.addf %sub3A_1666, %add3A_1877 : vector<16xf32>
      %add3A_1879 = arith.constant 0.000000e+00 : f32
      %add3A_1880 = vector.broadcast %add3A_1879 : f32 to vector<16xf32>
      %add3A_1881 = arith.addf %sub3A_1665, %add3A_1880 : vector<16xf32>
      %mul3A_1882 = arith.mulf %add3A_1881, %gather3A_1460 : vector<16xf32>
      %mul3A_1883 = arith.mulf %add3A_1878, %gather3A_1463 : vector<16xf32>
      %add3A_1884 = arith.addf %mul3A_1882, %mul3A_1883 : vector<16xf32>
      %mul3A_1885 = arith.mulf %add3A_1878, %gather3A_1460 : vector<16xf32>
      %mul3A_1886 = arith.mulf %add3A_1881, %gather3A_1463 : vector<16xf32>
      %sub3A_1887 = arith.subf %mul3A_1885, %mul3A_1886 : vector<16xf32>
      %abs3A_1888 = math.absf %add3A_1884 : vector<16xf32>
      %le3A_1889 = arith.cmpf ole, %abs3A_1888, %gather3A_1466 : vector<16xf32>
      %abs3A_1890 = math.absf %sub3A_1887 : vector<16xf32>
      %le3A_1891 = arith.cmpf ole, %abs3A_1890, %gather3A_1469 : vector<16xf32>
      %and3A_1892 = arith.andi %le3A_1889, %le3A_1891 : vector<16xi1>
      %broadcast_in_dim3A_1893 = vector.broadcast %add3A_1874 : i32 to vector<16xi32>
      %gather3A_1894 = tpu.vector_load_idx %arg8[%broadcast_in_dim3A_1893, %iota3A] : memref<160x16xf32, #tpu.memory_space<vmem>>[vector<16xi32>, vector<16xi32>], vector<16xf32>,
      %ne3A_1895 = arith.constant 0.000000e+00 : f32
      %ne3A_1896 = vector.broadcast %ne3A_1895 : f32 to vector<16xf32>
      %ne3A_1897 = arith.cmpf one, %gather3A_1894, %ne3A_1896 : vector<16xf32>
      %and3A_1898 = arith.andi %and3A_1892, %ne3A_1897 : vector<16xi1>
      %jit3A_1899 = arith.constant 1.000000e+00 : f32
      %jit3A_1900 = arith.constant 0.000000e+00 : f32
      %broadcast_in_dim3A_1901 = vector.broadcast %jit3A_1899 : f32 to vector<16xf32>
      %broadcast_in_dim3A_1902 = vector.broadcast %jit3A_1900 : f32 to vector<16xf32>
      %select_n3A_1903 = arith.select %and3A_1898, %broadcast_in_dim3A_1901, %broadcast_in_dim3A_1902 : vector<16xi1>, vector<16xf32>
      %add3A_1904 = arith.addf %add3A_1860, %select_n3A_1903 : vector<16xf32>
      %eq3A_1905 = arith.constant 3.000000e+00 : f32
      %eq3A_1906 = vector.broadcast %eq3A_1905 : f32 to vector<16xf32>
      %eq3A_1907 = arith.cmpf oeq, %gather3A_1894, %eq3A_1906 : vector<16xf32>
      %and3A_1908 = arith.andi %and3A_1892, %eq3A_1907 : vector<16xi1>
      %jit3A_1909 = arith.constant 1.000000e+00 : f32
      %jit3A_1910 = arith.constant 0.000000e+00 : f32
      %broadcast_in_dim3A_1911 = vector.broadcast %jit3A_1909 : f32 to vector<16xf32>
      %broadcast_in_dim3A_1912 = vector.broadcast %jit3A_1910 : f32 to vector<16xf32>
      %select_n3A_1913 = arith.select %and3A_1908, %broadcast_in_dim3A_1911, %broadcast_in_dim3A_1912 : vector<16xi1>, vector<16xf32>
      %add3A_1914 = arith.addf %add3A_1870, %select_n3A_1913 : vector<16xf32>
      %mul3A_1915 = arith.constant 8 : i32
      %mul3A_1916 = arith.muli %scan3A_1694, %mul3A_1915 : i32
      %add3A_1917 = arith.constant 5 : i32
      %add3A_1918 = arith.addi %mul3A_1916, %add3A_1917 : i32
      %add3A_1919 = arith.constant 1.000000e+00 : f32
      %add3A_1920 = vector.broadcast %add3A_1919 : f32 to vector<16xf32>
      %add3A_1921 = arith.addf %convert_element_type3A_1700, %add3A_1920 : vector<16xf32>
      %add3A_1922 = arith.addf %sub3A_1666, %add3A_1921 : vector<16xf32>
      %add3A_1923 = arith.constant 1.600000e+01 : f32
      %add3A_1924 = vector.broadcast %add3A_1923 : f32 to vector<16xf32>
      %add3A_1925 = arith.addf %sub3A_1665, %add3A_1924 : vector<16xf32>
      %mul3A_1926 = arith.mulf %add3A_1925, %gather3A_1460 : vector<16xf32>
      %mul3A_1927 = arith.mulf %add3A_1922, %gather3A_1463 : vector<16xf32>
      %add3A_1928 = arith.addf %mul3A_1926, %mul3A_1927 : vector<16xf32>
      %mul3A_1929 = arith.mulf %add3A_1922, %gather3A_1460 : vector<16xf32>
      %mul3A_1930 = arith.mulf %add3A_1925, %gather3A_1463 : vector<16xf32>
      %sub3A_1931 = arith.subf %mul3A_1929, %mul3A_1930 : vector<16xf32>
      %abs3A_1932 = math.absf %add3A_1928 : vector<16xf32>
      %le3A_1933 = arith.cmpf ole, %abs3A_1932, %gather3A_1466 : vector<16xf32>
      %abs3A_1934 = math.absf %sub3A_1931 : vector<16xf32>
      %le3A_1935 = arith.cmpf ole, %abs3A_1934, %gather3A_1469 : vector<16xf32>
      %and3A_1936 = arith.andi %le3A_1933, %le3A_1935 : vector<16xi1>
      %broadcast_in_dim3A_1937 = vector.broadcast %add3A_1918 : i32 to vector<16xi32>
      %gather3A_1938 = tpu.vector_load_idx %arg8[%broadcast_in_dim3A_1937, %iota3A] : memref<160x16xf32, #tpu.memory_space<vmem>>[vector<16xi32>, vector<16xi32>], vector<16xf32>,
      %ne3A_1939 = arith.constant 0.000000e+00 : f32
      %ne3A_1940 = vector.broadcast %ne3A_1939 : f32 to vector<16xf32>
      %ne3A_1941 = arith.cmpf one, %gather3A_1938, %ne3A_1940 : vector<16xf32>
      %and3A_1942 = arith.andi %and3A_1936, %ne3A_1941 : vector<16xi1>
      %jit3A_1943 = arith.constant 1.000000e+00 : f32
      %jit3A_1944 = arith.constant 0.000000e+00 : f32
      %broadcast_in_dim3A_1945 = vector.broadcast %jit3A_1943 : f32 to vector<16xf32>
      %broadcast_in_dim3A_1946 = vector.broadcast %jit3A_1944 : f32 to vector<16xf32>
      %select_n3A_1947 = arith.select %and3A_1942, %broadcast_in_dim3A_1945, %broadcast_in_dim3A_1946 : vector<16xi1>, vector<16xf32>
      %add3A_1948 = arith.addf %add3A_1904, %select_n3A_1947 : vector<16xf32>
      %eq3A_1949 = arith.constant 3.000000e+00 : f32
      %eq3A_1950 = vector.broadcast %eq3A_1949 : f32 to vector<16xf32>
      %eq3A_1951 = arith.cmpf oeq, %gather3A_1938, %eq3A_1950 : vector<16xf32>
      %and3A_1952 = arith.andi %and3A_1936, %eq3A_1951 : vector<16xi1>
      %jit3A_1953 = arith.constant 1.000000e+00 : f32
      %jit3A_1954 = arith.constant 0.000000e+00 : f32
      %broadcast_in_dim3A_1955 = vector.broadcast %jit3A_1953 : f32 to vector<16xf32>
      %broadcast_in_dim3A_1956 = vector.broadcast %jit3A_1954 : f32 to vector<16xf32>
      %select_n3A_1957 = arith.select %and3A_1952, %broadcast_in_dim3A_1955, %broadcast_in_dim3A_1956 : vector<16xi1>, vector<16xf32>
      %add3A_1958 = arith.addf %add3A_1914, %select_n3A_1957 : vector<16xf32>
      %mul3A_1959 = arith.constant 8 : i32
      %mul3A_1960 = arith.muli %scan3A_1694, %mul3A_1959 : i32
      %add3A_1961 = arith.constant 6 : i32
      %add3A_1962 = arith.addi %mul3A_1960, %add3A_1961 : i32
      %add3A_1963 = arith.constant 1.000000e+00 : f32
      %add3A_1964 = vector.broadcast %add3A_1963 : f32 to vector<16xf32>
      %add3A_1965 = arith.addf %convert_element_type3A_1700, %add3A_1964 : vector<16xf32>
      %add3A_1966 = arith.addf %sub3A_1666, %add3A_1965 : vector<16xf32>
      %add3A_1967 = arith.constant 3.200000e+01 : f32
      %add3A_1968 = vector.broadcast %add3A_1967 : f32 to vector<16xf32>
      %add3A_1969 = arith.addf %sub3A_1665, %add3A_1968 : vector<16xf32>
      %mul3A_1970 = arith.mulf %add3A_1969, %gather3A_1460 : vector<16xf32>
      %mul3A_1971 = arith.mulf %add3A_1966, %gather3A_1463 : vector<16xf32>
      %add3A_1972 = arith.addf %mul3A_1970, %mul3A_1971 : vector<16xf32>
      %mul3A_1973 = arith.mulf %add3A_1966, %gather3A_1460 : vector<16xf32>
      %mul3A_1974 = arith.mulf %add3A_1969, %gather3A_1463 : vector<16xf32>
      %sub3A_1975 = arith.subf %mul3A_1973, %mul3A_1974 : vector<16xf32>
      %abs3A_1976 = math.absf %add3A_1972 : vector<16xf32>
      %le3A_1977 = arith.cmpf ole, %abs3A_1976, %gather3A_1466 : vector<16xf32>
      %abs3A_1978 = math.absf %sub3A_1975 : vector<16xf32>
      %le3A_1979 = arith.cmpf ole, %abs3A_1978, %gather3A_1469 : vector<16xf32>
      %and3A_1980 = arith.andi %le3A_1977, %le3A_1979 : vector<16xi1>
      %broadcast_in_dim3A_1981 = vector.broadcast %add3A_1962 : i32 to vector<16xi32>
      %gather3A_1982 = tpu.vector_load_idx %arg8[%broadcast_in_dim3A_1981, %iota3A] : memref<160x16xf32, #tpu.memory_space<vmem>>[vector<16xi32>, vector<16xi32>], vector<16xf32>,
      %ne3A_1983 = arith.constant 0.000000e+00 : f32
      %ne3A_1984 = vector.broadcast %ne3A_1983 : f32 to vector<16xf32>
      %ne3A_1985 = arith.cmpf one, %gather3A_1982, %ne3A_1984 : vector<16xf32>
      %and3A_1986 = arith.andi %and3A_1980, %ne3A_1985 : vector<16xi1>
      %jit3A_1987 = arith.constant 1.000000e+00 : f32
      %jit3A_1988 = arith.constant 0.000000e+00 : f32
      %broadcast_in_dim3A_1989 = vector.broadcast %jit3A_1987 : f32 to vector<16xf32>
      %broadcast_in_dim3A_1990 = vector.broadcast %jit3A_1988 : f32 to vector<16xf32>
      %select_n3A_1991 = arith.select %and3A_1986, %broadcast_in_dim3A_1989, %broadcast_in_dim3A_1990 : vector<16xi1>, vector<16xf32>
      %add3A_1992 = arith.addf %add3A_1948, %select_n3A_1991 : vector<16xf32>
      %eq3A_1993 = arith.constant 3.000000e+00 : f32
      %eq3A_1994 = vector.broadcast %eq3A_1993 : f32 to vector<16xf32>
      %eq3A_1995 = arith.cmpf oeq, %gather3A_1982, %eq3A_1994 : vector<16xf32>
      %and3A_1996 = arith.andi %and3A_1980, %eq3A_1995 : vector<16xi1>
      %jit3A_1997 = arith.constant 1.000000e+00 : f32
      %jit3A_1998 = arith.constant 0.000000e+00 : f32
      %broadcast_in_dim3A_1999 = vector.broadcast %jit3A_1997 : f32 to vector<16xf32>
      %broadcast_in_dim3A_2000 = vector.broadcast %jit3A_1998 : f32 to vector<16xf32>
      %select_n3A_2001 = arith.select %and3A_1996, %broadcast_in_dim3A_1999, %broadcast_in_dim3A_2000 : vector<16xi1>, vector<16xf32>
      %add3A_2002 = arith.addf %add3A_1958, %select_n3A_2001 : vector<16xf32>
      %mul3A_2003 = arith.constant 8 : i32
      %mul3A_2004 = arith.muli %scan3A_1694, %mul3A_2003 : i32
      %add3A_2005 = arith.constant 7 : i32
      %add3A_2006 = arith.addi %mul3A_2004, %add3A_2005 : i32
      %add3A_2007 = arith.constant 1.000000e+00 : f32
      %add3A_2008 = vector.broadcast %add3A_2007 : f32 to vector<16xf32>
      %add3A_2009 = arith.addf %convert_element_type3A_1700, %add3A_2008 : vector<16xf32>
      %add3A_2010 = arith.addf %sub3A_1666, %add3A_2009 : vector<16xf32>
      %add3A_2011 = arith.constant 4.800000e+01 : f32
      %add3A_2012 = vector.broadcast %add3A_2011 : f32 to vector<16xf32>
      %add3A_2013 = arith.addf %sub3A_1665, %add3A_2012 : vector<16xf32>
      %mul3A_2014 = arith.mulf %add3A_2013, %gather3A_1460 : vector<16xf32>
      %mul3A_2015 = arith.mulf %add3A_2010, %gather3A_1463 : vector<16xf32>
      %add3A_2016 = arith.addf %mul3A_2014, %mul3A_2015 : vector<16xf32>
      %mul3A_2017 = arith.mulf %add3A_2010, %gather3A_1460 : vector<16xf32>
      %mul3A_2018 = arith.mulf %add3A_2013, %gather3A_1463 : vector<16xf32>
      %sub3A_2019 = arith.subf %mul3A_2017, %mul3A_2018 : vector<16xf32>
      %abs3A_2020 = math.absf %add3A_2016 : vector<16xf32>
      %le3A_2021 = arith.cmpf ole, %abs3A_2020, %gather3A_1466 : vector<16xf32>
      %abs3A_2022 = math.absf %sub3A_2019 : vector<16xf32>
      %le3A_2023 = arith.cmpf ole, %abs3A_2022, %gather3A_1469 : vector<16xf32>
      %and3A_2024 = arith.andi %le3A_2021, %le3A_2023 : vector<16xi1>
      %broadcast_in_dim3A_2025 = vector.broadcast %add3A_2006 : i32 to vector<16xi32>
      %gather3A_2026 = tpu.vector_load_idx %arg8[%broadcast_in_dim3A_2025, %iota3A] : memref<160x16xf32, #tpu.memory_space<vmem>>[vector<16xi32>, vector<16xi32>], vector<16xf32>,
      %ne3A_2027 = arith.constant 0.000000e+00 : f32
      %ne3A_2028 = vector.broadcast %ne3A_2027 : f32 to vector<16xf32>
      %ne3A_2029 = arith.cmpf one, %gather3A_2026, %ne3A_2028 : vector<16xf32>
      %and3A_2030 = arith.andi %and3A_2024, %ne3A_2029 : vector<16xi1>
      %jit3A_2031 = arith.constant 1.000000e+00 : f32
      %jit3A_2032 = arith.constant 0.000000e+00 : f32
      %broadcast_in_dim3A_2033 = vector.broadcast %jit3A_2031 : f32 to vector<16xf32>
      %broadcast_in_dim3A_2034 = vector.broadcast %jit3A_2032 : f32 to vector<16xf32>
      %select_n3A_2035 = arith.select %and3A_2030, %broadcast_in_dim3A_2033, %broadcast_in_dim3A_2034 : vector<16xi1>, vector<16xf32>
      %add3A_2036 = arith.addf %add3A_1992, %select_n3A_2035 : vector<16xf32>
      %eq3A_2037 = arith.constant 3.000000e+00 : f32
      %eq3A_2038 = vector.broadcast %eq3A_2037 : f32 to vector<16xf32>
      %eq3A_2039 = arith.cmpf oeq, %gather3A_2026, %eq3A_2038 : vector<16xf32>
      %and3A_2040 = arith.andi %and3A_2024, %eq3A_2039 : vector<16xi1>
      %jit3A_2041 = arith.constant 1.000000e+00 : f32
      %jit3A_2042 = arith.constant 0.000000e+00 : f32
      %broadcast_in_dim3A_2043 = vector.broadcast %jit3A_2041 : f32 to vector<16xf32>
      %broadcast_in_dim3A_2044 = vector.broadcast %jit3A_2042 : f32 to vector<16xf32>
      %select_n3A_2045 = arith.select %and3A_2040, %broadcast_in_dim3A_2043, %broadcast_in_dim3A_2044 : vector<16xi1>, vector<16xf32>
      %add3A_2046 = arith.addf %add3A_2002, %select_n3A_2045 : vector<16xf32>
      scf.yield %add3A_2036, %add3A_2046 : vector<16xf32>, vector<16xf32>
    }
    %scan3A_1676 = arith.constant 20 : i32
    %reduce_sum3A_1677 = arith.constant true
    %reduce_sum3A_1678 = vector.broadcast %reduce_sum3A_1677 : i1 to vector<16xi1>
    %reduce_sum3A_1679 = tpu.scan <sum>, %scan3A_1675#0 masked %reduce_sum3A_1678 : vector<16xf32>, vector<16xi1> -> vector<16xf32>
    %reduce_sum3A_1680 = vector.extract %reduce_sum3A_1679[15] : f32 from vector<16xf32>
    %reduce_sum3A_1681 = arith.constant true
    %reduce_sum3A_1682 = vector.broadcast %reduce_sum3A_1681 : i1 to vector<16xi1>
    %reduce_sum3A_1683 = tpu.scan <sum>, %scan3A_1675#1 masked %reduce_sum3A_1682 : vector<16xf32>, vector<16xi1> -> vector<16xf32>
    %reduce_sum3A_1684 = vector.extract %reduce_sum3A_1683[15] : f32 from vector<16xf32>
    %broadcast_in_dim3A_1685 = vector.broadcast %reduce_sum3A_1684 : f32 to vector<16xf32>
    %broadcast_in_dim3A_1686 = vector.broadcast %reduce_sum3A_1680 : f32 to vector<16xf32>
    %max3A_1687 = arith.constant 1.000000e+00 : f32
    %max3A_1688 = vector.broadcast %max3A_1687 : f32 to vector<16xf32>
    %max3A_1689 = arith.maximumf %broadcast_in_dim3A_1686, %max3A_1688 : vector<16xf32>
    %div3A_1690 = arith.divf %broadcast_in_dim3A_1685, %max3A_1689 : vector<16xf32>
    %add3A_1691 = arith.addf %add3A_1448, %div3A_1690 : vector<16xf32>
    %swap3A_1692 = arith.constant 0 : index
    %swap3A_1693 = tpu.vector_load %arg9[%swap3A_1692] {strides = array<i32>} : memref<16xf32, #tpu.memory_space<vmem>>, vector<16xf32>,
    tpu.vector_store %arg9[%swap3A_1692], %add3A_1691 {strides = array<i32>} : memref<16xf32, #tpu.memory_space<vmem>>, vector<16xf32>,
    "tpu.region"() ({
      %run_scoped3A = tpu.sem_alloc : memref<!tpu.dma_semaphore, #tpu.memory_space<semaphore_mem>>
      %dma_start3A_1694 = arith.constant 0 : i32
      %dma_start3A_1695 = tpu.memref_slice %arg4[%add3A, %dma_start3A_1694] : memref<32x16xf32, #tpu.memory_space<hbm>> -> memref<1x16xf32, #tpu.memory_space<hbm>>
      %dma_start3A_1696 = tpu.memref_squeeze %dma_start3A_1695 : memref<1x16xf32, #tpu.memory_space<hbm>> -> memref<16xf32, #tpu.memory_space<hbm>>
      %dma_start3A_1697 = arith.constant 0 : i32
      %dma_start3A_1698 = tpu.memref_slice %arg4[%add3A, %dma_start3A_1697] : memref<32x16xf32, #tpu.memory_space<hbm>> -> memref<1x16xf32, #tpu.memory_space<hbm>>
      %dma_start3A_1699 = tpu.memref_squeeze %dma_start3A_1698 : memref<1x16xf32, #tpu.memory_space<hbm>> -> memref<16xf32, #tpu.memory_space<hbm>>
      tpu.enqueue_dma source(%arg9 : memref<16xf32, #tpu.memory_space<vmem>>) target(%dma_start3A_1699 : memref<16xf32, #tpu.memory_space<hbm>>) target_semaphore(%run_scoped3A : memref<!tpu.dma_semaphore, #tpu.memory_space<semaphore_mem>>)
      %dma_wait3A_1700 = arith.constant 0 : i32
      %dma_wait3A_1701 = tpu.memref_slice %arg4[%add3A, %dma_wait3A_1700] : memref<32x16xf32, #tpu.memory_space<hbm>> -> memref<1x16xf32, #tpu.memory_space<hbm>>
      %dma_wait3A_1702 = tpu.memref_squeeze %dma_wait3A_1701 : memref<1x16xf32, #tpu.memory_space<hbm>> -> memref<16xf32, #tpu.memory_space<hbm>>
      %dma_wait3A_1703 = arith.constant 0 : i32
      %dma_wait3A_1704 = tpu.memref_slice %arg4[%add3A, %dma_wait3A_1703] : memref<32x16xf32, #tpu.memory_space<hbm>> -> memref<1x16xf32, #tpu.memory_space<hbm>>
      %dma_wait3A_1705 = tpu.memref_squeeze %dma_wait3A_1704 : memref<1x16xf32, #tpu.memory_space<hbm>> -> memref<16xf32, #tpu.memory_space<hbm>>
      tpu.wait_dma2 semaphore(%run_scoped3A : memref<!tpu.dma_semaphore, #tpu.memory_space<semaphore_mem>>) src(%arg9 : memref<16xf32, #tpu.memory_space<vmem>>) dst(%dma_wait3A_1705 : memref<16xf32, #tpu.memory_space<hbm>>)
      tpu.yield
    }) : () -> ()
    return
  }
}

module attributes {stable_mosaic.version = 14 : i64} {
  func.func @_code_body(%arg0: i32, %arg1: i32, %arg2: memref<1x4x216x496xf32, #tpu.memory_space<vmem>>, %arg3: memref<1x5x216x496xf32, #tpu.memory_space<vmem>>, %arg4: memref<1x216x496xf32, #tpu.memory_space<vmem>>) attributes {dimension_semantics = [#tpu.dimension_semantics<arbitrary>, #tpu.dimension_semantics<arbitrary>], iteration_bounds = array<i64: 4, 2>, scalar_prefetch = 0 : i64, scratch_operands = 0 : i64, tpu.core_type = #tpu.core_type<tc>, window_params = [{transform_indices = @transform_0, window_bounds = array<i64: 1, 4, 216, 496>}, {transform_indices = @transform_1, window_bounds = array<i64: 1, 5, 216, 496>}, {transform_indices = @transform_2, window_bounds = array<i64: 1, 216, 496>}]} {
    %get3A = arith.constant 0 : index
    %get3A_0 = arith.constant 0 : index
    %get3A_1 = arith.constant 0 : index
    %get3A_2 = arith.constant 0 : index
    %get3A_3 = vector.load %arg2[%get3A, %get3A_0, %get3A_1, %get3A_2] : memref<1x4x216x496xf32, #tpu.memory_space<vmem>>, vector<1x1x216x496xf32>
    %get3A_4 = vector.shape_cast %get3A_3 : vector<1x1x216x496xf32> to vector<216x496xf32>
    %get3A_5 = arith.constant 0 : index
    %get3A_6 = arith.constant 1 : index
    %get3A_7 = arith.constant 0 : index
    %get3A_8 = arith.constant 0 : index
    %get3A_9 = vector.load %arg2[%get3A_5, %get3A_6, %get3A_7, %get3A_8] : memref<1x4x216x496xf32, #tpu.memory_space<vmem>>, vector<1x1x216x496xf32>
    %get3A_10 = vector.shape_cast %get3A_9 : vector<1x1x216x496xf32> to vector<216x496xf32>
    %add3A = arith.addf %get3A_4, %get3A_10 : vector<216x496xf32>
    %get3A_11 = arith.constant 0 : index
    %get3A_12 = arith.constant 2 : index
    %get3A_13 = arith.constant 0 : index
    %get3A_14 = arith.constant 0 : index
    %get3A_15 = vector.load %arg2[%get3A_11, %get3A_12, %get3A_13, %get3A_14] : memref<1x4x216x496xf32, #tpu.memory_space<vmem>>, vector<1x1x216x496xf32>
    %get3A_16 = vector.shape_cast %get3A_15 : vector<1x1x216x496xf32> to vector<216x496xf32>
    %add3A_17 = arith.addf %add3A, %get3A_16 : vector<216x496xf32>
    %get3A_18 = arith.constant 0 : index
    %get3A_19 = arith.constant 3 : index
    %get3A_20 = arith.constant 0 : index
    %get3A_21 = arith.constant 0 : index
    %get3A_22 = vector.load %arg2[%get3A_18, %get3A_19, %get3A_20, %get3A_21] : memref<1x4x216x496xf32, #tpu.memory_space<vmem>>, vector<1x1x216x496xf32>
    %get3A_23 = vector.shape_cast %get3A_22 : vector<1x1x216x496xf32> to vector<216x496xf32>
    %add3A_24 = arith.addf %add3A_17, %get3A_23 : vector<216x496xf32>
    %get3A_25 = arith.constant 0 : index
    %get3A_26 = arith.constant 1 : index
    %get3A_27 = arith.constant 0 : index
    %get3A_28 = arith.constant 0 : index
    %get3A_29 = vector.load %arg3[%get3A_25, %get3A_26, %get3A_27, %get3A_28] : memref<1x5x216x496xf32, #tpu.memory_space<vmem>>, vector<1x1x216x496xf32>
    %get3A_30 = vector.shape_cast %get3A_29 : vector<1x1x216x496xf32> to vector<216x496xf32>
    %get3A_31 = arith.constant 0 : index
    %get3A_32 = arith.constant 2 : index
    %get3A_33 = arith.constant 0 : index
    %get3A_34 = arith.constant 0 : index
    %get3A_35 = vector.load %arg3[%get3A_31, %get3A_32, %get3A_33, %get3A_34] : memref<1x5x216x496xf32, #tpu.memory_space<vmem>>, vector<1x1x216x496xf32>
    %get3A_36 = vector.shape_cast %get3A_35 : vector<1x1x216x496xf32> to vector<216x496xf32>
    %add3A_37 = arith.addf %get3A_30, %get3A_36 : vector<216x496xf32>
    %get3A_38 = arith.constant 0 : index
    %get3A_39 = arith.constant 3 : index
    %get3A_40 = arith.constant 0 : index
    %get3A_41 = arith.constant 0 : index
    %get3A_42 = vector.load %arg3[%get3A_38, %get3A_39, %get3A_40, %get3A_41] : memref<1x5x216x496xf32, #tpu.memory_space<vmem>>, vector<1x1x216x496xf32>
    %get3A_43 = vector.shape_cast %get3A_42 : vector<1x1x216x496xf32> to vector<216x496xf32>
    %add3A_44 = arith.addf %add3A_37, %get3A_43 : vector<216x496xf32>
    %get3A_45 = arith.constant 0 : index
    %get3A_46 = arith.constant 4 : index
    %get3A_47 = arith.constant 0 : index
    %get3A_48 = arith.constant 0 : index
    %get3A_49 = vector.load %arg3[%get3A_45, %get3A_46, %get3A_47, %get3A_48] : memref<1x5x216x496xf32, #tpu.memory_space<vmem>>, vector<1x1x216x496xf32>
    %get3A_50 = vector.shape_cast %get3A_49 : vector<1x1x216x496xf32> to vector<216x496xf32>
    %add3A_51 = arith.addf %add3A_44, %get3A_50 : vector<216x496xf32>
    %ne3A = arith.constant 0.000000e+00 : f32
    %ne3A_52 = vector.broadcast %ne3A : f32 to vector<216x496xf32>
    %ne3A_53 = arith.cmpf one, %add3A_24, %ne3A_52 : vector<216x496xf32>
    %jit3A = arith.constant 1.000000e+00 : f32
    %jit3A_54 = arith.constant 0.000000e+00 : f32
    %broadcast_in_dim3A = vector.broadcast %jit3A : f32 to vector<216x496xf32>
    %broadcast_in_dim3A_55 = vector.broadcast %jit3A_54 : f32 to vector<216x496xf32>
    %select_n3A = arith.select %ne3A_53, %broadcast_in_dim3A, %broadcast_in_dim3A_55 : vector<216x496xi1>, vector<216x496xf32>
    %ne3A_56 = arith.constant 0.000000e+00 : f32
    %ne3A_57 = vector.broadcast %ne3A_56 : f32 to vector<216x496xf32>
    %ne3A_58 = arith.cmpf one, %add3A_51, %ne3A_57 : vector<216x496xf32>
    %jit3A_59 = arith.constant 2.000000e+00 : f32
    %jit3A_60 = arith.constant 0.000000e+00 : f32
    %broadcast_in_dim3A_61 = vector.broadcast %jit3A_59 : f32 to vector<216x496xf32>
    %broadcast_in_dim3A_62 = vector.broadcast %jit3A_60 : f32 to vector<216x496xf32>
    %select_n3A_63 = arith.select %ne3A_58, %broadcast_in_dim3A_61, %broadcast_in_dim3A_62 : vector<216x496xi1>, vector<216x496xf32>
    %add3A_64 = arith.addf %select_n3A, %select_n3A_63 : vector<216x496xf32>
    %swap3A = arith.constant 0 : index
    %swap3A_65 = arith.constant 0 : index
    %swap3A_66 = arith.constant 0 : index
    %swap3A_67 = vector.load %arg4[%swap3A, %swap3A_65, %swap3A_66] : memref<1x216x496xf32, #tpu.memory_space<vmem>>, vector<1x216x496xf32>
    %swap3A_68 = vector.shape_cast %swap3A_67 : vector<1x216x496xf32> to vector<216x496xf32>
    %swap3A_69 = vector.shape_cast %add3A_64 : vector<216x496xf32> to vector<1x216x496xf32>
    tpu.vector_store %arg4[%swap3A, %swap3A_65, %swap3A_66], %swap3A_69 {strides = array<i32>} : memref<1x216x496xf32, #tpu.memory_space<vmem>>, vector<1x216x496xf32>,
    return
  }
  func.func @transform_0(%arg0: i32, %arg1: i32) -> (i32, i32, i32, i32) {
    %c0_i32 = arith.constant 0 : i32
    %c0_i32_0 = arith.constant 0 : i32
    %c0_i32_1 = arith.constant 0 : i32
    return %arg0, %c0_i32, %arg1, %c0_i32_0 : i32, i32, i32, i32
  }
  func.func @transform_1(%arg0: i32, %arg1: i32) -> (i32, i32, i32, i32) {
    %c0_i32 = arith.constant 0 : i32
    %c0_i32_0 = arith.constant 0 : i32
    %c0_i32_1 = arith.constant 0 : i32
    return %arg0, %c0_i32, %arg1, %c0_i32_0 : i32, i32, i32, i32
  }
  func.func @transform_2(%arg0: i32, %arg1: i32) -> (i32, i32, i32) {
    %c0_i32 = arith.constant 0 : i32
    %c0_i32_0 = arith.constant 0 : i32
    return %arg0, %arg1, %c0_i32 : i32, i32, i32
  }
}

module attributes {stable_mosaic.version = 14 : i64} {
  func.func @_boxparams_body(%arg0: memref<8x224xf32, #tpu.memory_space<vmem>>, %arg1: memref<9x224xf32, #tpu.memory_space<vmem>>) attributes {dimension_semantics = [], scalar_prefetch = 0 : i64, scratch_operands = 0 : i64, tpu.core_type = #tpu.core_type<tc>} {
    %get3A = arith.constant 0 : index
    %get3A_0 = arith.constant 0 : index
    %get3A_1 = vector.load %arg0[%get3A, %get3A_0] : memref<8x224xf32, #tpu.memory_space<vmem>>, vector<1x224xf32>
    %get3A_2 = vector.shape_cast %get3A_1 : vector<1x224xf32> to vector<224xf32>
    %get3A_3 = arith.constant 1 : index
    %get3A_4 = arith.constant 0 : index
    %get3A_5 = vector.load %arg0[%get3A_3, %get3A_4] : memref<8x224xf32, #tpu.memory_space<vmem>>, vector<1x224xf32>
    %get3A_6 = vector.shape_cast %get3A_5 : vector<1x224xf32> to vector<224xf32>
    %get3A_7 = arith.constant 2 : index
    %get3A_8 = arith.constant 0 : index
    %get3A_9 = vector.load %arg0[%get3A_7, %get3A_8] : memref<8x224xf32, #tpu.memory_space<vmem>>, vector<1x224xf32>
    %get3A_10 = vector.shape_cast %get3A_9 : vector<1x224xf32> to vector<224xf32>
    %get3A_11 = arith.constant 3 : index
    %get3A_12 = arith.constant 0 : index
    %get3A_13 = vector.load %arg0[%get3A_11, %get3A_12] : memref<8x224xf32, #tpu.memory_space<vmem>>, vector<1x224xf32>
    %get3A_14 = vector.shape_cast %get3A_13 : vector<1x224xf32> to vector<224xf32>
    %get3A_15 = arith.constant 4 : index
    %get3A_16 = arith.constant 0 : index
    %get3A_17 = vector.load %arg0[%get3A_15, %get3A_16] : memref<8x224xf32, #tpu.memory_space<vmem>>, vector<1x224xf32>
    %get3A_18 = vector.shape_cast %get3A_17 : vector<1x224xf32> to vector<224xf32>
    %get3A_19 = arith.constant 5 : index
    %get3A_20 = arith.constant 0 : index
    %get3A_21 = vector.load %arg0[%get3A_19, %get3A_20] : memref<8x224xf32, #tpu.memory_space<vmem>>, vector<1x224xf32>
    %get3A_22 = vector.shape_cast %get3A_21 : vector<1x224xf32> to vector<224xf32>
    %get3A_23 = arith.constant 6 : index
    %get3A_24 = arith.constant 0 : index
    %get3A_25 = vector.load %arg0[%get3A_23, %get3A_24] : memref<8x224xf32, #tpu.memory_space<vmem>>, vector<1x224xf32>
    %get3A_26 = vector.shape_cast %get3A_25 : vector<1x224xf32> to vector<224xf32>
    %get3A_27 = arith.constant 7 : index
    %get3A_28 = arith.constant 0 : index
    %get3A_29 = vector.load %arg0[%get3A_27, %get3A_28] : memref<8x224xf32, #tpu.memory_space<vmem>>, vector<1x224xf32>
    %get3A_30 = vector.shape_cast %get3A_29 : vector<1x224xf32> to vector<224xf32>
    %cos3A = math.cos %get3A_26 : vector<224xf32>
    %sin3A = math.sin %get3A_26 : vector<224xf32>
    %abs3A = math.absf %get3A_10 : vector<224xf32>
    %mul3A = arith.constant 5.000000e-01 : f32
    %mul3A_31 = vector.broadcast %mul3A : f32 to vector<224xf32>
    %mul3A_32 = arith.mulf %get3A_22, %mul3A_31 : vector<224xf32>
    %le3A = arith.cmpf ole, %abs3A, %mul3A_32 : vector<224xf32>
    %ge3A = arith.constant 0.000000e+00 : f32
    %ge3A_33 = vector.broadcast %ge3A : f32 to vector<224xf32>
    %ge3A_34 = arith.cmpf oge, %get3A_30, %ge3A_33 : vector<224xf32>
    %and3A = arith.andi %le3A, %ge3A_34 : vector<224xi1>
    %mul3A_35 = arith.constant 1.250000e+00 : f32
    %mul3A_36 = vector.broadcast %mul3A_35 : f32 to vector<224xf32>
    %mul3A_37 = arith.mulf %get3A_2, %mul3A_36 : vector<224xf32>
    %mul3A_38 = arith.constant 1.250000e+00 : f32
    %mul3A_39 = vector.broadcast %mul3A_38 : f32 to vector<224xf32>
    %mul3A_40 = arith.mulf %get3A_6, %mul3A_39 : vector<224xf32>
    %mul3A_41 = arith.constant 6.250000e-01 : f32
    %mul3A_42 = vector.broadcast %mul3A_41 : f32 to vector<224xf32>
    %mul3A_43 = arith.mulf %get3A_14, %mul3A_42 : vector<224xf32>
    %jit3A = arith.constant -1.000000e+00 : f32
    %broadcast_in_dim3A = vector.broadcast %jit3A : f32 to vector<224xf32>
    %select_n3A = arith.select %and3A, %mul3A_43, %broadcast_in_dim3A : vector<224xi1>, vector<224xf32>
    %mul3A_44 = arith.constant 6.250000e-01 : f32
    %mul3A_45 = vector.broadcast %mul3A_44 : f32 to vector<224xf32>
    %mul3A_46 = arith.mulf %get3A_18, %mul3A_45 : vector<224xf32>
    %floor3A = math.floor %mul3A_40 : vector<224xf32>
    %sub3A = arith.constant 2.000000e+01 : f32
    %sub3A_47 = vector.broadcast %sub3A : f32 to vector<224xf32>
    %sub3A_48 = arith.subf %floor3A, %sub3A_47 : vector<224xf32>
    %jit3A_49 = arith.constant 0.000000e+00 : f32
    %jit3A_50 = arith.constant 3.920000e+02 : f32
    %max3A = vector.broadcast %jit3A_49 : f32 to vector<224xf32>
    %max3A_51 = arith.maximumf %max3A, %sub3A_48 : vector<224xf32>
    %min3A = vector.broadcast %jit3A_50 : f32 to vector<224xf32>
    %min3A_52 = arith.minimumf %min3A, %max3A_51 : vector<224xf32>
    %sub3A_53 = arith.constant 1.800000e+01 : f32
    %sub3A_54 = vector.broadcast %sub3A_53 : f32 to vector<224xf32>
    %sub3A_55 = arith.subf %mul3A_37, %sub3A_54 : vector<224xf32>
    %div3A = arith.constant 1.600000e+01 : f32
    %div3A_56 = vector.broadcast %div3A : f32 to vector<224xf32>
    %div3A_57 = arith.divf %sub3A_55, %div3A_56 : vector<224xf32>
    %floor3A_58 = math.floor %div3A_57 : vector<224xf32>
    %jit3A_59 = arith.constant 0.000000e+00 : f32
    %jit3A_60 = arith.constant 2.700000e+01 : f32
    %max3A_61 = vector.broadcast %jit3A_59 : f32 to vector<224xf32>
    %max3A_62 = arith.maximumf %max3A_61, %floor3A_58 : vector<224xf32>
    %min3A_63 = vector.broadcast %jit3A_60 : f32 to vector<224xf32>
    %min3A_64 = arith.minimumf %min3A_63, %max3A_62 : vector<224xf32>
    %max3A_65 = arith.constant 0.000000e+00 : f32
    %max3A_66 = vector.broadcast %max3A_65 : f32 to vector<224xf32>
    %max3A_67 = arith.maximumf %get3A_30, %max3A_66 : vector<224xf32>
    %mul3A_68 = arith.constant 4.320000e+02 : f32
    %mul3A_69 = vector.broadcast %mul3A_68 : f32 to vector<224xf32>
    %mul3A_70 = arith.mulf %max3A_67, %mul3A_69 : vector<224xf32>
    %add3A = arith.addf %mul3A_70, %min3A_52 : vector<224xf32>
    %mul3A_71 = arith.constant 3.100000e+01 : f32
    %mul3A_72 = vector.broadcast %mul3A_71 : f32 to vector<224xf32>
    %mul3A_73 = arith.mulf %add3A, %mul3A_72 : vector<224xf32>
    %add3A_74 = arith.addf %mul3A_73, %min3A_64 : vector<224xf32>
    %swap3A = arith.constant 0 : index
    %swap3A_75 = arith.constant 0 : index
    %swap3A_76 = vector.load %arg1[%swap3A, %swap3A_75] : memref<9x224xf32, #tpu.memory_space<vmem>>, vector<1x224xf32>
    %swap3A_77 = vector.shape_cast %swap3A_76 : vector<1x224xf32> to vector<224xf32>
    %swap3A_78 = vector.shape_cast %mul3A_37 : vector<224xf32> to vector<1x224xf32>
    tpu.vector_store %arg1[%swap3A, %swap3A_75], %swap3A_78 {strides = array<i32>} : memref<9x224xf32, #tpu.memory_space<vmem>>, vector<1x224xf32>,
    %swap3A_79 = arith.constant 1 : index
    %swap3A_80 = arith.constant 0 : index
    %swap3A_81 = vector.load %arg1[%swap3A_79, %swap3A_80] : memref<9x224xf32, #tpu.memory_space<vmem>>, vector<1x224xf32>
    %swap3A_82 = vector.shape_cast %swap3A_81 : vector<1x224xf32> to vector<224xf32>
    %swap3A_83 = vector.shape_cast %mul3A_40 : vector<224xf32> to vector<1x224xf32>
    tpu.vector_store %arg1[%swap3A_79, %swap3A_80], %swap3A_83 {strides = array<i32>} : memref<9x224xf32, #tpu.memory_space<vmem>>, vector<1x224xf32>,
    %swap3A_84 = arith.constant 2 : index
    %swap3A_85 = arith.constant 0 : index
    %swap3A_86 = vector.load %arg1[%swap3A_84, %swap3A_85] : memref<9x224xf32, #tpu.memory_space<vmem>>, vector<1x224xf32>
    %swap3A_87 = vector.shape_cast %swap3A_86 : vector<1x224xf32> to vector<224xf32>
    %swap3A_88 = vector.shape_cast %cos3A : vector<224xf32> to vector<1x224xf32>
    tpu.vector_store %arg1[%swap3A_84, %swap3A_85], %swap3A_88 {strides = array<i32>} : memref<9x224xf32, #tpu.memory_space<vmem>>, vector<1x224xf32>,
    %swap3A_89 = arith.constant 3 : index
    %swap3A_90 = arith.constant 0 : index
    %swap3A_91 = vector.load %arg1[%swap3A_89, %swap3A_90] : memref<9x224xf32, #tpu.memory_space<vmem>>, vector<1x224xf32>
    %swap3A_92 = vector.shape_cast %swap3A_91 : vector<1x224xf32> to vector<224xf32>
    %swap3A_93 = vector.shape_cast %sin3A : vector<224xf32> to vector<1x224xf32>
    tpu.vector_store %arg1[%swap3A_89, %swap3A_90], %swap3A_93 {strides = array<i32>} : memref<9x224xf32, #tpu.memory_space<vmem>>, vector<1x224xf32>,
    %swap3A_94 = arith.constant 4 : index
    %swap3A_95 = arith.constant 0 : index
    %swap3A_96 = vector.load %arg1[%swap3A_94, %swap3A_95] : memref<9x224xf32, #tpu.memory_space<vmem>>, vector<1x224xf32>
    %swap3A_97 = vector.shape_cast %swap3A_96 : vector<1x224xf32> to vector<224xf32>
    %swap3A_98 = vector.shape_cast %select_n3A : vector<224xf32> to vector<1x224xf32>
    tpu.vector_store %arg1[%swap3A_94, %swap3A_95], %swap3A_98 {strides = array<i32>} : memref<9x224xf32, #tpu.memory_space<vmem>>, vector<1x224xf32>,
    %swap3A_99 = arith.constant 5 : index
    %swap3A_100 = arith.constant 0 : index
    %swap3A_101 = vector.load %arg1[%swap3A_99, %swap3A_100] : memref<9x224xf32, #tpu.memory_space<vmem>>, vector<1x224xf32>
    %swap3A_102 = vector.shape_cast %swap3A_101 : vector<1x224xf32> to vector<224xf32>
    %swap3A_103 = vector.shape_cast %mul3A_46 : vector<224xf32> to vector<1x224xf32>
    tpu.vector_store %arg1[%swap3A_99, %swap3A_100], %swap3A_103 {strides = array<i32>} : memref<9x224xf32, #tpu.memory_space<vmem>>, vector<1x224xf32>,
    %swap3A_104 = arith.constant 6 : index
    %swap3A_105 = arith.constant 0 : index
    %swap3A_106 = vector.load %arg1[%swap3A_104, %swap3A_105] : memref<9x224xf32, #tpu.memory_space<vmem>>, vector<1x224xf32>
    %swap3A_107 = vector.shape_cast %swap3A_106 : vector<1x224xf32> to vector<224xf32>
    %swap3A_108 = vector.shape_cast %min3A_52 : vector<224xf32> to vector<1x224xf32>
    tpu.vector_store %arg1[%swap3A_104, %swap3A_105], %swap3A_108 {strides = array<i32>} : memref<9x224xf32, #tpu.memory_space<vmem>>, vector<1x224xf32>,
    %mul3A_109 = arith.constant 1.600000e+01 : f32
    %mul3A_110 = vector.broadcast %mul3A_109 : f32 to vector<224xf32>
    %mul3A_111 = arith.mulf %min3A_64, %mul3A_110 : vector<224xf32>
    %swap3A_112 = arith.constant 7 : index
    %swap3A_113 = arith.constant 0 : index
    %swap3A_114 = vector.load %arg1[%swap3A_112, %swap3A_113] : memref<9x224xf32, #tpu.memory_space<vmem>>, vector<1x224xf32>
    %swap3A_115 = vector.shape_cast %swap3A_114 : vector<1x224xf32> to vector<224xf32>
    %swap3A_116 = vector.shape_cast %mul3A_111 : vector<224xf32> to vector<1x224xf32>
    tpu.vector_store %arg1[%swap3A_112, %swap3A_113], %swap3A_116 {strides = array<i32>} : memref<9x224xf32, #tpu.memory_space<vmem>>, vector<1x224xf32>,
    %swap3A_117 = arith.constant 8 : index
    %swap3A_118 = arith.constant 0 : index
    %swap3A_119 = vector.load %arg1[%swap3A_117, %swap3A_118] : memref<9x224xf32, #tpu.memory_space<vmem>>, vector<1x224xf32>
    %swap3A_120 = vector.shape_cast %swap3A_119 : vector<1x224xf32> to vector<224xf32>
    %swap3A_121 = vector.shape_cast %add3A_74 : vector<224xf32> to vector<1x224xf32>
    tpu.vector_store %arg1[%swap3A_117, %swap3A_118], %swap3A_121 {strides = array<i32>} : memref<9x224xf32, #tpu.memory_space<vmem>>, vector<1x224xf32>,
    return
  }
}

</mosaic_0001>

<sc_bundles>
// kernel: kernel.5.cloned.1.call-start
scs
__scs_entry_jumppad:
0x0: {  	(pc) =	sbr.rel $0x88, $3  }
0x1: {  	(tag) =	ssettag $0x0;
	lr =	simm.s32 $0x1  }
0x2: {  	[smem:$0x3F9E] =	sst lr;
	_ =	strace $0xD0000000  }
0x3: {  	_ = 	snop  }
0x4: {  	_ = 	snop  }
0x5: {  	_ = 	snop  }
0x6: {  	_ = 	snop  }
0x7: {  	_ = 	snop  }
__scs_overlays_trampoline_lowered:
0x8: {  	[smem:$0x3FAD] =	sst s0  }
0x9: {  	[smem:$0x3FAE] =	sst s1  }
0xa: {  	[smem:$0x3FAF] =	sst s2  }
0xb: {  	[smem:$0x3FB0] =	sst s3  }
0xc: {  	[smem:$0x3FB1] =	sst s4  }
0xd: {  	[smem:$0x3FB2] =	sst s5  }
0xe: {  	[smem:$0x3FB3] =	sst s6  }
0xf: {  	[smem:$0x3FB4] =	sst s7  }
0x10: {  	[smem:$0x3FB5] =	sst s8  }
0x11: {  	[smem:$0x3FB6] =	sst s9;
	s0 =	simm.s32 @!p0 $0x0  }
0x12: {  	s1 =	sld [smem:$0x3F9C];
	s0 =	simm.s32 @p0 $0x1  }
0x13: {  	[smem:$0x3FB7] =	sst s0;
	s0 =	simm.s32 @!p1 $0x0  }
0x14: {  	s2 =	sld [smem:$0x3F9B];
	s0 =	simm.s32 @p1 $0x1  }
0x15: {  	[smem:$0x3FB8] =	sst s0;
	s0 =	simm.s32 @!p2 $0x0  }
0x16: {  	s3 =	sld [smem:$0x3FDB];
	s0 =	simm.s32 @p2 $0x1  }
0x17: {  	s4 =	simm.s32 $0x1BF5;
	[smem:$0x3FBA] =	sst s0  }
0x18: {  	s0 =	sld [smem:$0x3F9D];
	_ =	swait.ge [sflag:s4], $0x0  }
0x19: {  	s7 =	sld [smem:$0x3F9E]  }
0x1a: {  	s8 =	sadd.s32 $0xFFFFE003, lr  }
0x1b: {  	s9 =	sadd.s32 $0xFFFFFEF7, lr;
	s5 =	simm.s32 $0xFFFFFFFF;
	p2 =	slt.u32 s8, $0xFFFFF086  }
0x1c: {  	p1 =	slt.u32 s9, $0xF7A;
	s5 =	simm.s32 @!p2 $0x0  }
0x1d: {  	s5 =	simm.s32 @p1 $0x1;
	p0 =	seq.s32 s7, s2  }
0x1e: {  	s7 =	smul.u32 @!p0 $0xF7A, s2;
	p2 =	seq.s32 @!p0 s5, $0x0  }
0x1f: {  	s9 =	smul.u32 $0xF7A, s1;
	s8 =	simm.s32 @!p0 $0x1BF5;
	p2 =	por !p2, p0  }
0x20: {  	[sflag:s8] =	ssyncset.s32 @!p0 $0xFFFFF086;
	s6 =	sadd.s32 @!p0 s3, s7;
	s7 =	simm.s32 @!p0 $0x108  }
0x21: {  	s3 =	sadd.s32 s3, s9;
	s6 =	sadd.s32 @!p0 $0x88, s6;
	s7 =	simm.s32 @p2 $0x1082  }
0x22: {  	[simem:s7], [sflag:s8] =	dma.local @!p0 [hbm:s6], $0xF7A  }
0x23: {  	s9 =	sor.u32 $0xD0000000, s2;
	s6 =	simm.s32 $0x108;
	_ =	swait.ge @!p0 [sflag:s8], $0x0  }
0x24: {  	s3 =	sadd.s32 $0x88, s3;
	s6 =	simm.s32 @!p1 $0x1082;
	[sflag:s4] =	ssyncset.s32 $0xFFFFF086  }
0x25: {  	[simem:s6], [sflag:s4] =	dma.local [hbm:s3], $0xF7A  }
0x26: {  	[smem:$0x3F9E] =	sst s1;
	(tag) =	ssettag s2;
	_ =	strace s9  }
0x27: {  	s1 =	sld [smem:$0x3FAE]  }
0x28: {  	s2 =	sld [smem:$0x3FAF]  }
0x29: {  	s4 =	sld [smem:$0x3FB1]  }
0x2a: {  	p0 =	seq.s32 s5, $0x0;
	s5 =	sld [smem:$0x3FB2]  }
0x2b: {  	s6 =	sld [smem:$0x3FB3]  }
0x2c: {  	s7 =	sld [smem:$0x3FB4]  }
0x2d: {  	s3 =	simm.s32 $0x108;
	s8 =	sld [smem:$0x3FB5]  }
0x2e: {  	s3 =	simm.s32 @!p0 $0x1082;
	s9 =	sld [smem:$0x3FB6]  }
0x2f: {  	lr =	sadd.s32 s0, s3;
	s0 =	sld [smem:$0x3FAD]  }
0x30: {  	s3 =	sld [smem:$0x3FB0]  }
0x31: {  	[smem:$0x3FB9] =	sst s10  }
0x32: {  	s10 =	sld [smem:$0x3FB7];
	_ =	sdelay $0x3  }
0x33: {  	p0 =	seq.s32 s10, $0x1;
	s10 =	sld [smem:$0x3FB9];
	_ =	sdelay $0x3  }
0x34: {  	[smem:$0x3FB9] =	sst s10  }
0x35: {  	s10 =	sld [smem:$0x3FB8];
	_ =	sdelay $0x3  }
0x36: {  	p1 =	seq.s32 s10, $0x1;
	s10 =	sld [smem:$0x3FB9];
	_ =	sdelay $0x3  }
0x37: {  	[smem:$0x3FB9] =	sst s10  }
0x38: {  	s10 =	sld [smem:$0x3FBA]  }
0x39: {  	_ = 	snop;
	(pc) =	sbr.ind lr, $3  }
0x3a: {  	_ = 	snop  }
0x3b: {  	_ = 	snop  }
0x3c: {  	p2 =	seq.s32 s10, $0x1;
	s10 =	sld [smem:$0x3FB9]  }
0x3d: {  	_ =	shalt  }
0x3e: {  	_ =	shalt  }
0x3f: {  	_ =	shalt  }
0x40: {  	_ =	shalt  }
0x41: {  	_ =	shalt  }
0x42: {  	_ =	shalt  }
0x43: {  	_ =	shalt  }
0x44: {  	_ =	shalt  }
0x45: {  	_ =	shalt  }
0x46: {  	_ =	shalt  }
0x47: {  	_ =	shalt  }
0x48: {  	_ =	shalt  }
0x49: {  	_ =	shalt  }
0x4a: {  	_ =	shalt  }
0x4b: {  	_ =	shalt  }
0x4c: {  	_ =	shalt  }
0x4d: {  	_ =	shalt  }
0x4e: {  	_ =	shalt  }
0x4f: {  	_ =	shalt  }
0x50: {  	_ =	shalt  }
0x51: {  	_ =	shalt  }
0x52: {  	_ =	shalt  }
0x53: {  	_ =	shalt  }
0x54: {  	_ =	shalt  }
0x55: {  	_ =	shalt  }
0x56: {  	_ =	shalt  }
0x57: {  	_ =	shalt  }
0x58: {  	_ =	shalt  }
0x59: {  	_ =	shalt  }
0x5a: {  	_ =	shalt  }
0x5b: {  	_ =	shalt  }
0x5c: {  	_ =	shalt  }
0x5d: {  	_ =	shalt  }
0x5e: {  	_ =	shalt  }
0x5f: {  	_ =	shalt  }
0x60: {  	_ =	shalt  }
0x61: {  	_ =	shalt  }
0x62: {  	_ =	shalt  }
0x63: {  	_ =	shalt  }
0x64: {  	_ =	shalt  }
0x65: {  	_ =	shalt  }
0x66: {  	_ =	shalt  }
0x67: {  	_ =	shalt  }
0x68: {  	_ =	shalt  }
0x69: {  	_ =	shalt  }
0x6a: {  	_ =	shalt  }
0x6b: {  	_ =	shalt  }
0x6c: {  	_ =	shalt  }
0x6d: {  	_ =	shalt  }
0x6e: {  	_ =	shalt  }
0x6f: {  	_ =	shalt  }
0x70: {  	_ =	shalt  }
0x71: {  	_ =	shalt  }
0x72: {  	_ =	shalt  }
0x73: {  	_ =	shalt  }
0x74: {  	_ =	shalt  }
0x75: {  	_ =	shalt  }
0x76: {  	_ =	shalt  }
0x77: {  	_ =	shalt  }
0x78: {  	_ =	shalt  }
0x79: {  	_ =	shalt  }
0x7a: {  	_ =	shalt  }
0x7b: {  	_ =	shalt  }
0x7c: {  	_ =	shalt  }
0x7d: {  	_ =	shalt  }
0x7e: {  	_ =	shalt  }
0x7f: {  	_ =	shalt  }
0x80: {  	_ =	shalt  }
0x81: {  	_ =	shalt  }
0x82: {  	_ =	shalt  }
0x83: {  	_ =	shalt  }
0x84: {  	_ =	shalt  }
0x85: {  	_ =	shalt  }
0x86: {  	_ =	shalt  }
0x87: {  	_ =	shalt  }
.Lfunc_end0:
.L_simem_size_0:
called_computation_lowered:
.L_overlay_start_0:
0x88: {  	s2 =	sld [smem:$0x3FD9]  }
0x89: {  	s3 =	sld [smem:$0x3FFE];
	_ =	sdelay $0x1  }
0x8a: {  	s1 =	srdreg.scid  }
0x8b: {  	s0 =	sand.u32 $0x1, s1  }
0x8c: {  	s16 =	sshll.u32 s0, $0xA;
	s2 =	sadd.s32 s3, s2  }
0x8d: {  	s2 =	sadd.s32 s2, s16  }
0x8e: {  	[smem:$0x3FC5] =	sst s2  }
0x8f: {  	_ = 	snop  }
0x90: {  	(tm) =	ssettm $0x1  }
0x91: {  	s17 =	sld [smem:$0x3FFB];
	_ =	sdelay $0x3  }
0x92: {  	_ =	strace s17  }
0x93: {  	s2 =	sld [smem:$0x3FFC];
	_ =	sdelay $0x3  }
0x94: {  	_ =	strace s2  }
0x95: {  	s2 =	sld [smem:$0x3FFD];
	_ =	sdelay $0x3  }
0x96: {  	_ =	strace s2  }
0x97: {  	_ =	strace $0x8FFFFFFF  }
0x98: {  	s18 =	sld [smem:$0x3FDB];
	_ =	sdelay $0x1  }
0x99: {  	s19 =	simm.s32 $_scs_section_size  }
0x9a: {  	s4 =	simm.s32 $_size__tile_overlayer_lowered;
	s5 =	simm.s32 $_tile_overlayer_lowered  }
0x9b: {  	s22 =	simm.s32 $0x1BFF;
	s21 =	sshll.u32 s5, $0x1;
	s2 =	sadd.s32 s19, s18  }
0x9c: {  	s6 =	simm.s32 $0x0;
	s20 =	sshll.u32 s4, $0x1;
	s4 =	sadd.s32 s21, s2  }
0x9d: {  	[timem:s6], [sflag:s22] =	dma.local [hbm:s4], s20  }
0x9e: {  	_ =	swait.ge [sflag:s22], s20  }
0x9f: {  	s3 =	ssub.s32 $0x0, s20;
	[sflag:s22] =	ssyncset.done $0x0  }
0xa0: {  	[sflag:s22] =	ssyncadd.s32 s3;
	_ =	sdelay $0x1  }
0xa1: {  	s23 =	simm.s32 $0x1B8B  }
0xa2: {  	_ =	swait.ge [sflag:s23], $0x1  }
0xa3: {  	[sflag:s23] =	ssyncset.done $0x0  }
0xa4: {  	s25 =	simm.s32 $0x1B8E;
	s24 =	sld [smem:$0x3FFE];
	[sflag:s23] =	ssyncadd.s32 $0xFFFFFFFF  }
0xa5: {  	s26 =	simm.s32 $execute0_lowered;
	[smem:$0x3FD2] =	sst s25  }
0xa6: {  	s4 =	sshll.u32 s26, $0x1;
	_ =	strace $0x80000046;
	[dreg:$0x1] =	wrdreg $0xFFFFFFFF  }
0xa7: {  	s28 =	simm.s32 $_size_execute0_lowered;
	s2 =	sadd.s32 s2, s4;
	[dreg:$0x0] =	wrdreg $0x0  }
0xa8: {  	s4 =	sshll.u32 s28, $0x1;
	[dreg:$0x2] =	wrdreg s2  }
0xa9: {  	[dreg:$0x3] =	wrdreg s4  }
0xaa: {  	[dreg:$0x4] =	wrdreg $0xC0  }
0xab: {  	_ =	task [dreg:s6], $0x5FFFF  }
0xac: {  	[dreg:$0x1] =	wrdreg $0xFFFFFFFF  }
0xad: {  	[dreg:$0x0] =	wrdreg $0x60  }
0xae: {  	[dreg:$0x2] =	wrdreg s24  }
0xaf: {  	[dreg:$0x3] =	wrdreg $0x9  }
0xb0: {  	_ =	task.clear_ibuf [dreg:s6], $0x4FFFF;
	_ =	strace $0x90000046  }
0xb1: {  	s29 =	simm.s32 $0x9;
	_ =	strace $0x80000048  }
0xb2: {  	_ =	swait.ge [sflag:s29], $0x1  }
0xb3: {  	[sflag:s29] =	ssyncadd.s32 $0xFFFFFFFF  }
0xb4: {  	_ =	strace $0x90000048  }
0xb5: {  	_ =	sfence  }
0xb6: {  	s30 =	sld [smem:$0x0];
	_ =	sdelay $0x2  }
0xb7: {  	s31 =	sshll.u32 s1, $0xD;
	s1 =	sshrl.u32 s1, $0x2  }
0xb8: {  	s3 =	sand.u32 $0x4000, s31;
	s1 =	sadd.s32 s1, s30  }
0xb9: {  	s0 =	sor.u32 s3, s0;
	s1 =	sshll.u32 s1, $0x11  }
0xba: {  	s0 =	sor.u32 s1, s0  }
0xbb: {  	s0 =	sadd.s32 $0x8F2B, s0  }
0xbc: {  	[sflag:s0] =	ssyncadd.remote.s32 $0x1  }
0xbd: {  	_ =	sfence.sel $0xFFFF  }
0xbe: {  	[dreg:$0x0] =	wrdreg $0xFFFFFFFF;
	(pc) =	sbr.abs _section_cstart, $3  }
0xbf: {  	[dreg:$0x1] =	wrdreg $0xFFFFFFFF  }
0xc0: {  	_ =	task.clear_ibuf [dreg:s6], $0x2FFFF;
	_ =	strace $0x9FFFFFFF  }
0xc1: {  	(tm) =	ssettm $0x7FFFFFFF  }
tec
execute0_lowered:
.L_overlay_start_1:
0x0: {  	(tag) =	ssettag $0x1  }
0x1: {  	v24 =	vimm.s32 $0x41403F3E;
	v25 =	vimm.s32 $0x605F5E5D  }
0x2: {  	vm4 =	vcmask $0x1F10;
	v3 =	vimm.s32 $0x3020100;
	v28 =	vimm.s32 $0x2221201F  }
0x3: {  	vm0 =	vcmask $0xF00;
	vm1 =	vcmask $0x1714;
	vm2 =	vcmask $0x1B18  }
0x4: {  	vm3 =	vcmask $0x1F1C;
	v32 =	vimm.s32 $0x1D4;
	vm11 =	vcmask $0x300  }
0x5: {  	v33 =	vimm.s32 $0x250;
	vm12 =	vcmask $0x704;
	vm13 =	vcmask $0xB08  }
0x6: {  	s1 =	srdreg.scid;
	s0 =	stileid.u32;
	vm14 =	vcmask $0xF0C;
	vm5 =	vcmask $0x2724;
	vm6 =	vcmask $0x2B28  }
0x7: {  	vm7 =	vcmask $0x2F2C;
	vm8 =	vcmask $0x3330;
	vm9 =	vcmask $0x3734;
	s3 =	sand.u32 $0x1, s1;
	s25 =	sshll.u32 s0, $0x1  }
0x8: {  	vm10 =	vcmask $0x3B38;
	v35 =	vimm.s32 $0x2CC;
	v36 =	vimm.s32 $0x348;
	s4 =	sor.u32 s3, s25  }
0x9: {  	v12 =	vlaneseq.u32;
	v13 =	vimm.f32 $0.0e+00;
	v0 =	vmov s4  }
0xa: {  	v27 =	vunpack.c.0.s8.s32 v3;
	v3 =	vunpack.c.0.s8.s32 v28;
	v1 =	vor.u32 $0xE0, v0;
	[tilespmem:$0x1FCB0] =	vst v0  }
0xb: {  	s1 =	sor.u32 $0x20, s4;
	v37 =	vor.u32 $0x1C0, v0;
	v38 =	vor.u32 $0x2A0, v0;
	v39 =	vor.u32 $0x380, v0;
	[tilespmem:$0x1FC40] =	vst v1  }
0xc: {  	s26 =	sor.u32 $0x40, s4;
	v40 =	vor.u32 $0x460, v0;
	v41 =	vor.u32 $0x540, v0;
	v42 =	vmov s1;
	[tilespmem:$0x1FC50] =	vst v37  }
0xd: {  	s28 =	sor.u32 $0x60, s4;
	s29 =	sor.u32 $0x80, s4;
	v2 =	vor.u32 $0x620, v0;
	v0 =	vor.u32 $0x700, v0;
	v49 =	vmov s26;
	[tilespmem:$0x1FC60] =	vst v38  }
0xe: {  	v57 =	vmov s28;
	v34 =	vmov s29;
	[tilespmem:$0x1FC70] =	vst v39;
	v43 =	vadd.s32 $0xE0, v42  }
0xf: {  	[tilespmem:$0x1FC80] =	vst v40;
	v44 =	vor.u32 $0x1C0, v42;
	v45 =	vadd.s32 $0x2A0, v42;
	v46 =	vor.u32 $0x380, v42  }
0x10: {  	[tilespmem:$0x1FC90] =	vst v41;
	v47 =	vadd.s32 $0x460, v42;
	v48 =	vor.u32 $0x540, v42;
	v50 =	vadd.s32 $0x620, v42  }
0x11: {  	[tilespmem:$0x1FCA0] =	vst v2;
	v1 =	vor.u32 $0x700, v42;
	v51 =	vadd.s32 $0xE0, v49;
	v52 =	vadd.s32 $0x1C0, v49  }
0x12: {  	[tilespmem:$0x1FCC0] =	vst v0;
	v53 =	vor.u32 $0x2A0, v49;
	v54 =	vor.u32 $0x380, v49;
	v55 =	vadd.s32 $0x460, v49  }
0x13: {  	[tilespmem:$0x1FD40] =	vst v42;
	v56 =	vadd.s32 $0x540, v49;
	v58 =	vor.u32 $0x620, v49;
	v0 =	vor.u32 $0x700, v49  }
0x14: {  	[tilespmem:$0x1FDD0] =	vst v49;
	v59 =	vadd.s32 $0xE0, v57;
	v60 =	vadd.s32 $0x1C0, v57;
	v61 =	vadd.s32 $0x2A0, v57  }
0x15: {  	v62 =	vor.u32 $0x380, v57;
	v63 =	vadd.s32 $0x460, v57;
	v4 =	vadd.s32 $0x540, v57;
	[tilespmem:$0x1FCD0] =	vst v43  }
0x16: {  	v5 =	vadd.s32 $0x620, v57;
	v6 =	vor.u32 $0x700, v57;
	v7 =	vadd.s32 $0xE0, v34;
	[tilespmem:$0x1FD50] =	vst v1  }
0x17: {  	v8 =	vadd.s32 $0x1C0, v34;
	v9 =	vadd.s32 $0x2A0, v34;
	v10 =	vadd.s32 $0x380, v34;
	[tilespmem:$0x1FD70] =	vst v52  }
0x18: {  	v11 =	vor.u32 $0x460, v34;
	v16 =	vor.u32 $0x540, v34;
	v17 =	vor.u32 $0x620, v34;
	[tilespmem:$0x1FE40] =	vst v4  }
0x19: {  	v18 =	vor.u32 $0x700, v34;
	v2 =	vunpack.c.0.s8.s32 v25;
	v37 =	vimm.s32 $0x3C4;
	[tilespmem:$0x1FE50] =	vst v5  }
0x1a: {  	s30 =	sor.u32 $0xA0, s4;
	s31 =	sor.u32 $0xC0, s4;
	v38 =	vimm.s32 $0x440;
	v39 =	vimm.s32 $0x4BC;
	v40 =	vimm.f32 $1.500000000e+01;
	[tilespmem:$0x1FE70] =	vst v6  }
0x1b: {  	[tilespmem:$0x1FE90] =	vst v8;
	v43 =	vmov s30;
	v1 =	vunpack.c.0.s8.s32 v24;
	v52 =	vmov s31  }
0x1c: {  	v4 =	vimm.s32 $0xBDBCBBBA;
	v5 =	vimm.s32 $0xFBFAF9F8;
	v6 =	vimm.s32 $0xDCDBDAD9  }
0x1d: {  	[tilespmem:$0x1FEA0] =	vst v9;
	v8 =	vimm.s32 $0x7F7E7D7C;
	v9 =	vimm.s32 $0x9E9D9C9B;
	v19 =	vadd.s32 $0xE0, v43  }
0x1e: {  	[tilespmem:$0x1FCE0] =	vst v44;
	v20 =	vadd.s32 $0x1C0, v43;
	v21 =	vadd.s32 $0x2A0, v43;
	v22 =	vadd.s32 $0x380, v43  }
0x1f: {  	[tilespmem:$0x1FCF0] =	vst v45;
	v23 =	vadd.s32 $0x460, v43;
	v26 =	vor.u32 $0x540, v43;
	v5 =	vunpack.c.0.s8.s32 v5  }
0x20: {  	[tilespmem:$0x1FD00] =	vst v46;
	v4 =	vunpack.c.0.s8.s32 v4;
	v6 =	vunpack.c.0.s8.s32 v6;
	v8 =	vunpack.c.0.s8.s32 v8  }
0x21: {  	[tilespmem:$0x1FD10] =	vst v47;
	v9 =	vunpack.c.0.s8.s32 v9;
	v41 =	vadd.s32 $0x620, v43;
	v42 =	vor.u32 $0x700, v43  }
0x22: {  	[tilespmem:$0x1FD20] =	vst v48;
	v44 =	vadd.s32 $0xE0, v52;
	v45 =	vadd.s32 $0x1C0, v52;
	v46 =	vadd.s32 $0x2A0, v52  }
0x23: {  	[tilespmem:$0x1FD30] =	vst v50;
	v47 =	vadd.s32 $0x380, v52;
	v48 =	vadd.s32 $0x460, v52;
	v49 =	vadd.s32 $0x540, v52  }
0x24: {  	[tilespmem:$0x1FD60] =	vst v51;
	v50 =	vor.u32 $0x620, v52;
	v51 =	vor.u32 $0x700, v52;
	v1 =	vsel vm4, v2, v1  }
0x25: {  	v2 =	vsel vm4, v3, v27;
	v3 =	vsel vm11, $0x1F0, v33;
	v5 =	vand.u32 $0xFF, v5  }
0x26: {  	v4 =	vsel vm4, v6, v4;
	v29 =	vsel vm4, v9, v8;
	vm4 =	vcmask $0x2320  }
0x27: {  	[tilespmem:$0x1FD80] =	vst v53;
	v53 =	vcombine.low v2, v1;
	v2 =	vsel vm11, $0x174, v32;
	v3 =	vsel vm12, $0x1F1, v3  }
0x28: {  	v5 =	vnsel vm0, $0x158, v5;
	vm0 =	vcmask $0x1310;
	v4 =	vcombine.low v29, v4  }
0x29: {  	v2 =	vsel vm12, $0x175, v2;
	v3 =	vsel vm13, $0x1F2, v3;
	v5 =	vsel vm0, $0x117, v5  }
0x2a: {  	v2 =	vsel vm13, $0x176, v2;
	v3 =	vsel vm14, $0x1F3, v3;
	v5 =	vsel vm1, $0x118, v5  }
0x2b: {  	[tilespmem:$0x1FD90] =	vst v54;
	v54 =	vand.u32 $0xFF, v4;
	v2 =	vsel vm14, $0x177, v2;
	v3 =	vsel vm0, $0x20F, v3  }
0x2c: {  	v5 =	vsel vm2, $0x119, v5;
	v2 =	vsel vm0, $0x193, v2;
	v3 =	vsel vm1, $0x210, v3  }
0x2d: {  	v30 =	vsel vm3, $0x11A, v5;
	v2 =	vsel vm1, $0x194, v2;
	v3 =	vsel vm2, $0x211, v3  }
0x2e: {  	v31 =	vsel vm4, $0x136, v30;
	v2 =	vsel vm2, $0x195, v2;
	v3 =	vsel vm3, $0x212, v3  }
0x2f: {  	v1 =	vsel vm5, $0x137, v31;
	v2 =	vsel vm3, $0x196, v2;
	v3 =	vsel vm4, $0x22E, v3  }
0x30: {  	v1 =	vsel vm6, $0x138, v1;
	v2 =	vsel vm4, $0x1B2, v2;
	v3 =	vsel vm5, $0x22F, v3  }
0x31: {  	v1 =	vsel vm7, $0x139, v1;
	v2 =	vsel vm5, $0x1B3, v2;
	v3 =	vsel vm6, $0x230, v3  }
0x32: {  	v1 =	vsel vm8, $0x155, v1;
	v2 =	vsel vm6, $0x1B4, v2;
	v3 =	vsel vm7, $0x231, v3  }
0x33: {  	v2 =	vsel vm7, $0x1B5, v2;
	v1 =	vsel vm9, $0x156, v1;
	v3 =	vsel vm8, $0x24D, v3  }
0x34: {  	[tilespmem:$0x1FDA0] =	vst v55;
	v2 =	vsel vm8, $0x1D1, v2;
	v3 =	vsel vm9, $0x24E, v3;
	v55 =	vsel vm10, $0x157, v1  }
0x35: {  	[tilespmem:$0x1FE60] =	vst v57;
	v1 =	vsel vm11, $0x26C, v35;
	v2 =	vsel vm9, $0x1D2, v2;
	v57 =	vsel vm10, $0x24F, v3  }
0x36: {  	[tilespmem:$0x1FDB0] =	vst v56;
	v3 =	vsel vm11, $0x364, v37;
	v1 =	vsel vm12, $0x26D, v1;
	v56 =	vsel vm10, $0x1D3, v2  }
0x37: {  	[tilespmem:$0x1FDC0] =	vst v58;
	v2 =	vsel vm11, $0x2E8, v36;
	v3 =	vsel vm12, $0x365, v3;
	v1 =	vsel vm13, $0x26E, v1  }
0x38: {  	[tilespmem:$0x1FDE0] =	vst v0;
	v2 =	vsel vm12, $0x2E9, v2;
	v3 =	vsel vm13, $0x366, v3;
	v1 =	vsel vm14, $0x26F, v1  }
0x39: {  	[tilespmem:$0x1FDF0] =	vst v59;
	v2 =	vsel vm13, $0x2EA, v2;
	v3 =	vsel vm14, $0x367, v3;
	v1 =	vsel vm0, $0x28B, v1  }
0x3a: {  	[tilespmem:$0x1FE00] =	vst v60;
	v2 =	vsel vm14, $0x2EB, v2;
	v3 =	vsel vm0, $0x383, v3;
	v1 =	vsel vm1, $0x28C, v1  }
0x3b: {  	[tilespmem:$0x1FE10] =	vst v61;
	v2 =	vsel vm0, $0x307, v2;
	v3 =	vsel vm1, $0x384, v3;
	v1 =	vsel vm2, $0x28D, v1  }
0x3c: {  	[tilespmem:$0x1FE20] =	vst v62;
	v2 =	vsel vm1, $0x308, v2;
	v3 =	vsel vm2, $0x385, v3;
	v1 =	vsel vm3, $0x28E, v1  }
0x3d: {  	[tilespmem:$0x1FE30] =	vst v63;
	v2 =	vsel vm2, $0x309, v2;
	v3 =	vsel vm3, $0x386, v3;
	v1 =	vsel vm4, $0x2AA, v1  }
0x3e: {  	[tilespmem:$0x1FE80] =	vst v7;
	v2 =	vsel vm3, $0x30A, v2;
	v3 =	vsel vm4, $0x3A2, v3;
	v1 =	vsel vm5, $0x2AB, v1  }
0x3f: {  	[tilespmem:$0x1FEB0] =	vst v10;
	v2 =	vsel vm4, $0x326, v2;
	v3 =	vsel vm5, $0x3A3, v3;
	v1 =	vsel vm6, $0x2AC, v1  }
0x40: {  	[tilespmem:$0x1FEC0] =	vst v11;
	v2 =	vsel vm5, $0x327, v2;
	v3 =	vsel vm6, $0x3A4, v3;
	v1 =	vsel vm7, $0x2AD, v1  }
0x41: {  	[tilespmem:$0x1FED0] =	vst v16;
	v2 =	vsel vm6, $0x328, v2;
	v3 =	vsel vm7, $0x3A5, v3;
	v1 =	vsel vm8, $0x2C9, v1  }
0x42: {  	[tilespmem:$0x1FEE0] =	vst v17;
	v2 =	vsel vm7, $0x329, v2;
	v3 =	vsel vm8, $0x3C1, v3;
	v1 =	vsel vm9, $0x2CA, v1  }
0x43: {  	[tilespmem:$0x1FEF0] =	vst v18;
	v2 =	vsel vm8, $0x345, v2;
	v3 =	vsel vm9, $0x3C2, v3;
	v58 =	vsel vm10, $0x2CB, v1  }
0x44: {  	[tilespmem:$0x1FF00] =	vst v19;
	v1 =	vsel vm11, $0x3E0, v38;
	v2 =	vsel vm9, $0x346, v2;
	v60 =	vsel vm10, $0x3C3, v3  }
0x45: {  	[tilespmem:$0x1FF10] =	vst v20;
	v3 =	vsel vm11, $0x0, v40;
	v59 =	vsel vm10, $0x347, v2;
	v2 =	vsel vm11, $0x45C, v39  }
0x46: {  	[tilespmem:$0x1FF20] =	vst v21;
	v1 =	vsel vm12, $0x3E1, v1;
	v3 =	vsel vm12, $0x3F800000, v3;
	v2 =	vsel vm12, $0x45D, v2  }
0x47: {  	[tilespmem:$0x1FF30] =	vst v22;
	v1 =	vsel vm13, $0x3E2, v1;
	v3 =	vsel vm13, $0x40000000, v3;
	v2 =	vsel vm13, $0x45E, v2  }
0x48: {  	s5 =	rddreg [dreg:$0x0];
	s2 =	simm.s32 $0x0;
	[tilespmem:$0x1FF40] =	vst v23;
	v1 =	vsel vm14, $0x3E3, v1;
	v3 =	vsel vm14, $0x40400000, v3;
	v2 =	vsel vm14, $0x45F, v2  }
0x49: {  	[smem:$0x7FF] =	sst s2;
	[tilespmem:$0x1FF50] =	vst v26;
	v1 =	vsel vm0, $0x3FF, v1;
	v3 =	vsel vm0, $0x40800000, v3;
	v2 =	vsel vm0, $0x47B, v2  }
0x4a: {  	s1 =	rddreg [dreg:$0x1];
	_ =	strace $0x80000047;
	[tilespmem:$0x1FF60] =	vst v41;
	v1 =	vsel vm1, $0x400, v1;
	v3 =	vsel vm1, $0x40A00000, v3;
	v2 =	vsel vm1, $0x47C, v2  }
0x4b: {  	[tilespmem:$0x1FF70] =	vst v42;
	v1 =	vsel vm2, $0x401, v1;
	v3 =	vsel vm2, $0x40C00000, v3;
	v2 =	vsel vm2, $0x47D, v2  }
0x4c: {  	[tilespmem:$0x1FF80] =	vst v44;
	v1 =	vsel vm3, $0x402, v1;
	v3 =	vsel vm3, $0x40E00000, v3;
	v2 =	vsel vm3, $0x47E, v2  }
0x4d: {  	s9 =	simm.s32 $0x7E0;
	s10 =	simm.s32 $0x880;
	[tilespmem:$0x1FF90] =	vst v45;
	v1 =	vsel vm4, $0x41E, v1;
	v3 =	vsel vm4, $0x41000000, v3;
	v2 =	vsel vm4, $0x49A, v2  }
0x4e: {  	s11 =	simm.s32 $0x830;
	s12 =	simm.s32 $0xD80;
	[tilespmem:$0x1FFA0] =	vst v46;
	v1 =	vsel vm5, $0x41F, v1;
	v3 =	vsel vm5, $0x41100000, v3;
	v2 =	vsel vm5, $0x49B, v2  }
0x4f: {  	s13 =	simm.s32 $0x1;
	s14 =	simm.s32 $0x2;
	s15 =	simm.s32 $0x1280;
	[tilespmem:$0x1FFB0] =	vst v47;
	v1 =	vsel vm6, $0x420, v1;
	v3 =	vsel vm6, $0x41200000, v3;
	v2 =	vsel vm6, $0x49C, v2  }
0x50: {  	s16 =	simm.s32 $0x0;
	s6 =	ssub.s32 $0x2, s3;
	s3 =	sadd.s32 $0x400, s5;
	[tilespmem:$0x1FFC0] =	vst v48;
	v1 =	vsel vm7, $0x421, v1;
	v3 =	vsel vm7, $0x41300000, v3;
	v2 =	vsel vm7, $0x49D, v2  }
0x51: {  	s7 =	sshll.u32 s4, $0x1;
	s8 =	sshrl.u32 s6, $0x1;
	s4 =	sadd.s32 $0x1A800, s5;
	[tilespmem:$0x1FFD0] =	vst v49;
	v1 =	vsel vm8, $0x43D, v1;
	v3 =	vsel vm8, $0x41400000, v3;
	v2 =	vsel vm8, $0x4B9, v2  }
0x52: {  	s5 =	sadd.s32 s7, s5;
	s6 =	ssub.s32 s6, s8;
	s7 =	simm.s32 $0x3;
	[tilespmem:$0x1FFE0] =	vst v50;
	v1 =	vsel vm9, $0x43E, v1;
	v3 =	vsel vm9, $0x41500000, v3;
	v2 =	vsel vm9, $0x4BA, v2  }
0x53: {  	s8 =	simm.s32 $0x50;
	s5 =	sadd.s32 $0x1AA00, s5;
	s6 =	smax.u32 s6, $0x1;
	[tilespmem:$0x1FFF0] =	vst v51;
	v61 =	vsel vm10, $0x43F, v1;
	v63 =	vsel vm10, $0x41600000, v3;
	v62 =	vsel vm10, $0x4BB, v2  }
.LBB2_1:
0x54: {  	[tilespmem:s2], [sflag:$0x3] =	stream.linear.gather [hbm4b:s4+s2], $0x7E0, $0x38;
	[tilespmem:$0x1290] =	vst v63  }
0x55: {  	_ =	swait.ge [sflag:s7], $0x7E0  }
0x56: {  	v0 =	vld [tilespmem:$0x1FCC0]  }
0x57: {  	v48 =	vld [tilespmem:$0x1FCB0]  }
0x58: {  	v7 =	vld [tilespmem:$0x1FCA0]  }
0x59: {  	v49 =	vld [tilespmem:$0x1FC40]  }
0x5a: {  	v50 =	vld [tilespmem:$0x1FC50]  }
0x5b: {  	v51 =	vld [tilespmem:$0x1FC60]  }
0x5c: {  	[sflag:s7] =	ssyncset.done $0x0;
	v4 =	vld [tilespmem:$0x1FC70]  }
0x5d: {  	v6 =	vld [tilespmem:$0x1FC90];
	[sflag:s7] =	ssyncadd.s32 $0xFFFFF820  }
0x5e: {  	v18 =	vld.idx.msk [tilespmem:v0+s2+$0x0], $0xffff  }
0x5f: {  	v5 =	vld [tilespmem:$0x1FC80]  }
0x60: {  	v21 =	vld.idx.msk [tilespmem:v7+s2+$0x0], $0xffff  }
0x61: {  	v19 =	vld.idx.msk [tilespmem:v48+s2+$0x0], $0xffff  }
0x62: {  	v23 =	vld.idx.msk [tilespmem:v49+s2+$0x0], $0xffff  }
0x63: {  	v14 =	vld.idx.msk [tilespmem:v50+s2+$0x0], $0xffff;
	v20 =	vtrunc.f32 v18  }
0x64: {  	v15 =	vld.idx.msk [tilespmem:v51+s2+$0x0], $0xffff;
	v20 =	vcvt.f32.s32 v20  }
0x65: {  	v17 =	vld.idx.msk [tilespmem:v4+s2+$0x0], $0xffff;
	v21 =	vadd.f32 v63, v21  }
0x66: {  	v24 =	vld.idx.msk [tilespmem:v6+s2+$0x0], $0xffff;
	v22 =	vadd.s32 v53, v20  }
0x67: {  	v18 =	vld.idx.msk [tilespmem:v5+s2+$0x0], $0xffff;
	v26 =	vsub.f32 v21, v19;
	v19 =	vadd.s32 v62, v20;
	[tilespmem:$0x7E0] =	vst v22  }
0x68: {  	v22 =	vadd.s32 v54, v20;
	[tilespmem:$0x870] =	vst v19  }
0x69: {  	[tilespmem:$0x7F0] =	vst v22;
	v22 =	vadd.s32 v55, v20  }
0x6a: {  	[tilespmem:$0x800] =	vst v22;
	v22 =	vadd.s32 v56, v20  }
0x6b: {  	[tilespmem:$0x810] =	vst v22;
	v22 =	vadd.s32 v57, v20  }
0x6c: {  	v21 =	vmov s2;
	[tilespmem:$0x820] =	vst v22;
	v22 =	vadd.s32 v58, v20  }
0x6d: {  	s18 =	simm.s32 $0x20;
	v28 =	vcvt.s32.f32 v21;
	[tilespmem:$0x830] =	vst v22;
	v22 =	vadd.s32 v59, v20  }
0x6e: {  	v32 =	vor.u32 s18, v12;
	[tilespmem:$0x840] =	vst v22;
	v22 =	vadd.s32 v60, v20  }
0x6f: {  	s26 =	simm.s32 $0x40;
	v23 =	vsub.f32 v24, v23;
	v30 =	vbroadcast v28, $0x0;
	[tilespmem:$0x850] =	vst v22;
	v22 =	vadd.s32 v61, v20  }
0x70: {  	s28 =	simm.s32 $0x50;
	v33 =	vor.u32 s26, v12;
	v27 =	vadd.f32 $3.200000000e+01, v26;
	v29 =	vadd.f32 $4.800000000e+01, v26;
	[tilespmem:$0x860] =	vst v22  }
0x71: {  	v35 =	vor.u32 s28, v12;
	v19 =	vmul.f32 v26, v14;
	v31 =	vadd.f32 v30, v23;
	[tilespmem:s10], [sflag:$0x1] =	stream.indirect.gather [hbm4b:s3+s8], $0x10, s9, s8, $0xb8;
	[tilespmem:$0x1290] =	vst v63  }
0x72: {  	s29 =	simm.s32 $0x60;
	v24 =	vmul.f32 v27, v14;
	v28 =	vmul.f32 v29, v15;
	v30 =	vadd.f32 $1.000000000e+00, v30  }
0x73: {  	v36 =	vor.u32 s29, v12;
	v37 =	vmul.f32 v31, v15;
	v31 =	vmul.f32 v31, v14;
	[tilespmem:s12], [sflag:$0x2] =	stream.indirect.gather [hbm4b:s3+s8], $0x10, s11, s8, $0xb8;
	[tilespmem:$0x1290] =	vst v63  }
0x74: {  	s17 =	simm.s32 $0x0;
	v30 =	vadd.f32 v30, v23;
	v20 =	vmul.f32 v26, v15;
	v22 =	vadd.f32 $1.600000000e+01, v26;
	_ =	swait.ge [sflag:s13], $0x500  }
0x75: {  	s19 =	simm.s32 $0x10;
	s31 =	simm.s32 $0x30;
	v26 =	vmul.f32 v27, v15;
	v27 =	vmul.f32 v29, v14;
	v29 =	vor.u32 s17, v12;
	[sflag:s13] =	ssyncset.done $0x0  }
0x76: {  	v38 =	vor.u32 s19, v12;
	v39 =	vor.u32 s31, v12;
	v41 =	vadd.f32 v37, v19;
	[sflag:s13] =	ssyncadd.s32 $0xFFFFFB00  }
0x77: {  	s30 =	simm.s32 $0x70;
	v44 =	vsub.f32 v31, v28;
	v45 =	vmul.f32 v30, v14;
	v30 =	vmul.f32 v30, v15;
	_ =	swait.ge [sflag:s14], $0x500  }
0x78: {  	v40 =	vor.u32 s30, v12;
	v9 =	vadd.f32 v37, v24;
	v21 =	vmul.f32 v22, v14;
	[sflag:s14] =	ssyncset.done $0x0  }
0x79: {  	v41 =	vand.u32 $0x7FFFFFFF, v41;
	v44 =	vand.u32 $0x7FFFFFFF, v44;
	v49 =	vadd.f32 v30, v24;
	[sflag:s14] =	ssyncadd.s32 $0xFFFFFB00  }
0x7a: {  	v2 =	vand.u32 $0x7FFFFFFF, v9;
	v22 =	vmul.f32 v22, v15;
	v50 =	vadd.f32 v30, v21;
	v29 =	vld.idx.msk [tilespmem:v29+s10+$0x0], $0xffff  }
0x7b: {  	v42 =	vadd.f32 v37, v27;
	v47 =	vsub.f32 v31, v26;
	vm1 =	vle.f32 v41, v17;
	v48 =	vld.idx.msk [tilespmem:v33+s10+$0x0], $0xffff  }
0x7c: {  	v3 =	vsub.f32 v45, v26;
	v46 =	vsub.f32 v31, v22;
	v11 =	vand.u32 $0x7FFFFFFF, v50;
	v38 =	vld.idx.msk [tilespmem:v38+s10+$0x0], $0xffff  }
0x7d: {  	v10 =	vand.u32 $0x7FFFFFFF, v49;
	vm11 =	vle.f32 v11, v17;
	v11 =	vsub.f32 v45, v28;
	v32 =	vld.idx.msk [tilespmem:v32+s10+$0x0], $0xffff  }
0x7e: {  	v8 =	vsub.f32 v45, v22;
	v31 =	vsub.f32 v31, v20;
	v46 =	vand.u32 $0x7FFFFFFF, v46;
	v35 =	vld.idx.msk [tilespmem:v35+s10+$0x0], $0xffff  }
0x7f: {  	v51 =	vand.u32 $0x7FFFFFFF, v42;
	vm2 =	vle.f32 v46, v18;
	v50 =	vand.u32 $0x7FFFFFFF, v11  }
0x80: {  	v33 =	vand.u32 $0x7FFFFFFF, v8;
	vm0 =	vlt.f32 v29, $0.0e+00;
	vm3 =	vgt.f32 v29, $0.0e+00  }
0x81: {  	vm4 =	vgt.f32 v48, $0.0e+00;
	vm5 =	veq.f32 v29, $3.000000000e+00;
	vm6 =	vgt.f32 v38, $0.0e+00  }
0x82: {  	vm7 =	vgt.f32 v32, $0.0e+00;
	v29 =	vand.u32 $0x7FFFFFFF, v31;
	vm9 =	vlt.f32 v38, $0.0e+00  }
0x83: {  	vm12 =	veq.f32 v32, $3.000000000e+00;
	vm14 =	vlt.f32 v35, $0.0e+00;
	vm3 =	vmor vm3, vm0  }
0x84: {  	vm0 =	vlt.f32 v48, $0.0e+00;
	vm15 =	vle.f32 v29, v18;
	v29 =	vadd.f32 v37, v21  }
0x85: {  	v31 =	vld.idx.msk [tilespmem:v39+s10+$0x0], $0xffff;
	vm6 =	vmor vm6, vm9;
	vm0 =	vmor vm4, vm0;
	vm4 =	vlt.f32 v32, $0.0e+00  }
0x86: {  	vm1 =	vmand vm1, vm15;
	vm15 =	vle.f32 v33, v18;
	vm4 =	vmor vm7, vm4  }
0x87: {  	vm3 =	vmand vm1, vm3;
	vm1 =	vmand vm1, vm5;
	vm5 =	vle.f32 v51, v17  }
0x88: {  	v29 =	vand.u32 $0x7FFFFFFF, v29;
	v0 =	vsel vm3, $0x3F800000, v13;
	vm3 =	vle.f32 v44, v18  }
0x89: {  	v1 =	vsel vm1, $0x3F800000, v13;
	vm1 =	vmand vm5, vm3;
	vm3 =	vle.f32 v29, v17  }
0x8a: {  	vm5 =	vlt.f32 v31, $0.0e+00;
	v29 =	vand.u32 $0x7FFFFFFF, v47;
	vm13 =	veq.f32 v31, $3.000000000e+00  }
0x8b: {  	v37 =	vadd.f32 v0, v13;
	v39 =	vadd.f32 v1, v13;
	vm2 =	vmand vm3, vm2  }
0x8c: {  	vm3 =	vgt.f32 v31, $0.0e+00;
	vm10 =	vle.f32 v29, v18;
	v31 =	vand.u32 $0x7FFFFFFF, v3  }
0x8d: {  	vm3 =	vmor vm3, vm5;
	vm5 =	veq.f32 v38, $3.000000000e+00;
	vm9 =	vle.f32 v31, v18  }
0x8e: {  	v4 =	vld.idx.msk [tilespmem:v36+s10+$0x0], $0xffff;
	v31 =	vadd.f32 v30, v19;
	v30 =	vadd.f32 v30, v27;
	vm5 =	vmand vm2, vm5  }
0x8f: {  	vm2 =	vmand vm2, vm6;
	vm6 =	vmand vm1, vm13;
	vm1 =	vmand vm1, vm3  }
0x90: {  	vm3 =	veq.f32 v35, $3.000000000e+00;
	v29 =	vsel vm5, $0x3F800000, v13;
	vm5 =	vle.f32 v2, v17  }
0x91: {  	v6 =	vsel vm2, $0x3F800000, v13;
	vm2 =	vgt.f32 v35, $0.0e+00;
	v7 =	vsel vm6, $0x3F800000, v13  }
0x92: {  	v5 =	vld.idx.msk [tilespmem:v40+s10+$0x0], $0xffff;
	v49 =	vand.u32 $0x7FFFFFFF, v31;
	v30 =	vand.u32 $0x7FFFFFFF, v30;
	v51 =	vsel vm1, $0x3F800000, v13  }
0x93: {  	vm5 =	vmand vm5, vm10;
	vm10 =	vlt.f32 v4, $0.0e+00;
	vm13 =	vle.f32 v49, v17  }
0x94: {  	v29 =	vadd.f32 v29, v39;
	vm4 =	vmand vm5, vm4;
	vm5 =	vmand vm5, vm12  }
0x95: {  	vm12 =	vle.f32 v30, v17;
	v30 =	vadd.f32 v6, v37;
	v8 =	vsel vm4, $0x3F800000, v13  }
0x96: {  	vm4 =	vmor vm2, vm14;
	vm2 =	vle.f32 v10, v17;
	v9 =	vsel vm5, $0x3F800000, v13  }
0x97: {  	vm5 =	vmand vm11, vm15;
	vm11 =	veq.f32 v5, $3.000000000e+00;
	v10 =	vsub.f32 v45, v20  }
0x98: {  	vm2 =	vmand vm2, vm9;
	vm3 =	vmand vm5, vm3;
	vm4 =	vmand vm5, vm4  }
0x99: {  	vm5 =	vgt.f32 v5, $0.0e+00;
	v29 =	vadd.f32 v9, v29;
	v37 =	vadd.f32 v8, v30  }
0x9a: {  	v33 =	vsel vm3, $0x3F800000, v13;
	vm3 =	vgt.f32 v4, $0.0e+00;
	v35 =	vand.u32 $0x7FFFFFFF, v10  }
0x9b: {  	v31 =	vsel vm4, $0x3F800000, v13;
	vm4 =	vmor vm3, vm10;
	vm3 =	vlt.f32 v5, $0.0e+00  }
0x9c: {  	vm1 =	vle.f32 v35, v18;
	v30 =	vadd.f32 v7, v29;
	v29 =	vadd.f32 v51, v37  }
0x9d: {  	vm3 =	vmor vm5, vm3;
	vm5 =	vle.f32 v50, v18;
	vm1 =	vmand vm13, vm1  }
0x9e: {  	vm5 =	vmand vm12, vm5;
	vm15 =	vmand vm1, vm0;
	vm0 =	veq.f32 v4, $3.000000000e+00  }
0x9f: {  	vm14 =	vmand vm5, vm3;
	vm5 =	vmand vm5, vm11;
	vm3 =	veq.f32 v48, $3.000000000e+00  }
0xa0: {  	v35 =	vsel vm15, $0x3F800000, v13;
	vm1 =	vmand vm1, vm3;
	vm3 =	vmand vm2, vm0  }
0xa1: {  	s18 =	simm.s32 $0x2;
	s17 =	simm.s32 $0xF;
	vm0 =	vmand vm2, vm4;
	v32 =	vsel vm14, $0x3F800000, v13;
	v36 =	vsel vm5, $0x3F800000, v13  }
.LBB2_2:
0xa2: {  	v37 =	vmov s18  }
0xa3: {  	v38 =	vsel vm1, $0x3F800000, v13;
	v39 =	vsel vm3, $0x3F800000, v13;
	v40 =	vsel vm0, $0x3F800000, v13  }
0xa4: {  	s19 =	sshll.u32 s17, $0x4;
	v0 =	vimm.s32 $0x0;
	v37 =	vcvt.s32.f32 v37;
	v30 =	vadd.f32 v38, v30  }
0xa5: {  	v8 =	vimm.s32 $0x0;
	s20 =	sadd.s32 $0xFFFFFF90, s19;
	v29 =	vadd.f32 v35, v29;
	v5 =	vor.u32 s19, v12  }
0xa6: {  	s22 =	sadd.s32 $0xFFFFFFB0, s19;
	s30 =	sadd.s32 $0xFFFFFFD0, s19;
	v9 =	vor.u32 s20, v12;
	v37 =	vbroadcast v37, $0x0;
	v30 =	vadd.f32 v33, v30  }
0xa7: {  	s31 =	sadd.s32 $0xFFFFFFE0, s19;
	v10 =	vor.u32 s22, v12;
	v41 =	vor.u32 s30, v12;
	v29 =	vadd.f32 v31, v29  }
0xa8: {  	s23 =	sadd.s32 $0xFFFFFFF0, s19;
	v11 =	vor.u32 s31, v12;
	v31 =	vadd.f32 v37, v23;
	v30 =	vadd.f32 v39, v30  }
0xa9: {  	s21 =	sadd.s32 $0xFFFFFFA0, s19;
	v42 =	vor.u32 s23, v12;
	v37 =	vadd.f32 $1.000000000e+00, v37;
	v29 =	vadd.f32 v40, v29  }
0xaa: {  	v3 =	vor.u32 s21, v12;
	v40 =	vmul.f32 v31, v15;
	v30 =	vadd.f32 v36, v30  }
0xab: {  	s29 =	sadd.s32 $0xFFFFFFC0, s19;
	v31 =	vmul.f32 v31, v14;
	v4 =	vadd.f32 v37, v23;
	v32 =	vadd.f32 v32, v29  }
0xac: {  	v44 =	vor.u32 s29, v12;
	v29 =	vadd.f32 v40, v19;
	v45 =	vadd.f32 v40, v27  }
0xad: {  	v37 =	vld.idx.msk [tilespmem:v10+s10+$0x0], $0xffff;
	v10 =	vimm.s32 $0x0;
	v46 =	vsub.f32 v31, v22;
	v47 =	vsub.f32 v31, v28  }
0xae: {  	v35 =	vld.idx.msk [tilespmem:v9+s10+$0x0], $0xffff;
	v48 =	vmul.f32 v4, v14;
	v36 =	vmul.f32 v4, v15;
	v49 =	vsub.f32 v31, v26  }
0xaf: {  	v42 =	vld.idx.msk [tilespmem:v42+s10+$0x0], $0xffff;
	v51 =	vadd.f32 v40, v24;
	v31 =	vsub.f32 v31, v20;
	v29 =	vand.u32 $0x7FFFFFFF, v29  }
0xb0: {  	v39 =	vld.idx.msk [tilespmem:v3+s10+$0x0], $0xffff;
	v47 =	vand.u32 $0x7FFFFFFF, v47;
	v50 =	vsub.f32 v48, v22;
	v1 =	vadd.f32 v36, v24  }
0xb1: {  	v41 =	vld.idx.msk [tilespmem:v41+s10+$0x0], $0xffff;
	v6 =	vand.u32 $0x7FFFFFFF, v46;
	v7 =	vadd.f32 v36, v21;
	v9 =	vadd.f32 v36, v19  }
0xb2: {  	v33 =	vld.idx.msk [tilespmem:v11+s10+$0x0], $0xffff;
	v11 =	vand.u32 $0x7FFFFFFF, v45;
	v45 =	vimm.s32 $0x0;
	v2 =	vsub.f32 v48, v26  }
0xb3: {  	v31 =	vand.u32 $0x7FFFFFFF, v31;
	v3 =	vand.u32 $0x7FFFFFFF, v49;
	v4 =	vsub.f32 v48, v28  }
0xb4: {  	vm5 =	vle.f32 v29, v17;
	vm8 =	vle.f32 v6, v18;
	vm0 =	vlt.f32 v42, $0.0e+00  }
0xb5: {  	vm1 =	vlt.f32 v35, $0.0e+00;
	vm2 =	vgt.f32 v35, $0.0e+00;
	vm13 =	veq.f32 v35, $3.000000000e+00  }
0xb6: {  	vm9 =	vgt.f32 v39, $0.0e+00;
	vm4 =	vgt.f32 v41, $0.0e+00;
	vm10 =	vlt.f32 v39, $0.0e+00  }
0xb7: {  	vm7 =	vlt.f32 v37, $0.0e+00;
	vm11 =	vgt.f32 v37, $0.0e+00;
	vm14 =	vle.f32 v11, v17  }
0xb8: {  	v35 =	vadd.f32 v36, v27;
	vm15 =	vle.f32 v31, v18;
	v31 =	vadd.f32 v40, v21  }
0xb9: {  	v50 =	vand.u32 $0x7FFFFFFF, v50;
	v1 =	vand.u32 $0x7FFFFFFF, v1;
	v0 =	vsel vm0, $0xFFFFFFFF, v0  }
0xba: {  	vm0 =	veq.f32 v42, $3.000000000e+00;
	vm12 =	vmor vm2, vm1;
	v46 =	vand.u32 $0x7FFFFFFF, v7  }
0xbb: {  	vm2 =	vlt.f32 v41, $0.0e+00;
	vm11 =	vmor vm11, vm7;
	vm7 =	vgt.f32 v42, $0.0e+00  }
0xbc: {  	v29 =	vld.idx.msk [tilespmem:v5+s10+$0x0], $0xffff;
	vm15 =	vmand vm5, vm15;
	v5 =	vand.u32 $0x7FFFFFFF, v9;
	vm5 =	veq.f32 v41, $3.000000000e+00  }
0xbd: {  	v36 =	vand.u32 $0x7FFFFFFF, v2;
	[tilespmem:$0x1FC00] =	vst v0;
	v0 =	vsel vm0, $0xFFFFFFFF, v8;
	vm6 =	vle.f32 v46, v17  }
0xbe: {  	v46 =	vimm.s32 $0x0;
	vm12 =	vmand vm15, vm12;
	vm13 =	vmand vm15, vm13  }
0xbf: {  	v38 =	vld.idx.msk [tilespmem:v44+s10+$0x0], $0xffff;
	vm15 =	veq.f32 v39, $3.000000000e+00;
	v31 =	vand.u32 $0x7FFFFFFF, v31;
	v8 =	vsub.f32 v48, v20  }
0xc0: {  	v48 =	vand.u32 $0x7FFFFFFF, v4;
	v6 =	vsel vm12, $0x3F800000, v13;
	v7 =	vsel vm13, $0x3F800000, v13  }
0xc1: {  	vm13 =	veq.f32 v37, $3.000000000e+00;
	vm12 =	vle.f32 v47, v18;
	v32 =	vadd.f32 v6, v32  }
0xc2: {  	vm12 =	vmand vm14, vm12;
	vm14 =	vle.f32 v31, v17;
	v31 =	vand.u32 $0x7FFFFFFF, v51  }
0xc3: {  	v30 =	vadd.f32 v7, v30;
	vm0 =	veq.f32 v29, $3.000000000e+00;
	vm14 =	vmand vm14, vm8  }
0xc4: {  	[tilespmem:$0x1FBF0] =	vst v0;
	vm8 =	vgt.f32 v38, $0.0e+00;
	vm1 =	vle.f32 v31, v17;
	v0 =	vsel vm0, $0xFFFFFFFF, v10  }
0xc5: {  	vm0 =	vmor vm4, vm2;
	vm2 =	vle.f32 v3, v18;
	vm4 =	vgt.f32 v33, $0.0e+00  }
0xc6: {  	vm15 =	vmand vm14, vm15;
	[tilespmem:$0x1FC20] =	vst v0;
	v0 =	vsel vm0, $0xFFFFFFFF, v45;
	vm0 =	vgt.f32 v29, $0.0e+00  }
0xc7: {  	v31 =	vsel vm15, $0x3F800000, v13;
	vm1 =	vmand vm1, vm2;
	vm15 =	vle.f32 v5, v17  }
0xc8: {  	[tilespmem:$0x1FC30] =	vst v0;
	v0 =	vsel vm0, $0xFFFFFFFF, v46;
	vm0 =	veq.f32 v38, $3.000000000e+00;
	vm2 =	vmand vm1, vm11  }
0xc9: {  	vm1 =	vmand vm1, vm13;
	v30 =	vadd.f32 v31, v30;
	v31 =	vand.u32 $0x7FFFFFFF, v8  }
0xca: {  	vm13 =	vle.f32 v48, v18;
	vm3 =	vmand vm12, vm0;
	vm0 =	vlt.f32 v38, $0.0e+00  }
0xcb: {  	v11 =	vsel vm2, $0x3F800000, v13;
	vm2 =	vle.f32 v1, v17;
	v42 =	vsel vm1, $0x3F800000, v13  }
0xcc: {  	vm1 =	vle.f32 v50, v18;
	vm8 =	vmor vm8, vm0;
	vm0 =	vmor vm9, vm10  }
0xcd: {  	v44 =	vld [tilespmem:$0x1FBF0];
	v10 =	vsel vm3, $0x3F800000, v13;
	vm3 =	veq.f32 v33, $3.000000000e+00;
	vm1 =	vmand vm6, vm1  }
0xce: {  	v1 =	vadd.f32 v42, v30;
	vm0 =	vmand vm14, vm0;
	vm14 =	vle.f32 v36, v18  }
0xcf: {  	v46 =	vld [tilespmem:$0x1FC00];
	[tilespmem:$0x1FC10] =	vst v0;
	vm3 =	vmand vm1, vm3;
	vm6 =	vmand vm12, vm8;
	v9 =	vsel vm0, $0x3F800000, v13  }
0xd0: {  	v49 =	vld [tilespmem:$0x1FC10];
	vm0 =	vlt.f32 v33, $0.0e+00;
	vm2 =	vmand vm2, vm14;
	v30 =	vadd.f32 v10, v1  }
0xd1: {  	v33 =	vsel vm3, $0x3F800000, v13;
	vm0 =	vmor vm4, vm0;
	v32 =	vadd.f32 v9, v32  }
0xd2: {  	v50 =	vld [tilespmem:$0x1FC20];
	vm4 =	vle.f32 v31, v18;
	vm0 =	vmand vm1, vm0;
	vm1 =	vnez.u8 v44  }
0xd3: {  	v51 =	vld [tilespmem:$0x1FC30];
	vm4 =	vmand vm15, vm4;
	vm3 =	vmand vm2, vm1;
	v31 =	vsel vm0, $0x3F800000, v13  }
0xd4: {  	vm0 =	vnez.u8 v46;
	vm1 =	vlt.f32 v29, $0.0e+00;
	v29 =	vand.u32 $0x7FFFFFFF, v35  }
0xd5: {  	p0 =	sne.s32 s17, $0x9F;
	v47 =	vadd.f32 v11, v32;
	vm14 =	vnez.u8 v49;
	vm12 =	vle.f32 v29, v17  }
.Ltmp0:
0xd6: {  	vm0 =	vmor vm7, vm0;
	vm1 =	vmor vm14, vm1;
	vm15 =	vmand vm12, vm13;
	(pc) =	sbr.rel @p0 .LBB2_2-.Ltmp0, $4  }
0xd7: {  	v29 =	vsel vm6, $0x3F800000, v13;
	vm7 =	vmand vm15, vm1;
	vm1 =	vnez.u8 v50  }
0xd8: {  	v29 =	vadd.f32 v29, v47;
	vm6 =	vmand vm15, vm1;
	vm1 =	vnez.u8 v51  }
0xd9: {  	vm0 =	vmand vm2, vm0;
	v32 =	vsel vm7, $0x3F800000, v13;
	vm8 =	vmand vm4, vm1  }
0xda: {  	s17 =	sadd.s32 $0x8, s17;
	s18 =	sadd.s32 $0x2, s18;
	vm1 =	vmand vm4, vm5;
	v36 =	vsel vm6, $0x3F800000, v13;
	v35 =	vsel vm8, $0x3F800000, v13  }
0xdb: {  	v0 =	vld [tilespmem:$0x1FD50]  }
0xdc: {  	v45 =	vld [tilespmem:$0x1FD40]  }
0xdd: {  	v46 =	vld [tilespmem:$0x1FCD0]  }
0xde: {  	v47 =	vld [tilespmem:$0x1FCE0]  }
0xdf: {  	v48 =	vld [tilespmem:$0x1FCF0]  }
0xe0: {  	v49 =	vld [tilespmem:$0x1FD00]  }
0xe1: {  	v50 =	vld [tilespmem:$0x1FD10]  }
0xe2: {  	s17 =	simm.s32 $0x0;
	v51 =	vld [tilespmem:$0x1FD20]  }
0xe3: {  	v1 =	vld.idx.msk [tilespmem:v0+s17+$0x0], $0xffff  }
0xe4: {  	v4 =	vld [tilespmem:$0x1FD30]  }
0xe5: {  	v15 =	vld.idx.msk [tilespmem:v45+s17+$0x0], $0xffff  }
0xe6: {  	v21 =	vld.idx.msk [tilespmem:v46+s17+$0x0], $0xffff  }
0xe7: {  	v17 =	vld.idx.msk [tilespmem:v47+s17+$0x0], $0xffff  }
0xe8: {  	v18 =	vld.idx.msk [tilespmem:v48+s17+$0x0], $0xffff;
	v1 =	vtrunc.f32 v1  }
0xe9: {  	v19 =	vld.idx.msk [tilespmem:v49+s17+$0x0], $0xffff;
	v1 =	vcvt.f32.s32 v1  }
0xea: {  	v20 =	vld.idx.msk [tilespmem:v50+s17+$0x0], $0xffff  }
0xeb: {  	v22 =	vld.idx.msk [tilespmem:v51+s17+$0x0], $0xffff;
	v23 =	vadd.s32 v53, v1  }
0xec: {  	v14 =	vld.idx.msk [tilespmem:v4+s17+$0x0], $0xffff;
	[tilespmem:$0x7E0] =	vst v23;
	v23 =	vadd.s32 v54, v1  }
0xed: {  	[tilespmem:$0x7F0] =	vst v23;
	v23 =	vadd.s32 v55, v1  }
0xee: {  	[tilespmem:$0x800] =	vst v23;
	v23 =	vadd.s32 v56, v1  }
0xef: {  	[tilespmem:$0x810] =	vst v23;
	v23 =	vadd.s32 v57, v1  }
0xf0: {  	[tilespmem:$0x820] =	vst v23;
	v23 =	vadd.s32 v58, v1  }
0xf1: {  	[tilespmem:$0x830] =	vst v23;
	v23 =	vadd.s32 v59, v1  }
0xf2: {  	[tilespmem:$0x840] =	vst v23;
	v23 =	vadd.s32 v60, v1  }
0xf3: {  	v5 =	vsel vm1, $0x3F800000, v13;
	v35 =	vadd.f32 v35, v29;
	s24 =	simm.s32 $0x0;
	s25 =	simm.s32 $0x40;
	[tilespmem:$0x850] =	vst v23;
	v23 =	vadd.s32 v61, v1  }
0xf4: {  	s18 =	simm.s32 $0x10;
	v37 =	vor.u32 s24, v12;
	v39 =	vor.u32 s25, v12;
	[tilespmem:$0x860] =	vst v23;
	v23 =	vadd.f32 v63, v14  }
0xf5: {  	s26 =	simm.s32 $0x20;
	v41 =	vor.u32 s18, v12;
	v31 =	vadd.f32 v31, v35;
	v1 =	vadd.s32 v62, v1  }
0xf6: {  	v44 =	vor.u32 s26, v12;
	[tilespmem:$0x870] =	vst v1;
	v1 =	vadd.f32 v5, v30;
	v28 =	vsub.f32 v23, v15  }
0xf7: {  	v21 =	vsub.f32 v22, v21;
	v14 =	vsel vm3, $0x3F800000, v13;
	v15 =	vmov s17  }
0xf8: {  	v1 =	vadd.f32 v33, v1;
	v15 =	vcvt.s32.f32 v15;
	v26 =	vadd.f32 $1.600000000e+01, v28  }
0xf9: {  	v22 =	vmul.f32 v28, v17;
	v23 =	vmul.f32 v28, v18;
	v29 =	vadd.f32 $3.200000000e+01, v28  }
0xfa: {  	[tilespmem:s10], [sflag:$0x1] =	stream.indirect.gather [hbm4b:s3+s8], $0x10, s9, s8, $0xb8;
	v38 =	vadd.f32 $4.800000000e+01, v28;
	v1 =	vadd.f32 v14, v1;
	v30 =	vbroadcast v15, $0x0;
	[tilespmem:$0x1290] =	vst v63  }
0xfb: {  	v15 =	vsel vm0, $0x3F800000, v13;
	v24 =	vmul.f32 v26, v17;
	v26 =	vmul.f32 v26, v18  }
0xfc: {  	[tilespmem:s12], [sflag:$0x2] =	stream.indirect.gather [hbm4b:s3+s8], $0x10, s11, s8, $0xb8;
	v27 =	vmul.f32 v29, v17;
	v28 =	vmul.f32 v29, v18;
	v40 =	vadd.f32 v30, v21;
	[tilespmem:$0x1290] =	vst v63  }
0xfd: {  	_ =	swait.ge [sflag:s13], $0x500;
	v29 =	vmul.f32 v38, v17;
	v15 =	vadd.f32 v15, v31;
	v42 =	vadd.f32 $1.000000000e+00, v30  }
0xfe: {  	[sflag:s13] =	ssyncset.done $0x0;
	v14 =	vadd.f32 v36, v1;
	v30 =	vmul.f32 v38, v18;
	v45 =	vmul.f32 v40, v18  }
0xff: {  	s29 =	simm.s32 $0x30;
	[sflag:s13] =	ssyncadd.s32 $0xFFFFFB00;
	v15 =	vadd.f32 v32, v15;
	v6 =	vmul.f32 v40, v17;
	v7 =	vadd.f32 v42, v21  }
0x100: {  	s28 =	simm.s32 $0x50;
	v48 =	vor.u32 s29, v12;
	_ =	swait.ge [sflag:s14], $0x500;
	v46 =	vadd.f32 v45, v22;
	v47 =	vadd.f32 v45, v29  }
0x101: {  	[sflag:s14] =	ssyncset.done $0x0;
	v42 =	vor.u32 s28, v12;
	v49 =	vsub.f32 v6, v26;
	v50 =	vsub.f32 v6, v30  }
0x102: {  	[sflag:s14] =	ssyncadd.s32 $0xFFFFFB00;
	v51 =	vmul.f32 v7, v17;
	v2 =	vsub.f32 v6, v28;
	v9 =	vadd.f32 v45, v27  }
0x103: {  	s31 =	simm.s32 $0x60;
	v37 =	vld.idx.msk [tilespmem:v37+s10+$0x0], $0xffff;
	v40 =	vmul.f32 v7, v18;
	v38 =	vsub.f32 v6, v23;
	v3 =	vadd.f32 v45, v24  }
0x104: {  	v39 =	vld.idx.msk [tilespmem:v39+s10+$0x0], $0xffff;
	v7 =	vor.u32 s31, v12;
	v46 =	vand.u32 $0x7FFFFFFF, v46;
	v50 =	vand.u32 $0x7FFFFFFF, v50  }
0x105: {  	v41 =	vld.idx.msk [tilespmem:v41+s10+$0x0], $0xffff;
	v8 =	vand.u32 $0x7FFFFFFF, v49;
	v10 =	vand.u32 $0x7FFFFFFF, v38;
	v0 =	vand.u32 $0x7FFFFFFF, v47  }
0x106: {  	v44 =	vld.idx.msk [tilespmem:v44+s10+$0x0], $0xffff;
	v2 =	vand.u32 $0x7FFFFFFF, v2;
	v4 =	vand.u32 $0x7FFFFFFF, v9;
	v5 =	vsub.f32 v51, v26  }
0x107: {  	v6 =	vadd.f32 v40, v27;
	v9 =	vadd.f32 v40, v24;
	vm1 =	vle.f32 v46, v19  }
0x108: {  	s30 =	simm.s32 $0x70;
	v11 =	vld.idx.msk [tilespmem:v48+s10+$0x0], $0xffff;
	vm4 =	vle.f32 v8, v20;
	vm10 =	vle.f32 v10, v20;
	vm12 =	vle.f32 v2, v20  }
0x109: {  	v8 =	vor.u32 s30, v12;
	v10 =	vsub.f32 v51, v28;
	vm0 =	vlt.f32 v37, $0.0e+00  }
0x10a: {  	vm2 =	vgt.f32 v37, $0.0e+00;
	vm3 =	vgt.f32 v39, $0.0e+00;
	vm5 =	veq.f32 v37, $3.000000000e+00  }
0x10b: {  	vm6 =	vgt.f32 v41, $0.0e+00;
	vm7 =	vgt.f32 v44, $0.0e+00;
	vm1 =	vmand vm1, vm10  }
0x10c: {  	vm11 =	vlt.f32 v41, $0.0e+00;
	v37 =	vand.u32 $0x7FFFFFFF, v3;
	vm13 =	veq.f32 v44, $3.000000000e+00  }
0x10d: {  	v42 =	vld.idx.msk [tilespmem:v42+s10+$0x0], $0xffff;
	vm14 =	veq.f32 v11, $3.000000000e+00;
	vm2 =	vmor vm2, vm0;
	vm0 =	vlt.f32 v39, $0.0e+00  }
0x10e: {  	vm6 =	vmor vm6, vm11;
	v48 =	vld.idx.msk [tilespmem:v7+s10+$0x0], $0xffff;
	v7 =	vsub.f32 v51, v23;
	vm0 =	vmor vm3, vm0  }
0x10f: {  	vm3 =	vlt.f32 v44, $0.0e+00;
	vm2 =	vmand vm1, vm2;
	vm1 =	vmand vm1, vm5  }
0x110: {  	vm5 =	vle.f32 v0, v19;
	v0 =	vand.u32 $0x7FFFFFFF, v10;
	vm3 =	vmor vm7, vm3  }
0x111: {  	v45 =	vsel vm2, $0x3F800000, v13;
	vm2 =	vle.f32 v50, v20;
	v46 =	vsel vm1, $0x3F800000, v13  }
0x112: {  	vm1 =	vmand vm5, vm2;
	vm2 =	vle.f32 v37, v19;
	vm5 =	vlt.f32 v11, $0.0e+00  }
0x113: {  	v37 =	vand.u32 $0x7FFFFFFF, v5;
	vm15 =	vgt.f32 v42, $0.0e+00;
	vm10 =	veq.f32 v42, $3.000000000e+00  }
0x114: {  	v3 =	vld.idx.msk [tilespmem:v8+s10+$0x0], $0xffff;
	v8 =	vsub.f32 v51, v30;
	vm4 =	vmand vm2, vm4;
	vm2 =	vgt.f32 v11, $0.0e+00  }
0x115: {  	v11 =	vand.u32 $0x7FFFFFFF, v9;
	vm2 =	vmor vm2, vm5;
	vm5 =	veq.f32 v41, $3.000000000e+00  }
0x116: {  	v41 =	vand.u32 $0x7FFFFFFF, v6;
	v6 =	vadd.f32 v40, v22;
	v40 =	vadd.f32 v40, v29  }
0x117: {  	vm11 =	vgt.f32 v48, $0.0e+00;
	v10 =	vand.u32 $0x7FFFFFFF, v8;
	vm5 =	vmand vm4, vm5  }
0x118: {  	vm4 =	vmand vm4, vm6;
	vm6 =	vmand vm1, vm14;
	vm9 =	vle.f32 v41, v19  }
0x119: {  	vm1 =	vmand vm1, vm2;
	vm2 =	vlt.f32 v48, $0.0e+00;
	v41 =	vand.u32 $0x7FFFFFFF, v7  }
0x11a: {  	v2 =	vsel vm5, $0x3F800000, v13;
	vm5 =	vle.f32 v4, v19;
	v44 =	vsel vm4, $0x3F800000, v13  }
0x11b: {  	vm4 =	vle.f32 v11, v19;
	v49 =	vsel vm6, $0x3F800000, v13;
	v9 =	vand.u32 $0x7FFFFFFF, v6  }
0x11c: {  	vm2 =	vmor vm11, vm2;
	v40 =	vand.u32 $0x7FFFFFFF, v40;
	v11 =	vsel vm1, $0x3F800000, v13  }
0x11d: {  	vm5 =	vmand vm5, vm12;
	vm12 =	vle.f32 v41, v20;
	vm1 =	vle.f32 v40, v19  }
0x11e: {  	vm14 =	veq.f32 v3, $3.000000000e+00;
	v41 =	vimm.f32 $0.0e+00;
	vm3 =	vmand vm5, vm3  }
0x11f: {  	vm5 =	vmand vm5, vm13;
	vm13 =	vle.f32 v10, v20;
	v45 =	vadd.f32 v45, v41  }
0x120: {  	v35 =	vadd.f32 v46, v41;
	v4 =	vsel vm3, $0x3F800000, v13;
	vm3 =	vlt.f32 v42, $0.0e+00  }
0x121: {  	v5 =	vsel vm5, $0x3F800000, v13;
	vm5 =	vle.f32 v37, v20;
	vm1 =	vmand vm1, vm13  }
0x122: {  	vm3 =	vmor vm15, vm3;
	vm5 =	vmand vm4, vm5;
	vm4 =	vle.f32 v0, v20  }
0x123: {  	v2 =	vadd.f32 v2, v35;
	vm6 =	vmand vm5, vm10;
	vm3 =	vmand vm5, vm3  }
0x124: {  	vm5 =	vgt.f32 v3, $0.0e+00;
	v33 =	vsel vm3, $0x3F800000, v13;
	vm3 =	vlt.f32 v3, $0.0e+00  }
0x125: {  	v37 =	vsel vm6, $0x3F800000, v13;
	vm3 =	vmor vm5, vm3;
	vm5 =	vle.f32 v9, v19  }
0x126: {  	vm6 =	vmand vm1, vm14;
	v2 =	vadd.f32 v5, v2;
	vm5 =	vmand vm5, vm12  }
0x127: {  	vm8 =	vmand vm5, vm0;
	vm0 =	veq.f32 v48, $3.000000000e+00;
	v48 =	vadd.f32 v44, v45  }
0x128: {  	vm4 =	vmand vm9, vm4;
	v38 =	vsel vm6, $0x3F800000, v13;
	vm15 =	vmand vm1, vm3  }
0x129: {  	vm1 =	veq.f32 v39, $3.000000000e+00;
	v32 =	vadd.f32 v49, v2;
	v51 =	vadd.f32 v4, v48  }
0x12a: {  	vm1 =	vmand vm5, vm1;
	v35 =	vsel vm15, $0x3F800000, v13;
	vm3 =	vmand vm4, vm0  }
0x12b: {  	s18 =	simm.s32 $0x2;
	s17 =	simm.s32 $0xF;
	vm0 =	vmand vm4, vm2;
	v31 =	vsel vm8, $0x3F800000, v13;
	v36 =	vadd.f32 v11, v51  }
.LBB2_4:
0x12c: {  	v1 =	vmov s18  }
0x12d: {  	v2 =	vsel vm1, $0x3F800000, v13;
	v39 =	vsel vm3, $0x3F800000, v13;
	v40 =	vsel vm0, $0x3F800000, v13  }
0x12e: {  	s19 =	sshll.u32 s17, $0x4;
	v0 =	vimm.s32 $0x0;
	v4 =	vimm.s32 $0x0;
	v1 =	vcvt.s32.f32 v1  }
0x12f: {  	s20 =	sadd.s32 $0xFFFFFF90, s19;
	s22 =	sadd.s32 $0xFFFFFFB0, s19;
	v31 =	vadd.f32 v31, v36;
	v2 =	vadd.f32 v2, v32;
	v9 =	vor.u32 s19, v12  }
0x130: {  	s30 =	sadd.s32 $0xFFFFFFD0, s19;
	s31 =	sadd.s32 $0xFFFFFFE0, s19;
	v5 =	vor.u32 s20, v12;
	v36 =	vor.u32 s22, v12;
	v1 =	vbroadcast v1, $0x0  }
0x131: {  	s21 =	sadd.s32 $0xFFFFFFA0, s19;
	v41 =	vor.u32 s30, v12;
	v6 =	vor.u32 s31, v12;
	v2 =	vadd.f32 v37, v2  }
0x132: {  	s23 =	sadd.s32 $0xFFFFFFF0, s19;
	v8 =	vor.u32 s21, v12;
	v31 =	vadd.f32 v33, v31;
	v7 =	vadd.f32 v1, v21  }
0x133: {  	s29 =	sadd.s32 $0xFFFFFFC0, s19;
	v42 =	vor.u32 s23, v12;
	v2 =	vadd.f32 v39, v2;
	v1 =	vadd.f32 $1.000000000e+00, v1  }
0x134: {  	v44 =	vor.u32 s29, v12;
	v31 =	vadd.f32 v40, v31;
	v40 =	vmul.f32 v7, v18  }
0x135: {  	v33 =	vmul.f32 v7, v17;
	v2 =	vadd.f32 v38, v2;
	v1 =	vadd.f32 v1, v21  }
0x136: {  	v35 =	vadd.f32 v35, v31;
	v37 =	vld.idx.msk [tilespmem:v6+s10+$0x0], $0xffff;
	v6 =	vimm.s32 $0x0;
	v31 =	vadd.f32 v40, v22  }
0x137: {  	v39 =	vld.idx.msk [tilespmem:v8+s10+$0x0], $0xffff;
	v8 =	vimm.s32 $0x0;
	v45 =	vadd.f32 v40, v29;
	v46 =	vsub.f32 v33, v26  }
0x138: {  	v32 =	vld.idx.msk [tilespmem:v5+s10+$0x0], $0xffff;
	v47 =	vsub.f32 v33, v30;
	v48 =	vmul.f32 v1, v17;
	v49 =	vsub.f32 v33, v28  }
0x139: {  	v42 =	vld.idx.msk [tilespmem:v42+s10+$0x0], $0xffff;
	v1 =	vmul.f32 v1, v18;
	v51 =	vadd.f32 v40, v27;
	v33 =	vsub.f32 v33, v23  }
0x13a: {  	v31 =	vand.u32 $0x7FFFFFFF, v31;
	v47 =	vand.u32 $0x7FFFFFFF, v47;
	v50 =	vsub.f32 v48, v26  }
0x13b: {  	v41 =	vld.idx.msk [tilespmem:v41+s10+$0x0], $0xffff;
	v3 =	vadd.f32 v1, v27;
	v10 =	vand.u32 $0x7FFFFFFF, v46;
	v11 =	vadd.f32 v1, v24  }
0x13c: {  	v36 =	vld.idx.msk [tilespmem:v36+s10+$0x0], $0xffff;
	v5 =	vadd.f32 v1, v22;
	v7 =	vand.u32 $0x7FFFFFFF, v45;
	v1 =	vadd.f32 v1, v29  }
0x13d: {  	v33 =	vand.u32 $0x7FFFFFFF, v33;
	v45 =	vsub.f32 v48, v30;
	vm5 =	vle.f32 v31, v19  }
0x13e: {  	vm8 =	vle.f32 v10, v20;
	vm0 =	vlt.f32 v42, $0.0e+00;
	vm1 =	vlt.f32 v32, $0.0e+00  }
0x13f: {  	vm2 =	vgt.f32 v32, $0.0e+00;
	vm13 =	veq.f32 v32, $3.000000000e+00;
	vm9 =	vgt.f32 v39, $0.0e+00  }
0x140: {  	v31 =	vld.idx.msk [tilespmem:v9+s10+$0x0], $0xffff;
	vm4 =	vgt.f32 v41, $0.0e+00;
	v9 =	vimm.s32 $0x0;
	vm10 =	vlt.f32 v39, $0.0e+00  }
0x141: {  	vm7 =	vlt.f32 v36, $0.0e+00;
	vm11 =	vgt.f32 v36, $0.0e+00;
	vm14 =	vle.f32 v7, v19  }
0x142: {  	v10 =	vsub.f32 v48, v28;
	vm15 =	vle.f32 v33, v20;
	v7 =	vsub.f32 v48, v23  }
0x143: {  	v50 =	vand.u32 $0x7FFFFFFF, v50;
	v3 =	vand.u32 $0x7FFFFFFF, v3;
	v0 =	vsel vm0, $0xFFFFFFFF, v0  }
0x144: {  	vm0 =	veq.f32 v42, $3.000000000e+00;
	vm12 =	vmor vm2, vm1;
	v46 =	vand.u32 $0x7FFFFFFF, v11  }
0x145: {  	vm2 =	vlt.f32 v41, $0.0e+00;
	vm11 =	vmor vm11, vm7;
	vm7 =	vgt.f32 v42, $0.0e+00  }
0x146: {  	v11 =	vand.u32 $0x7FFFFFFF, v49;
	vm15 =	vmand vm5, vm15;
	v49 =	vand.u32 $0x7FFFFFFF, v5  }
0x147: {  	vm5 =	veq.f32 v41, $3.000000000e+00;
	v1 =	vand.u32 $0x7FFFFFFF, v1;
	[tilespmem:$0x1FBB0] =	vst v0;
	v0 =	vsel vm0, $0xFFFFFFFF, v4  }
0x148: {  	vm6 =	vle.f32 v46, v19;
	v46 =	vadd.f32 v40, v24;
	vm12 =	vmand vm15, vm12  }
0x149: {  	vm13 =	vmand vm15, vm13;
	vm15 =	veq.f32 v39, $3.000000000e+00;
	v32 =	vand.u32 $0x7FFFFFFF, v10  }
0x14a: {  	v4 =	vsel vm12, $0x3F800000, v13;
	v5 =	vsel vm13, $0x3F800000, v13;
	vm13 =	veq.f32 v36, $3.000000000e+00  }
0x14b: {  	v38 =	vld.idx.msk [tilespmem:v44+s10+$0x0], $0xffff;
	vm12 =	vle.f32 v47, v20;
	v36 =	vand.u32 $0x7FFFFFFF, v7;
	v47 =	vand.u32 $0x7FFFFFFF, v45  }
0x14c: {  	v33 =	vand.u32 $0x7FFFFFFF, v46;
	v35 =	vadd.f32 v4, v35;
	vm12 =	vmand vm14, vm12  }
0x14d: {  	v2 =	vadd.f32 v5, v2;
	vm0 =	veq.f32 v31, $3.000000000e+00;
	vm14 =	vle.f32 v33, v19  }
0x14e: {  	[tilespmem:$0x1FBA0] =	vst v0;
	v0 =	vsel vm0, $0xFFFFFFFF, v6;
	vm0 =	vmor vm4, vm2;
	vm2 =	vle.f32 v11, v20  }
0x14f: {  	vm4 =	vgt.f32 v37, $0.0e+00;
	vm14 =	vmand vm14, vm8;
	v6 =	vand.u32 $0x7FFFFFFF, v51  }
0x150: {  	vm8 =	vgt.f32 v38, $0.0e+00;
	[tilespmem:$0x1FBD0] =	vst v0;
	v0 =	vsel vm0, $0xFFFFFFFF, v8;
	vm0 =	vgt.f32 v31, $0.0e+00  }
0x151: {  	vm15 =	vmand vm14, vm15;
	vm1 =	vle.f32 v6, v19;
	[tilespmem:$0x1FBE0] =	vst v0;
	v0 =	vsel vm0, $0xFFFFFFFF, v9  }
0x152: {  	vm0 =	veq.f32 v38, $3.000000000e+00;
	v8 =	vsel vm15, $0x3F800000, v13;
	vm1 =	vmand vm1, vm2  }
0x153: {  	vm15 =	vle.f32 v49, v19;
	vm3 =	vmand vm12, vm0;
	vm0 =	vlt.f32 v38, $0.0e+00  }
0x154: {  	vm2 =	vmand vm1, vm11;
	vm1 =	vmand vm1, vm13;
	v2 =	vadd.f32 v8, v2  }
0x155: {  	vm13 =	vle.f32 v47, v20;
	vm8 =	vmor vm8, vm0;
	vm0 =	vmor vm9, vm10  }
0x156: {  	v10 =	vsel vm3, $0x3F800000, v13;
	v11 =	vsel vm2, $0x3F800000, v13;
	vm2 =	vle.f32 v3, v19  }
0x157: {  	v38 =	vsel vm1, $0x3F800000, v13;
	vm1 =	vle.f32 v50, v20;
	vm3 =	veq.f32 v37, $3.000000000e+00  }
0x158: {  	v42 =	vld [tilespmem:$0x1FBA0];
	vm0 =	vmand vm14, vm0;
	vm1 =	vmand vm6, vm1;
	vm14 =	vle.f32 v32, v20  }
0x159: {  	[tilespmem:$0x1FBC0] =	vst v0;
	v2 =	vadd.f32 v38, v2;
	vm6 =	vmand vm12, vm8;
	vm12 =	vle.f32 v1, v19  }
0x15a: {  	v48 =	vld [tilespmem:$0x1FBC0];
	v9 =	vsel vm0, $0x3F800000, v13;
	vm0 =	vlt.f32 v37, $0.0e+00;
	vm3 =	vmand vm1, vm3  }
0x15b: {  	v44 =	vld [tilespmem:$0x1FBB0];
	vm2 =	vmand vm2, vm14;
	v49 =	vsel vm6, $0x3F800000, v13;
	vm0 =	vmor vm4, vm0  }
0x15c: {  	v50 =	vld [tilespmem:$0x1FBD0];
	v35 =	vadd.f32 v9, v35;
	vm4 =	vle.f32 v36, v20;
	v32 =	vadd.f32 v10, v2  }
0x15d: {  	v51 =	vld [tilespmem:$0x1FBE0];
	v37 =	vsel vm3, $0x3F800000, v13;
	vm0 =	vmand vm1, vm0;
	vm1 =	vnez.u8 v42  }
0x15e: {  	vm4 =	vmand vm15, vm4;
	vm15 =	vmand vm12, vm13;
	vm3 =	vmand vm2, vm1  }
0x15f: {  	p0 =	sne.s32 s17, $0x9F;
	v33 =	vsel vm0, $0x3F800000, v13;
	vm1 =	vlt.f32 v31, $0.0e+00;
	vm14 =	vnez.u8 v48  }
.Ltmp1:
0x160: {  	vm0 =	vnez.u8 v44;
	v46 =	vadd.f32 v11, v35;
	vm1 =	vmor vm14, vm1;
	(pc) =	sbr.rel @p0 .LBB2_4-.Ltmp1, $4  }
0x161: {  	vm0 =	vmor vm7, vm0;
	vm7 =	vmand vm15, vm1;
	vm1 =	vnez.u8 v50  }
0x162: {  	v36 =	vadd.f32 v49, v46;
	vm6 =	vmand vm15, vm1;
	vm1 =	vnez.u8 v51  }
0x163: {  	vm0 =	vmand vm2, vm0;
	v35 =	vsel vm7, $0x3F800000, v13;
	vm8 =	vmand vm4, vm1  }
0x164: {  	s17 =	sadd.s32 $0x8, s17;
	s18 =	sadd.s32 $0x2, s18;
	vm1 =	vmand vm4, vm5;
	v38 =	vsel vm6, $0x3F800000, v13;
	v31 =	vsel vm8, $0x3F800000, v13  }
0x165: {  	v0 =	vld [tilespmem:$0x1FDE0]  }
0x166: {  	v47 =	vld [tilespmem:$0x1FDD0]  }
0x167: {  	v48 =	vld [tilespmem:$0x1FD60]  }
0x168: {  	v49 =	vld [tilespmem:$0x1FD70]  }
0x169: {  	v50 =	vld [tilespmem:$0x1FD80]  }
0x16a: {  	v51 =	vld [tilespmem:$0x1FD90]  }
0x16b: {  	v4 =	vld [tilespmem:$0x1FDA0]  }
0x16c: {  	s17 =	simm.s32 $0x0;
	v5 =	vld [tilespmem:$0x1FDB0]  }
0x16d: {  	v1 =	vld.idx.msk [tilespmem:v0+s17+$0x0], $0xffff  }
0x16e: {  	v6 =	vld [tilespmem:$0x1FDC0]  }
0x16f: {  	v2 =	vld.idx.msk [tilespmem:v47+s17+$0x0], $0xffff  }
0x170: {  	v3 =	vld.idx.msk [tilespmem:v48+s17+$0x0], $0xffff  }
0x171: {  	v19 =	vld.idx.msk [tilespmem:v49+s17+$0x0], $0xffff  }
0x172: {  	v20 =	vld.idx.msk [tilespmem:v50+s17+$0x0], $0xffff;
	v1 =	vtrunc.f32 v1  }
0x173: {  	v21 =	vld.idx.msk [tilespmem:v51+s17+$0x0], $0xffff;
	v1 =	vcvt.f32.s32 v1  }
0x174: {  	v22 =	vld.idx.msk [tilespmem:v4+s17+$0x0], $0xffff  }
0x175: {  	v18 =	vld.idx.msk [tilespmem:v5+s17+$0x0], $0xffff;
	v23 =	vadd.s32 v53, v1  }
0x176: {  	v17 =	vld.idx.msk [tilespmem:v6+s17+$0x0], $0xffff;
	[tilespmem:$0x7E0] =	vst v23;
	v23 =	vadd.s32 v54, v1  }
0x177: {  	[tilespmem:$0x7F0] =	vst v23;
	v23 =	vadd.s32 v55, v1  }
0x178: {  	[tilespmem:$0x800] =	vst v23;
	v23 =	vadd.s32 v56, v1  }
0x179: {  	[tilespmem:$0x810] =	vst v23;
	v23 =	vadd.s32 v57, v1  }
0x17a: {  	[tilespmem:$0x820] =	vst v23;
	v23 =	vadd.s32 v58, v1  }
0x17b: {  	[tilespmem:$0x830] =	vst v23;
	v23 =	vadd.s32 v59, v1  }
0x17c: {  	[tilespmem:$0x840] =	vst v23;
	v23 =	vadd.s32 v60, v1  }
0x17d: {  	v7 =	vsel vm1, $0x3F800000, v13;
	v40 =	vadd.f32 v31, v36;
	s24 =	simm.s32 $0x0;
	[tilespmem:$0x850] =	vst v23;
	v23 =	vadd.s32 v61, v1  }
0x17e: {  	s25 =	simm.s32 $0x40;
	s18 =	simm.s32 $0x10;
	v24 =	vmov s17;
	v9 =	vor.u32 s24, v12;
	[tilespmem:$0x860] =	vst v23;
	v23 =	vadd.f32 v63, v17  }
0x17f: {  	s26 =	simm.s32 $0x20;
	v10 =	vor.u32 s25, v12;
	v41 =	vor.u32 s18, v12;
	v1 =	vadd.s32 v62, v1  }
0x180: {  	s29 =	simm.s32 $0x30;
	v44 =	vor.u32 s26, v12;
	[tilespmem:$0x870] =	vst v1;
	v1 =	vadd.f32 v7, v32;
	v2 =	vsub.f32 v23, v2  }
0x181: {  	v48 =	vor.u32 s29, v12;
	v23 =	vsub.f32 v18, v3;
	v18 =	vcvt.s32.f32 v24  }
0x182: {  	v17 =	vsel vm3, $0x3F800000, v13;
	[tilespmem:s10], [sflag:$0x1] =	stream.indirect.gather [hbm4b:s3+s8], $0x10, s9, s8, $0xb8;
	v1 =	vadd.f32 v37, v1;
	v8 =	vadd.f32 $1.600000000e+01, v2;
	[tilespmem:$0x1290] =	vst v63  }
0x183: {  	v24 =	vmul.f32 v2, v19;
	v30 =	vadd.f32 $3.200000000e+01, v2;
	v31 =	vbroadcast v18, $0x0  }
0x184: {  	[tilespmem:s12], [sflag:$0x2] =	stream.indirect.gather [hbm4b:s3+s8], $0x10, s11, s8, $0xb8;
	v26 =	vmul.f32 v2, v20;
	v2 =	vadd.f32 $4.800000000e+01, v2;
	v1 =	vadd.f32 v17, v1;
	[tilespmem:$0x1290] =	vst v63  }
0x185: {  	_ =	swait.ge [sflag:s13], $0x500;
	v27 =	vmul.f32 v8, v19;
	v28 =	vmul.f32 v8, v20;
	v39 =	vadd.f32 v31, v23  }
0x186: {  	[sflag:s13] =	ssyncset.done $0x0;
	v29 =	vmul.f32 v30, v19;
	v42 =	vadd.f32 $1.000000000e+00, v31;
	v31 =	vmul.f32 v2, v19  }
0x187: {  	v18 =	vsel vm0, $0x3F800000, v13;
	[sflag:s13] =	ssyncadd.s32 $0xFFFFFB00;
	v32 =	vmul.f32 v2, v20;
	v45 =	vmul.f32 v39, v20  }
0x188: {  	v17 =	vadd.f32 v38, v1;
	_ =	swait.ge [sflag:s14], $0x500;
	v11 =	vmul.f32 v39, v19;
	v7 =	vadd.f32 v42, v23  }
0x189: {  	s28 =	simm.s32 $0x50;
	v30 =	vmul.f32 v30, v20;
	[sflag:s14] =	ssyncset.done $0x0;
	v46 =	vadd.f32 v45, v24;
	v47 =	vadd.f32 v45, v31  }
0x18a: {  	v42 =	vor.u32 s28, v12;
	[sflag:s14] =	ssyncadd.s32 $0xFFFFFB00;
	v49 =	vsub.f32 v11, v28;
	v50 =	vsub.f32 v11, v32  }
0x18b: {  	v36 =	vld.idx.msk [tilespmem:v9+s10+$0x0], $0xffff;
	v51 =	vmul.f32 v7, v19;
	v4 =	vsub.f32 v11, v30;
	v9 =	vadd.f32 v45, v29  }
0x18c: {  	v39 =	vmul.f32 v7, v20;
	v2 =	vsub.f32 v11, v26;
	v11 =	vadd.f32 v45, v27  }
0x18d: {  	v3 =	vld.idx.msk [tilespmem:v10+s10+$0x0], $0xffff;
	v46 =	vand.u32 $0x7FFFFFFF, v46;
	v50 =	vand.u32 $0x7FFFFFFF, v50;
	v8 =	vand.u32 $0x7FFFFFFF, v49  }
0x18e: {  	v41 =	vld.idx.msk [tilespmem:v41+s10+$0x0], $0xffff;
	v2 =	vand.u32 $0x7FFFFFFF, v2;
	v10 =	vand.u32 $0x7FFFFFFF, v47;
	v0 =	vadd.f32 v39, v27  }
0x18f: {  	v44 =	vld.idx.msk [tilespmem:v44+s10+$0x0], $0xffff;
	v6 =	vsub.f32 v51, v30;
	vm1 =	vle.f32 v46, v21;
	vm4 =	vle.f32 v8, v22  }
0x190: {  	s30 =	simm.s32 $0x70;
	vm10 =	vle.f32 v2, v22;
	v2 =	vand.u32 $0x7FFFFFFF, v11;
	v8 =	vsub.f32 v51, v28  }
0x191: {  	v11 =	vor.u32 s30, v12;
	vm1 =	vmand vm1, vm10;
	v7 =	vand.u32 $0x7FFFFFFF, v0  }
0x192: {  	v0 =	vsub.f32 v51, v32;
	vm0 =	vlt.f32 v36, $0.0e+00;
	vm2 =	vgt.f32 v36, $0.0e+00  }
0x193: {  	vm3 =	vgt.f32 v3, $0.0e+00;
	vm5 =	veq.f32 v36, $3.000000000e+00;
	vm6 =	vgt.f32 v41, $0.0e+00  }
0x194: {  	vm7 =	vgt.f32 v44, $0.0e+00;
	v36 =	vld.idx.msk [tilespmem:v48+s10+$0x0], $0xffff;
	vm11 =	vlt.f32 v41, $0.0e+00;
	v48 =	vand.u32 $0x7FFFFFFF, v4  }
0x195: {  	v4 =	vand.u32 $0x7FFFFFFF, v8;
	vm13 =	veq.f32 v44, $3.000000000e+00;
	v8 =	vand.u32 $0x7FFFFFFF, v6  }
0x196: {  	v42 =	vld.idx.msk [tilespmem:v42+s10+$0x0], $0xffff;
	vm2 =	vmor vm2, vm0;
	vm0 =	vlt.f32 v3, $0.0e+00;
	vm6 =	vmor vm6, vm11  }
0x197: {  	vm12 =	vle.f32 v48, v22;
	vm0 =	vmor vm3, vm0;
	vm3 =	vlt.f32 v44, $0.0e+00  }
0x198: {  	s31 =	simm.s32 $0x60;
	vm2 =	vmand vm1, vm2;
	vm1 =	vmand vm1, vm5;
	vm5 =	vle.f32 v10, v21  }
0x199: {  	v10 =	vor.u32 s31, v12;
	vm3 =	vmor vm7, vm3;
	v45 =	vsel vm2, $0x3F800000, v13  }
0x19a: {  	vm2 =	vle.f32 v50, v22;
	v46 =	vsel vm1, $0x3F800000, v13;
	v50 =	vand.u32 $0x7FFFFFFF, v9  }
0x19b: {  	v9 =	vadd.f32 v39, v29;
	vm15 =	vgt.f32 v42, $0.0e+00;
	vm10 =	veq.f32 v42, $3.000000000e+00  }
0x19c: {  	v47 =	vld.idx.msk [tilespmem:v11+s10+$0x0], $0xffff;
	v11 =	vadd.f32 v39, v31;
	vm1 =	vmand vm5, vm2;
	vm2 =	vle.f32 v2, v21  }
0x19d: {  	vm4 =	vmand vm2, vm4;
	vm2 =	vgt.f32 v36, $0.0e+00;
	vm5 =	vlt.f32 v36, $0.0e+00  }
0x19e: {  	vm14 =	veq.f32 v36, $3.000000000e+00;
	vm2 =	vmor vm2, vm5;
	vm5 =	veq.f32 v41, $3.000000000e+00  }
0x19f: {  	v41 =	vand.u32 $0x7FFFFFFF, v9;
	v9 =	vadd.f32 v39, v24;
	vm5 =	vmand vm4, vm5  }
0x1a0: {  	vm4 =	vmand vm4, vm6;
	vm6 =	vmand vm1, vm14;
	vm9 =	vle.f32 v41, v21  }
0x1a1: {  	v37 =	vld.idx.msk [tilespmem:v10+s10+$0x0], $0xffff;
	vm1 =	vmand vm1, vm2;
	v10 =	vsub.f32 v51, v26;
	v41 =	vadd.f32 v33, v40  }
0x1a2: {  	v2 =	vsel vm5, $0x3F800000, v13;
	vm5 =	vle.f32 v50, v21;
	v44 =	vsel vm4, $0x3F800000, v13  }
0x1a3: {  	vm4 =	vle.f32 v7, v21;
	v48 =	vsel vm6, $0x3F800000, v13;
	vm5 =	vmand vm5, vm12  }
0x1a4: {  	vm14 =	veq.f32 v47, $3.000000000e+00;
	vm3 =	vmand vm5, vm3;
	vm5 =	vmand vm5, vm13  }
0x1a5: {  	v49 =	vsel vm3, $0x3F800000, v13;
	vm3 =	vlt.f32 v42, $0.0e+00;
	v50 =	vsel vm5, $0x3F800000, v13  }
0x1a6: {  	vm5 =	vle.f32 v4, v22;
	v4 =	vand.u32 $0x7FFFFFFF, v9;
	v9 =	vand.u32 $0x7FFFFFFF, v11  }
0x1a7: {  	v11 =	vsel vm1, $0x3F800000, v13;
	vm3 =	vmor vm15, vm3;
	vm5 =	vmand vm4, vm5  }
0x1a8: {  	vm4 =	vle.f32 v8, v22;
	vm2 =	vlt.f32 v37, $0.0e+00;
	vm11 =	vgt.f32 v37, $0.0e+00  }
0x1a9: {  	v8 =	vand.u32 $0x7FFFFFFF, v10;
	v10 =	vand.u32 $0x7FFFFFFF, v0;
	vm1 =	vle.f32 v9, v21  }
0x1aa: {  	vm4 =	vmand vm9, vm4;
	vm6 =	vmand vm5, vm10;
	vm3 =	vmand vm5, vm3  }
0x1ab: {  	vm5 =	vgt.f32 v47, $0.0e+00;
	vm2 =	vmor vm11, vm2;
	vm12 =	vle.f32 v8, v22  }
0x1ac: {  	vm13 =	vle.f32 v10, v22;
	v39 =	vsel vm6, $0x3F800000, v13;
	v36 =	vsel vm3, $0x3F800000, v13  }
0x1ad: {  	vm3 =	vlt.f32 v47, $0.0e+00;
	vm1 =	vmand vm1, vm13;
	v47 =	vimm.f32 $0.0e+00  }
0x1ae: {  	vm3 =	vmor vm5, vm3;
	vm5 =	vle.f32 v4, v21;
	v51 =	vadd.f32 v45, v47  }
0x1af: {  	vm6 =	vmand vm1, vm14;
	v33 =	vadd.f32 v46, v47;
	v4 =	vadd.f32 v18, v41  }
0x1b0: {  	vm5 =	vmand vm5, vm12;
	vm15 =	vmand vm1, vm3;
	vm1 =	veq.f32 v3, $3.000000000e+00  }
0x1b1: {  	v40 =	vsel vm6, $0x3F800000, v13;
	v2 =	vadd.f32 v2, v33;
	v3 =	vadd.f32 v44, v51  }
0x1b2: {  	vm8 =	vmand vm5, vm0;
	vm1 =	vmand vm5, vm1;
	vm0 =	veq.f32 v37, $3.000000000e+00  }
0x1b3: {  	v37 =	vsel vm15, $0x3F800000, v13;
	v2 =	vadd.f32 v50, v2;
	v3 =	vadd.f32 v49, v3  }
0x1b4: {  	v18 =	vadd.f32 v35, v4;
	vm3 =	vmand vm4, vm0;
	vm0 =	vmand vm4, vm2  }
0x1b5: {  	s18 =	simm.s32 $0x2;
	s17 =	simm.s32 $0xF;
	v33 =	vsel vm8, $0x3F800000, v13;
	v35 =	vadd.f32 v48, v2;
	v38 =	vadd.f32 v11, v3  }
.LBB2_6:
0x1b6: {  	v1 =	vmov s18  }
0x1b7: {  	v2 =	vsel vm1, $0x3F800000, v13;
	v3 =	vsel vm3, $0x3F800000, v13;
	v9 =	vsel vm0, $0x3F800000, v13  }
0x1b8: {  	s19 =	sshll.u32 s17, $0x4;
	v0 =	vimm.s32 $0x0;
	v6 =	vimm.s32 $0x0;
	v1 =	vcvt.s32.f32 v1  }
0x1b9: {  	v7 =	vimm.s32 $0x0;
	s20 =	sadd.s32 $0xFFFFFF90, s19;
	s22 =	sadd.s32 $0xFFFFFFB0, s19;
	v4 =	vadd.f32 v33, v38;
	v2 =	vadd.f32 v2, v35  }
0x1ba: {  	s30 =	sadd.s32 $0xFFFFFFD0, s19;
	s23 =	sadd.s32 $0xFFFFFFF0, s19;
	v8 =	vor.u32 s20, v12;
	v35 =	vor.u32 s22, v12;
	v1 =	vbroadcast v1, $0x0  }
0x1bb: {  	s29 =	sadd.s32 $0xFFFFFFC0, s19;
	v41 =	vor.u32 s30, v12;
	v42 =	vor.u32 s23, v12;
	v2 =	vadd.f32 v39, v2  }
0x1bc: {  	s21 =	sadd.s32 $0xFFFFFFA0, s19;
	v44 =	vor.u32 s29, v12;
	v4 =	vadd.f32 v36, v4;
	v10 =	vadd.f32 v1, v23  }
0x1bd: {  	s31 =	sadd.s32 $0xFFFFFFE0, s19;
	v11 =	vor.u32 s21, v12;
	v2 =	vadd.f32 v3, v2;
	v1 =	vadd.f32 $1.000000000e+00, v1  }
0x1be: {  	v39 =	vor.u32 s31, v12;
	v4 =	vadd.f32 v9, v4;
	v38 =	vmul.f32 v10, v20  }
0x1bf: {  	v36 =	vmul.f32 v10, v19;
	v2 =	vadd.f32 v40, v2;
	v1 =	vadd.f32 v1, v23  }
0x1c0: {  	v40 =	vld.idx.msk [tilespmem:v8+s10+$0x0], $0xffff;
	v8 =	vor.u32 s19, v12;
	v4 =	vadd.f32 v37, v4;
	v9 =	vadd.f32 v38, v24  }
0x1c1: {  	v10 =	vimm.s32 $0x0;
	v45 =	vadd.f32 v38, v31;
	v46 =	vsub.f32 v36, v28  }
0x1c2: {  	v47 =	vsub.f32 v36, v32;
	v48 =	vmul.f32 v1, v19;
	v1 =	vmul.f32 v1, v20  }
0x1c3: {  	v42 =	vld.idx.msk [tilespmem:v42+s10+$0x0], $0xffff;
	v49 =	vsub.f32 v36, v30;
	v36 =	vsub.f32 v36, v26;
	v37 =	vand.u32 $0x7FFFFFFF, v9  }
0x1c4: {  	v3 =	vld.idx.msk [tilespmem:v11+s10+$0x0], $0xffff;
	v47 =	vand.u32 $0x7FFFFFFF, v47;
	v50 =	vsub.f32 v48, v28;
	v51 =	vadd.f32 v1, v29  }
0x1c5: {  	v41 =	vld.idx.msk [tilespmem:v41+s10+$0x0], $0xffff;
	v46 =	vand.u32 $0x7FFFFFFF, v46;
	v5 =	vadd.f32 v1, v27;
	v11 =	vadd.f32 v1, v24  }
0x1c6: {  	v35 =	vld.idx.msk [tilespmem:v35+s10+$0x0], $0xffff;
	v45 =	vand.u32 $0x7FFFFFFF, v45;
	v1 =	vadd.f32 v1, v31;
	v36 =	vand.u32 $0x7FFFFFFF, v36  }
0x1c7: {  	v9 =	vand.u32 $0x7FFFFFFF, v49;
	vm5 =	vle.f32 v37, v21;
	v37 =	vadd.f32 v38, v29  }
0x1c8: {  	vm8 =	vle.f32 v46, v22;
	vm0 =	vlt.f32 v42, $0.0e+00;
	vm1 =	vlt.f32 v40, $0.0e+00  }
0x1c9: {  	vm2 =	vgt.f32 v40, $0.0e+00;
	vm13 =	veq.f32 v40, $3.000000000e+00;
	vm9 =	vgt.f32 v3, $0.0e+00  }
0x1ca: {  	vm4 =	vgt.f32 v41, $0.0e+00;
	v40 =	vimm.s32 $0x0;
	vm10 =	vlt.f32 v3, $0.0e+00  }
0x1cb: {  	vm7 =	vlt.f32 v35, $0.0e+00;
	vm11 =	vgt.f32 v35, $0.0e+00;
	vm14 =	vle.f32 v45, v21  }
0x1cc: {  	v33 =	vld.idx.msk [tilespmem:v8+s10+$0x0], $0xffff;
	v8 =	vsub.f32 v48, v30;
	vm15 =	vle.f32 v36, v22;
	v50 =	vand.u32 $0x7FFFFFFF, v50  }
0x1cd: {  	v46 =	vand.u32 $0x7FFFFFFF, v51;
	v0 =	vsel vm0, $0xFFFFFFFF, v0;
	vm0 =	veq.f32 v42, $3.000000000e+00  }
0x1ce: {  	vm12 =	vmor vm2, vm1;
	v5 =	vand.u32 $0x7FFFFFFF, v5;
	vm2 =	vlt.f32 v41, $0.0e+00  }
0x1cf: {  	vm11 =	vmor vm11, vm7;
	vm7 =	vgt.f32 v42, $0.0e+00;
	v42 =	vsub.f32 v48, v32  }
0x1d0: {  	vm15 =	vmand vm5, vm15;
	vm5 =	veq.f32 v41, $3.000000000e+00;
	v51 =	vsub.f32 v48, v26  }
0x1d1: {  	v1 =	vand.u32 $0x7FFFFFFF, v1;
	[tilespmem:$0x1FB60] =	vst v0;
	v0 =	vsel vm0, $0xFFFFFFFF, v10;
	vm6 =	vle.f32 v5, v21  }
0x1d2: {  	v10 =	vadd.f32 v38, v27;
	v38 =	vand.u32 $0x7FFFFFFF, v11;
	vm12 =	vmand vm15, vm12  }
0x1d3: {  	vm13 =	vmand vm15, vm13;
	vm15 =	veq.f32 v3, $3.000000000e+00;
	v5 =	vand.u32 $0x7FFFFFFF, v8  }
0x1d4: {  	v39 =	vld.idx.msk [tilespmem:v39+s10+$0x0], $0xffff;
	v49 =	vand.u32 $0x7FFFFFFF, v37;
	v11 =	vsel vm12, $0x3F800000, v13;
	v45 =	vsel vm13, $0x3F800000, v13  }
0x1d5: {  	v44 =	vld.idx.msk [tilespmem:v44+s10+$0x0], $0xffff;
	vm13 =	veq.f32 v35, $3.000000000e+00;
	vm12 =	vle.f32 v47, v22;
	vm1 =	vle.f32 v49, v21  }
0x1d6: {  	v35 =	vand.u32 $0x7FFFFFFF, v51;
	v47 =	vand.u32 $0x7FFFFFFF, v42;
	v36 =	vand.u32 $0x7FFFFFFF, v10  }
0x1d7: {  	v3 =	vadd.f32 v11, v4;
	vm12 =	vmand vm14, vm12;
	vm0 =	veq.f32 v33, $3.000000000e+00  }
0x1d8: {  	[tilespmem:$0x1FB50] =	vst v0;
	v2 =	vadd.f32 v45, v2;
	vm14 =	vle.f32 v36, v21;
	v0 =	vsel vm0, $0xFFFFFFFF, v40  }
0x1d9: {  	vm0 =	vmor vm4, vm2;
	vm2 =	vle.f32 v9, v22;
	vm4 =	vgt.f32 v39, $0.0e+00  }
0x1da: {  	vm14 =	vmand vm14, vm8;
	vm8 =	vgt.f32 v44, $0.0e+00;
	[tilespmem:$0x1FB80] =	vst v0;
	v0 =	vsel vm0, $0xFFFFFFFF, v6  }
0x1db: {  	vm0 =	vgt.f32 v33, $0.0e+00;
	vm15 =	vmand vm14, vm15;
	vm1 =	vmand vm1, vm2  }
0x1dc: {  	[tilespmem:$0x1FB90] =	vst v0;
	v0 =	vsel vm0, $0xFFFFFFFF, v7;
	vm0 =	veq.f32 v44, $3.000000000e+00;
	v8 =	vsel vm15, $0x3F800000, v13  }
0x1dd: {  	vm2 =	vmand vm1, vm11;
	vm1 =	vmand vm1, vm13;
	vm15 =	vle.f32 v38, v21  }
0x1de: {  	vm13 =	vle.f32 v47, v22;
	vm3 =	vmand vm12, vm0;
	vm0 =	vlt.f32 v44, $0.0e+00  }
0x1df: {  	v2 =	vadd.f32 v8, v2;
	v11 =	vsel vm2, $0x3F800000, v13;
	vm2 =	vle.f32 v46, v21  }
0x1e0: {  	v41 =	vsel vm1, $0x3F800000, v13;
	vm1 =	vle.f32 v50, v22;
	vm8 =	vmor vm8, vm0  }
0x1e1: {  	vm0 =	vmor vm9, vm10;
	v10 =	vsel vm3, $0x3F800000, v13;
	vm3 =	veq.f32 v39, $3.000000000e+00  }
0x1e2: {  	v44 =	vld [tilespmem:$0x1FB50];
	vm1 =	vmand vm6, vm1;
	vm0 =	vmand vm14, vm0;
	vm14 =	vle.f32 v5, v22  }
0x1e3: {  	[tilespmem:$0x1FB70] =	vst v0;
	v2 =	vadd.f32 v41, v2;
	vm3 =	vmand vm1, vm3;
	vm6 =	vmand vm12, vm8  }
0x1e4: {  	v48 =	vld [tilespmem:$0x1FB70];
	vm12 =	vle.f32 v1, v21;
	v9 =	vsel vm0, $0x3F800000, v13;
	vm0 =	vlt.f32 v39, $0.0e+00  }
0x1e5: {  	v45 =	vld [tilespmem:$0x1FB60];
	vm2 =	vmand vm2, vm14;
	v39 =	vsel vm3, $0x3F800000, v13;
	v49 =	vsel vm6, $0x3F800000, v13  }
0x1e6: {  	v50 =	vld [tilespmem:$0x1FB80];
	vm0 =	vmor vm4, vm0;
	v3 =	vadd.f32 v9, v3;
	vm4 =	vle.f32 v35, v22  }
0x1e7: {  	v51 =	vld [tilespmem:$0x1FB90];
	v35 =	vadd.f32 v10, v2;
	vm0 =	vmand vm1, vm0;
	vm1 =	vnez.u8 v44  }
0x1e8: {  	vm4 =	vmand vm15, vm4;
	vm15 =	vmand vm12, vm13;
	vm3 =	vmand vm2, vm1  }
0x1e9: {  	p0 =	sne.s32 s17, $0x9F;
	v36 =	vsel vm0, $0x3F800000, v13;
	vm1 =	vlt.f32 v33, $0.0e+00;
	vm14 =	vnez.u8 v48  }
.Ltmp2:
0x1ea: {  	vm0 =	vnez.u8 v45;
	v46 =	vadd.f32 v11, v3;
	vm1 =	vmor vm14, vm1;
	(pc) =	sbr.rel @p0 .LBB2_6-.Ltmp2, $4  }
0x1eb: {  	vm0 =	vmor vm7, vm0;
	vm7 =	vmand vm15, vm1;
	vm1 =	vnez.u8 v50  }
0x1ec: {  	v38 =	vadd.f32 v49, v46;
	vm6 =	vmand vm15, vm1;
	vm1 =	vnez.u8 v51  }
0x1ed: {  	vm0 =	vmand vm2, vm0;
	v37 =	vsel vm7, $0x3F800000, v13;
	vm8 =	vmand vm4, vm1  }
0x1ee: {  	s17 =	sadd.s32 $0x8, s17;
	s18 =	sadd.s32 $0x2, s18;
	vm1 =	vmand vm4, vm5;
	v40 =	vsel vm6, $0x3F800000, v13;
	v33 =	vsel vm8, $0x3F800000, v13  }
0x1ef: {  	v0 =	vld [tilespmem:$0x1FE70]  }
0x1f0: {  	v10 =	vld [tilespmem:$0x1FE60]  }
0x1f1: {  	v11 =	vld [tilespmem:$0x1FDF0]  }
0x1f2: {  	v32 =	vld [tilespmem:$0x1FE00]  }
0x1f3: {  	v41 =	vld [tilespmem:$0x1FE10]  }
0x1f4: {  	v42 =	vld [tilespmem:$0x1FE20]  }
0x1f5: {  	v44 =	vld [tilespmem:$0x1FE30]  }
0x1f6: {  	s17 =	simm.s32 $0x0;
	v45 =	vld [tilespmem:$0x1FE40]  }
0x1f7: {  	v1 =	vld.idx.msk [tilespmem:v0+s17+$0x0], $0xffff  }
0x1f8: {  	v46 =	vld [tilespmem:$0x1FE50]  }
0x1f9: {  	v2 =	vld.idx.msk [tilespmem:v10+s17+$0x0], $0xffff  }
0x1fa: {  	v3 =	vld.idx.msk [tilespmem:v11+s17+$0x0], $0xffff  }
0x1fb: {  	v21 =	vld.idx.msk [tilespmem:v32+s17+$0x0], $0xffff  }
0x1fc: {  	v22 =	vld.idx.msk [tilespmem:v41+s17+$0x0], $0xffff;
	v1 =	vtrunc.f32 v1  }
0x1fd: {  	v23 =	vld.idx.msk [tilespmem:v42+s17+$0x0], $0xffff;
	v1 =	vcvt.f32.s32 v1  }
0x1fe: {  	v24 =	vld.idx.msk [tilespmem:v44+s17+$0x0], $0xffff  }
0x1ff: {  	v4 =	vld.idx.msk [tilespmem:v45+s17+$0x0], $0xffff;
	v19 =	vadd.s32 v53, v1  }
0x200: {  	v5 =	vld.idx.msk [tilespmem:v46+s17+$0x0], $0xffff;
	[tilespmem:$0x7E0] =	vst v19;
	v19 =	vadd.s32 v54, v1  }
0x201: {  	[tilespmem:$0x7F0] =	vst v19;
	v19 =	vadd.s32 v55, v1  }
0x202: {  	[tilespmem:$0x800] =	vst v19;
	v19 =	vadd.s32 v56, v1  }
0x203: {  	[tilespmem:$0x810] =	vst v19;
	v19 =	vadd.s32 v57, v1  }
0x204: {  	v47 =	vsel vm1, $0x3F800000, v13;
	s24 =	simm.s32 $0x0;
	v20 =	vsel vm0, $0x3F800000, v13;
	[tilespmem:$0x820] =	vst v19;
	v19 =	vadd.s32 v58, v1  }
0x205: {  	s25 =	simm.s32 $0x40;
	v48 =	vmov s17;
	v8 =	vor.u32 s24, v12;
	[tilespmem:$0x830] =	vst v19;
	v19 =	vadd.s32 v59, v1  }
0x206: {  	v9 =	vor.u32 s25, v12;
	v50 =	vcvt.s32.f32 v48;
	[tilespmem:$0x840] =	vst v19;
	v19 =	vadd.s32 v60, v1  }
0x207: {  	v41 =	vadd.f32 v33, v38;
	v5 =	vadd.f32 v63, v5;
	[tilespmem:$0x850] =	vst v19;
	v19 =	vadd.s32 v61, v1  }
0x208: {  	s18 =	simm.s32 $0x10;
	s29 =	simm.s32 $0x30;
	v26 =	vsub.f32 v4, v3;
	v4 =	vbroadcast v50, $0x0;
	v1 =	vadd.s32 v62, v1;
	[tilespmem:$0x860] =	vst v19  }
0x209: {  	s26 =	simm.s32 $0x20;
	v48 =	vor.u32 s29, v12;
	v10 =	vor.u32 s18, v12;
	v2 =	vsub.f32 v5, v2;
	[tilespmem:$0x870] =	vst v1  }
0x20a: {  	v44 =	vor.u32 s26, v12;
	v41 =	vadd.f32 v36, v41;
	v42 =	vadd.f32 v4, v26;
	[tilespmem:s10], [sflag:$0x1] =	stream.indirect.gather [hbm4b:s3+s8], $0x10, s9, s8, $0xb8;
	[tilespmem:$0x1290] =	vst v63  }
0x20b: {  	v4 =	vadd.f32 $1.000000000e+00, v4;
	v49 =	vadd.f32 $1.600000000e+01, v2;
	v27 =	vmul.f32 v2, v21  }
0x20c: {  	v28 =	vmul.f32 v2, v22;
	v51 =	vadd.f32 $3.200000000e+01, v2;
	v45 =	vmul.f32 v42, v22;
	[tilespmem:s12], [sflag:$0x2] =	stream.indirect.gather [hbm4b:s3+s8], $0x10, s11, s8, $0xb8;
	[tilespmem:$0x1290] =	vst v63  }
0x20d: {  	v2 =	vadd.f32 $4.800000000e+01, v2;
	v11 =	vmul.f32 v42, v21;
	v29 =	vmul.f32 v49, v21;
	_ =	swait.ge [sflag:s13], $0x500  }
0x20e: {  	v4 =	vadd.f32 v4, v26;
	v30 =	vmul.f32 v49, v22;
	v31 =	vmul.f32 v51, v21;
	[sflag:s13] =	ssyncset.done $0x0  }
0x20f: {  	s28 =	simm.s32 $0x50;
	v32 =	vmul.f32 v51, v22;
	v33 =	vmul.f32 v2, v21;
	v46 =	vadd.f32 v45, v27;
	[sflag:s13] =	ssyncadd.s32 $0xFFFFFB00  }
0x210: {  	v42 =	vor.u32 s28, v12;
	v51 =	vmul.f32 v4, v21;
	v4 =	vmul.f32 v4, v22;
	_ =	swait.ge [sflag:s14], $0x500  }
0x211: {  	v49 =	vsub.f32 v11, v30;
	v46 =	vand.u32 $0x7FFFFFFF, v46;
	v6 =	vsub.f32 v11, v32;
	[sflag:s14] =	ssyncset.done $0x0  }
0x212: {  	v0 =	vadd.f32 v4, v29;
	v1 =	vadd.f32 v47, v35;
	v35 =	vmul.f32 v2, v22;
	[sflag:s14] =	ssyncadd.s32 $0xFFFFFB00  }
0x213: {  	vm1 =	vle.f32 v46, v23;
	v47 =	vadd.f32 v45, v33;
	v2 =	vsub.f32 v11, v28;
	v38 =	vld.idx.msk [tilespmem:v8+s10+$0x0], $0xffff  }
0x214: {  	s30 =	simm.s32 $0x70;
	v19 =	vsel vm3, $0x3F800000, v13;
	v50 =	vsub.f32 v11, v35;
	v1 =	vadd.f32 v39, v1;
	v3 =	vld.idx.msk [tilespmem:v9+s10+$0x0], $0xffff  }
0x215: {  	v2 =	vand.u32 $0x7FFFFFFF, v2;
	v11 =	vand.u32 $0x7FFFFFFF, v47;
	v47 =	vor.u32 s30, v12;
	v5 =	vld.idx.msk [tilespmem:v10+s10+$0x0], $0xffff  }
0x216: {  	vm10 =	vle.f32 v2, v24;
	v50 =	vand.u32 $0x7FFFFFFF, v50;
	v1 =	vadd.f32 v19, v1;
	v44 =	vld.idx.msk [tilespmem:v44+s10+$0x0], $0xffff  }
0x217: {  	vm1 =	vmand vm1, vm10;
	v9 =	vand.u32 $0x7FFFFFFF, v49;
	v10 =	vadd.f32 v45, v31;
	v42 =	vld.idx.msk [tilespmem:v42+s10+$0x0], $0xffff  }
0x218: {  	v19 =	vadd.f32 v40, v1;
	vm4 =	vle.f32 v9, v24;
	v9 =	vsub.f32 v51, v30  }
0x219: {  	v8 =	vand.u32 $0x7FFFFFFF, v10;
	v10 =	vadd.f32 v4, v31;
	vm0 =	vlt.f32 v38, $0.0e+00  }
0x21a: {  	vm2 =	vgt.f32 v38, $0.0e+00;
	vm3 =	vgt.f32 v3, $0.0e+00;
	vm5 =	veq.f32 v38, $3.000000000e+00  }
0x21b: {  	vm6 =	vgt.f32 v5, $0.0e+00;
	vm7 =	vgt.f32 v44, $0.0e+00;
	vm11 =	vlt.f32 v5, $0.0e+00  }
0x21c: {  	v38 =	vld.idx.msk [tilespmem:v48+s10+$0x0], $0xffff;
	v48 =	vadd.f32 v45, v29;
	vm13 =	veq.f32 v44, $3.000000000e+00;
	vm15 =	vgt.f32 v42, $0.0e+00  }
0x21d: {  	vm10 =	veq.f32 v42, $3.000000000e+00;
	vm2 =	vmor vm2, vm0;
	vm0 =	vlt.f32 v3, $0.0e+00  }
0x21e: {  	vm6 =	vmor vm6, vm11;
	vm0 =	vmor vm3, vm0;
	vm3 =	vlt.f32 v44, $0.0e+00  }
0x21f: {  	s31 =	simm.s32 $0x60;
	vm2 =	vmand vm1, vm2;
	vm1 =	vmand vm1, vm5;
	vm5 =	vle.f32 v11, v23  }
0x220: {  	v2 =	vand.u32 $0x7FFFFFFF, v48;
	v11 =	vor.u32 s31, v12;
	vm3 =	vmor vm7, vm3  }
0x221: {  	v45 =	vsel vm2, $0x3F800000, v13;
	vm2 =	vle.f32 v50, v24;
	v46 =	vsel vm1, $0x3F800000, v13  }
0x222: {  	v50 =	vand.u32 $0x7FFFFFFF, v6;
	v6 =	vand.u32 $0x7FFFFFFF, v10;
	v10 =	vand.u32 $0x7FFFFFFF, v0  }
0x223: {  	v0 =	vadd.f32 v4, v27;
	v4 =	vadd.f32 v4, v33;
	vm1 =	vmand vm5, vm2  }
0x224: {  	v47 =	vld.idx.msk [tilespmem:v47+s10+$0x0], $0xffff;
	vm2 =	vle.f32 v2, v23;
	vm12 =	vle.f32 v50, v24;
	vm9 =	vle.f32 v6, v23  }
0x225: {  	vm4 =	vmand vm2, vm4;
	vm2 =	vgt.f32 v38, $0.0e+00;
	vm5 =	vlt.f32 v38, $0.0e+00  }
0x226: {  	vm14 =	veq.f32 v38, $3.000000000e+00;
	v4 =	vand.u32 $0x7FFFFFFF, v4;
	vm2 =	vmor vm2, vm5  }
0x227: {  	vm5 =	veq.f32 v5, $3.000000000e+00;
	v5 =	vand.u32 $0x7FFFFFFF, v9;
	v9 =	vsub.f32 v51, v32  }
0x228: {  	vm5 =	vmand vm4, vm5;
	vm4 =	vmand vm4, vm6;
	vm6 =	vmand vm1, vm14  }
0x229: {  	vm1 =	vmand vm1, vm2;
	vm14 =	veq.f32 v47, $3.000000000e+00;
	v2 =	vsel vm5, $0x3F800000, v13  }
0x22a: {  	v39 =	vld.idx.msk [tilespmem:v11+s10+$0x0], $0xffff;
	vm5 =	vle.f32 v8, v23;
	v44 =	vsel vm4, $0x3F800000, v13;
	v11 =	vand.u32 $0x7FFFFFFF, v9  }
0x22b: {  	v9 =	vsub.f32 v51, v28;
	v51 =	vsub.f32 v51, v35;
	vm5 =	vmand vm5, vm12  }
0x22c: {  	vm4 =	vle.f32 v10, v23;
	v48 =	vsel vm6, $0x3F800000, v13;
	vm3 =	vmand vm5, vm3  }
0x22d: {  	vm5 =	vmand vm5, vm13;
	v6 =	vand.u32 $0x7FFFFFFF, v9;
	v10 =	vand.u32 $0x7FFFFFFF, v51  }
0x22e: {  	v49 =	vsel vm3, $0x3F800000, v13;
	vm3 =	vlt.f32 v42, $0.0e+00;
	v50 =	vsel vm5, $0x3F800000, v13  }
0x22f: {  	vm5 =	vle.f32 v5, v24;
	v5 =	vand.u32 $0x7FFFFFFF, v0;
	vm12 =	vle.f32 v6, v24  }
0x230: {  	vm13 =	vle.f32 v10, v24;
	vm3 =	vmor vm15, vm3;
	vm5 =	vmand vm4, vm5  }
0x231: {  	vm4 =	vle.f32 v11, v24;
	vm2 =	vlt.f32 v39, $0.0e+00;
	vm11 =	vgt.f32 v39, $0.0e+00  }
0x232: {  	v11 =	vsel vm1, $0x3F800000, v13;
	vm1 =	vle.f32 v4, v23;
	v4 =	vadd.f32 v20, v41  }
0x233: {  	vm4 =	vmand vm9, vm4;
	vm6 =	vmand vm5, vm10;
	vm3 =	vmand vm5, vm3  }
0x234: {  	vm5 =	vgt.f32 v47, $0.0e+00;
	vm2 =	vmor vm11, vm2;
	vm1 =	vmand vm1, vm13  }
0x235: {  	v42 =	vsel vm6, $0x3F800000, v13;
	v38 =	vsel vm3, $0x3F800000, v13;
	vm3 =	vlt.f32 v47, $0.0e+00  }
0x236: {  	v47 =	vimm.f32 $0.0e+00;
	vm6 =	vmand vm1, vm14;
	vm3 =	vmor vm5, vm3  }
0x237: {  	vm5 =	vle.f32 v5, v23;
	v51 =	vadd.f32 v45, v47;
	v5 =	vadd.f32 v46, v47  }
0x238: {  	v20 =	vadd.f32 v37, v4;
	vm5 =	vmand vm5, vm12;
	vm15 =	vmand vm1, vm3  }
0x239: {  	vm1 =	veq.f32 v3, $3.000000000e+00;
	v2 =	vadd.f32 v2, v5;
	v3 =	vadd.f32 v44, v51  }
0x23a: {  	v41 =	vsel vm6, $0x3F800000, v13;
	vm8 =	vmand vm5, vm0;
	vm1 =	vmand vm5, vm1  }
0x23b: {  	vm0 =	veq.f32 v39, $3.000000000e+00;
	v2 =	vadd.f32 v50, v2;
	v3 =	vadd.f32 v49, v3  }
0x23c: {  	v39 =	vsel vm15, $0x3F800000, v13;
	vm3 =	vmand vm4, vm0;
	vm0 =	vmand vm4, vm2  }
0x23d: {  	s17 =	simm.s32 $0xF;
	s18 =	simm.s32 $0x2;
	v36 =	vsel vm8, $0x3F800000, v13;
	v37 =	vadd.f32 v48, v2;
	v40 =	vadd.f32 v11, v3  }
.LBB2_8:
0x23e: {  	v1 =	vmov s18  }
0x23f: {  	s19 =	sshll.u32 s17, $0x4;
	v2 =	vsel vm1, $0x3F800000, v13;
	v3 =	vsel vm3, $0x3F800000, v13;
	v51 =	vsel vm0, $0x3F800000, v13  }
0x240: {  	v7 =	vimm.s32 $0x0;
	v1 =	vcvt.s32.f32 v1;
	s20 =	sadd.s32 $0xFFFFFF90, s19;
	v4 =	vadd.f32 v36, v40  }
0x241: {  	s22 =	sadd.s32 $0xFFFFFFB0, s19;
	v2 =	vadd.f32 v2, v37;
	s30 =	sadd.s32 $0xFFFFFFD0, s19;
	v11 =	vor.u32 s19, v12;
	v5 =	vor.u32 s20, v12  }
0x242: {  	s31 =	sadd.s32 $0xFFFFFFE0, s19;
	s23 =	sadd.s32 $0xFFFFFFF0, s19;
	v6 =	vor.u32 s22, v12;
	v37 =	vor.u32 s30, v12;
	v1 =	vbroadcast v1, $0x0  }
0x243: {  	s21 =	sadd.s32 $0xFFFFFFA0, s19;
	v40 =	vor.u32 s31, v12;
	v8 =	vor.u32 s23, v12;
	v2 =	vadd.f32 v42, v2  }
0x244: {  	s29 =	sadd.s32 $0xFFFFFFC0, s19;
	v10 =	vor.u32 s21, v12;
	v4 =	vadd.f32 v38, v4;
	v9 =	vadd.f32 v1, v26  }
0x245: {  	v44 =	vor.u32 s29, v12;
	v2 =	vadd.f32 v3, v2;
	v1 =	vadd.f32 $1.000000000e+00, v1  }
0x246: {  	v4 =	vadd.f32 v51, v4;
	v36 =	vld.idx.msk [tilespmem:v11+s10+$0x0], $0xffff;
	v11 =	vimm.s32 $0x0;
	v45 =	vmul.f32 v9, v22  }
0x247: {  	v38 =	vmul.f32 v9, v21;
	v2 =	vadd.f32 v41, v2;
	v1 =	vadd.f32 v1, v26  }
0x248: {  	v4 =	vadd.f32 v39, v4;
	v42 =	vld.idx.msk [tilespmem:v8+s10+$0x0], $0xffff;
	v9 =	vimm.s32 $0x0;
	v0 =	vadd.f32 v45, v27  }
0x249: {  	v3 =	vld.idx.msk [tilespmem:v10+s10+$0x0], $0xffff;
	v10 =	vimm.s32 $0x0;
	v41 =	vadd.f32 v45, v33;
	v47 =	vsub.f32 v38, v35  }
0x24a: {  	v5 =	vld.idx.msk [tilespmem:v5+s10+$0x0], $0xffff;
	v46 =	vsub.f32 v38, v30;
	v48 =	vmul.f32 v1, v21;
	v1 =	vmul.f32 v1, v22  }
0x24b: {  	v37 =	vld.idx.msk [tilespmem:v37+s10+$0x0], $0xffff;
	v49 =	vsub.f32 v38, v32;
	v39 =	vand.u32 $0x7FFFFFFF, v0;
	v47 =	vand.u32 $0x7FFFFFFF, v47  }
0x24c: {  	v6 =	vld.idx.msk [tilespmem:v6+s10+$0x0], $0xffff;
	v50 =	vsub.f32 v48, v30;
	v51 =	vadd.f32 v1, v31;
	v46 =	vand.u32 $0x7FFFFFFF, v46  }
0x24d: {  	v8 =	vadd.f32 v1, v29;
	v0 =	vimm.s32 $0x0;
	vm5 =	vle.f32 v39, v23  }
0x24e: {  	v39 =	vadd.f32 v45, v31;
	vm8 =	vle.f32 v46, v24;
	vm0 =	vlt.f32 v42, $0.0e+00  }
0x24f: {  	vm1 =	vlt.f32 v5, $0.0e+00;
	vm2 =	vgt.f32 v5, $0.0e+00;
	vm13 =	veq.f32 v5, $3.000000000e+00  }
0x250: {  	vm9 =	vgt.f32 v3, $0.0e+00;
	vm4 =	vgt.f32 v37, $0.0e+00;
	v5 =	vand.u32 $0x7FFFFFFF, v41  }
0x251: {  	vm10 =	vlt.f32 v3, $0.0e+00;
	vm7 =	vlt.f32 v6, $0.0e+00;
	vm11 =	vgt.f32 v6, $0.0e+00  }
0x252: {  	v41 =	vsub.f32 v38, v28;
	v38 =	vand.u32 $0x7FFFFFFF, v49;
	v45 =	vadd.f32 v45, v29  }
0x253: {  	v50 =	vand.u32 $0x7FFFFFFF, v50;
	v46 =	vand.u32 $0x7FFFFFFF, v51;
	v0 =	vsel vm0, $0xFFFFFFFF, v0  }
0x254: {  	vm0 =	veq.f32 v42, $3.000000000e+00;
	vm12 =	vmor vm2, vm1;
	v51 =	vadd.f32 v1, v27  }
0x255: {  	v8 =	vand.u32 $0x7FFFFFFF, v8;
	vm2 =	vlt.f32 v37, $0.0e+00;
	vm14 =	vle.f32 v5, v23  }
0x256: {  	v40 =	vld.idx.msk [tilespmem:v40+s10+$0x0], $0xffff;
	v1 =	vadd.f32 v1, v33;
	vm11 =	vmor vm11, vm7;
	v5 =	vsub.f32 v48, v32  }
0x257: {  	vm7 =	vgt.f32 v42, $0.0e+00;
	[tilespmem:$0x1FB10] =	vst v0;
	v0 =	vsel vm0, $0xFFFFFFFF, v7;
	vm6 =	vle.f32 v8, v23  }
0x258: {  	vm0 =	veq.f32 v36, $3.000000000e+00;
	v8 =	vand.u32 $0x7FFFFFFF, v41;
	v41 =	vsub.f32 v48, v35  }
0x259: {  	v39 =	vand.u32 $0x7FFFFFFF, v39;
	[tilespmem:$0x1FB00] =	vst v0;
	v0 =	vsel vm0, $0xFFFFFFFF, v9;
	vm0 =	vmor vm4, vm2  }
0x25a: {  	v44 =	vld.idx.msk [tilespmem:v44+s10+$0x0], $0xffff;
	vm15 =	vle.f32 v8, v24;
	v42 =	vand.u32 $0x7FFFFFFF, v51;
	v5 =	vand.u32 $0x7FFFFFFF, v5  }
0x25b: {  	v8 =	vand.u32 $0x7FFFFFFF, v45;
	vm2 =	vle.f32 v38, v24;
	vm4 =	vgt.f32 v40, $0.0e+00  }
0x25c: {  	v45 =	vsub.f32 v48, v28;
	vm1 =	vle.f32 v39, v23;
	v1 =	vand.u32 $0x7FFFFFFF, v1  }
0x25d: {  	[tilespmem:$0x1FB30] =	vst v0;
	v0 =	vsel vm0, $0xFFFFFFFF, v10;
	vm0 =	vgt.f32 v36, $0.0e+00;
	vm15 =	vmand vm5, vm15  }
0x25e: {  	vm5 =	veq.f32 v37, $3.000000000e+00;
	vm1 =	vmand vm1, vm2;
	[tilespmem:$0x1FB40] =	vst v0;
	v0 =	vsel vm0, $0xFFFFFFFF, v11  }
0x25f: {  	vm0 =	veq.f32 v44, $3.000000000e+00;
	vm12 =	vmand vm15, vm12;
	vm13 =	vmand vm15, vm13  }
0x260: {  	vm15 =	veq.f32 v3, $3.000000000e+00;
	vm2 =	vmand vm1, vm11;
	v49 =	vsel vm12, $0x3F800000, v13  }
0x261: {  	v51 =	vsel vm13, $0x3F800000, v13;
	vm13 =	veq.f32 v6, $3.000000000e+00;
	vm12 =	vle.f32 v47, v24  }
0x262: {  	v6 =	vand.u32 $0x7FFFFFFF, v45;
	v3 =	vadd.f32 v49, v4;
	vm12 =	vmand vm14, vm12  }
0x263: {  	vm14 =	vle.f32 v8, v23;
	v2 =	vadd.f32 v51, v2;
	vm1 =	vmand vm1, vm13  }
0x264: {  	v51 =	vsel vm2, $0x3F800000, v13;
	vm2 =	vle.f32 v46, v23;
	vm3 =	vmand vm12, vm0  }
0x265: {  	vm14 =	vmand vm14, vm8;
	vm8 =	vgt.f32 v44, $0.0e+00;
	vm0 =	vlt.f32 v44, $0.0e+00  }
0x266: {  	v39 =	vsel vm1, $0x3F800000, v13;
	vm1 =	vle.f32 v50, v24;
	vm15 =	vmand vm14, vm15  }
0x267: {  	vm8 =	vmor vm8, vm0;
	vm0 =	vmor vm9, vm10;
	v49 =	vsel vm3, $0x3F800000, v13  }
0x268: {  	vm3 =	veq.f32 v40, $3.000000000e+00;
	vm1 =	vmand vm6, vm1;
	v47 =	vsel vm15, $0x3F800000, v13  }
0x269: {  	vm0 =	vmand vm14, vm0;
	vm14 =	vle.f32 v5, v24;
	vm3 =	vmand vm1, vm3  }
0x26a: {  	v44 =	vld [tilespmem:$0x1FB00];
	vm6 =	vmand vm12, vm8;
	vm15 =	vle.f32 v42, v23;
	vm12 =	vle.f32 v1, v23  }
0x26b: {  	[tilespmem:$0x1FB20] =	vst v0;
	v45 =	vld [tilespmem:$0x1FB10];
	v48 =	vsel vm0, $0x3F800000, v13;
	vm0 =	vlt.f32 v40, $0.0e+00;
	v2 =	vadd.f32 v47, v2  }
0x26c: {  	vm2 =	vmand vm2, vm14;
	v42 =	vsel vm3, $0x3F800000, v13;
	v3 =	vadd.f32 v48, v3;
	v48 =	vld [tilespmem:$0x1FB20]  }
0x26d: {  	v47 =	vand.u32 $0x7FFFFFFF, v41;
	vm0 =	vmor vm4, vm0;
	vm4 =	vle.f32 v6, v24  }
0x26e: {  	v50 =	vld [tilespmem:$0x1FB30];
	vm13 =	vle.f32 v47, v24;
	v2 =	vadd.f32 v39, v2;
	vm0 =	vmand vm1, vm0  }
0x26f: {  	vm1 =	vnez.u8 v44;
	vm4 =	vmand vm15, vm4;
	v46 =	vadd.f32 v51, v3;
	v51 =	vld [tilespmem:$0x1FB40]  }
0x270: {  	vm15 =	vmand vm12, vm13;
	vm3 =	vmand vm2, vm1;
	v38 =	vsel vm0, $0x3F800000, v13  }
0x271: {  	p0 =	sne.s32 s17, $0x9F;
	vm0 =	vnez.u8 v45;
	vm1 =	vlt.f32 v36, $0.0e+00;
	vm14 =	vnez.u8 v48  }
.Ltmp3:
0x272: {  	v37 =	vadd.f32 v49, v2;
	vm0 =	vmor vm7, vm0;
	vm1 =	vmor vm14, vm1;
	(pc) =	sbr.rel @p0 .LBB2_8-.Ltmp3, $4  }
0x273: {  	v49 =	vsel vm6, $0x3F800000, v13;
	vm7 =	vmand vm15, vm1;
	vm1 =	vnez.u8 v50  }
0x274: {  	v40 =	vadd.f32 v49, v46;
	vm6 =	vmand vm15, vm1;
	vm1 =	vnez.u8 v51  }
0x275: {  	vm0 =	vmand vm2, vm0;
	v39 =	vsel vm7, $0x3F800000, v13;
	vm8 =	vmand vm4, vm1  }
0x276: {  	s17 =	sadd.s32 $0x8, s17;
	s18 =	sadd.s32 $0x2, s18;
	vm1 =	vmand vm4, vm5;
	v41 =	vsel vm6, $0x3F800000, v13;
	v36 =	vsel vm8, $0x3F800000, v13  }
0x277: {  	v0 =	vld [tilespmem:$0x1FEF0];
	_ =	sdelay $0x1  }
0x278: {  	v35 =	vld [tilespmem:$0x1FE80]  }
0x279: {  	v44 =	vld [tilespmem:$0x1FE90]  }
0x27a: {  	v45 =	vld [tilespmem:$0x1FEA0]  }
0x27b: {  	v46 =	vld [tilespmem:$0x1FEB0]  }
0x27c: {  	v47 =	vld [tilespmem:$0x1FEC0]  }
0x27d: {  	s17 =	simm.s32 $0x0;
	v48 =	vld [tilespmem:$0x1FED0]  }
0x27e: {  	v1 =	vld.idx.msk [tilespmem:v0+s17+$0x0], $0xffff  }
0x27f: {  	v49 =	vld [tilespmem:$0x1FEE0]  }
0x280: {  	v2 =	vld.idx.msk [tilespmem:v34+s17+$0x0], $0xffff  }
0x281: {  	v3 =	vld.idx.msk [tilespmem:v35+s17+$0x0], $0xffff  }
0x282: {  	v23 =	vld.idx.msk [tilespmem:v44+s17+$0x0], $0xffff  }
0x283: {  	v24 =	vld.idx.msk [tilespmem:v45+s17+$0x0], $0xffff;
	v1 =	vtrunc.f32 v1  }
0x284: {  	v26 =	vld.idx.msk [tilespmem:v46+s17+$0x0], $0xffff;
	v1 =	vcvt.f32.s32 v1  }
0x285: {  	v27 =	vld.idx.msk [tilespmem:v47+s17+$0x0], $0xffff  }
0x286: {  	v4 =	vld.idx.msk [tilespmem:v48+s17+$0x0], $0xffff;
	v6 =	vadd.s32 v53, v1  }
0x287: {  	v5 =	vld.idx.msk [tilespmem:v49+s17+$0x0], $0xffff;
	v50 =	vadd.s32 v54, v1;
	[tilespmem:$0x7E0] =	vst v6  }
0x288: {  	v51 =	vadd.s32 v55, v1;
	[tilespmem:$0x7F0] =	vst v50  }
0x289: {  	v21 =	vsel vm3, $0x3F800000, v13;
	v0 =	vadd.s32 v56, v1;
	[tilespmem:$0x800] =	vst v51  }
0x28a: {  	v22 =	vsel vm0, $0x3F800000, v13;
	v35 =	vsel vm1, $0x3F800000, v13;
	v9 =	vadd.s32 v57, v1;
	[tilespmem:$0x810] =	vst v0  }
0x28b: {  	s26 =	simm.s32 $0x20;
	v44 =	vadd.f32 v36, v40;
	v47 =	vmov s17;
	v10 =	vadd.s32 v58, v1;
	[tilespmem:$0x820] =	vst v9  }
0x28c: {  	v40 =	vor.u32 s26, v12;
	v49 =	vcvt.s32.f32 v47;
	v11 =	vadd.s32 v59, v1;
	[tilespmem:$0x830] =	vst v10  }
0x28d: {  	v44 =	vadd.f32 v38, v44;
	v5 =	vadd.f32 v63, v5;
	v32 =	vadd.s32 v60, v1;
	[tilespmem:$0x840] =	vst v11  }
0x28e: {  	s25 =	simm.s32 $0x40;
	v28 =	vsub.f32 v4, v3;
	v4 =	vbroadcast v49, $0x0;
	v33 =	vadd.s32 v61, v1;
	[tilespmem:$0x850] =	vst v32  }
0x28f: {  	s18 =	simm.s32 $0x10;
	v3 =	vor.u32 s25, v12;
	v2 =	vsub.f32 v5, v2;
	v1 =	vadd.s32 v62, v1;
	[tilespmem:$0x860] =	vst v33  }
0x290: {  	v8 =	vadd.f32 v4, v28;
	v5 =	vor.u32 s18, v12;
	v4 =	vadd.f32 $1.000000000e+00, v4;
	[tilespmem:$0x870] =	vst v1  }
0x291: {  	v1 =	vadd.f32 v35, v37;
	v48 =	vadd.f32 $1.600000000e+01, v2;
	v29 =	vmul.f32 v2, v23;
	[tilespmem:s10], [sflag:$0x1] =	stream.indirect.gather [hbm4b:s3+s8], $0x10, s9, s8, $0xb8;
	[tilespmem:$0x1290] =	vst v63  }
0x292: {  	s24 =	simm.s32 $0x0;
	v30 =	vmul.f32 v2, v24;
	v50 =	vadd.f32 $3.200000000e+01, v2;
	v45 =	vmul.f32 v8, v24  }
0x293: {  	v2 =	vadd.f32 $4.800000000e+01, v2;
	v31 =	vmul.f32 v48, v23;
	v32 =	vmul.f32 v48, v24;
	[tilespmem:s12], [sflag:$0x2] =	stream.indirect.gather [hbm4b:s3+s8], $0x10, s11, s8, $0xb8;
	[tilespmem:$0x1290] =	vst v63  }
0x294: {  	v51 =	vor.u32 s24, v12;
	v33 =	vmul.f32 v50, v23;
	v35 =	vmul.f32 v50, v24;
	_ =	swait.ge [sflag:s13], $0x500  }
0x295: {  	s28 =	simm.s32 $0x50;
	v4 =	vadd.f32 v4, v28;
	v36 =	vmul.f32 v2, v23;
	v37 =	vmul.f32 v2, v24;
	[sflag:s13] =	ssyncset.done $0x0  }
0x296: {  	s29 =	simm.s32 $0x30;
	v2 =	vmul.f32 v8, v23;
	v8 =	vor.u32 s28, v12;
	v46 =	vadd.f32 v45, v29;
	[sflag:s13] =	ssyncadd.s32 $0xFFFFFB00  }
0x297: {  	s31 =	simm.s32 $0x60;
	v48 =	vor.u32 s29, v12;
	v1 =	vadd.f32 v42, v1;
	v47 =	vadd.f32 v45, v36;
	_ =	swait.ge [sflag:s14], $0x500  }
0x298: {  	v42 =	vor.u32 s31, v12;
	v49 =	vsub.f32 v2, v32;
	v50 =	vsub.f32 v2, v37;
	[sflag:s14] =	ssyncset.done $0x0  }
0x299: {  	v46 =	vand.u32 $0x7FFFFFFF, v46;
	v9 =	vsub.f32 v2, v35;
	v2 =	vsub.f32 v2, v30;
	[sflag:s14] =	ssyncadd.s32 $0xFFFFFB00  }
0x29a: {  	v11 =	vadd.f32 v45, v31;
	v1 =	vadd.f32 v21, v1;
	vm1 =	vle.f32 v46, v26;
	v6 =	vld.idx.msk [tilespmem:v51+s10+$0x0], $0xffff  }
0x29b: {  	v50 =	vand.u32 $0x7FFFFFFF, v50;
	v3 =	vld.idx.msk [tilespmem:v3+s10+$0x0], $0xffff;
	v51 =	vmul.f32 v4, v23;
	v4 =	vmul.f32 v4, v24  }
0x29c: {  	s30 =	simm.s32 $0x70;
	v7 =	vand.u32 $0x7FFFFFFF, v49;
	v49 =	vadd.f32 v45, v33;
	v2 =	vand.u32 $0x7FFFFFFF, v2;
	v5 =	vld.idx.msk [tilespmem:v5+s10+$0x0], $0xffff  }
0x29d: {  	v10 =	vand.u32 $0x7FFFFFFF, v47;
	v45 =	vor.u32 s30, v12;
	v40 =	vld.idx.msk [tilespmem:v40+s10+$0x0], $0xffff;
	v0 =	vadd.f32 v4, v31  }
0x29e: {  	v21 =	vadd.f32 v41, v1;
	vm4 =	vle.f32 v7, v27;
	vm10 =	vle.f32 v2, v27;
	v8 =	vld.idx.msk [tilespmem:v8+s10+$0x0], $0xffff  }
0x29f: {  	v2 =	vand.u32 $0x7FFFFFFF, v11;
	vm1 =	vmand vm1, vm10;
	v11 =	vand.u32 $0x7FFFFFFF, v0  }
0x2a0: {  	v0 =	vadd.f32 v4, v29;
	vm0 =	vlt.f32 v6, $0.0e+00;
	vm2 =	vgt.f32 v6, $0.0e+00  }
0x2a1: {  	v42 =	vld.idx.msk [tilespmem:v42+s10+$0x0], $0xffff;
	vm3 =	vgt.f32 v3, $0.0e+00;
	vm5 =	veq.f32 v6, $3.000000000e+00;
	vm6 =	vgt.f32 v5, $0.0e+00  }
0x2a2: {  	vm7 =	vgt.f32 v40, $0.0e+00;
	v6 =	vld.idx.msk [tilespmem:v48+s10+$0x0], $0xffff;
	vm11 =	vlt.f32 v5, $0.0e+00;
	v48 =	vand.u32 $0x7FFFFFFF, v9  }
0x2a3: {  	v9 =	vadd.f32 v4, v33;
	vm13 =	veq.f32 v40, $3.000000000e+00;
	vm15 =	vgt.f32 v8, $0.0e+00  }
0x2a4: {  	vm10 =	veq.f32 v8, $3.000000000e+00;
	v4 =	vadd.f32 v4, v36;
	vm2 =	vmor vm2, vm0  }
0x2a5: {  	vm0 =	vlt.f32 v3, $0.0e+00;
	vm6 =	vmor vm6, vm11;
	vm12 =	vle.f32 v48, v27  }
0x2a6: {  	vm11 =	vgt.f32 v42, $0.0e+00;
	vm0 =	vmor vm3, vm0;
	vm3 =	vlt.f32 v40, $0.0e+00  }
0x2a7: {  	vm2 =	vmand vm1, vm2;
	vm1 =	vmand vm1, vm5;
	vm5 =	vle.f32 v10, v26  }
0x2a8: {  	v9 =	vand.u32 $0x7FFFFFFF, v9;
	v10 =	vsub.f32 v51, v35;
	v4 =	vand.u32 $0x7FFFFFFF, v4  }
0x2a9: {  	vm3 =	vmor vm7, vm3;
	v46 =	vsel vm2, $0x3F800000, v13;
	vm2 =	vle.f32 v50, v27  }
0x2aa: {  	v47 =	vsel vm1, $0x3F800000, v13;
	v50 =	vand.u32 $0x7FFFFFFF, v49;
	vm9 =	vle.f32 v9, v26  }
0x2ab: {  	vm1 =	vmand vm5, vm2;
	vm2 =	vle.f32 v2, v26;
	v40 =	vand.u32 $0x7FFFFFFF, v10  }
0x2ac: {  	vm4 =	vmand vm2, vm4;
	vm2 =	vgt.f32 v6, $0.0e+00;
	vm5 =	vlt.f32 v6, $0.0e+00  }
0x2ad: {  	vm14 =	veq.f32 v6, $3.000000000e+00;
	vm2 =	vmor vm2, vm5;
	vm5 =	veq.f32 v5, $3.000000000e+00  }
0x2ae: {  	v5 =	vsub.f32 v51, v32;
	vm5 =	vmand vm4, vm5;
	vm4 =	vmand vm4, vm6  }
0x2af: {  	vm6 =	vmand vm1, vm14;
	vm1 =	vmand vm1, vm2;
	vm2 =	vlt.f32 v42, $0.0e+00  }
0x2b0: {  	v2 =	vsel vm5, $0x3F800000, v13;
	vm5 =	vle.f32 v50, v26;
	v5 =	vand.u32 $0x7FFFFFFF, v5  }
0x2b1: {  	v48 =	vsel vm4, $0x3F800000, v13;
	vm4 =	vle.f32 v11, v26;
	v9 =	vsel vm1, $0x3F800000, v13  }
0x2b2: {  	vm1 =	vle.f32 v4, v26;
	v4 =	vadd.f32 v22, v44;
	vm5 =	vmand vm5, vm12  }
0x2b3: {  	v49 =	vsel vm6, $0x3F800000, v13;
	vm2 =	vmor vm11, vm2;
	vm3 =	vmand vm5, vm3  }
0x2b4: {  	v50 =	vld.idx.msk [tilespmem:v45+s10+$0x0], $0xffff;
	vm5 =	vmand vm5, vm13;
	v22 =	vadd.f32 v39, v4;
	v10 =	vsel vm3, $0x3F800000, v13  }
0x2b5: {  	vm3 =	vlt.f32 v8, $0.0e+00;
	v11 =	vsel vm5, $0x3F800000, v13;
	vm5 =	vle.f32 v5, v27  }
0x2b6: {  	v5 =	vand.u32 $0x7FFFFFFF, v0;
	vm3 =	vmor vm15, vm3;
	vm5 =	vmand vm4, vm5  }
0x2b7: {  	vm4 =	vle.f32 v40, v27;
	v40 =	vsub.f32 v51, v30;
	v51 =	vsub.f32 v51, v37  }
0x2b8: {  	vm4 =	vmand vm9, vm4;
	vm6 =	vmand vm5, vm10;
	vm3 =	vmand vm5, vm3  }
0x2b9: {  	vm5 =	vgt.f32 v50, $0.0e+00;
	vm14 =	veq.f32 v50, $3.000000000e+00;
	v45 =	vsel vm6, $0x3F800000, v13  }
0x2ba: {  	v6 =	vand.u32 $0x7FFFFFFF, v40;
	v40 =	vsel vm3, $0x3F800000, v13;
	vm3 =	vlt.f32 v50, $0.0e+00  }
0x2bb: {  	v0 =	vand.u32 $0x7FFFFFFF, v51;
	v50 =	vimm.f32 $0.0e+00;
	vm12 =	vle.f32 v6, v27  }
0x2bc: {  	vm3 =	vmor vm5, vm3;
	vm5 =	vle.f32 v5, v26;
	vm13 =	vle.f32 v0, v27  }
0x2bd: {  	v51 =	vadd.f32 v46, v50;
	v5 =	vadd.f32 v47, v50;
	vm1 =	vmand vm1, vm13  }
0x2be: {  	vm5 =	vmand vm5, vm12;
	vm15 =	vmand vm1, vm3;
	vm6 =	vmand vm1, vm14  }
0x2bf: {  	vm1 =	veq.f32 v3, $3.000000000e+00;
	v2 =	vadd.f32 v2, v5;
	v3 =	vadd.f32 v48, v51  }
0x2c0: {  	vm8 =	vmand vm5, vm0;
	vm0 =	veq.f32 v42, $3.000000000e+00;
	vm1 =	vmand vm5, vm1  }
0x2c1: {  	vm3 =	vmand vm4, vm0;
	v2 =	vadd.f32 v11, v2;
	v3 =	vadd.f32 v10, v3  }
0x2c2: {  	vm0 =	vmand vm4, vm2;
	v38 =	vsel vm8, $0x3F800000, v13;
	v42 =	vsel vm15, $0x3F800000, v13  }
0x2c3: {  	s17 =	simm.s32 $0xF;
	s18 =	simm.s32 $0x2;
	v44 =	vsel vm6, $0x3F800000, v13;
	v39 =	vadd.f32 v49, v2;
	v41 =	vadd.f32 v9, v3  }
.LBB2_10:
0x2c4: {  	v1 =	vmov s18  }
0x2c5: {  	s19 =	sshll.u32 s17, $0x4;
	v2 =	vsel vm1, $0x3F800000, v13;
	v3 =	vsel vm3, $0x3F800000, v13;
	v1 =	vcvt.s32.f32 v1  }
0x2c6: {  	v8 =	vsel vm0, $0x3F800000, v13;
	s20 =	sadd.s32 $0xFFFFFF90, s19;
	v4 =	vadd.f32 v38, v41;
	v2 =	vadd.f32 v2, v39  }
0x2c7: {  	s22 =	sadd.s32 $0xFFFFFFB0, s19;
	s30 =	sadd.s32 $0xFFFFFFD0, s19;
	v38 =	vor.u32 s19, v12;
	v5 =	vor.u32 s20, v12;
	v1 =	vbroadcast v1, $0x0  }
0x2c8: {  	s21 =	sadd.s32 $0xFFFFFFA0, s19;
	v6 =	vor.u32 s22, v12;
	v9 =	vor.u32 s30, v12;
	v2 =	vadd.f32 v45, v2  }
0x2c9: {  	s23 =	sadd.s32 $0xFFFFFFF0, s19;
	v51 =	vor.u32 s21, v12;
	v4 =	vadd.f32 v40, v4;
	v50 =	vadd.f32 v1, v28  }
0x2ca: {  	s31 =	sadd.s32 $0xFFFFFFE0, s19;
	v11 =	vor.u32 s23, v12;
	v2 =	vadd.f32 v3, v2;
	v1 =	vadd.f32 $1.000000000e+00, v1  }
0x2cb: {  	v10 =	vor.u32 s31, v12;
	v4 =	vadd.f32 v8, v4;
	v8 =	vmul.f32 v50, v24  }
0x2cc: {  	s29 =	sadd.s32 $0xFFFFFFC0, s19;
	v40 =	vmul.f32 v50, v23;
	v2 =	vadd.f32 v44, v2;
	v1 =	vadd.f32 v1, v28  }
0x2cd: {  	v39 =	vor.u32 s29, v12;
	v4 =	vadd.f32 v42, v4;
	v0 =	vadd.f32 v8, v29  }
0x2ce: {  	v3 =	vld.idx.msk [tilespmem:v51+s10+$0x0], $0xffff;
	v51 =	vimm.s32 $0x0;
	v42 =	vadd.f32 v8, v36;
	v7 =	vsub.f32 v40, v32  }
0x2cf: {  	v11 =	vld.idx.msk [tilespmem:v11+s10+$0x0], $0xffff;
	v50 =	vsub.f32 v40, v37;
	v46 =	vmul.f32 v1, v23;
	v1 =	vmul.f32 v1, v24  }
0x2d0: {  	v5 =	vld.idx.msk [tilespmem:v5+s10+$0x0], $0xffff;
	v47 =	vsub.f32 v40, v35;
	v40 =	vsub.f32 v40, v30;
	v41 =	vand.u32 $0x7FFFFFFF, v0  }
0x2d1: {  	v9 =	vld.idx.msk [tilespmem:v9+s10+$0x0], $0xffff;
	v45 =	vand.u32 $0x7FFFFFFF, v50;
	v48 =	vsub.f32 v46, v32;
	v49 =	vadd.f32 v1, v33  }
0x2d2: {  	v6 =	vld.idx.msk [tilespmem:v6+s10+$0x0], $0xffff;
	v44 =	vand.u32 $0x7FFFFFFF, v7;
	v50 =	vadd.f32 v1, v31;
	v0 =	vimm.s32 $0x0  }
0x2d3: {  	v7 =	vimm.s32 $0x0;
	v47 =	vand.u32 $0x7FFFFFFF, v47;
	vm5 =	vle.f32 v41, v26  }
0x2d4: {  	v41 =	vadd.f32 v8, v33;
	vm8 =	vle.f32 v44, v27;
	vm0 =	vlt.f32 v11, $0.0e+00  }
0x2d5: {  	vm1 =	vlt.f32 v5, $0.0e+00;
	vm2 =	vgt.f32 v5, $0.0e+00;
	vm13 =	veq.f32 v5, $3.000000000e+00  }
0x2d6: {  	vm9 =	vgt.f32 v3, $0.0e+00;
	vm4 =	vgt.f32 v9, $0.0e+00;
	v5 =	vand.u32 $0x7FFFFFFF, v42  }
0x2d7: {  	vm10 =	vlt.f32 v3, $0.0e+00;
	vm7 =	vlt.f32 v6, $0.0e+00;
	vm11 =	vgt.f32 v6, $0.0e+00  }
0x2d8: {  	v42 =	vsub.f32 v46, v37;
	v8 =	vadd.f32 v8, v31;
	v48 =	vand.u32 $0x7FFFFFFF, v48  }
0x2d9: {  	v38 =	vld.idx.msk [tilespmem:v38+s10+$0x0], $0xffff;
	v44 =	vand.u32 $0x7FFFFFFF, v49;
	v0 =	vsel vm0, $0xFFFFFFFF, v0;
	vm0 =	veq.f32 v11, $3.000000000e+00  }
0x2da: {  	vm12 =	vmor vm2, vm1;
	v49 =	vadd.f32 v1, v29;
	v50 =	vand.u32 $0x7FFFFFFF, v50  }
0x2db: {  	vm2 =	vlt.f32 v9, $0.0e+00;
	vm14 =	vle.f32 v5, v26;
	v1 =	vadd.f32 v1, v36  }
0x2dc: {  	v10 =	vld.idx.msk [tilespmem:v10+s10+$0x0], $0xffff;
	vm11 =	vmor vm11, vm7;
	v5 =	vsub.f32 v46, v35;
	vm7 =	vgt.f32 v11, $0.0e+00  }
0x2dd: {  	v46 =	vsub.f32 v46, v30;
	[tilespmem:$0x1FAC0] =	vst v0;
	v0 =	vsel vm0, $0xFFFFFFFF, v51;
	vm6 =	vle.f32 v50, v26  }
0x2de: {  	v39 =	vld.idx.msk [tilespmem:v39+s10+$0x0], $0xffff;
	vm0 =	veq.f32 v38, $3.000000000e+00;
	v50 =	vimm.s32 $0x0;
	v51 =	vimm.s32 $0x0  }
0x2df: {  	v8 =	vand.u32 $0x7FFFFFFF, v8;
	[tilespmem:$0x1FAB0] =	vst v0;
	v0 =	vsel vm0, $0xFFFFFFFF, v7;
	vm0 =	vmor vm4, vm2  }
0x2e0: {  	v7 =	vand.u32 $0x7FFFFFFF, v40;
	v11 =	vand.u32 $0x7FFFFFFF, v49;
	v5 =	vand.u32 $0x7FFFFFFF, v5  }
0x2e1: {  	vm2 =	vle.f32 v47, v27;
	vm4 =	vgt.f32 v10, $0.0e+00;
	v1 =	vand.u32 $0x7FFFFFFF, v1  }
0x2e2: {  	[tilespmem:$0x1FAE0] =	vst v0;
	v0 =	vsel vm0, $0xFFFFFFFF, v50;
	vm0 =	vgt.f32 v38, $0.0e+00;
	vm15 =	vle.f32 v7, v27  }
0x2e3: {  	[tilespmem:$0x1FAF0] =	vst v0;
	v0 =	vsel vm0, $0xFFFFFFFF, v51;
	vm0 =	veq.f32 v39, $3.000000000e+00;
	vm15 =	vmand vm5, vm15  }
0x2e4: {  	vm5 =	veq.f32 v9, $3.000000000e+00;
	vm12 =	vmand vm15, vm12;
	vm13 =	vmand vm15, vm13  }
0x2e5: {  	vm15 =	veq.f32 v3, $3.000000000e+00;
	v50 =	vsel vm12, $0x3F800000, v13;
	v51 =	vsel vm13, $0x3F800000, v13  }
0x2e6: {  	vm13 =	veq.f32 v6, $3.000000000e+00;
	vm12 =	vle.f32 v45, v27;
	v45 =	vand.u32 $0x7FFFFFFF, v41  }
0x2e7: {  	v6 =	vand.u32 $0x7FFFFFFF, v46;
	v3 =	vadd.f32 v50, v4;
	vm12 =	vmand vm14, vm12  }
0x2e8: {  	vm14 =	vle.f32 v8, v26;
	v2 =	vadd.f32 v51, v2;
	vm1 =	vle.f32 v45, v26  }
0x2e9: {  	vm3 =	vmand vm12, vm0;
	vm14 =	vmand vm14, vm8;
	vm8 =	vgt.f32 v39, $0.0e+00  }
0x2ea: {  	vm0 =	vlt.f32 v39, $0.0e+00;
	vm1 =	vmand vm1, vm2;
	vm15 =	vmand vm14, vm15  }
0x2eb: {  	vm8 =	vmor vm8, vm0;
	vm0 =	vmor vm9, vm10;
	vm2 =	vmand vm1, vm11  }
0x2ec: {  	vm1 =	vmand vm1, vm13;
	v50 =	vsel vm3, $0x3F800000, v13;
	vm3 =	veq.f32 v10, $3.000000000e+00  }
0x2ed: {  	v47 =	vsel vm15, $0x3F800000, v13;
	vm0 =	vmand vm14, vm0;
	v51 =	vsel vm2, $0x3F800000, v13  }
0x2ee: {  	vm2 =	vle.f32 v44, v26;
	v40 =	vsel vm1, $0x3F800000, v13;
	vm1 =	vle.f32 v48, v27  }
0x2ef: {  	vm14 =	vle.f32 v5, v27;
	vm15 =	vle.f32 v11, v26;
	v49 =	vsel vm0, $0x3F800000, v13  }
0x2f0: {  	vm0 =	vlt.f32 v10, $0.0e+00;
	v2 =	vadd.f32 v47, v2;
	vm1 =	vmand vm6, vm1  }
0x2f1: {  	[tilespmem:$0x1FAD0] =	vst v0;
	v41 =	vld [tilespmem:$0x1FAB0];
	vm2 =	vmand vm2, vm14;
	vm6 =	vmand vm12, vm8;
	v47 =	vand.u32 $0x7FFFFFFF, v42  }
0x2f2: {  	v48 =	vld [tilespmem:$0x1FAD0];
	vm12 =	vle.f32 v1, v26;
	vm0 =	vmor vm4, vm0;
	v2 =	vadd.f32 v40, v2  }
0x2f3: {  	v44 =	vld [tilespmem:$0x1FAC0];
	v3 =	vadd.f32 v49, v3;
	vm4 =	vle.f32 v6, v27;
	vm3 =	vmand vm1, vm3  }
0x2f4: {  	vm13 =	vle.f32 v47, v27;
	v49 =	vsel vm6, $0x3F800000, v13;
	v39 =	vadd.f32 v50, v2;
	v50 =	vld [tilespmem:$0x1FAE0]  }
0x2f5: {  	vm0 =	vmand vm1, vm0;
	v45 =	vsel vm3, $0x3F800000, v13;
	v46 =	vadd.f32 v51, v3;
	v51 =	vld [tilespmem:$0x1FAF0]  }
0x2f6: {  	vm1 =	vnez.u8 v41;
	vm4 =	vmand vm15, vm4;
	vm15 =	vmand vm12, vm13  }
0x2f7: {  	p0 =	sne.s32 s17, $0x9F;
	vm3 =	vmand vm2, vm1;
	vm1 =	vlt.f32 v38, $0.0e+00;
	vm14 =	vnez.u8 v48  }
.Ltmp4:
0x2f8: {  	v40 =	vsel vm0, $0x3F800000, v13;
	vm0 =	vnez.u8 v44;
	vm1 =	vmor vm14, vm1;
	(pc) =	sbr.rel @p0 .LBB2_10-.Ltmp4, $4  }
0x2f9: {  	vm0 =	vmor vm7, vm0;
	vm7 =	vmand vm15, vm1;
	vm1 =	vnez.u8 v50  }
0x2fa: {  	v41 =	vadd.f32 v49, v46;
	vm6 =	vmand vm15, vm1;
	vm1 =	vnez.u8 v51  }
0x2fb: {  	vm0 =	vmand vm2, vm0;
	v42 =	vsel vm7, $0x3F800000, v13;
	vm8 =	vmand vm4, vm1  }
0x2fc: {  	s17 =	sadd.s32 $0x8, s17;
	s18 =	sadd.s32 $0x2, s18;
	vm1 =	vmand vm4, vm5;
	v44 =	vsel vm6, $0x3F800000, v13;
	v38 =	vsel vm8, $0x3F800000, v13  }
0x2fd: {  	v0 =	vld [tilespmem:$0x1FF70];
	_ =	sdelay $0x1  }
0x2fe: {  	v37 =	vld [tilespmem:$0x1FF00]  }
0x2ff: {  	v46 =	vld [tilespmem:$0x1FF10]  }
0x300: {  	v47 =	vld [tilespmem:$0x1FF20]  }
0x301: {  	v48 =	vld [tilespmem:$0x1FF30]  }
0x302: {  	v49 =	vld [tilespmem:$0x1FF40]  }
0x303: {  	s17 =	simm.s32 $0x0;
	v50 =	vld [tilespmem:$0x1FF50]  }
0x304: {  	v1 =	vld.idx.msk [tilespmem:v0+s17+$0x0], $0xffff  }
0x305: {  	v51 =	vld [tilespmem:$0x1FF60]  }
0x306: {  	v2 =	vld.idx.msk [tilespmem:v43+s17+$0x0], $0xffff  }
0x307: {  	v3 =	vld.idx.msk [tilespmem:v37+s17+$0x0], $0xffff  }
0x308: {  	v26 =	vld.idx.msk [tilespmem:v46+s17+$0x0], $0xffff  }
0x309: {  	v27 =	vld.idx.msk [tilespmem:v47+s17+$0x0], $0xffff;
	v1 =	vtrunc.f32 v1  }
0x30a: {  	v28 =	vld.idx.msk [tilespmem:v48+s17+$0x0], $0xffff;
	v1 =	vcvt.f32.s32 v1  }
0x30b: {  	v29 =	vld.idx.msk [tilespmem:v49+s17+$0x0], $0xffff  }
0x30c: {  	v4 =	vld.idx.msk [tilespmem:v50+s17+$0x0], $0xffff;
	v6 =	vadd.s32 v53, v1  }
0x30d: {  	v5 =	vld.idx.msk [tilespmem:v51+s17+$0x0], $0xffff;
	v0 =	vadd.s32 v54, v1;
	[tilespmem:$0x7E0] =	vst v6  }
0x30e: {  	v9 =	vadd.s32 v55, v1;
	[tilespmem:$0x7F0] =	vst v0  }
0x30f: {  	v10 =	vadd.s32 v56, v1;
	[tilespmem:$0x800] =	vst v9  }
0x310: {  	v11 =	vadd.s32 v57, v1;
	[tilespmem:$0x810] =	vst v10  }
0x311: {  	v32 =	vadd.s32 v58, v1;
	[tilespmem:$0x820] =	vst v11  }
0x312: {  	v23 =	vsel vm3, $0x3F800000, v13;
	v33 =	vadd.s32 v59, v1;
	[tilespmem:$0x830] =	vst v32  }
0x313: {  	v24 =	vsel vm0, $0x3F800000, v13;
	v47 =	vmov s17;
	v35 =	vadd.s32 v60, v1;
	[tilespmem:$0x840] =	vst v33  }
0x314: {  	v37 =	vsel vm1, $0x3F800000, v13;
	v49 =	vcvt.s32.f32 v47;
	v36 =	vadd.s32 v61, v1;
	[tilespmem:$0x850] =	vst v35  }
0x315: {  	s24 =	simm.s32 $0x0;
	v46 =	vadd.f32 v38, v41;
	v5 =	vadd.f32 v63, v5;
	v1 =	vadd.s32 v62, v1;
	[tilespmem:$0x860] =	vst v36  }
0x316: {  	s25 =	simm.s32 $0x40;
	s29 =	simm.s32 $0x30;
	v51 =	vor.u32 s24, v12;
	v30 =	vsub.f32 v4, v3;
	v4 =	vbroadcast v49, $0x0;
	[tilespmem:$0x870] =	vst v1  }
0x317: {  	v47 =	vor.u32 s29, v12;
	v46 =	vadd.f32 v40, v46;
	v2 =	vsub.f32 v5, v2;
	[tilespmem:s10], [sflag:$0x1] =	stream.indirect.gather [hbm4b:s3+s8], $0x10, s9, s8, $0xb8;
	[tilespmem:$0x1290] =	vst v63  }
0x318: {  	s18 =	simm.s32 $0x10;
	v3 =	vor.u32 s25, v12;
	v8 =	vadd.f32 v4, v30;
	v4 =	vadd.f32 $1.000000000e+00, v4  }
0x319: {  	v5 =	vor.u32 s18, v12;
	v1 =	vadd.f32 v37, v39;
	v48 =	vadd.f32 $1.600000000e+01, v2;
	[tilespmem:s12], [sflag:$0x2] =	stream.indirect.gather [hbm4b:s3+s8], $0x10, s11, s8, $0xb8;
	[tilespmem:$0x1290] =	vst v63  }
0x31a: {  	v31 =	vmul.f32 v2, v26;
	v32 =	vmul.f32 v2, v27;
	v50 =	vadd.f32 $3.200000000e+01, v2;
	_ =	swait.ge [sflag:s13], $0x500  }
0x31b: {  	s26 =	simm.s32 $0x20;
	v2 =	vadd.f32 $4.800000000e+01, v2;
	v10 =	vmul.f32 v8, v27;
	v33 =	vmul.f32 v48, v26;
	[sflag:s13] =	ssyncset.done $0x0  }
0x31c: {  	v9 =	vor.u32 s26, v12;
	v35 =	vmul.f32 v48, v27;
	v36 =	vmul.f32 v50, v26;
	[sflag:s13] =	ssyncadd.s32 $0xFFFFFB00  }
0x31d: {  	v4 =	vadd.f32 v4, v30;
	v37 =	vmul.f32 v50, v27;
	v38 =	vmul.f32 v2, v26;
	_ =	swait.ge [sflag:s14], $0x500  }
0x31e: {  	v39 =	vmul.f32 v2, v27;
	v2 =	vmul.f32 v8, v26;
	v11 =	vadd.f32 v10, v31;
	[sflag:s14] =	ssyncset.done $0x0  }
0x31f: {  	s28 =	simm.s32 $0x50;
	v50 =	vmul.f32 v4, v26;
	v4 =	vmul.f32 v4, v27;
	v1 =	vadd.f32 v45, v1;
	[sflag:s14] =	ssyncadd.s32 $0xFFFFFB00  }
0x320: {  	s31 =	simm.s32 $0x60;
	v8 =	vor.u32 s28, v12;
	v41 =	vadd.f32 v10, v38;
	v48 =	vsub.f32 v2, v35;
	v6 =	vld.idx.msk [tilespmem:v51+s10+$0x0], $0xffff  }
0x321: {  	v45 =	vor.u32 s31, v12;
	v49 =	vsub.f32 v2, v39;
	v0 =	vadd.f32 v4, v33;
	v3 =	vld.idx.msk [tilespmem:v3+s10+$0x0], $0xffff  }
0x322: {  	v11 =	vand.u32 $0x7FFFFFFF, v11;
	v5 =	vld.idx.msk [tilespmem:v5+s10+$0x0], $0xffff;
	v51 =	vsub.f32 v2, v37;
	v2 =	vsub.f32 v2, v32  }
0x323: {  	v1 =	vadd.f32 v23, v1;
	vm1 =	vle.f32 v11, v28;
	v49 =	vand.u32 $0x7FFFFFFF, v49;
	v9 =	vld.idx.msk [tilespmem:v9+s10+$0x0], $0xffff  }
0x324: {  	v7 =	vand.u32 $0x7FFFFFFF, v48;
	v48 =	vadd.f32 v10, v36;
	v2 =	vand.u32 $0x7FFFFFFF, v2  }
0x325: {  	v41 =	vand.u32 $0x7FFFFFFF, v41;
	v0 =	vand.u32 $0x7FFFFFFF, v0;
	v8 =	vld.idx.msk [tilespmem:v8+s10+$0x0], $0xffff;
	vm10 =	vle.f32 v2, v29  }
0x326: {  	v23 =	vadd.f32 v44, v1;
	vm4 =	vle.f32 v7, v29;
	vm1 =	vmand vm1, vm10  }
0x327: {  	vm0 =	vlt.f32 v6, $0.0e+00;
	vm2 =	vgt.f32 v6, $0.0e+00;
	vm3 =	vgt.f32 v3, $0.0e+00  }
0x328: {  	vm5 =	veq.f32 v6, $3.000000000e+00;
	vm6 =	vgt.f32 v5, $0.0e+00;
	vm7 =	vgt.f32 v9, $0.0e+00  }
0x329: {  	v6 =	vld.idx.msk [tilespmem:v47+s10+$0x0], $0xffff;
	vm11 =	vlt.f32 v5, $0.0e+00;
	v47 =	vadd.f32 v10, v33;
	vm13 =	veq.f32 v9, $3.000000000e+00  }
0x32a: {  	vm15 =	vgt.f32 v8, $0.0e+00;
	vm2 =	vmor vm2, vm0;
	vm0 =	vlt.f32 v3, $0.0e+00  }
0x32b: {  	vm10 =	veq.f32 v8, $3.000000000e+00;
	vm6 =	vmor vm6, vm11;
	vm0 =	vmor vm3, vm0  }
0x32c: {  	vm3 =	vlt.f32 v9, $0.0e+00;
	vm2 =	vmand vm1, vm2;
	vm1 =	vmand vm1, vm5  }
0x32d: {  	s30 =	simm.s32 $0x70;
	vm5 =	vle.f32 v41, v28;
	v2 =	vand.u32 $0x7FFFFFFF, v47;
	v41 =	vadd.f32 v4, v36  }
0x32e: {  	v47 =	vor.u32 s30, v12;
	vm3 =	vmor vm7, vm3;
	v10 =	vsel vm2, $0x3F800000, v13  }
0x32f: {  	vm2 =	vle.f32 v49, v29;
	v11 =	vsel vm1, $0x3F800000, v13;
	v49 =	vand.u32 $0x7FFFFFFF, v51  }
0x330: {  	v51 =	vand.u32 $0x7FFFFFFF, v48;
	vm1 =	vmand vm5, vm2;
	vm2 =	vle.f32 v2, v28  }
0x331: {  	vm12 =	vle.f32 v49, v29;
	v41 =	vand.u32 $0x7FFFFFFF, v41;
	v49 =	vsub.f32 v50, v37  }
0x332: {  	vm4 =	vmand vm2, vm4;
	vm2 =	vgt.f32 v6, $0.0e+00;
	vm5 =	vlt.f32 v6, $0.0e+00  }
0x333: {  	vm14 =	veq.f32 v6, $3.000000000e+00;
	vm9 =	vle.f32 v41, v28;
	v41 =	vsub.f32 v50, v32  }
0x334: {  	v48 =	vld.idx.msk [tilespmem:v45+s10+$0x0], $0xffff;
	vm2 =	vmor vm2, vm5;
	vm5 =	veq.f32 v5, $3.000000000e+00;
	v5 =	vsub.f32 v50, v35  }
0x335: {  	v6 =	vand.u32 $0x7FFFFFFF, v49;
	v50 =	vsub.f32 v50, v39;
	vm5 =	vmand vm4, vm5  }
0x336: {  	vm4 =	vmand vm4, vm6;
	vm6 =	vmand vm1, vm14;
	vm1 =	vmand vm1, vm2  }
0x337: {  	v2 =	vsel vm5, $0x3F800000, v13;
	vm5 =	vle.f32 v51, v28;
	v5 =	vand.u32 $0x7FFFFFFF, v5  }
0x338: {  	v9 =	vsel vm4, $0x3F800000, v13;
	vm4 =	vle.f32 v0, v28;
	v49 =	vsel vm6, $0x3F800000, v13  }
0x339: {  	vm2 =	vlt.f32 v48, $0.0e+00;
	vm11 =	vgt.f32 v48, $0.0e+00;
	vm5 =	vmand vm5, vm12  }
0x33a: {  	v47 =	vld.idx.msk [tilespmem:v47+s10+$0x0], $0xffff;
	v50 =	vand.u32 $0x7FFFFFFF, v50;
	vm2 =	vmor vm11, vm2;
	vm3 =	vmand vm5, vm3  }
0x33b: {  	vm5 =	vmand vm5, vm13;
	vm13 =	vle.f32 v50, v29;
	v51 =	vsel vm3, $0x3F800000, v13  }
0x33c: {  	vm3 =	vlt.f32 v8, $0.0e+00;
	v0 =	vsel vm5, $0x3F800000, v13;
	vm5 =	vle.f32 v5, v29  }
0x33d: {  	v5 =	vadd.f32 v4, v31;
	v4 =	vadd.f32 v4, v38;
	vm3 =	vmor vm15, vm3  }
0x33e: {  	vm5 =	vmand vm4, vm5;
	vm4 =	vle.f32 v6, v29;
	v6 =	vand.u32 $0x7FFFFFFF, v41  }
0x33f: {  	vm14 =	veq.f32 v47, $3.000000000e+00;
	vm4 =	vmand vm9, vm4;
	vm6 =	vmand vm5, vm10  }
0x340: {  	vm3 =	vmand vm5, vm3;
	vm5 =	vgt.f32 v47, $0.0e+00;
	v5 =	vand.u32 $0x7FFFFFFF, v5  }
0x341: {  	vm12 =	vle.f32 v6, v29;
	v4 =	vand.u32 $0x7FFFFFFF, v4;
	v6 =	vsel vm1, $0x3F800000, v13  }
0x342: {  	v45 =	vsel vm6, $0x3F800000, v13;
	v41 =	vsel vm3, $0x3F800000, v13;
	vm3 =	vlt.f32 v47, $0.0e+00  }
0x343: {  	vm1 =	vle.f32 v4, v28;
	v47 =	vimm.f32 $0.0e+00;
	v4 =	vadd.f32 v24, v46  }
0x344: {  	vm3 =	vmor vm5, vm3;
	vm5 =	vle.f32 v5, v28;
	vm1 =	vmand vm1, vm13  }
0x345: {  	v50 =	vadd.f32 v10, v47;
	v5 =	vadd.f32 v11, v47;
	vm5 =	vmand vm5, vm12  }
0x346: {  	vm15 =	vmand vm1, vm3;
	vm6 =	vmand vm1, vm14;
	v24 =	vadd.f32 v42, v4  }
0x347: {  	vm1 =	veq.f32 v3, $3.000000000e+00;
	v2 =	vadd.f32 v2, v5;
	v3 =	vadd.f32 v9, v50  }
0x348: {  	vm8 =	vmand vm5, vm0;
	vm1 =	vmand vm5, vm1;
	vm0 =	veq.f32 v48, $3.000000000e+00  }
0x349: {  	v40 =	vsel vm15, $0x3F800000, v13;
	v0 =	vadd.f32 v0, v2;
	v51 =	vadd.f32 v51, v3  }
0x34a: {  	v42 =	vsel vm6, $0x3F800000, v13;
	vm3 =	vmand vm4, vm0;
	vm0 =	vmand vm4, vm2  }
0x34b: {  	s17 =	simm.s32 $0xF;
	s18 =	simm.s32 $0x2;
	v47 =	vsel vm8, $0x3F800000, v13;
	v46 =	vadd.f32 v49, v0;
	v48 =	vadd.f32 v6, v51  }
.LBB2_12:
0x34c: {  	v0 =	vmov s18;
	v1 =	vsel vm1, $0x3F800000, v13  }
0x34d: {  	s19 =	sshll.u32 s17, $0x4;
	v0 =	vcvt.s32.f32 v0;
	v1 =	vadd.f32 v1, v46  }
0x34e: {  	v2 =	vsel vm3, $0x3F800000, v13;
	v6 =	vsel vm0, $0x3F800000, v13;
	s20 =	sadd.s32 $0xFFFFFF90, s19;
	v3 =	vadd.f32 v47, v48  }
0x34f: {  	s22 =	sadd.s32 $0xFFFFFFB0, s19;
	s30 =	sadd.s32 $0xFFFFFFD0, s19;
	v4 =	vor.u32 s20, v12;
	v0 =	vbroadcast v0, $0x0;
	v1 =	vadd.f32 v45, v1  }
0x350: {  	s23 =	sadd.s32 $0xFFFFFFF0, s19;
	v5 =	vor.u32 s22, v12;
	v8 =	vor.u32 s30, v12;
	v3 =	vadd.f32 v41, v3  }
0x351: {  	s21 =	sadd.s32 $0xFFFFFFA0, s19;
	v10 =	vor.u32 s23, v12;
	v11 =	vadd.f32 v0, v30;
	v1 =	vadd.f32 v2, v1  }
0x352: {  	s31 =	sadd.s32 $0xFFFFFFE0, s19;
	v50 =	vor.u32 s21, v12;
	v0 =	vadd.f32 $1.000000000e+00, v0;
	v3 =	vadd.f32 v6, v3  }
0x353: {  	v9 =	vor.u32 s31, v12;
	v6 =	vmul.f32 v11, v27;
	v1 =	vadd.f32 v42, v1  }
0x354: {  	s29 =	sadd.s32 $0xFFFFFFC0, s19;
	v11 =	vmul.f32 v11, v26;
	v0 =	vadd.f32 v0, v30;
	v3 =	vadd.f32 v40, v3  }
0x355: {  	v41 =	vor.u32 s29, v12;
	v4 =	vld.idx.msk [tilespmem:v4+s10+$0x0], $0xffff;
	v51 =	vadd.f32 v6, v31;
	v44 =	vadd.f32 v6, v38  }
0x356: {  	v42 =	vor.u32 s19, v12;
	v10 =	vld.idx.msk [tilespmem:v10+s10+$0x0], $0xffff;
	v45 =	vsub.f32 v11, v35;
	v7 =	vsub.f32 v11, v39  }
0x357: {  	v2 =	vld.idx.msk [tilespmem:v50+s10+$0x0], $0xffff;
	v47 =	vmul.f32 v0, v26;
	v48 =	vsub.f32 v11, v37;
	v50 =	vadd.f32 v6, v36  }
0x358: {  	v8 =	vld.idx.msk [tilespmem:v8+s10+$0x0], $0xffff;
	v0 =	vmul.f32 v0, v27;
	v11 =	vsub.f32 v11, v32;
	v6 =	vadd.f32 v6, v33  }
0x359: {  	v5 =	vld.idx.msk [tilespmem:v5+s10+$0x0], $0xffff;
	v40 =	vand.u32 $0x7FFFFFFF, v51;
	v46 =	vand.u32 $0x7FFFFFFF, v7;
	v49 =	vsub.f32 v47, v35  }
0x35a: {  	v51 =	vadd.f32 v0, v36;
	v7 =	vand.u32 $0x7FFFFFFF, v45;
	v45 =	vadd.f32 v0, v33  }
0x35b: {  	v6 =	vand.u32 $0x7FFFFFFF, v6;
	vm5 =	vle.f32 v40, v28;
	vm8 =	vle.f32 v7, v29  }
0x35c: {  	vm0 =	vlt.f32 v10, $0.0e+00;
	v7 =	vimm.s32 $0x0;
	vm1 =	vlt.f32 v4, $0.0e+00  }
0x35d: {  	vm2 =	vgt.f32 v4, $0.0e+00;
	vm13 =	veq.f32 v4, $3.000000000e+00;
	vm9 =	vgt.f32 v2, $0.0e+00  }
0x35e: {  	vm4 =	vgt.f32 v8, $0.0e+00;
	vm10 =	vlt.f32 v2, $0.0e+00;
	vm7 =	vlt.f32 v5, $0.0e+00  }
0x35f: {  	v40 =	vld.idx.msk [tilespmem:v42+s10+$0x0], $0xffff;
	vm11 =	vgt.f32 v5, $0.0e+00;
	v49 =	vand.u32 $0x7FFFFFFF, v49;
	v42 =	vand.u32 $0x7FFFFFFF, v51  }
0x360: {  	v7 =	vsel vm0, $0xFFFFFFFF, v7;
	vm0 =	veq.f32 v10, $3.000000000e+00;
	v51 =	vimm.s32 $0x0  }
0x361: {  	vm12 =	vmor vm2, vm1;
	v45 =	vand.u32 $0x7FFFFFFF, v45;
	vm2 =	vlt.f32 v8, $0.0e+00  }
0x362: {  	v9 =	vld.idx.msk [tilespmem:v9+s10+$0x0], $0xffff;
	vm11 =	vmor vm11, vm7;
	[tilespmem:$0x1FA70] =	vst v7;
	v7 =	vsel vm0, $0xFFFFFFFF, v51;
	v51 =	vadd.f32 v0, v31  }
0x363: {  	vm7 =	vgt.f32 v10, $0.0e+00;
	vm6 =	vle.f32 v45, v28;
	v0 =	vadd.f32 v0, v38  }
0x364: {  	v41 =	vld.idx.msk [tilespmem:v41+s10+$0x0], $0xffff;
	v45 =	vimm.s32 $0x0;
	v10 =	vand.u32 $0x7FFFFFFF, v51;
	vm0 =	veq.f32 v40, $3.000000000e+00  }
0x365: {  	v0 =	vand.u32 $0x7FFFFFFF, v0;
	v4 =	vsel vm0, $0xFFFFFFFF, v45;
	vm0 =	vmor vm4, vm2  }
0x366: {  	v45 =	vimm.s32 $0x0;
	[tilespmem:$0x1FA90] =	vst v4;
	v4 =	vand.u32 $0x7FFFFFFF, v44;
	v44 =	vimm.s32 $0x0  }
0x367: {  	[tilespmem:$0x1FA60] =	vst v7;
	vm4 =	vgt.f32 v9, $0.0e+00;
	v7 =	vsel vm0, $0xFFFFFFFF, v44;
	vm0 =	vgt.f32 v40, $0.0e+00  }
0x368: {  	vm14 =	vle.f32 v4, v28;
	v4 =	vsub.f32 v47, v37;
	v44 =	vsub.f32 v47, v39  }
0x369: {  	[tilespmem:$0x1FAA0] =	vst v7;
	v7 =	vsel vm0, $0xFFFFFFFF, v45;
	vm0 =	veq.f32 v41, $3.000000000e+00;
	v45 =	vsub.f32 v47, v32  }
0x36a: {  	[tilespmem:$0x1FA80] =	vst v7;
	v7 =	vand.u32 $0x7FFFFFFF, v11;
	v11 =	vand.u32 $0x7FFFFFFF, v48;
	v4 =	vand.u32 $0x7FFFFFFF, v4  }
0x36b: {  	vm15 =	vle.f32 v7, v29;
	vm2 =	vle.f32 v11, v29;
	v11 =	vand.u32 $0x7FFFFFFF, v50  }
0x36c: {  	vm15 =	vmand vm5, vm15;
	vm5 =	veq.f32 v8, $3.000000000e+00;
	vm1 =	vle.f32 v11, v28  }
0x36d: {  	vm12 =	vmand vm15, vm12;
	vm13 =	vmand vm15, vm13;
	vm15 =	veq.f32 v2, $3.000000000e+00  }
0x36e: {  	vm1 =	vmand vm1, vm2;
	v48 =	vsel vm12, $0x3F800000, v13;
	v51 =	vsel vm13, $0x3F800000, v13  }
0x36f: {  	vm13 =	veq.f32 v5, $3.000000000e+00;
	vm12 =	vle.f32 v46, v29;
	vm2 =	vmand vm1, vm11  }
0x370: {  	v5 =	vand.u32 $0x7FFFFFFF, v45;
	v2 =	vadd.f32 v48, v3;
	vm12 =	vmand vm14, vm12  }
0x371: {  	vm14 =	vle.f32 v6, v28;
	v1 =	vadd.f32 v51, v1;
	vm1 =	vmand vm1, vm13  }
0x372: {  	v50 =	vsel vm2, $0x3F800000, v13;
	vm2 =	vle.f32 v42, v28;
	vm3 =	vmand vm12, vm0  }
0x373: {  	vm14 =	vmand vm14, vm8;
	vm8 =	vgt.f32 v41, $0.0e+00;
	vm0 =	vlt.f32 v41, $0.0e+00  }
0x374: {  	v51 =	vsel vm1, $0x3F800000, v13;
	vm1 =	vle.f32 v49, v29;
	vm15 =	vmand vm14, vm15  }
0x375: {  	vm8 =	vmor vm8, vm0;
	vm0 =	vmor vm9, vm10;
	v46 =	vsel vm15, $0x3F800000, v13  }
0x376: {  	v48 =	vsel vm3, $0x3F800000, v13;
	vm3 =	veq.f32 v9, $3.000000000e+00;
	v1 =	vadd.f32 v46, v1  }
0x377: {  	vm1 =	vmand vm6, vm1;
	vm0 =	vmand vm14, vm0;
	vm14 =	vle.f32 v4, v29  }
0x378: {  	vm3 =	vmand vm1, vm3;
	vm6 =	vmand vm12, vm8;
	v1 =	vadd.f32 v51, v1  }
0x379: {  	vm15 =	vle.f32 v10, v28;
	v10 =	vld [tilespmem:$0x1FA60];
	vm12 =	vle.f32 v0, v28;
	v47 =	vsel vm0, $0x3F800000, v13  }
0x37a: {  	vm0 =	vlt.f32 v9, $0.0e+00;
	v2 =	vadd.f32 v47, v2;
	v46 =	vadd.f32 v48, v1;
	v48 =	vld [tilespmem:$0x1FA80]  }
0x37b: {  	v11 =	vld [tilespmem:$0x1FA70];
	vm2 =	vmand vm2, vm14;
	v45 =	vsel vm3, $0x3F800000, v13;
	v49 =	vsel vm6, $0x3F800000, v13  }
0x37c: {  	vm0 =	vmor vm4, vm0;
	v47 =	vand.u32 $0x7FFFFFFF, v44;
	v42 =	vadd.f32 v50, v2;
	v50 =	vld [tilespmem:$0x1FA90]  }
0x37d: {  	vm4 =	vle.f32 v5, v29;
	vm0 =	vmand vm1, vm0;
	vm13 =	vle.f32 v47, v29;
	v51 =	vld [tilespmem:$0x1FAA0]  }
0x37e: {  	vm4 =	vmand vm15, vm4;
	v41 =	vsel vm0, $0x3F800000, v13;
	vm1 =	vnez.u8 v10  }
0x37f: {  	p0 =	sne.s32 s17, $0x9F;
	vm3 =	vmand vm2, vm1;
	vm1 =	vlt.f32 v40, $0.0e+00;
	vm14 =	vnez.u8 v48  }
.Ltmp5:
0x380: {  	vm0 =	vnez.u8 v11;
	vm15 =	vmand vm12, vm13;
	vm1 =	vmor vm14, vm1;
	(pc) =	sbr.rel @p0 .LBB2_12-.Ltmp5, $4  }
0x381: {  	vm0 =	vmor vm7, vm0;
	vm7 =	vmand vm15, vm1;
	vm1 =	vnez.u8 v50  }
0x382: {  	vm0 =	vmand vm2, vm0;
	vm6 =	vmand vm15, vm1;
	vm1 =	vnez.u8 v51  }
0x383: {  	v48 =	vadd.f32 v49, v42;
	v40 =	vsel vm7, $0x3F800000, v13;
	vm8 =	vmand vm4, vm1  }
0x384: {  	s17 =	sadd.s32 $0x8, s17;
	s18 =	sadd.s32 $0x2, s18;
	vm1 =	vmand vm4, vm5;
	v42 =	vsel vm6, $0x3F800000, v13;
	v47 =	vsel vm8, $0x3F800000, v13  }
0x385: {  	v0 =	vld [tilespmem:$0x1FFF0];
	_ =	sdelay $0x1  }
0x386: {  	v2 =	vld [tilespmem:$0x1FF80]  }
0x387: {  	v3 =	vld [tilespmem:$0x1FF90]  }
0x388: {  	v6 =	vld [tilespmem:$0x1FFA0]  }
0x389: {  	v7 =	vld [tilespmem:$0x1FFB0]  }
0x38a: {  	v8 =	vld [tilespmem:$0x1FFC0]  }
0x38b: {  	s17 =	simm.s32 $0x0;
	v9 =	vld [tilespmem:$0x1FFD0]  }
0x38c: {  	v0 =	vld.idx.msk [tilespmem:v0+s17+$0x0], $0xffff  }
0x38d: {  	v4 =	vld [tilespmem:$0x1FFE0]  }
0x38e: {  	v1 =	vld.idx.msk [tilespmem:v52+s17+$0x0], $0xffff  }
0x38f: {  	v2 =	vld.idx.msk [tilespmem:v2+s17+$0x0], $0xffff  }
0x390: {  	v26 =	vld.idx.msk [tilespmem:v3+s17+$0x0], $0xffff  }
0x391: {  	v27 =	vld.idx.msk [tilespmem:v6+s17+$0x0], $0xffff;
	v0 =	vtrunc.f32 v0  }
0x392: {  	v28 =	vld.idx.msk [tilespmem:v7+s17+$0x0], $0xffff;
	v0 =	vcvt.f32.s32 v0  }
0x393: {  	v29 =	vld.idx.msk [tilespmem:v8+s17+$0x0], $0xffff  }
0x394: {  	v3 =	vld.idx.msk [tilespmem:v9+s17+$0x0], $0xffff;
	v5 =	vadd.s32 v53, v0  }
0x395: {  	v4 =	vld.idx.msk [tilespmem:v4+s17+$0x0], $0xffff;
	v10 =	vadd.s32 v54, v0;
	[tilespmem:$0x7E0] =	vst v5  }
0x396: {  	v11 =	vadd.s32 v55, v0;
	[tilespmem:$0x7F0] =	vst v10  }
0x397: {  	v32 =	vadd.s32 v56, v0;
	[tilespmem:$0x800] =	vst v11  }
0x398: {  	v33 =	vadd.s32 v57, v0;
	[tilespmem:$0x810] =	vst v32  }
0x399: {  	v35 =	vadd.s32 v58, v0;
	[tilespmem:$0x820] =	vst v33  }
0x39a: {  	v39 =	vsel vm1, $0x3F800000, v13;
	v36 =	vadd.s32 v59, v0;
	[tilespmem:$0x830] =	vst v35  }
0x39b: {  	v44 =	vsel vm3, $0x3F800000, v13;
	v47 =	vadd.f32 v47, v48;
	s24 =	simm.s32 $0x0;
	v37 =	vadd.s32 v60, v0;
	[tilespmem:$0x840] =	vst v36  }
0x39c: {  	s26 =	simm.s32 $0x20;
	v51 =	vor.u32 s24, v12;
	v4 =	vadd.f32 v63, v4;
	v38 =	vadd.s32 v61, v0;
	[tilespmem:$0x850] =	vst v37  }
0x39d: {  	v47 =	vadd.f32 v41, v47;
	v8 =	vor.u32 s26, v12;
	v0 =	vadd.s32 v62, v0;
	[tilespmem:$0x860] =	vst v38  }
0x39e: {  	s25 =	simm.s32 $0x40;
	s18 =	simm.s32 $0x10;
	v1 =	vsub.f32 v4, v1;
	[tilespmem:$0x870] =	vst v0;
	v0 =	vadd.f32 v39, v46;
	v46 =	vmov s17  }
0x39f: {  	v30 =	vsub.f32 v3, v2;
	v2 =	vor.u32 s25, v12;
	[tilespmem:s10], [sflag:$0x1] =	stream.indirect.gather [hbm4b:s3+s8], $0x10, s9, s8, $0xb8;
	v49 =	vcvt.s32.f32 v46;
	[tilespmem:$0x1290] =	vst v63  }
0x3a0: {  	v4 =	vor.u32 s18, v12;
	v48 =	vadd.f32 $1.600000000e+01, v1;
	v31 =	vmul.f32 v1, v26  }
0x3a1: {  	v32 =	vmul.f32 v1, v27;
	v50 =	vadd.f32 $3.200000000e+01, v1;
	[tilespmem:s12], [sflag:$0x2] =	stream.indirect.gather [hbm4b:s3+s8], $0x10, s11, s8, $0xb8;
	v3 =	vbroadcast v49, $0x0;
	[tilespmem:$0x1290] =	vst v63  }
0x3a2: {  	v1 =	vadd.f32 $4.800000000e+01, v1;
	v46 =	vsel vm0, $0x3F800000, v13;
	v0 =	vadd.f32 v45, v0;
	_ =	swait.ge [sflag:s13], $0x500  }
0x3a3: {  	v33 =	vmul.f32 v48, v26;
	v35 =	vmul.f32 v48, v27;
	[sflag:s13] =	ssyncset.done $0x0;
	v6 =	vadd.f32 v3, v30  }
0x3a4: {  	v36 =	vmul.f32 v50, v26;
	v37 =	vmul.f32 v50, v27;
	v0 =	vadd.f32 v44, v0;
	[sflag:s13] =	ssyncadd.s32 $0xFFFFFB00  }
0x3a5: {  	v38 =	vmul.f32 v1, v26;
	v3 =	vadd.f32 $1.000000000e+00, v3;
	_ =	swait.ge [sflag:s14], $0x500;
	v9 =	vmul.f32 v6, v27  }
0x3a6: {  	s29 =	simm.s32 $0x30;
	v39 =	vmul.f32 v1, v27;
	v41 =	vadd.f32 v42, v0;
	v1 =	vmul.f32 v6, v26;
	[sflag:s14] =	ssyncset.done $0x0  }
0x3a7: {  	s30 =	simm.s32 $0x70;
	v48 =	vor.u32 s29, v12;
	v3 =	vadd.f32 v3, v30;
	[sflag:s14] =	ssyncadd.s32 $0xFFFFFB00;
	v10 =	vadd.f32 v9, v31  }
0x3a8: {  	s28 =	simm.s32 $0x50;
	v45 =	vor.u32 s30, v12;
	v49 =	vsub.f32 v1, v35;
	v50 =	vsub.f32 v1, v39;
	v5 =	vld.idx.msk [tilespmem:v51+s10+$0x0], $0xffff  }
0x3a9: {  	v6 =	vor.u32 s28, v12;
	v7 =	vsub.f32 v1, v37;
	v1 =	vsub.f32 v1, v32;
	v2 =	vld.idx.msk [tilespmem:v2+s10+$0x0], $0xffff  }
0x3aa: {  	v11 =	vadd.f32 v9, v38;
	v51 =	vmul.f32 v3, v26;
	v4 =	vld.idx.msk [tilespmem:v4+s10+$0x0], $0xffff;
	v3 =	vmul.f32 v3, v27  }
0x3ab: {  	v8 =	vld.idx.msk [tilespmem:v8+s10+$0x0], $0xffff;
	v10 =	vand.u32 $0x7FFFFFFF, v10;
	v50 =	vand.u32 $0x7FFFFFFF, v50;
	v1 =	vand.u32 $0x7FFFFFFF, v1  }
0x3ac: {  	vm1 =	vle.f32 v10, v28;
	v10 =	vand.u32 $0x7FFFFFFF, v49;
	v49 =	vadd.f32 v9, v36  }
0x3ad: {  	s31 =	simm.s32 $0x60;
	vm10 =	vle.f32 v1, v29;
	vm4 =	vle.f32 v10, v29;
	v10 =	vand.u32 $0x7FFFFFFF, v11  }
0x3ae: {  	vm1 =	vmand vm1, vm10;
	v11 =	vor.u32 s31, v12;
	v49 =	vand.u32 $0x7FFFFFFF, v49  }
0x3af: {  	vm0 =	vlt.f32 v5, $0.0e+00;
	vm2 =	vgt.f32 v5, $0.0e+00;
	vm3 =	vgt.f32 v2, $0.0e+00  }
0x3b0: {  	v6 =	vld.idx.msk [tilespmem:v6+s10+$0x0], $0xffff;
	vm5 =	veq.f32 v5, $3.000000000e+00;
	vm6 =	vgt.f32 v4, $0.0e+00;
	vm7 =	vgt.f32 v8, $0.0e+00  }
0x3b1: {  	v5 =	vld.idx.msk [tilespmem:v48+s10+$0x0], $0xffff;
	vm11 =	vlt.f32 v4, $0.0e+00;
	v48 =	vadd.f32 v9, v33;
	vm13 =	veq.f32 v8, $3.000000000e+00  }
0x3b2: {  	vm2 =	vmor vm2, vm0;
	vm0 =	vlt.f32 v2, $0.0e+00;
	vm6 =	vmor vm6, vm11  }
0x3b3: {  	vm0 =	vmor vm3, vm0;
	vm3 =	vlt.f32 v8, $0.0e+00;
	vm2 =	vmand vm1, vm2  }
0x3b4: {  	vm1 =	vmand vm1, vm5;
	vm5 =	vle.f32 v10, v28;
	v1 =	vand.u32 $0x7FFFFFFF, v48  }
0x3b5: {  	v48 =	vand.u32 $0x7FFFFFFF, v7;
	v7 =	vadd.f32 v3, v36;
	vm15 =	vgt.f32 v6, $0.0e+00  }
0x3b6: {  	vm10 =	veq.f32 v6, $3.000000000e+00;
	vm3 =	vmor vm7, vm3;
	v9 =	vsel vm2, $0x3F800000, v13  }
0x3b7: {  	vm2 =	vle.f32 v50, v29;
	v10 =	vsel vm1, $0x3F800000, v13;
	vm12 =	vle.f32 v48, v29  }
0x3b8: {  	v48 =	vadd.f32 v3, v33;
	vm1 =	vmand vm5, vm2;
	vm2 =	vle.f32 v1, v28  }
0x3b9: {  	v7 =	vand.u32 $0x7FFFFFFF, v7;
	vm4 =	vmand vm2, vm4;
	vm2 =	vgt.f32 v5, $0.0e+00  }
0x3ba: {  	vm5 =	vlt.f32 v5, $0.0e+00;
	vm14 =	veq.f32 v5, $3.000000000e+00;
	v50 =	vand.u32 $0x7FFFFFFF, v48  }
0x3bb: {  	v11 =	vld.idx.msk [tilespmem:v11+s10+$0x0], $0xffff;
	vm9 =	vle.f32 v7, v28;
	vm2 =	vmor vm2, vm5;
	vm5 =	veq.f32 v4, $3.000000000e+00  }
0x3bc: {  	v48 =	vsub.f32 v51, v32;
	v4 =	vsub.f32 v51, v35;
	vm5 =	vmand vm4, vm5  }
0x3bd: {  	vm4 =	vmand vm4, vm6;
	vm6 =	vmand vm1, vm14;
	vm1 =	vmand vm1, vm2  }
0x3be: {  	v1 =	vsel vm5, $0x3F800000, v13;
	vm5 =	vle.f32 v49, v28;
	v4 =	vand.u32 $0x7FFFFFFF, v4  }
0x3bf: {  	v49 =	vsub.f32 v51, v37;
	v8 =	vsel vm4, $0x3F800000, v13;
	vm4 =	vle.f32 v50, v28  }
0x3c0: {  	vm2 =	vlt.f32 v11, $0.0e+00;
	vm11 =	vgt.f32 v11, $0.0e+00;
	vm5 =	vmand vm5, vm12  }
0x3c1: {  	vm2 =	vmor vm11, vm2;
	vm3 =	vmand vm5, vm3;
	vm5 =	vmand vm5, vm13  }
0x3c2: {  	v50 =	vld.idx.msk [tilespmem:v45+s10+$0x0], $0xffff;
	v5 =	vand.u32 $0x7FFFFFFF, v49;
	v49 =	vsel vm6, $0x3F800000, v13;
	v16 =	vsel vm3, $0x3F800000, v13  }
0x3c3: {  	v25 =	vsel vm5, $0x3F800000, v13;
	vm5 =	vle.f32 v4, v29;
	v4 =	vadd.f32 v3, v31  }
0x3c4: {  	vm3 =	vlt.f32 v6, $0.0e+00;
	v3 =	vadd.f32 v3, v38;
	v6 =	vsub.f32 v51, v39  }
0x3c5: {  	vm3 =	vmor vm15, vm3;
	vm5 =	vmand vm4, vm5;
	vm4 =	vle.f32 v5, v29  }
0x3c6: {  	v5 =	vand.u32 $0x7FFFFFFF, v48;
	vm4 =	vmand vm9, vm4;
	vm6 =	vmand vm5, vm10  }
0x3c7: {  	vm3 =	vmand vm5, vm3;
	vm5 =	vgt.f32 v50, $0.0e+00;
	v4 =	vand.u32 $0x7FFFFFFF, v4  }
0x3c8: {  	vm12 =	vle.f32 v5, v29;
	v3 =	vand.u32 $0x7FFFFFFF, v3;
	v51 =	vand.u32 $0x7FFFFFFF, v6  }
0x3c9: {  	v5 =	vsel vm1, $0x3F800000, v13;
	vm14 =	veq.f32 v50, $3.000000000e+00;
	v45 =	vsel vm6, $0x3F800000, v13  }
0x3ca: {  	v48 =	vsel vm3, $0x3F800000, v13;
	vm3 =	vlt.f32 v50, $0.0e+00;
	vm1 =	vle.f32 v3, v28  }
0x3cb: {  	vm13 =	vle.f32 v51, v29;
	v50 =	vimm.f32 $0.0e+00;
	v3 =	vadd.f32 v46, v47  }
0x3cc: {  	vm3 =	vmor vm5, vm3;
	vm5 =	vle.f32 v4, v28;
	vm1 =	vmand vm1, vm13  }
0x3cd: {  	v51 =	vadd.f32 v9, v50;
	v4 =	vadd.f32 v10, v50;
	vm5 =	vmand vm5, vm12  }
0x3ce: {  	vm15 =	vmand vm1, vm3;
	vm6 =	vmand vm1, vm14;
	v40 =	vadd.f32 v40, v3  }
0x3cf: {  	vm1 =	veq.f32 v2, $3.000000000e+00;
	v1 =	vadd.f32 v1, v4;
	v2 =	vadd.f32 v8, v51  }
0x3d0: {  	vm8 =	vmand vm5, vm0;
	vm0 =	vmand vm5, vm1;
	vm1 =	veq.f32 v11, $3.000000000e+00  }
0x3d1: {  	v46 =	vsel vm15, $0x3F800000, v13;
	v1 =	vadd.f32 v25, v1;
	v2 =	vadd.f32 v16, v2  }
0x3d2: {  	v42 =	vsel vm6, $0x3F800000, v13;
	vm3 =	vmand vm4, vm1;
	vm1 =	vmand vm4, vm2  }
0x3d3: {  	s18 =	simm.s32 $0x2;
	s17 =	simm.s32 $0xF;
	v47 =	vsel vm8, $0x3F800000, v13;
	v44 =	vadd.f32 v49, v1;
	v49 =	vadd.f32 v5, v2  }
.LBB2_14:
0x3d4: {  	v0 =	vmov s18;
	v1 =	vsel vm0, $0x3F800000, v13  }
0x3d5: {  	s19 =	sshll.u32 s17, $0x4;
	v0 =	vcvt.s32.f32 v0;
	v1 =	vadd.f32 v1, v44  }
0x3d6: {  	v2 =	vsel vm3, $0x3F800000, v13;
	v6 =	vsel vm1, $0x3F800000, v13;
	s20 =	sadd.s32 $0xFFFFFF90, s19;
	v3 =	vadd.f32 v47, v49  }
0x3d7: {  	s23 =	sadd.s32 $0xFFFFFFF0, s19;
	v4 =	vor.u32 s20, v12;
	v0 =	vbroadcast v0, $0x0;
	v1 =	vadd.f32 v45, v1  }
0x3d8: {  	s21 =	sadd.s32 $0xFFFFFFA0, s19;
	v16 =	vor.u32 s19, v12;
	v9 =	vor.u32 s23, v12;
	v3 =	vadd.f32 v48, v3  }
0x3d9: {  	s30 =	sadd.s32 $0xFFFFFFD0, s19;
	v50 =	vor.u32 s21, v12;
	v10 =	vadd.f32 v0, v30;
	v1 =	vadd.f32 v2, v1  }
0x3da: {  	s22 =	sadd.s32 $0xFFFFFFB0, s19;
	v7 =	vor.u32 s30, v12;
	v0 =	vadd.f32 $1.000000000e+00, v0;
	v3 =	vadd.f32 v6, v3  }
0x3db: {  	v5 =	vor.u32 s22, v12;
	v6 =	vmul.f32 v10, v27;
	v1 =	vadd.f32 v42, v1  }
0x3dc: {  	s31 =	sadd.s32 $0xFFFFFFE0, s19;
	v10 =	vmul.f32 v10, v26;
	v4 =	vld.idx.msk [tilespmem:v4+s10+$0x0], $0xffff;
	v0 =	vadd.f32 v0, v30;
	v3 =	vadd.f32 v46, v3  }
0x3dd: {  	s29 =	sadd.s32 $0xFFFFFFC0, s19;
	v8 =	vor.u32 s31, v12;
	v9 =	vld.idx.msk [tilespmem:v9+s10+$0x0], $0xffff;
	v25 =	vadd.f32 v6, v31;
	v44 =	vadd.f32 v6, v38  }
0x3de: {  	v11 =	vor.u32 s29, v12;
	v2 =	vld.idx.msk [tilespmem:v50+s10+$0x0], $0xffff;
	v45 =	vsub.f32 v10, v35;
	v51 =	vsub.f32 v10, v39  }
0x3df: {  	v7 =	vld.idx.msk [tilespmem:v7+s10+$0x0], $0xffff;
	v46 =	vmul.f32 v0, v26;
	v0 =	vmul.f32 v0, v27;
	v47 =	vsub.f32 v10, v37  }
0x3e0: {  	v42 =	vld.idx.msk [tilespmem:v16+s10+$0x0], $0xffff;
	v10 =	vsub.f32 v10, v32;
	v25 =	vand.u32 $0x7FFFFFFF, v25;
	v48 =	vand.u32 $0x7FFFFFFF, v51  }
0x3e1: {  	v5 =	vld.idx.msk [tilespmem:v5+s10+$0x0], $0xffff;
	v49 =	vsub.f32 v46, v35;
	v50 =	vadd.f32 v0, v36;
	v16 =	vand.u32 $0x7FFFFFFF, v45  }
0x3e2: {  	v45 =	vadd.f32 v0, v33;
	v51 =	vimm.s32 $0x0;
	vm5 =	vle.f32 v25, v28  }
0x3e3: {  	v25 =	vadd.f32 v6, v36;
	vm8 =	vle.f32 v16, v29;
	vm0 =	vlt.f32 v9, $0.0e+00  }
0x3e4: {  	vm1 =	vlt.f32 v4, $0.0e+00;
	vm2 =	vgt.f32 v4, $0.0e+00;
	vm13 =	veq.f32 v4, $3.000000000e+00  }
0x3e5: {  	vm9 =	vgt.f32 v2, $0.0e+00;
	vm4 =	vgt.f32 v7, $0.0e+00;
	vm10 =	vlt.f32 v2, $0.0e+00  }
0x3e6: {  	vm7 =	vlt.f32 v5, $0.0e+00;
	vm11 =	vgt.f32 v5, $0.0e+00;
	v6 =	vadd.f32 v6, v33  }
0x3e7: {  	v49 =	vand.u32 $0x7FFFFFFF, v49;
	v16 =	vand.u32 $0x7FFFFFFF, v50;
	v50 =	vimm.s32 $0x0  }
0x3e8: {  	vm12 =	vmor vm2, vm1;
	v45 =	vand.u32 $0x7FFFFFFF, v45;
	vm2 =	vlt.f32 v7, $0.0e+00  }
0x3e9: {  	vm11 =	vmor vm11, vm7;
	vm7 =	vgt.f32 v9, $0.0e+00;
	v50 =	vsel vm0, $0xFFFFFFFF, v50  }
0x3ea: {  	v8 =	vld.idx.msk [tilespmem:v8+s10+$0x0], $0xffff;
	vm0 =	veq.f32 v9, $3.000000000e+00;
	vm6 =	vle.f32 v45, v28;
	[tilespmem:$0x1FA20] =	vst v50;
	v50 =	vimm.s32 $0x0  }
0x3eb: {  	v45 =	vimm.s32 $0x0;
	v50 =	vsel vm0, $0xFFFFFFFF, v50;
	vm0 =	veq.f32 v42, $3.000000000e+00  }
0x3ec: {  	v11 =	vld.idx.msk [tilespmem:v11+s10+$0x0], $0xffff;
	v6 =	vand.u32 $0x7FFFFFFF, v6;
	[tilespmem:$0x1FA10] =	vst v50;
	v50 =	vadd.f32 v0, v31;
	v4 =	vsel vm0, $0xFFFFFFFF, v45  }
0x3ed: {  	vm0 =	vmor vm4, vm2;
	v0 =	vadd.f32 v0, v38;
	[tilespmem:$0x1FA40] =	vst v4;
	v4 =	vand.u32 $0x7FFFFFFF, v44  }
0x3ee: {  	v44 =	vsel vm0, $0xFFFFFFFF, v51;
	vm0 =	vgt.f32 v42, $0.0e+00;
	v51 =	vimm.s32 $0x0  }
0x3ef: {  	vm4 =	vgt.f32 v8, $0.0e+00;
	v45 =	vsub.f32 v46, v32;
	[tilespmem:$0x1FA50] =	vst v44;
	v44 =	vsel vm0, $0xFFFFFFFF, v51  }
0x3f0: {  	vm14 =	vle.f32 v4, v28;
	v4 =	vsub.f32 v46, v37;
	v51 =	vand.u32 $0x7FFFFFFF, v10  }
0x3f1: {  	v10 =	vand.u32 $0x7FFFFFFF, v47;
	v47 =	vsub.f32 v46, v39;
	vm0 =	veq.f32 v11, $3.000000000e+00  }
0x3f2: {  	v9 =	vand.u32 $0x7FFFFFFF, v50;
	v0 =	vand.u32 $0x7FFFFFFF, v0;
	vm15 =	vle.f32 v51, v29  }
0x3f3: {  	[tilespmem:$0x1FA30] =	vst v44;
	vm2 =	vle.f32 v10, v29;
	v44 =	vand.u32 $0x7FFFFFFF, v25;
	vm15 =	vmand vm5, vm15  }
0x3f4: {  	vm5 =	veq.f32 v7, $3.000000000e+00;
	v4 =	vand.u32 $0x7FFFFFFF, v4;
	vm1 =	vle.f32 v44, v28  }
0x3f5: {  	vm12 =	vmand vm15, vm12;
	vm13 =	vmand vm15, vm13;
	vm15 =	veq.f32 v2, $3.000000000e+00  }
0x3f6: {  	vm1 =	vmand vm1, vm2;
	v50 =	vsel vm12, $0x3F800000, v13;
	v51 =	vsel vm13, $0x3F800000, v13  }
0x3f7: {  	vm13 =	veq.f32 v5, $3.000000000e+00;
	vm12 =	vle.f32 v48, v29;
	vm2 =	vmand vm1, vm11  }
0x3f8: {  	v5 =	vand.u32 $0x7FFFFFFF, v45;
	v2 =	vadd.f32 v50, v3;
	vm12 =	vmand vm14, vm12  }
0x3f9: {  	vm14 =	vle.f32 v6, v28;
	v1 =	vadd.f32 v51, v1;
	vm1 =	vmand vm1, vm13  }
0x3fa: {  	v3 =	vsel vm2, $0x3F800000, v13;
	vm2 =	vle.f32 v16, v28;
	vm3 =	vmand vm12, vm0  }
0x3fb: {  	vm14 =	vmand vm14, vm8;
	vm8 =	vgt.f32 v11, $0.0e+00;
	vm0 =	vlt.f32 v11, $0.0e+00  }
0x3fc: {  	v51 =	vsel vm1, $0x3F800000, v13;
	vm1 =	vle.f32 v49, v29;
	vm15 =	vmand vm14, vm15  }
0x3fd: {  	vm8 =	vmor vm8, vm0;
	vm0 =	vmor vm9, vm10;
	v50 =	vsel vm3, $0x3F800000, v13  }
0x3fe: {  	vm3 =	veq.f32 v8, $3.000000000e+00;
	vm1 =	vmand vm6, vm1;
	v46 =	vsel vm15, $0x3F800000, v13  }
0x3ff: {  	vm0 =	vmand vm14, vm0;
	vm14 =	vle.f32 v4, v29;
	vm3 =	vmand vm1, vm3  }
0x400: {  	v10 =	vld [tilespmem:$0x1FA10];
	vm6 =	vmand vm12, vm8;
	vm15 =	vle.f32 v9, v28;
	v1 =	vadd.f32 v46, v1  }
0x401: {  	v11 =	vld [tilespmem:$0x1FA20];
	vm12 =	vle.f32 v0, v28;
	v48 =	vsel vm0, $0x3F800000, v13;
	vm0 =	vlt.f32 v8, $0.0e+00  }
0x402: {  	vm2 =	vmand vm2, vm14;
	v46 =	vand.u32 $0x7FFFFFFF, v47;
	v47 =	vld [tilespmem:$0x1FA30];
	v1 =	vadd.f32 v51, v1  }
0x403: {  	v45 =	vsel vm3, $0x3F800000, v13;
	v49 =	vsel vm6, $0x3F800000, v13;
	vm0 =	vmor vm4, vm0  }
0x404: {  	v2 =	vadd.f32 v48, v2;
	vm4 =	vle.f32 v5, v29;
	v44 =	vadd.f32 v50, v1;
	v50 =	vld [tilespmem:$0x1FA40]  }
0x405: {  	vm13 =	vle.f32 v46, v29;
	vm0 =	vmand vm1, vm0;
	vm1 =	vnez.u8 v10;
	v51 =	vld [tilespmem:$0x1FA50]  }
0x406: {  	vm3 =	vmand vm2, vm1;
	v48 =	vsel vm0, $0x3F800000, v13;
	vm0 =	vnez.u8 v11  }
0x407: {  	p0 =	sne.s32 s17, $0x9F;
	vm1 =	vmor vm7, vm0;
	vm0 =	vlt.f32 v42, $0.0e+00;
	vm14 =	vnez.u8 v47  }
.Ltmp6:
0x408: {  	vm4 =	vmand vm15, vm4;
	vm15 =	vmand vm12, vm13;
	vm0 =	vmor vm14, vm0;
	(pc) =	sbr.rel @p0 .LBB2_14-.Ltmp6, $4  }
0x409: {  	v42 =	vadd.f32 v3, v2;
	vm7 =	vmand vm15, vm0;
	vm0 =	vnez.u8 v50  }
0x40a: {  	vm1 =	vmand vm2, vm1;
	vm6 =	vmand vm15, vm0;
	vm0 =	vnez.u8 v51  }
0x40b: {  	v49 =	vadd.f32 v49, v42;
	v46 =	vsel vm7, $0x3F800000, v13;
	vm8 =	vmand vm4, vm0  }
0x40c: {  	s17 =	sadd.s32 $0x8, s17;
	s18 =	sadd.s32 $0x2, s18;
	vm0 =	vmand vm4, vm5;
	v42 =	vsel vm6, $0x3F800000, v13;
	v47 =	vsel vm8, $0x3F800000, v13  }
0x40d: {  	(xrf2) =	vadd.scan.msk.f32 $0xffff, v15  }
0x40e: {  	(xrf2) =	vadd.scan.msk.f32 $0xffff, v14  }
0x40f: {  	(xrf2) =	vadd.scan.msk.f32 $0xffff, v18  }
0x410: {  	(xrf2) =	vadd.scan.msk.f32 $0xffff, v17  }
0x411: {  	(xrf2) =	vadd.scan.msk.f32 $0xffff, v20  }
0x412: {  	v0 =	vadd.f32 v47, v49;
	(xrf2) =	vadd.scan.msk.f32 $0xffff, v19  }
0x413: {  	(xrf2) =	vadd.scan.msk.f32 $0xffff, v22  }
0x414: {  	v0 =	vadd.f32 v48, v0;
	(xrf2) =	vadd.scan.msk.f32 $0xffff, v21  }
0x415: {  	v1 =	vsel vm1, $0x3F800000, v13;
	(xrf2) =	vadd.scan.msk.f32 $0xffff, v24  }
0x416: {  	v0 =	vadd.f32 v1, v0;
	(xrf2) =	vadd.scan.msk.f32 $0xffff, v23  }
0x417: {  	v23, _, _ =	vpop (xrf2);
	(xrf2) =	vadd.scan.msk.f32 $0xffff, v40  }
0x418: {  	v0 =	vadd.f32 v46, v0;
	v2, _, _ =	vpop (xrf2)  }
0x419: {  	v1 =	vmax.f32 v23, $1.000000000e+00;
	(xrf2) =	vadd.scan.msk.f32 $0xffff, v41;
	v3, _, _ =	vpop (xrf2)  }
0x41a: {  	v6 =	vsel vm0, $0x3F800000, v13;
	v1 =	vbroadcast v1, $0xF;
	(xrf2) =	vadd.scan.msk.f32 $0xffff, v0;
	v4, _, _ =	vpop (xrf2)  }
0x41b: {  	v6 =	vadd.f32 v6, v44;
	v3 =	vmax.f32 v3, $1.000000000e+00;
	v24, _, _ =	vpop (xrf2)  }
0x41c: {  	v3 =	vbroadcast v3, $0xF;
	(erf) = vrcp.f32 v1;
	v5, _, _ =	vpop (xrf2)  }
0x41d: {  	v6 =	vadd.f32 v45, v6;
	v0 =	vmax.f32 v24, $1.000000000e+00;
	v25, _, _ =	vpop (xrf2)  }
0x41e: {  	v9 =	vsel vm3, $0x3F800000, v13;
	(erf) = vrcp.f32 v3;
	v0 =	vbroadcast v0, $0xF;
	v26, _, _ =	vpop (xrf2)  }
0x41f: {  	v6 =	vadd.f32 v9, v6;
	v1 =	vmax.f32 v25, $1.000000000e+00;
	v7, _, _ =	vpop (xrf2)  }
0x420: {  	(erf) = vrcp.f32 v0;
	v27 =	vbroadcast v1, $0xF;
	v8, _, _ =	vpop (xrf2)  }
0x421: {  	v6 =	vadd.f32 v42, v6;
	v7 =	vmax.f32 v7, $1.000000000e+00;
	v28, _, _ =	vpop (xrf2)  }
0x422: {  	(erf) = vrcp.f32 v27;
	v29 =	vbroadcast v7, $0xF;
	v1 =	vmax.f32 v28, $1.000000000e+00  }
0x423: {  	v30, _, _ =	vpop (xrf2);
	v1 =	vbroadcast v1, $0xF  }
0x424: {  	v2 =	vbroadcast v2, $0xF;
	(xrf2) =	vadd.scan.msk.f32 $0xffff, v6;
	(erf) = vrcp.f32 v29;
	v31, _, _ =	vpop (xrf2)  }
0x425: {  	v4 =	vbroadcast v4, $0xF;
	v32 =	vpop (erf);
	v0 =	vmax.f32 v31, $1.000000000e+00;
	(erf) = vrcp.f32 v1  }
0x426: {  	v33 =	vmul.f32 v32, v2;
	v0 =	vbroadcast v0, $0xF  }
0x427: {  	v36 =	vbroadcast v5, $0xF;
	v35 =	vpop (erf)  }
0x428: {  	v2 =	vmul.f32 v35, v4;
	v1 =	vadd.f32 $0.0e+00, v33;
	(erf) = vrcp.f32 v0  }
0x429: {  	v37 =	vpop (erf)  }
0x42a: {  	v38 =	vbroadcast v26, $0xF;
	v1 =	vadd.f32 v2, v1;
	v0 =	vmul.f32 v37, v36  }
0x42b: {  	v39 =	vpop (erf)  }
0x42c: {  	v41 =	vbroadcast v8, $0xF;
	v0 =	vadd.f32 v0, v1;
	v40 =	vmul.f32 v39, v38  }
0x42d: {  	v42 =	vpop (erf)  }
0x42e: {  	v46 =	vbroadcast v30, $0xF;
	v47, _, _ =	vpop (xrf2);
	v0 =	vadd.f32 v40, v0;
	v45 =	vmul.f32 v42, v41  }
0x42f: {  	v44 =	vpop (erf)  }
0x430: {  	v49 =	vbroadcast v47, $0xF;
	v0 =	vadd.f32 v45, v0;
	v48 =	vmul.f32 v44, v46  }
0x431: {  	v50 =	vpop (erf)  }
0x432: {  	v0 =	vadd.f32 v48, v0;
	v51 =	vmul.f32 v50, v49;
	_ =	sdelay $0x1  }
0x433: {  	s16 =	sadd.s32 $0x1, s16;
	v0 =	vadd.f32 v51, v0  }
0x434: {  	p0 =	sne.s32 s16, s6  }
.Ltmp7:
0x435: {  	[tilespmem:$0x1280] =	vst v0;
	(pc) =	sbr.rel @p0 .LBB2_1-.Ltmp7, $4  }
0x436: {  	[hbm4b:s5+s2] =	stream.linear.scatter [tilespmem:s15], [sflag:$0x3], $0x10, $0x38;
	[tilespmem:$0x1290] =	vst v63  }
0x437: {  	_ =	swait.ge [sflag:s7], $0x10  }
0x438: {  	[sflag:s7] =	ssyncset.done $0x0  }
0x439: {  	[sflag:s7] =	ssyncadd.s32 $0xFFFFFFF0  }
0x43a: {  	_ =	sfence.sel $0x180000  }
0x43b: {  	[bflag:$0x0] =	sbarrier.arrive $0xFFFF  }
0x43c: {  	p0 =	sne.s32 s0, $0x0;
	_ =	strace $0x90000047  }
0x43d: {  	s0 =	sadd.s32 @!p0 $0x100000, s1;
	[bflag:$0x2] =	sbarrier.arrive $0xFFFF  }
0x43e: {  	[sflag:s0] =	ssyncadd.tile.s32 @!p0 $0x1;
	_ =	shalt  }
.Lfunc_end2:
_tile_overlayer_lowered:
.L_overlay_start_2:
0x43f: {  	(tag) =	ssettag $0x2  }
0x440: {  	s0 =	rddreg [dreg:$0x0];
	s2 =	stileid.u32  }
0x441: {  	s1 =	rddreg [dreg:$0x1];
	p0 =	sne.s32 s2, $0x0  }
0x442: {  	s3 =	rddreg [dreg:$0x2];
	[bflag:$0x3] =	sbarrier.arrive $0xFFFF;
	s2 =	simm.s32 @!p0 $0x1C03  }
0x443: {  	[timem:s3], [sflag:s2] =	dma.local @!p0 [hbm:s0], s1  }
0x444: {  	s0 =	simm.s32 @!p0 $0x3  }
0x445: {  	_ =	swait.ge @!p0 [sflag:s0], s1  }
0x446: {  	s1 =	ssub.s32 @!p0 $0x0, s1;
	[sflag:s0] =	ssyncset.done @!p0 $0x0  }
0x447: {  	[sflag:s0] =	ssyncadd.s32 @!p0 s1  }
0x448: {  	[bflag:$0x3] =	sbarrier.arrive $0xFFFF  }
0x449: {  	_ =	shalt  }

</sc_bundles>
